<compile_context>
chip_gen: v7x
topology: tpu7x:2x2x1
jax: 0.10.2.dev20260603
libtpu: 0.0.44.dev20260713+nightly
codegen_flags: <defaults>
</compile_context>

<pallas_src>
import functools

import jax
import jax.numpy as jnp
from jax import lax
from jax.experimental import pallas as pl
from jax.experimental.pallas import tpu as pltpu
from jax.experimental.pallas import tpu_sc as plsc

N, E, D, HID, OUT, G, DC = 10000, 320000, 128, 256, 128, 256, 1024
EPS = 1e-5
NP_ = 10240
NA = 10112
NC, NS = 2, 16
RA = NA // NS
B = 512
NB = NP_ // B
C1 = 160
C2 = 80
IB = 32
GA = G + 16
RW = NP_ // (NC * NS)


def _mesh_kw():
    return dict(mesh=plsc.VectorSubcoreMesh(
        core_axis_name="c", subcore_axis_name="s",
        num_cores=NC, num_subcores=NS))



@functools.lru_cache
def _get_sc_degree():
    ND = 10240
    RD = ND // NS

    @functools.partial(
        pl.kernel,
        out_type=jax.ShapeDtypeStruct((NC, ND), jnp.float32),
        scratch_types=[
            pltpu.VMEM((C2, 128), jnp.int32),
            pltpu.VMEM((128, 128), jnp.float32),
            pltpu.VMEM((128, 128), jnp.float32),
            pltpu.VMEM((RD,), jnp.float32),
            pltpu.VMEM_SHARED((ND, 128), jnp.float32),
            pltpu.SemaphoreType.DMA,
        ],
        **_mesh_kw(),
    )
    def _sc_degree(dst_hbm, zo_hbm, out_hbm, idxd, zeros_v, ones_v, cmp_v,
                   hist, sem):
        c = lax.axis_index("c")
        s = lax.axis_index("s")
        pltpu.sync_copy(zo_hbm.at[0], zeros_v)
        pltpu.sync_copy(zo_hbm.at[1], ones_v)

        def zcp(j, _):
            pltpu.sync_copy(zeros_v, hist.at[pl.ds(s * RD + j * 128, 128)])
            return 0

        lax.fori_loop(0, RD // 128, zcp, 0)
        plsc.subcore_barrier()

        pltpu.sync_copy(dst_hbm.at[c, s], idxd)

        def blk(b, _):
            cps = [
                pltpu.async_copy(ones_v, hist.at[idxd.at[b * 8 + j]],
                                 sem, add=True)
                for j in range(8)
            ]
            for cp in cps:
                cp.wait()
            return 0

        lax.fori_loop(0, C2 // 8, blk, 0)
        plsc.subcore_barrier()

        lanes = lax.iota(jnp.int32, 16)

        def tile(t, _):
            pltpu.sync_copy(hist.at[pl.ds(s * RD + t * 128, 128)], zeros_v)

            def grp(g, _):
                acc16 = jnp.zeros((16,), jnp.float32)
                for k in range(16):
                    v = zeros_v[g * 16 + k, pl.ds(0, 16)]
                    acc16 = jnp.where(lanes == k, v[0], acc16)
                cmp_v[pl.ds(t * 128 + g * 16, 16)] = acc16
                return 0

            lax.fori_loop(0, 8, grp, 0)
            return 0

        lax.fori_loop(0, RD // 128, tile, 0)
        pltpu.sync_copy(cmp_v, out_hbm.at[c, pl.ds(s * RD, RD)])

    return _sc_degree


@functools.lru_cache
def _get_conv_scatter(C, TR, tag, IB=IB, all_table_init=True):
    @functools.partial(
        pl.kernel,
        out_type=jax.ShapeDtypeStruct((NC, NA, 128), jnp.float32),
        scratch_types=[
            pltpu.VMEM((IB, 128), jnp.int32),
            pltpu.VMEM((IB, 128), jnp.int32),
            pltpu.VMEM((128, 128), jnp.float32),
            pltpu.VMEM((128, 128), jnp.float32),
            pltpu.VMEM_SHARED((NA, 128), jnp.float32),
            pltpu.SemaphoreType.DMA,
            pltpu.SemaphoreType.DMA,
        ],
        **_mesh_kw(),
        name=f"conv_scatter_{tag}",
    )
    def _conv(table_hbm, src_hbm, dst_hbm, out_hbm,
              idxs, idxd, rows_a, rows_b, acc, sem_a, sem_b):
        c = lax.axis_index("c")
        s = lax.axis_index("s")

        if all_table_init:
            base = c * NP_ + s * RA
        else:
            base = jnp.where(c == 0, s * RA, TR - 128)

        def icp(j, _):
            pltpu.sync_copy(table_hbm.at[pl.ds(base + j * 128, 128)],
                            acc.at[pl.ds(s * RA + j * 128, 128)])
            return 0

        if not all_table_init:
            def icp(j, _):
                off = jnp.where(c == 0, base + j * 128, base)
                pltpu.sync_copy(table_hbm.at[pl.ds(off, 128)],
                                acc.at[pl.ds(s * RA + j * 128, 128)])
                return 0

        lax.fori_loop(0, 4, icp, 0)
        if all_table_init:
            pltpu.sync_copy(table_hbm.at[pl.ds(base + 512, 120)],
                            acc.at[pl.ds(s * RA + 512, 120)])
        else:
            off5 = jnp.where(c == 0, base + 512, base)
            pltpu.sync_copy(table_hbm.at[pl.ds(off5, 120)],
                            acc.at[pl.ds(s * RA + 512, 120)])
        plsc.subcore_barrier()

        def mblk(m, _):
            pltpu.sync_copy(src_hbm.at[c, s, pl.ds(m * IB, IB)], idxs)
            pltpu.sync_copy(dst_hbm.at[c, s, pl.ds(m * IB, IB)], idxd)
            cp_a0 = pltpu.async_copy(table_hbm.at[idxs.at[0]], rows_a, sem_a)

            def body(i, _):
                t0 = 2 * i
                cp_b = pltpu.async_copy(table_hbm.at[idxs.at[t0 + 1]],
                                        rows_b, sem_b)
                cp_a0.wait()
                pltpu.sync_copy(rows_a, acc.at[idxd.at[t0]], add=True)

                @pl.when(i < IB // 2 - 1)
                def _():
                    pltpu.async_copy(table_hbm.at[idxs.at[t0 + 2]], rows_a,
                                     sem_a)

                cp_b.wait()
                pltpu.sync_copy(rows_b, acc.at[idxd.at[t0 + 1]], add=True)
                return 0

            lax.fori_loop(0, IB // 2, body, 0)
            return 0

        lax.fori_loop(0, C // IB, mblk, 0)
        plsc.subcore_barrier()
        pltpu.sync_copy(acc.at[pl.ds(s * RA, RA)],
                        out_hbm.at[c, pl.ds(s * RA, RA)])

    return _conv


@functools.lru_cache
def _get_segmax():
    @functools.partial(
        pl.kernel,
        out_type=jax.ShapeDtypeStruct((NC * NS, GA, OUT), jnp.float32),
        scratch_types=[
            pltpu.VMEM((RW, OUT), jnp.float32),
            pltpu.VMEM((RW,), jnp.int32),
            pltpu.VMEM((GA, OUT), jnp.float32),
        ],
        **_mesh_kw(),
    )
    def _sc_segmax(w_hbm, ib_hbm, out_hbm, wv, ibv, accv):
        c = lax.axis_index("c")
        s = lax.axis_index("s")
        wid = s * NC + c
        base = wid * RW
        pltpu.sync_copy(w_hbm.at[pl.ds(base, RW)], wv)
        pltpu.sync_copy(ib_hbm.at[pl.ds(base, RW)], ibv)
        neg = jnp.full((16,), -jnp.inf, jnp.float32)

        def ini(k, _):
            accv[k // 8, pl.ds((k % 8) * 16, 16)] = neg
            return 0

        lax.fori_loop(0, GA * 8, ini, 0)

        def grp(q, _):
            ib16 = ibv[pl.ds(q * 16, 16)]
            for k in range(16):
                g = ib16[k]
                r = q * 16 + k
                for j in range(8):
                    sl = pl.ds(j * 16, 16)
                    accv[g, sl] = jnp.maximum(accv[g, sl], wv[r, sl])
            return 0

        lax.fori_loop(0, RW // 16, grp, 0)
        pltpu.sync_copy(accv, out_hbm.at[wid])

    return _sc_segmax



def _t12(x_ref, w1_ref, dc_ref, o_ref, dv_ref):
    h = jnp.dot(x_ref[...], w1_ref[...], preferred_element_type=jnp.float32)
    dc = dc_ref[...]
    deg = dc[0:1] + dc[1:2] + 1.0
    dinv = jnp.transpose(lax.rsqrt(deg), (1, 0))
    dv_ref[...] = dinv
    o_ref[...] = (h * dinv)[None]


def _t34(s_ref, dv_ref, b_ref, w2_ref, g_ref, be_ref, o_ref,
         zscr, csscr):
    p = pl.program_id(0)

    @pl.when(p < NB)
    def _phase_a():
        i = p
        dinv = dv_ref[...]
        z = jnp.maximum(
            dinv * jnp.concatenate([s_ref[0], s_ref[1]], axis=-1)
            + b_ref[...], 0.0)
        zscr[pl.ds(i * B, B), :] = z
        rows = i * B + lax.broadcasted_iota(jnp.int32, (B, 1), 0)
        zm = jnp.where(rows < N, z, 0.0)
        st = jnp.concatenate(
            [jnp.sum(zm, axis=0, keepdims=True),
             jnp.sum(zm * zm, axis=0, keepdims=True)], axis=0)

        @pl.when(p == 0)
        def _():
            csscr[...] = st

        @pl.when(p > 0)
        def _():
            csscr[...] = csscr[...] + st

    @pl.when(p >= NB)
    def _phase_b():
        i = p - NB
        cs = csscr[...]
        mean = cs[0:1] / N
        var = cs[1:2] / N - mean * mean
        a = lax.rsqrt(var + EPS) * g_ref[...]
        d = be_ref[...] - mean * a
        x = zscr[pl.ds(i * B, B), :] * a + d
        h = jnp.dot(x, w2_ref[...], preferred_element_type=jnp.float32)
        rows = i * B + lax.broadcasted_iota(jnp.int32, (B, 1), 0)
        o_ref[...] = jnp.where(rows < N, h * dv_ref[...], 0.0)


def _bn_affine(cs, gam, bet):
    st = jnp.sum(cs, axis=0)
    mean = st[0:1] / N
    var = st[1:2] / N - mean * mean
    a = lax.rsqrt(var + EPS) * gam
    d = bet - mean * a
    return a, d


def _t5(s_ref, dv_ref, b_ref, w_ref, cs_ref):
    i = pl.program_id(0)
    dinv = dv_ref[...]
    sc = s_ref[0] + s_ref[1]
    w = jnp.maximum(dinv * sc + b_ref[...], 0.0)
    w_ref[...] = w
    rows = i * B + lax.broadcasted_iota(jnp.int32, (B, 1), 0)
    wm = jnp.where(rows < N, w, 0.0)
    st = jnp.concatenate(
        [jnp.sum(wm, axis=0, keepdims=True),
         jnp.sum(wm * wm, axis=0, keepdims=True),
         jnp.zeros((6, w.shape[-1]), jnp.float32)], axis=0)
    cs_ref[...] = st[None]


def _t67(sm_ref, cs_ref, g_ref, be_ref,
         gx_ref, wc1_ref, bc1_ref, gc1_ref, bec1_ref, wc2_ref, bc2_ref,
         od_ref, oc_ref):
    m = sm_ref[0]
    for k in range(1, NC * NS):
        m = jnp.maximum(m, sm_ref[k])
    m = m[:G]
    a, d = _bn_affine(cs_ref[...], g_ref[...], be_ref[...])
    od_ref[...] = m * a + d

    xc = jnp.maximum(
        jnp.dot(gx_ref[...], wc1_ref[...], preferred_element_type=jnp.float32)
        + bc1_ref[...], 0.0)
    mean = jnp.mean(xc, axis=0, keepdims=True)
    var = jnp.mean(xc * xc, axis=0, keepdims=True) - mean * mean
    xn = (xc - mean) * lax.rsqrt(var + EPS) * gc1_ref[...] + bec1_ref[...]
    oc_ref[...] = jnp.maximum(
        jnp.dot(xn, wc2_ref[...], preferred_element_type=jnp.float32)
        + bc2_ref[...], 0.0)



def kernel(drug_feature, drug_adj, ibatch, gexpr_data,
           W1, b1, g1, be1, W2, b2, g2, be2,
           Wc1, bc1, gc1, bec1, Wc2, bc2):
    f32 = jnp.float32
    src = drug_adj[0]
    dst = drug_adj[1]

    pad0 = NC * NS * C2 * 128 - E
    psrc0 = jnp.arange(pad0, dtype=jnp.int32) % N
    pdst0 = N + (jnp.arange(pad0, dtype=jnp.int32) % (NA - N))
    fsrc = jnp.concatenate([src, psrc0])
    fdst = jnp.concatenate([dst, pdst0])
    src_w = fsrc.reshape(NC, NS, C2, 128)
    dst_w = fdst.reshape(NC, NS, C2, 128)

    srcr = fsrc.reshape(1, NS, C1, 128)
    dstr = fdst.reshape(1, NS, C1, 128)
    src1 = jnp.concatenate([srcr, srcr + NP_], axis=0)
    dst1 = jnp.concatenate([dstr, dstr], axis=0)

    x_pad = jnp.concatenate([drug_feature, jnp.zeros((NP_ - N, D), f32)],
                            axis=0)
    ib_pad = jnp.concatenate(
        [ibatch, jnp.full((NP_ - N,), G, jnp.int32)], axis=0)

    zo = jnp.concatenate([jnp.zeros((1, 128, 128), f32),
                          jnp.ones((1, 128, 128), f32)], axis=0)
    degcnt = _get_sc_degree()(dst_w, zo)

    table1, dinv = pl.pallas_call(
        _t12, grid=(NB, NC),
        in_specs=[pl.BlockSpec((B, D), lambda i, c: (i, 0)),
                  pl.BlockSpec((D, D), lambda i, c: (0, c)),
                  pl.BlockSpec((NC, B), lambda i, c: (0, i))],
        out_specs=[pl.BlockSpec((1, B, D), lambda i, c: (c, i, 0)),
                   pl.BlockSpec((B, 1), lambda i, c: (i, 0))],
        out_shape=[jax.ShapeDtypeStruct((NC, NP_, D), f32),
                   jax.ShapeDtypeStruct((NP_, 1), f32)],
    )(x_pad, W1, degcnt)

    scat1 = _get_conv_scatter(C1, NC * NP_, "c1")(
        table1.reshape(NC * NP_, D), src1, dst1)

    table2 = pl.pallas_call(
        _t34, grid=(2 * NB,),
        in_specs=[
            pl.BlockSpec((NC, B, D),
                         lambda p: (0, jnp.minimum(p, NB - 1), 0)),
            pl.BlockSpec((B, 1),
                         lambda p: (jnp.where(p < NB, p, p - NB), 0)),
            pl.BlockSpec((1, HID), lambda p: (0, 0)),
            pl.BlockSpec((HID, OUT), lambda p: (0, 0)),
            pl.BlockSpec((1, HID), lambda p: (0, 0)),
            pl.BlockSpec((1, HID), lambda p: (0, 0))],
        out_specs=pl.BlockSpec((B, OUT),
                               lambda p: (jnp.where(p < NB, 0, p - NB), 0)),
        out_shape=jax.ShapeDtypeStruct((NP_, OUT), f32),
        scratch_shapes=[pltpu.VMEM((NP_, HID), f32),
                        pltpu.VMEM((2, HID), f32)],
    )(scat1, dinv, b1.reshape(1, HID), W2,
      g1.reshape(1, HID), be1.reshape(1, HID))

    scat2 = _get_conv_scatter(C2, NP_, "c2", 40, False)(table2, src_w,
                                                        dst_w)

    w2d, cs2 = pl.pallas_call(
        _t5, grid=(NB,),
        in_specs=[pl.BlockSpec((NC, B, OUT), lambda i: (0, i, 0)),
                  pl.BlockSpec((B, 1), lambda i: (i, 0)),
                  pl.BlockSpec((1, OUT), lambda i: (0, 0))],
        out_specs=[pl.BlockSpec((B, OUT), lambda i: (i, 0)),
                   pl.BlockSpec((1, 8, OUT), lambda i: (i, 0, 0))],
        out_shape=[jax.ShapeDtypeStruct((NP_, OUT), f32),
                   jax.ShapeDtypeStruct((NB, 8, OUT), f32)],
    )(scat2, dinv, b2.reshape(1, OUT))

    smp = _get_segmax()(w2d, ib_pad)

    x_drug, x_cell = pl.pallas_call(
        _t67, grid=(1,),
        in_specs=[pl.BlockSpec((NC * NS, GA, OUT), lambda i: (0, 0, 0)),
                  pl.BlockSpec((NB, 8, OUT), lambda i: (0, 0, 0)),
                  pl.BlockSpec((1, OUT), lambda i: (0, 0)),
                  pl.BlockSpec((1, OUT), lambda i: (0, 0)),
                  pl.BlockSpec((G, DC), lambda i: (0, 0)),
                  pl.BlockSpec((DC, 256), lambda i: (0, 0)),
                  pl.BlockSpec((1, 256), lambda i: (0, 0)),
                  pl.BlockSpec((1, 256), lambda i: (0, 0)),
                  pl.BlockSpec((1, 256), lambda i: (0, 0)),
                  pl.BlockSpec((256, OUT), lambda i: (0, 0)),
                  pl.BlockSpec((1, OUT), lambda i: (0, 0))],
        out_specs=[pl.BlockSpec((G, OUT), lambda i: (0, 0)),
                   pl.BlockSpec((G, OUT), lambda i: (0, 0))],
        out_shape=[jax.ShapeDtypeStruct((G, OUT), f32),
                   jax.ShapeDtypeStruct((G, OUT), f32)],
    )(smp, cs2, g2.reshape(1, OUT), be2.reshape(1, OUT),
      gexpr_data, Wc1, bc1.reshape(1, 256), gc1.reshape(1, 256),
      bec1.reshape(1, 256), Wc2, bc2.reshape(1, OUT))

    return (x_drug, x_cell)

# --- scband reference (transcript-rebuilt; emitter-appended) ---
"""Pipeline reference for scband-encoder-18726057410781 (READ-ONLY COPY).

The authoritative reference and input builder live on the scoring server;
editing this copy changes nothing except your own understanding.
"""

import jax, jax.numpy as jnp
import numpy as np

N = 10000
E = 320000
D = 128
HID = 256
OUT = 128
G = 256
DC = 1024
EPS = 1e-5


def setup_inputs(seed: int = 0) -> dict:
    key = jax.random.key(seed)
    ks = jax.random.split(key, 20)
    drug_feature = jax.random.normal(ks[0], (N, D), dtype=jnp.float32)
    drug_adj = jax.random.randint(ks[1], (2, E), 0, N, dtype=jnp.int32)
    ibatch = jnp.sort(jax.random.randint(ks[2], (N,), 0, G, dtype=jnp.int32))
    gexpr_data = jax.random.normal(ks[3], (G, DC), dtype=jnp.float32)
    # xavier-uniform initialized weights (per reset_para for Linear; GCNConv default glorot)
    def xavier(k, fan_in, fan_out):
        lim = float(np.sqrt(6.0 / (fan_in + fan_out)))
        return jax.random.uniform(k, (fan_in, fan_out), jnp.float32, -lim, lim)
    W1 = xavier(ks[4], D, HID)
    b1 = jnp.zeros((HID,), jnp.float32)
    g1 = jnp.ones((HID,), jnp.float32)
    be1 = jnp.zeros((HID,), jnp.float32)
    W2 = xavier(ks[5], HID, OUT)
    b2 = jnp.zeros((OUT,), jnp.float32)
    g2 = jnp.ones((OUT,), jnp.float32)
    be2 = jnp.zeros((OUT,), jnp.float32)
    Wc1 = xavier(ks[6], DC, 256)
    bc1 = jnp.zeros((256,), jnp.float32)
    gc1 = jnp.ones((256,), jnp.float32)
    bec1 = jnp.zeros((256,), jnp.float32)
    Wc2 = xavier(ks[7], 256, OUT)
    bc2 = jnp.zeros((OUT,), jnp.float32)
    return {
        'drug_feature': drug_feature, 'drug_adj': drug_adj, 'ibatch': ibatch,
        'gexpr_data': gexpr_data,
        'W1': W1, 'b1': b1, 'g1': g1, 'be1': be1,
        'W2': W2, 'b2': b2, 'g2': g2, 'be2': be2,
        'Wc1': Wc1, 'bc1': bc1, 'gc1': gc1, 'bec1': bec1,
        'Wc2': Wc2, 'bc2': bc2,
    }


def _gcn_conv(x, edge_index, W, b):
    n = x.shape[0]
    loop = jnp.arange(n, dtype=edge_index.dtype)
    src = jnp.concatenate([edge_index[0], loop])
    dst = jnp.concatenate([edge_index[1], loop])
    deg = jnp.zeros((n,), jnp.float32).at[dst].add(1.0)
    dinv = jax.lax.rsqrt(jnp.maximum(deg, 1e-12))
    norm = dinv[src] * dinv[dst]
    h = x @ W
    msg = h[src] * norm[:, None]
    out = jnp.zeros((n, W.shape[1]), jnp.float32).at[dst].add(msg)
    return out + b


def _batch_norm(x, gamma, beta):
    mean = jnp.mean(x, axis=0)
    var = jnp.var(x, axis=0)
    return (x - mean) * jax.lax.rsqrt(var + EPS) * gamma + beta


def reference(drug_feature, drug_adj, ibatch, gexpr_data,
              W1, b1, g1, be1, W2, b2, g2, be2,
              Wc1, bc1, gc1, bec1, Wc2, bc2):
    x = _gcn_conv(drug_feature, drug_adj, W1, b1)
    x = _batch_norm(jax.nn.relu(x), g1, be1)
    x = _gcn_conv(x, drug_adj, W2, b2)
    x = jax.nn.relu(x)
    x = _batch_norm(x, g2, be2)
    x_drug = jax.ops.segment_max(x, ibatch, num_segments=G)
    xc = jax.nn.relu(gexpr_data @ Wc1 + bc1)
    xc = _batch_norm(xc, gc1, bec1)
    x_cell = jax.nn.relu(xc @ Wc2 + bc2)
    return (x_drug, x_cell)

if __name__ == "__main__":
    import jax
    _d = setup_inputs()
    print(jax.jit(kernel)(*tuple(_d.values())))

</pallas_src>

<mosaic_0001>
#map = affine_map<(d0, d1) -> (0, 0)>
#map1 = affine_map<(d0, d1) -> (0, 0, 0, 0)>
#map2 = affine_map<(d0, d1) -> (0, 0, 0)>
module attributes {stable_mosaic.version = 14 : i64} {
  func.func @conv_scatter_c2(%arg0: i32, %arg1: i32, %arg2: memref<10240x128xf32, #tpu.memory_space<hbm>>, %arg3: memref<2x16x80x128xi32, #tpu.memory_space<hbm>>, %arg4: memref<2x16x80x128xi32, #tpu.memory_space<hbm>>, %arg5: memref<2x10112x128xf32, #tpu.memory_space<hbm>>, %arg6: memref<40x128xi32, #tpu.memory_space<vmem>>, %arg7: memref<40x128xi32, #tpu.memory_space<vmem>>, %arg8: memref<128x128xf32, #tpu.memory_space<vmem>>, %arg9: memref<128x128xf32, #tpu.memory_space<vmem>>, %arg10: memref<10112x128xf32, #tpu.memory_space<vmem_shared>>, %arg11: memref<!tpu.dma_semaphore, #tpu.memory_space<semaphore_mem>>, %arg12: memref<!tpu.dma_semaphore, #tpu.memory_space<semaphore_mem>>) attributes {dimension_semantics = [#tpu.dimension_semantics<core_parallel>, #tpu.dimension_semantics<subcore_parallel>], iteration_bounds = array<i64: 2, 16>, scalar_prefetch = 0 : i64, scratch_operands = 7 : i64, tpu.core_type = #tpu.core_type<sc_vector_subcore>, window_params = [{transform_indices = #map}, {transform_indices = #map1}, {transform_indices = #map1}, {transform_indices = #map2}]} {
    %eq3A = arith.constant 0 : i32
    %eq3A_0 = arith.cmpi eq, %arg0, %eq3A : i32
    %mul3A = arith.constant 632 : i32
    %mul3A_1 = arith.muli %arg1, %mul3A : i32
    %jit3A = arith.constant 10112 : i32
    %select_n3A = arith.select %eq3A_0, %mul3A_1, %jit3A : i32
    %scan3A = arith.constant 0 : i32
    %scan3A_2 = arith.constant 0 : i32
    %scan3A_3 = arith.constant 4 : i32
    %scan3A_4 = arith.addi %scan3A_2, %scan3A_3 : i32
    %scan3A_5 = arith.constant 1 : i32
    %scan3A_6 = scf.for %scan3A_28 = %scan3A_2 to %scan3A_4 step %scan3A_5 iter_args(%scan3A_29 = %scan3A) -> (i32)  : i32 {
      %eq3A_30 = arith.constant 0 : i32
      %eq3A_31 = arith.cmpi eq, %arg0, %eq3A_30 : i32
      %mul3A_32 = arith.constant 128 : i32
      %mul3A_33 = arith.muli %scan3A_28, %mul3A_32 : i32
      %add3A_34 = arith.addi %select_n3A, %mul3A_33 : i32
      %select_n3A_35 = arith.select %eq3A_31, %add3A_34, %select_n3A : i32
      %mul3A_36 = arith.constant 632 : i32
      %mul3A_37 = arith.muli %arg1, %mul3A_36 : i32
      %mul3A_38 = arith.constant 128 : i32
      %mul3A_39 = arith.muli %scan3A_28, %mul3A_38 : i32
      %add3A_40 = arith.addi %mul3A_37, %mul3A_39 : i32
      "tpu.region"() ({
        %run_scoped3A = tpu.sem_alloc : memref<!tpu.dma_semaphore, #tpu.memory_space<semaphore_mem>>
        %dma_start3A = arith.constant 0 : i32
        %dma_start3A_42 = tpu.memref_slice %arg10[%add3A_40, %dma_start3A] : memref<10112x128xf32, #tpu.memory_space<vmem_shared>> -> memref<128x128xf32, #tpu.memory_space<vmem_shared>>
        %dma_start3A_43 = arith.constant 0 : i32
        %dma_start3A_44 = tpu.memref_slice %arg2[%select_n3A_35, %dma_start3A_43] : memref<10240x128xf32, #tpu.memory_space<hbm>> -> memref<128x128xf32, #tpu.memory_space<hbm>>
        tpu.enqueue_dma source(%dma_start3A_44 : memref<128x128xf32, #tpu.memory_space<hbm>>) target(%dma_start3A_42 : memref<128x128xf32, #tpu.memory_space<vmem_shared>>) target_semaphore(%run_scoped3A : memref<!tpu.dma_semaphore, #tpu.memory_space<semaphore_mem>>)
        %dma_wait3A = arith.constant 0 : i32
        %dma_wait3A_45 = tpu.memref_slice %arg10[%add3A_40, %dma_wait3A] : memref<10112x128xf32, #tpu.memory_space<vmem_shared>> -> memref<128x128xf32, #tpu.memory_space<vmem_shared>>
        %dma_wait3A_46 = arith.constant 0 : i32
        %dma_wait3A_47 = tpu.memref_slice %arg2[%select_n3A_35, %dma_wait3A_46] : memref<10240x128xf32, #tpu.memory_space<hbm>> -> memref<128x128xf32, #tpu.memory_space<hbm>>
        tpu.wait_dma2 semaphore(%run_scoped3A : memref<!tpu.dma_semaphore, #tpu.memory_space<semaphore_mem>>) src(%dma_wait3A_47 : memref<128x128xf32, #tpu.memory_space<hbm>>) dst(%dma_wait3A_45 : memref<128x128xf32, #tpu.memory_space<vmem_shared>>)
        tpu.yield
      }) : () -> ()
      %scan3A_41 = arith.constant 0 : i32
      scf.yield %scan3A_41 : i32
    }
    %scan3A_7 = arith.constant 4 : i32
    %eq3A_8 = arith.constant 0 : i32
    %eq3A_9 = arith.cmpi eq, %arg0, %eq3A_8 : i32
    %add3A = arith.constant 512 : i32
    %add3A_10 = arith.addi %select_n3A, %add3A : i32
    %select_n3A_11 = arith.select %eq3A_9, %add3A_10, %select_n3A : i32
    %mul3A_12 = arith.constant 632 : i32
    %mul3A_13 = arith.muli %arg1, %mul3A_12 : i32
    %add3A_14 = arith.constant 512 : i32
    %add3A_15 = arith.addi %mul3A_13, %add3A_14 : i32
    "tpu.region"() ({
      %run_scoped3A = tpu.sem_alloc : memref<!tpu.dma_semaphore, #tpu.memory_space<semaphore_mem>>
      %dma_start3A = arith.constant 0 : i32
      %dma_start3A_28 = tpu.memref_slice %arg10[%add3A_15, %dma_start3A] : memref<10112x128xf32, #tpu.memory_space<vmem_shared>> -> memref<120x128xf32, #tpu.memory_space<vmem_shared>>
      %dma_start3A_29 = arith.constant 0 : i32
      %dma_start3A_30 = tpu.memref_slice %arg2[%select_n3A_11, %dma_start3A_29] : memref<10240x128xf32, #tpu.memory_space<hbm>> -> memref<120x128xf32, #tpu.memory_space<hbm>>
      tpu.enqueue_dma source(%dma_start3A_30 : memref<120x128xf32, #tpu.memory_space<hbm>>) target(%dma_start3A_28 : memref<120x128xf32, #tpu.memory_space<vmem_shared>>) target_semaphore(%run_scoped3A : memref<!tpu.dma_semaphore, #tpu.memory_space<semaphore_mem>>)
      %dma_wait3A = arith.constant 0 : i32
      %dma_wait3A_31 = tpu.memref_slice %arg10[%add3A_15, %dma_wait3A] : memref<10112x128xf32, #tpu.memory_space<vmem_shared>> -> memref<120x128xf32, #tpu.memory_space<vmem_shared>>
      %dma_wait3A_32 = arith.constant 0 : i32
      %dma_wait3A_33 = tpu.memref_slice %arg2[%select_n3A_11, %dma_wait3A_32] : memref<10240x128xf32, #tpu.memory_space<hbm>> -> memref<120x128xf32, #tpu.memory_space<hbm>>
      tpu.wait_dma2 semaphore(%run_scoped3A : memref<!tpu.dma_semaphore, #tpu.memory_space<semaphore_mem>>) src(%dma_wait3A_33 : memref<120x128xf32, #tpu.memory_space<hbm>>) dst(%dma_wait3A_31 : memref<120x128xf32, #tpu.memory_space<vmem_shared>>)
      tpu.yield
    }) : () -> ()
    %barrier3A = arith.constant 0 : index
    tpu.barrier barrier_id(%barrier3A)
    %scan3A_16 = arith.constant 0 : i32
    %scan3A_17 = arith.constant 0 : i32
    %scan3A_18 = arith.constant 2 : i32
    %scan3A_19 = arith.addi %scan3A_17, %scan3A_18 : i32
    %scan3A_20 = arith.constant 1 : i32
    %scan3A_21 = scf.for %scan3A_28 = %scan3A_17 to %scan3A_19 step %scan3A_20 iter_args(%scan3A_29 = %scan3A_16) -> (i32)  : i32 {
      %mul3A_30 = arith.constant 40 : i32
      %mul3A_31 = arith.muli %scan3A_28, %mul3A_30 : i32
      "tpu.region"() ({
        %run_scoped3A = tpu.sem_alloc : memref<!tpu.dma_semaphore, #tpu.memory_space<semaphore_mem>>
        %dma_start3A_49 = arith.constant 0 : i32
        %dma_start3A_50 = tpu.memref_slice %arg3[%arg0, %arg1, %mul3A_31, %dma_start3A_49] : memref<2x16x80x128xi32, #tpu.memory_space<hbm>> -> memref<1x1x40x128xi32, #tpu.memory_space<hbm>>
        %dma_start3A_51 = tpu.memref_squeeze %dma_start3A_50 : memref<1x1x40x128xi32, #tpu.memory_space<hbm>> -> memref<40x128xi32, #tpu.memory_space<hbm>>
        %dma_start3A_52 = arith.constant 0 : i32
        %dma_start3A_53 = tpu.memref_slice %arg3[%arg0, %arg1, %mul3A_31, %dma_start3A_52] : memref<2x16x80x128xi32, #tpu.memory_space<hbm>> -> memref<1x1x40x128xi32, #tpu.memory_space<hbm>>
        %dma_start3A_54 = tpu.memref_squeeze %dma_start3A_53 : memref<1x1x40x128xi32, #tpu.memory_space<hbm>> -> memref<40x128xi32, #tpu.memory_space<hbm>>
        tpu.enqueue_dma source(%dma_start3A_54 : memref<40x128xi32, #tpu.memory_space<hbm>>) target(%arg6 : memref<40x128xi32, #tpu.memory_space<vmem>>) target_semaphore(%run_scoped3A : memref<!tpu.dma_semaphore, #tpu.memory_space<semaphore_mem>>)
        %dma_wait3A = arith.constant 0 : i32
        %dma_wait3A_55 = tpu.memref_slice %arg3[%arg0, %arg1, %mul3A_31, %dma_wait3A] : memref<2x16x80x128xi32, #tpu.memory_space<hbm>> -> memref<1x1x40x128xi32, #tpu.memory_space<hbm>>
        %dma_wait3A_56 = tpu.memref_squeeze %dma_wait3A_55 : memref<1x1x40x128xi32, #tpu.memory_space<hbm>> -> memref<40x128xi32, #tpu.memory_space<hbm>>
        %dma_wait3A_57 = arith.constant 0 : i32
        %dma_wait3A_58 = tpu.memref_slice %arg3[%arg0, %arg1, %mul3A_31, %dma_wait3A_57] : memref<2x16x80x128xi32, #tpu.memory_space<hbm>> -> memref<1x1x40x128xi32, #tpu.memory_space<hbm>>
        %dma_wait3A_59 = tpu.memref_squeeze %dma_wait3A_58 : memref<1x1x40x128xi32, #tpu.memory_space<hbm>> -> memref<40x128xi32, #tpu.memory_space<hbm>>
        tpu.wait_dma2 semaphore(%run_scoped3A : memref<!tpu.dma_semaphore, #tpu.memory_space<semaphore_mem>>) src(%dma_wait3A_59 : memref<40x128xi32, #tpu.memory_space<hbm>>) dst(%arg6 : memref<40x128xi32, #tpu.memory_space<vmem>>)
        tpu.yield
      }) : () -> ()
      %mul3A_32 = arith.constant 40 : i32
      %mul3A_33 = arith.muli %scan3A_28, %mul3A_32 : i32
      "tpu.region"() ({
        %run_scoped3A = tpu.sem_alloc : memref<!tpu.dma_semaphore, #tpu.memory_space<semaphore_mem>>
        %dma_start3A_49 = arith.constant 0 : i32
        %dma_start3A_50 = tpu.memref_slice %arg4[%arg0, %arg1, %mul3A_33, %dma_start3A_49] : memref<2x16x80x128xi32, #tpu.memory_space<hbm>> -> memref<1x1x40x128xi32, #tpu.memory_space<hbm>>
        %dma_start3A_51 = tpu.memref_squeeze %dma_start3A_50 : memref<1x1x40x128xi32, #tpu.memory_space<hbm>> -> memref<40x128xi32, #tpu.memory_space<hbm>>
        %dma_start3A_52 = arith.constant 0 : i32
        %dma_start3A_53 = tpu.memref_slice %arg4[%arg0, %arg1, %mul3A_33, %dma_start3A_52] : memref<2x16x80x128xi32, #tpu.memory_space<hbm>> -> memref<1x1x40x128xi32, #tpu.memory_space<hbm>>
        %dma_start3A_54 = tpu.memref_squeeze %dma_start3A_53 : memref<1x1x40x128xi32, #tpu.memory_space<hbm>> -> memref<40x128xi32, #tpu.memory_space<hbm>>
        tpu.enqueue_dma source(%dma_start3A_54 : memref<40x128xi32, #tpu.memory_space<hbm>>) target(%arg7 : memref<40x128xi32, #tpu.memory_space<vmem>>) target_semaphore(%run_scoped3A : memref<!tpu.dma_semaphore, #tpu.memory_space<semaphore_mem>>)
        %dma_wait3A = arith.constant 0 : i32
        %dma_wait3A_55 = tpu.memref_slice %arg4[%arg0, %arg1, %mul3A_33, %dma_wait3A] : memref<2x16x80x128xi32, #tpu.memory_space<hbm>> -> memref<1x1x40x128xi32, #tpu.memory_space<hbm>>
        %dma_wait3A_56 = tpu.memref_squeeze %dma_wait3A_55 : memref<1x1x40x128xi32, #tpu.memory_space<hbm>> -> memref<40x128xi32, #tpu.memory_space<hbm>>
        %dma_wait3A_57 = arith.constant 0 : i32
        %dma_wait3A_58 = tpu.memref_slice %arg4[%arg0, %arg1, %mul3A_33, %dma_wait3A_57] : memref<2x16x80x128xi32, #tpu.memory_space<hbm>> -> memref<1x1x40x128xi32, #tpu.memory_space<hbm>>
        %dma_wait3A_59 = tpu.memref_squeeze %dma_wait3A_58 : memref<1x1x40x128xi32, #tpu.memory_space<hbm>> -> memref<40x128xi32, #tpu.memory_space<hbm>>
        tpu.wait_dma2 semaphore(%run_scoped3A : memref<!tpu.dma_semaphore, #tpu.memory_space<semaphore_mem>>) src(%dma_wait3A_59 : memref<40x128xi32, #tpu.memory_space<hbm>>) dst(%arg7 : memref<40x128xi32, #tpu.memory_space<vmem>>)
        tpu.yield
      }) : () -> ()
      %dma_start3A = arith.constant 0 : i32
      %dma_start3A_34 = arith.constant 0 : i32
      %dma_start3A_35 = tpu.memref_slice %arg6[%dma_start3A, %dma_start3A_34] : memref<40x128xi32, #tpu.memory_space<vmem>> -> memref<1x128xi32, #tpu.memory_space<vmem>>
      %dma_start3A_36 = tpu.memref_squeeze %dma_start3A_35 : memref<1x128xi32, #tpu.memory_space<vmem>> -> memref<128xi32, #tpu.memory_space<vmem>>
      %dma_start3A_37 = arith.constant 0 : i32
      %dma_start3A_38 = arith.constant 0 : i32
      %dma_start3A_39 = tpu.memref_slice %arg2[%dma_start3A_37, %dma_start3A_38] : memref<10240x128xf32, #tpu.memory_space<hbm>> -> memref<10240x128xf32, #tpu.memory_space<hbm>>
      tpu.enqueue_indirect_dma source(%dma_start3A_39 : memref<10240x128xf32, #tpu.memory_space<hbm>>) target(%arg8 : memref<128x128xf32, #tpu.memory_space<vmem>>) offsets(%dma_start3A_36 : memref<128xi32, #tpu.memory_space<vmem>>) semaphore(%arg11 : memref<!tpu.dma_semaphore, #tpu.memory_space<semaphore_mem>>)
      %scan3A_40 = arith.constant 0 : i32
      %scan3A_41 = arith.constant 0 : i32
      %scan3A_42 = arith.constant 0 : i32
      %scan3A_43 = arith.constant 20 : i32
      %scan3A_44 = arith.addi %scan3A_42, %scan3A_43 : i32
      %scan3A_45 = arith.constant 1 : i32
      %scan3A_46 = scf.for %scan3A_49 = %scan3A_42 to %scan3A_44 step %scan3A_45 iter_args(%scan3A_50 = %scan3A_41) -> (i32)  : i32 {
        %mul3A_51 = arith.constant 2 : i32
        %mul3A_52 = arith.muli %mul3A_51, %scan3A_49 : i32
        %add3A_53 = arith.constant 1 : i32
        %add3A_54 = arith.addi %mul3A_52, %add3A_53 : i32
        %dma_start3A_55 = arith.constant 0 : i32
        %dma_start3A_56 = tpu.memref_slice %arg6[%add3A_54, %dma_start3A_55] : memref<40x128xi32, #tpu.memory_space<vmem>> -> memref<1x128xi32, #tpu.memory_space<vmem>>
        %dma_start3A_57 = tpu.memref_squeeze %dma_start3A_56 : memref<1x128xi32, #tpu.memory_space<vmem>> -> memref<128xi32, #tpu.memory_space<vmem>>
        %dma_start3A_58 = arith.constant 0 : i32
        %dma_start3A_59 = arith.constant 0 : i32
        %dma_start3A_60 = tpu.memref_slice %arg2[%dma_start3A_58, %dma_start3A_59] : memref<10240x128xf32, #tpu.memory_space<hbm>> -> memref<10240x128xf32, #tpu.memory_space<hbm>>
        tpu.enqueue_indirect_dma source(%dma_start3A_60 : memref<10240x128xf32, #tpu.memory_space<hbm>>) target(%arg9 : memref<128x128xf32, #tpu.memory_space<vmem>>) offsets(%dma_start3A_57 : memref<128xi32, #tpu.memory_space<vmem>>) semaphore(%arg12 : memref<!tpu.dma_semaphore, #tpu.memory_space<semaphore_mem>>)
        %dma_wait3A = arith.constant 0 : i32
        %dma_wait3A_61 = tpu.memref_slice %arg6[%scan3A_40, %dma_wait3A] : memref<40x128xi32, #tpu.memory_space<vmem>> -> memref<1x128xi32, #tpu.memory_space<vmem>>
        %dma_wait3A_62 = tpu.memref_squeeze %dma_wait3A_61 : memref<1x128xi32, #tpu.memory_space<vmem>> -> memref<128xi32, #tpu.memory_space<vmem>>
        %dma_wait3A_63 = arith.constant 0 : i32
        %dma_wait3A_64 = arith.constant 0 : i32
        %dma_wait3A_65 = tpu.memref_slice %arg2[%dma_wait3A_63, %dma_wait3A_64] : memref<10240x128xf32, #tpu.memory_space<hbm>> -> memref<10240x128xf32, #tpu.memory_space<hbm>>
        tpu.wait_indirect_dma semaphore(%arg11 : memref<!tpu.dma_semaphore, #tpu.memory_space<semaphore_mem>>) src(%dma_wait3A_65 : memref<10240x128xf32, #tpu.memory_space<hbm>>) dst(%arg8 : memref<128x128xf32, #tpu.memory_space<vmem>>)
        "tpu.region"() ({
          %run_scoped3A = tpu.sem_alloc : memref<!tpu.dma_semaphore, #tpu.memory_space<semaphore_mem>>
          %dma_start3A_77 = arith.constant 0 : i32
          %dma_start3A_78 = tpu.memref_slice %arg7[%mul3A_52, %dma_start3A_77] : memref<40x128xi32, #tpu.memory_space<vmem>> -> memref<1x128xi32, #tpu.memory_space<vmem>>
          %dma_start3A_79 = tpu.memref_squeeze %dma_start3A_78 : memref<1x128xi32, #tpu.memory_space<vmem>> -> memref<128xi32, #tpu.memory_space<vmem>>
          %dma_start3A_80 = arith.constant 0 : i32
          %dma_start3A_81 = arith.constant 0 : i32
          %dma_start3A_82 = tpu.memref_slice %arg10[%dma_start3A_80, %dma_start3A_81] : memref<10112x128xf32, #tpu.memory_space<vmem_shared>> -> memref<10112x128xf32, #tpu.memory_space<vmem_shared>>
          tpu.enqueue_indirect_dma source(%arg8 : memref<128x128xf32, #tpu.memory_space<vmem>>) target(%dma_start3A_82 : memref<10112x128xf32, #tpu.memory_space<vmem_shared>>) offsets(%dma_start3A_79 : memref<128xi32, #tpu.memory_space<vmem>>) semaphore(%run_scoped3A : memref<!tpu.dma_semaphore, #tpu.memory_space<semaphore_mem>>) {add = true}
          %dma_wait3A_83 = arith.constant 0 : i32
          %dma_wait3A_84 = tpu.memref_slice %arg7[%mul3A_52, %dma_wait3A_83] : memref<40x128xi32, #tpu.memory_space<vmem>> -> memref<1x128xi32, #tpu.memory_space<vmem>>
          %dma_wait3A_85 = tpu.memref_squeeze %dma_wait3A_84 : memref<1x128xi32, #tpu.memory_space<vmem>> -> memref<128xi32, #tpu.memory_space<vmem>>
          %dma_wait3A_86 = arith.constant 0 : i32
          %dma_wait3A_87 = arith.constant 0 : i32
          %dma_wait3A_88 = tpu.memref_slice %arg10[%dma_wait3A_86, %dma_wait3A_87] : memref<10112x128xf32, #tpu.memory_space<vmem_shared>> -> memref<10112x128xf32, #tpu.memory_space<vmem_shared>>
          tpu.wait_indirect_dma semaphore(%run_scoped3A : memref<!tpu.dma_semaphore, #tpu.memory_space<semaphore_mem>>) src(%arg8 : memref<128x128xf32, #tpu.memory_space<vmem>>) dst(%dma_wait3A_88 : memref<10112x128xf32, #tpu.memory_space<vmem_shared>>)
          tpu.yield
        }) : () -> ()
        %lt3A = arith.constant 19 : i32
        %lt3A_66 = arith.cmpi slt, %scan3A_49, %lt3A : i32
        %convert_element_type3A = arith.extui %lt3A_66 : i1 to i32
        %cond3A = arith.constant 0 : i32
        %cond3A_67 = arith.cmpi ne, %convert_element_type3A, %cond3A : i32
        scf.if %cond3A_67 {
          %add3A_77 = arith.constant 2 : i32
          %add3A_78 = arith.addi %mul3A_52, %add3A_77 : i32
          %dma_start3A_79 = arith.constant 0 : i32
          %dma_start3A_80 = tpu.memref_slice %arg6[%add3A_78, %dma_start3A_79] : memref<40x128xi32, #tpu.memory_space<vmem>> -> memref<1x128xi32, #tpu.memory_space<vmem>>
          %dma_start3A_81 = tpu.memref_squeeze %dma_start3A_80 : memref<1x128xi32, #tpu.memory_space<vmem>> -> memref<128xi32, #tpu.memory_space<vmem>>
          %dma_start3A_82 = arith.constant 0 : i32
          %dma_start3A_83 = arith.constant 0 : i32
          %dma_start3A_84 = tpu.memref_slice %arg2[%dma_start3A_82, %dma_start3A_83] : memref<10240x128xf32, #tpu.memory_space<hbm>> -> memref<10240x128xf32, #tpu.memory_space<hbm>>
          tpu.enqueue_indirect_dma source(%dma_start3A_84 : memref<10240x128xf32, #tpu.memory_space<hbm>>) target(%arg8 : memref<128x128xf32, #tpu.memory_space<vmem>>) offsets(%dma_start3A_81 : memref<128xi32, #tpu.memory_space<vmem>>) semaphore(%arg11 : memref<!tpu.dma_semaphore, #tpu.memory_space<semaphore_mem>>)
        } else {
        }
        %dma_wait3A_68 = arith.constant 0 : i32
        %dma_wait3A_69 = tpu.memref_slice %arg6[%add3A_54, %dma_wait3A_68] : memref<40x128xi32, #tpu.memory_space<vmem>> -> memref<1x128xi32, #tpu.memory_space<vmem>>
        %dma_wait3A_70 = tpu.memref_squeeze %dma_wait3A_69 : memref<1x128xi32, #tpu.memory_space<vmem>> -> memref<128xi32, #tpu.memory_space<vmem>>
        %dma_wait3A_71 = arith.constant 0 : i32
        %dma_wait3A_72 = arith.constant 0 : i32
        %dma_wait3A_73 = tpu.memref_slice %arg2[%dma_wait3A_71, %dma_wait3A_72] : memref<10240x128xf32, #tpu.memory_space<hbm>> -> memref<10240x128xf32, #tpu.memory_space<hbm>>
        tpu.wait_indirect_dma semaphore(%arg12 : memref<!tpu.dma_semaphore, #tpu.memory_space<semaphore_mem>>) src(%dma_wait3A_73 : memref<10240x128xf32, #tpu.memory_space<hbm>>) dst(%arg9 : memref<128x128xf32, #tpu.memory_space<vmem>>)
        %add3A_74 = arith.constant 1 : i32
        %add3A_75 = arith.addi %mul3A_52, %add3A_74 : i32
        "tpu.region"() ({
          %run_scoped3A = tpu.sem_alloc : memref<!tpu.dma_semaphore, #tpu.memory_space<semaphore_mem>>
          %dma_start3A_77 = arith.constant 0 : i32
          %dma_start3A_78 = tpu.memref_slice %arg7[%add3A_75, %dma_start3A_77] : memref<40x128xi32, #tpu.memory_space<vmem>> -> memref<1x128xi32, #tpu.memory_space<vmem>>
          %dma_start3A_79 = tpu.memref_squeeze %dma_start3A_78 : memref<1x128xi32, #tpu.memory_space<vmem>> -> memref<128xi32, #tpu.memory_space<vmem>>
          %dma_start3A_80 = arith.constant 0 : i32
          %dma_start3A_81 = arith.constant 0 : i32
          %dma_start3A_82 = tpu.memref_slice %arg10[%dma_start3A_80, %dma_start3A_81] : memref<10112x128xf32, #tpu.memory_space<vmem_shared>> -> memref<10112x128xf32, #tpu.memory_space<vmem_shared>>
          tpu.enqueue_indirect_dma source(%arg9 : memref<128x128xf32, #tpu.memory_space<vmem>>) target(%dma_start3A_82 : memref<10112x128xf32, #tpu.memory_space<vmem_shared>>) offsets(%dma_start3A_79 : memref<128xi32, #tpu.memory_space<vmem>>) semaphore(%run_scoped3A : memref<!tpu.dma_semaphore, #tpu.memory_space<semaphore_mem>>) {add = true}
          %dma_wait3A_83 = arith.constant 0 : i32
          %dma_wait3A_84 = tpu.memref_slice %arg7[%add3A_75, %dma_wait3A_83] : memref<40x128xi32, #tpu.memory_space<vmem>> -> memref<1x128xi32, #tpu.memory_space<vmem>>
          %dma_wait3A_85 = tpu.memref_squeeze %dma_wait3A_84 : memref<1x128xi32, #tpu.memory_space<vmem>> -> memref<128xi32, #tpu.memory_space<vmem>>
          %dma_wait3A_86 = arith.constant 0 : i32
          %dma_wait3A_87 = arith.constant 0 : i32
          %dma_wait3A_88 = tpu.memref_slice %arg10[%dma_wait3A_86, %dma_wait3A_87] : memref<10112x128xf32, #tpu.memory_space<vmem_shared>> -> memref<10112x128xf32, #tpu.memory_space<vmem_shared>>
          tpu.wait_indirect_dma semaphore(%run_scoped3A : memref<!tpu.dma_semaphore, #tpu.memory_space<semaphore_mem>>) src(%arg9 : memref<128x128xf32, #tpu.memory_space<vmem>>) dst(%dma_wait3A_88 : memref<10112x128xf32, #tpu.memory_space<vmem_shared>>)
          tpu.yield
        }) : () -> ()
        %scan3A_76 = arith.constant 0 : i32
        scf.yield %scan3A_76 : i32
      }
      %scan3A_47 = arith.constant 20 : i32
      %scan3A_48 = arith.constant 0 : i32
      scf.yield %scan3A_48 : i32
    }
    %scan3A_22 = arith.constant 2 : i32
    %barrier3A_23 = arith.constant 0 : index
    tpu.barrier barrier_id(%barrier3A_23)
    %mul3A_24 = arith.constant 632 : i32
    %mul3A_25 = arith.muli %arg1, %mul3A_24 : i32
    %mul3A_26 = arith.constant 632 : i32
    %mul3A_27 = arith.muli %arg1, %mul3A_26 : i32
    "tpu.region"() ({
      %run_scoped3A = tpu.sem_alloc : memref<!tpu.dma_semaphore, #tpu.memory_space<semaphore_mem>>
      %dma_start3A = arith.constant 0 : i32
      %dma_start3A_28 = tpu.memref_slice %arg5[%arg0, %mul3A_27, %dma_start3A] : memref<2x10112x128xf32, #tpu.memory_space<hbm>> -> memref<1x632x128xf32, #tpu.memory_space<hbm>>
      %dma_start3A_29 = tpu.memref_squeeze %dma_start3A_28 : memref<1x632x128xf32, #tpu.memory_space<hbm>> -> memref<632x128xf32, #tpu.memory_space<hbm>>
      %dma_start3A_30 = arith.constant 0 : i32
      %dma_start3A_31 = tpu.memref_slice %arg10[%mul3A_25, %dma_start3A_30] : memref<10112x128xf32, #tpu.memory_space<vmem_shared>> -> memref<632x128xf32, #tpu.memory_space<vmem_shared>>
      tpu.enqueue_dma source(%dma_start3A_31 : memref<632x128xf32, #tpu.memory_space<vmem_shared>>) target(%dma_start3A_29 : memref<632x128xf32, #tpu.memory_space<hbm>>) target_semaphore(%run_scoped3A : memref<!tpu.dma_semaphore, #tpu.memory_space<semaphore_mem>>)
      %dma_wait3A = arith.constant 0 : i32
      %dma_wait3A_32 = tpu.memref_slice %arg5[%arg0, %mul3A_27, %dma_wait3A] : memref<2x10112x128xf32, #tpu.memory_space<hbm>> -> memref<1x632x128xf32, #tpu.memory_space<hbm>>
      %dma_wait3A_33 = tpu.memref_squeeze %dma_wait3A_32 : memref<1x632x128xf32, #tpu.memory_space<hbm>> -> memref<632x128xf32, #tpu.memory_space<hbm>>
      %dma_wait3A_34 = arith.constant 0 : i32
      %dma_wait3A_35 = tpu.memref_slice %arg10[%mul3A_25, %dma_wait3A_34] : memref<10112x128xf32, #tpu.memory_space<vmem_shared>> -> memref<632x128xf32, #tpu.memory_space<vmem_shared>>
      tpu.wait_dma2 semaphore(%run_scoped3A : memref<!tpu.dma_semaphore, #tpu.memory_space<semaphore_mem>>) src(%dma_wait3A_35 : memref<632x128xf32, #tpu.memory_space<vmem_shared>>) dst(%dma_wait3A_33 : memref<632x128xf32, #tpu.memory_space<hbm>>)
      tpu.yield
    }) : () -> ()
    return
  }
}

#map = affine_map<(d0, d1) -> (0, 0)>
#map1 = affine_map<(d0, d1) -> (0)>
#map2 = affine_map<(d0, d1) -> (0, 0, 0)>
module attributes {stable_mosaic.version = 14 : i64} {
  func.func @_sc_segmax(%arg0: i32, %arg1: i32, %arg2: memref<10240x128xf32, #tpu.memory_space<hbm>>, %arg3: memref<10240xi32, #tpu.memory_space<hbm>>, %arg4: memref<32x272x128xf32, #tpu.memory_space<hbm>>, %arg5: memref<320x128xf32, #tpu.memory_space<vmem>>, %arg6: memref<320xi32, #tpu.memory_space<vmem>>, %arg7: memref<272x128xf32, #tpu.memory_space<vmem>>) attributes {dimension_semantics = [#tpu.dimension_semantics<core_parallel>, #tpu.dimension_semantics<subcore_parallel>], iteration_bounds = array<i64: 2, 16>, scalar_prefetch = 0 : i64, scratch_operands = 3 : i64, tpu.core_type = #tpu.core_type<sc_vector_subcore>, window_params = [{transform_indices = #map}, {transform_indices = #map1}, {transform_indices = #map2}]} {
    %mul3A = arith.constant 2 : i32
    %mul3A_0 = arith.muli %arg1, %mul3A : i32
    %add3A = arith.addi %mul3A_0, %arg0 : i32
    %mul3A_1 = arith.constant 320 : i32
    %mul3A_2 = arith.muli %add3A, %mul3A_1 : i32
    "tpu.region"() ({
      %run_scoped3A = tpu.sem_alloc : memref<!tpu.dma_semaphore, #tpu.memory_space<semaphore_mem>>
      %dma_start3A = arith.constant 0 : i32
      %dma_start3A_17 = tpu.memref_slice %arg2[%mul3A_2, %dma_start3A] : memref<10240x128xf32, #tpu.memory_space<hbm>> -> memref<320x128xf32, #tpu.memory_space<hbm>>
      %dma_start3A_18 = arith.constant 0 : i32
      %dma_start3A_19 = tpu.memref_slice %arg2[%mul3A_2, %dma_start3A_18] : memref<10240x128xf32, #tpu.memory_space<hbm>> -> memref<320x128xf32, #tpu.memory_space<hbm>>
      tpu.enqueue_dma source(%dma_start3A_19 : memref<320x128xf32, #tpu.memory_space<hbm>>) target(%arg5 : memref<320x128xf32, #tpu.memory_space<vmem>>) target_semaphore(%run_scoped3A : memref<!tpu.dma_semaphore, #tpu.memory_space<semaphore_mem>>)
      %dma_wait3A = arith.constant 0 : i32
      %dma_wait3A_20 = tpu.memref_slice %arg2[%mul3A_2, %dma_wait3A] : memref<10240x128xf32, #tpu.memory_space<hbm>> -> memref<320x128xf32, #tpu.memory_space<hbm>>
      %dma_wait3A_21 = arith.constant 0 : i32
      %dma_wait3A_22 = tpu.memref_slice %arg2[%mul3A_2, %dma_wait3A_21] : memref<10240x128xf32, #tpu.memory_space<hbm>> -> memref<320x128xf32, #tpu.memory_space<hbm>>
      tpu.wait_dma2 semaphore(%run_scoped3A : memref<!tpu.dma_semaphore, #tpu.memory_space<semaphore_mem>>) src(%dma_wait3A_22 : memref<320x128xf32, #tpu.memory_space<hbm>>) dst(%arg5 : memref<320x128xf32, #tpu.memory_space<vmem>>)
      tpu.yield
    }) : () -> ()
    "tpu.region"() ({
      %run_scoped3A = tpu.sem_alloc : memref<!tpu.dma_semaphore, #tpu.memory_space<semaphore_mem>>
      %dma_start3A = tpu.memref_slice %arg3[%mul3A_2] : memref<10240xi32, #tpu.memory_space<hbm>> -> memref<320xi32, #tpu.memory_space<hbm>>
      %dma_start3A_17 = tpu.memref_slice %arg3[%mul3A_2] : memref<10240xi32, #tpu.memory_space<hbm>> -> memref<320xi32, #tpu.memory_space<hbm>>
      tpu.enqueue_dma source(%dma_start3A_17 : memref<320xi32, #tpu.memory_space<hbm>>) target(%arg6 : memref<320xi32, #tpu.memory_space<vmem>>) target_semaphore(%run_scoped3A : memref<!tpu.dma_semaphore, #tpu.memory_space<semaphore_mem>>)
      %dma_wait3A = tpu.memref_slice %arg3[%mul3A_2] : memref<10240xi32, #tpu.memory_space<hbm>> -> memref<320xi32, #tpu.memory_space<hbm>>
      %dma_wait3A_18 = tpu.memref_slice %arg3[%mul3A_2] : memref<10240xi32, #tpu.memory_space<hbm>> -> memref<320xi32, #tpu.memory_space<hbm>>
      tpu.wait_dma2 semaphore(%run_scoped3A : memref<!tpu.dma_semaphore, #tpu.memory_space<semaphore_mem>>) src(%dma_wait3A_18 : memref<320xi32, #tpu.memory_space<hbm>>) dst(%arg6 : memref<320xi32, #tpu.memory_space<vmem>>)
      tpu.yield
    }) : () -> ()
    %broadcast_in_dim3A = arith.constant 0xFF800000 : f32
    %broadcast_in_dim3A_3 = vector.broadcast %broadcast_in_dim3A : f32 to vector<16xf32>
    %scan3A = arith.constant 0 : i32
    %scan3A_4 = arith.constant 0 : i32
    %scan3A_5 = arith.constant 2176 : i32
    %scan3A_6 = arith.addi %scan3A_4, %scan3A_5 : i32
    %scan3A_7 = arith.constant 1 : i32
    %scan3A_8 = scf.for %scan3A_17 = %scan3A_4 to %scan3A_6 step %scan3A_7 iter_args(%scan3A_18 = %scan3A) -> (i32)  : i32 {
      %jit3A = arith.constant 8 : i32
      %div3A = arith.divsi %scan3A_17, %jit3A : i32
      %sign3A = arith.constant 0 : i32
      %sign3A_19 = arith.cmpi sgt, %scan3A_17, %sign3A : i32
      %sign3A_20 = arith.extui %sign3A_19 : i1 to i32
      %sign3A_21 = arith.constant 0 : i32
      %sign3A_22 = arith.cmpi slt, %scan3A_17, %sign3A_21 : i32
      %sign3A_23 = arith.extui %sign3A_22 : i1 to i32
      %sign3A_24 = arith.subi %sign3A_20, %sign3A_23 : i32
      %sign3A_25 = arith.constant 0 : i32
      %sign3A_26 = arith.cmpi sgt, %jit3A, %sign3A_25 : i32
      %sign3A_27 = arith.extui %sign3A_26 : i1 to i32
      %sign3A_28 = arith.constant 0 : i32
      %sign3A_29 = arith.cmpi slt, %jit3A, %sign3A_28 : i32
      %sign3A_30 = arith.extui %sign3A_29 : i1 to i32
      %sign3A_31 = arith.subi %sign3A_27, %sign3A_30 : i32
      %ne3A = arith.cmpi ne, %sign3A_24, %sign3A_31 : i32
      %rem3A = arith.remsi %scan3A_17, %jit3A : i32
      %ne3A_32 = arith.constant 0 : i32
      %ne3A_33 = arith.cmpi ne, %rem3A, %ne3A_32 : i32
      %and3A = arith.andi %ne3A, %ne3A_33 : i1
      %sub3A = arith.constant 1 : i32
      %sub3A_34 = arith.subi %div3A, %sub3A : i32
      %select_n3A = arith.select %and3A, %sub3A_34, %div3A : i32
      %jit3A_35 = arith.constant 8 : i32
      %eq3A = arith.constant 0 : i32
      %eq3A_36 = arith.cmpi eq, %jit3A_35, %eq3A : i32
      %jit3A_37 = arith.constant 1 : i32
      %select_n3A_38 = arith.select %eq3A_36, %jit3A_37, %jit3A_35 : i32
      %rem3A_39 = arith.remsi %scan3A_17, %select_n3A_38 : i32
      %ne3A_40 = arith.constant 0 : i32
      %ne3A_41 = arith.cmpi ne, %rem3A_39, %ne3A_40 : i32
      %lt3A = arith.constant 0 : i32
      %lt3A_42 = arith.cmpi slt, %rem3A_39, %lt3A : i32
      %lt3A_43 = arith.constant 0 : i32
      %lt3A_44 = arith.cmpi slt, %select_n3A_38, %lt3A_43 : i32
      %ne3A_45 = arith.xori %lt3A_42, %lt3A_44 : i1
      %and3A_46 = arith.andi %ne3A_45, %ne3A_41 : i1
      %add3A_47 = arith.addi %rem3A_39, %select_n3A_38 : i32
      %select_n3A_48 = arith.select %and3A_46, %add3A_47, %rem3A_39 : i32
      %mul3A_49 = arith.constant 16 : i32
      %mul3A_50 = arith.muli %select_n3A_48, %mul3A_49 : i32
      %swap3A = arith.index_cast %select_n3A : i32 to index
      %swap3A_51 = arith.index_cast %mul3A_50 : i32 to index
      %swap3A_52 = tpu.vector_load %arg7[%swap3A, %swap3A_51] {strides = array<i32>} : memref<272x128xf32, #tpu.memory_space<vmem>>, vector<1x16xf32>,
      %swap3A_53 = vector.shape_cast %swap3A_52 : vector<1x16xf32> to vector<16xf32>
      %swap3A_54 = vector.shape_cast %broadcast_in_dim3A_3 : vector<16xf32> to vector<1x16xf32>
      tpu.vector_store %arg7[%swap3A, %swap3A_51], %swap3A_54 {strides = array<i32>} : memref<272x128xf32, #tpu.memory_space<vmem>>, vector<1x16xf32>,
      %scan3A_55 = arith.constant 0 : i32
      scf.yield %scan3A_55 : i32
    }
    %scan3A_9 = arith.constant 2176 : i32
    %scan3A_10 = arith.constant 0 : i32
    %scan3A_11 = arith.constant 0 : i32
    %scan3A_12 = arith.constant 20 : i32
    %scan3A_13 = arith.addi %scan3A_11, %scan3A_12 : i32
    %scan3A_14 = arith.constant 1 : i32
    %scan3A_15 = scf.for %scan3A_17 = %scan3A_11 to %scan3A_13 step %scan3A_14 iter_args(%scan3A_18 = %scan3A_10) -> (i32)  : i32 {
      %mul3A_19 = arith.constant 16 : i32
      %mul3A_20 = arith.muli %scan3A_17, %mul3A_19 : i32
      %get3A = arith.index_cast %mul3A_20 : i32 to index
      %get3A_21 = tpu.vector_load %arg6[%get3A] {strides = array<i32>} : memref<320xi32, #tpu.memory_space<vmem>>, vector<16xi32>,
      %get3A_22 = vector.shape_cast %get3A_21 : vector<16xi32> to vector<16xi32>
      %slice3A = vector.extract_strided_slice %get3A_22 {offsets = [0], sizes = [1], strides = [1]} : vector<16xi32> to vector<1xi32>
      %squeeze3A = vector.extract %slice3A[0] : i32 from vector<1xi32>
      %mul3A_23 = arith.constant 16 : i32
      %mul3A_24 = arith.muli %scan3A_17, %mul3A_23 : i32
      %add3A_25 = arith.constant 0 : i32
      %add3A_26 = arith.addi %mul3A_24, %add3A_25 : i32
      %get3A_27 = arith.index_cast %squeeze3A : i32 to index
      %get3A_28 = arith.constant 0 : index
      %get3A_29 = tpu.vector_load %arg7[%get3A_27, %get3A_28] {strides = array<i32>} : memref<272x128xf32, #tpu.memory_space<vmem>>, vector<1x16xf32>,
      %get3A_30 = vector.shape_cast %get3A_29 : vector<1x16xf32> to vector<16xf32>
      %get3A_31 = arith.index_cast %add3A_26 : i32 to index
      %get3A_32 = arith.constant 0 : index
      %get3A_33 = tpu.vector_load %arg5[%get3A_31, %get3A_32] {strides = array<i32>} : memref<320x128xf32, #tpu.memory_space<vmem>>, vector<1x16xf32>,
      %get3A_34 = vector.shape_cast %get3A_33 : vector<1x16xf32> to vector<16xf32>
      %max3A = arith.maximumf %get3A_30, %get3A_34 : vector<16xf32>
      %swap3A = arith.index_cast %squeeze3A : i32 to index
      %swap3A_35 = arith.constant 0 : index
      %swap3A_36 = tpu.vector_load %arg7[%swap3A, %swap3A_35] {strides = array<i32>} : memref<272x128xf32, #tpu.memory_space<vmem>>, vector<1x16xf32>,
      %swap3A_37 = vector.shape_cast %swap3A_36 : vector<1x16xf32> to vector<16xf32>
      %swap3A_38 = vector.shape_cast %max3A : vector<16xf32> to vector<1x16xf32>
      tpu.vector_store %arg7[%swap3A, %swap3A_35], %swap3A_38 {strides = array<i32>} : memref<272x128xf32, #tpu.memory_space<vmem>>, vector<1x16xf32>,
      %get3A_39 = arith.index_cast %squeeze3A : i32 to index
      %get3A_40 = arith.constant 16 : index
      %get3A_41 = tpu.vector_load %arg7[%get3A_39, %get3A_40] {strides = array<i32>} : memref<272x128xf32, #tpu.memory_space<vmem>>, vector<1x16xf32>,
      %get3A_42 = vector.shape_cast %get3A_41 : vector<1x16xf32> to vector<16xf32>
      %get3A_43 = arith.index_cast %add3A_26 : i32 to index
      %get3A_44 = arith.constant 16 : index
      %get3A_45 = tpu.vector_load %arg5[%get3A_43, %get3A_44] {strides = array<i32>} : memref<320x128xf32, #tpu.memory_space<vmem>>, vector<1x16xf32>,
      %get3A_46 = vector.shape_cast %get3A_45 : vector<1x16xf32> to vector<16xf32>
      %max3A_47 = arith.maximumf %get3A_42, %get3A_46 : vector<16xf32>
      %swap3A_48 = arith.index_cast %squeeze3A : i32 to index
      %swap3A_49 = arith.constant 16 : index
      %swap3A_50 = tpu.vector_load %arg7[%swap3A_48, %swap3A_49] {strides = array<i32>} : memref<272x128xf32, #tpu.memory_space<vmem>>, vector<1x16xf32>,
      %swap3A_51 = vector.shape_cast %swap3A_50 : vector<1x16xf32> to vector<16xf32>
      %swap3A_52 = vector.shape_cast %max3A_47 : vector<16xf32> to vector<1x16xf32>
      tpu.vector_store %arg7[%swap3A_48, %swap3A_49], %swap3A_52 {strides = array<i32>} : memref<272x128xf32, #tpu.memory_space<vmem>>, vector<1x16xf32>,
      %get3A_53 = arith.index_cast %squeeze3A : i32 to index
      %get3A_54 = arith.constant 32 : index
      %get3A_55 = tpu.vector_load %arg7[%get3A_53, %get3A_54] {strides = array<i32>} : memref<272x128xf32, #tpu.memory_space<vmem>>, vector<1x16xf32>,
      %get3A_56 = vector.shape_cast %get3A_55 : vector<1x16xf32> to vector<16xf32>
      %get3A_57 = arith.index_cast %add3A_26 : i32 to index
      %get3A_58 = arith.constant 32 : index
      %get3A_59 = tpu.vector_load %arg5[%get3A_57, %get3A_58] {strides = array<i32>} : memref<320x128xf32, #tpu.memory_space<vmem>>, vector<1x16xf32>,
      %get3A_60 = vector.shape_cast %get3A_59 : vector<1x16xf32> to vector<16xf32>
      %max3A_61 = arith.maximumf %get3A_56, %get3A_60 : vector<16xf32>
      %swap3A_62 = arith.index_cast %squeeze3A : i32 to index
      %swap3A_63 = arith.constant 32 : index
      %swap3A_64 = tpu.vector_load %arg7[%swap3A_62, %swap3A_63] {strides = array<i32>} : memref<272x128xf32, #tpu.memory_space<vmem>>, vector<1x16xf32>,
      %swap3A_65 = vector.shape_cast %swap3A_64 : vector<1x16xf32> to vector<16xf32>
      %swap3A_66 = vector.shape_cast %max3A_61 : vector<16xf32> to vector<1x16xf32>
      tpu.vector_store %arg7[%swap3A_62, %swap3A_63], %swap3A_66 {strides = array<i32>} : memref<272x128xf32, #tpu.memory_space<vmem>>, vector<1x16xf32>,
      %get3A_67 = arith.index_cast %squeeze3A : i32 to index
      %get3A_68 = arith.constant 48 : index
      %get3A_69 = tpu.vector_load %arg7[%get3A_67, %get3A_68] {strides = array<i32>} : memref<272x128xf32, #tpu.memory_space<vmem>>, vector<1x16xf32>,
      %get3A_70 = vector.shape_cast %get3A_69 : vector<1x16xf32> to vector<16xf32>
      %get3A_71 = arith.index_cast %add3A_26 : i32 to index
      %get3A_72 = arith.constant 48 : index
      %get3A_73 = tpu.vector_load %arg5[%get3A_71, %get3A_72] {strides = array<i32>} : memref<320x128xf32, #tpu.memory_space<vmem>>, vector<1x16xf32>,
      %get3A_74 = vector.shape_cast %get3A_73 : vector<1x16xf32> to vector<16xf32>
      %max3A_75 = arith.maximumf %get3A_70, %get3A_74 : vector<16xf32>
      %swap3A_76 = arith.index_cast %squeeze3A : i32 to index
      %swap3A_77 = arith.constant 48 : index
      %swap3A_78 = tpu.vector_load %arg7[%swap3A_76, %swap3A_77] {strides = array<i32>} : memref<272x128xf32, #tpu.memory_space<vmem>>, vector<1x16xf32>,
      %swap3A_79 = vector.shape_cast %swap3A_78 : vector<1x16xf32> to vector<16xf32>
      %swap3A_80 = vector.shape_cast %max3A_75 : vector<16xf32> to vector<1x16xf32>
      tpu.vector_store %arg7[%swap3A_76, %swap3A_77], %swap3A_80 {strides = array<i32>} : memref<272x128xf32, #tpu.memory_space<vmem>>, vector<1x16xf32>,
      %get3A_81 = arith.index_cast %squeeze3A : i32 to index
      %get3A_82 = arith.constant 64 : index
      %get3A_83 = tpu.vector_load %arg7[%get3A_81, %get3A_82] {strides = array<i32>} : memref<272x128xf32, #tpu.memory_space<vmem>>, vector<1x16xf32>,
      %get3A_84 = vector.shape_cast %get3A_83 : vector<1x16xf32> to vector<16xf32>
      %get3A_85 = arith.index_cast %add3A_26 : i32 to index
      %get3A_86 = arith.constant 64 : index
      %get3A_87 = tpu.vector_load %arg5[%get3A_85, %get3A_86] {strides = array<i32>} : memref<320x128xf32, #tpu.memory_space<vmem>>, vector<1x16xf32>,
      %get3A_88 = vector.shape_cast %get3A_87 : vector<1x16xf32> to vector<16xf32>
      %max3A_89 = arith.maximumf %get3A_84, %get3A_88 : vector<16xf32>
      %swap3A_90 = arith.index_cast %squeeze3A : i32 to index
      %swap3A_91 = arith.constant 64 : index
      %swap3A_92 = tpu.vector_load %arg7[%swap3A_90, %swap3A_91] {strides = array<i32>} : memref<272x128xf32, #tpu.memory_space<vmem>>, vector<1x16xf32>,
      %swap3A_93 = vector.shape_cast %swap3A_92 : vector<1x16xf32> to vector<16xf32>
      %swap3A_94 = vector.shape_cast %max3A_89 : vector<16xf32> to vector<1x16xf32>
      tpu.vector_store %arg7[%swap3A_90, %swap3A_91], %swap3A_94 {strides = array<i32>} : memref<272x128xf32, #tpu.memory_space<vmem>>, vector<1x16xf32>,
      %get3A_95 = arith.index_cast %squeeze3A : i32 to index
      %get3A_96 = arith.constant 80 : index
      %get3A_97 = tpu.vector_load %arg7[%get3A_95, %get3A_96] {strides = array<i32>} : memref<272x128xf32, #tpu.memory_space<vmem>>, vector<1x16xf32>,
      %get3A_98 = vector.shape_cast %get3A_97 : vector<1x16xf32> to vector<16xf32>
      %get3A_99 = arith.index_cast %add3A_26 : i32 to index
      %get3A_100 = arith.constant 80 : index
      %get3A_101 = tpu.vector_load %arg5[%get3A_99, %get3A_100] {strides = array<i32>} : memref<320x128xf32, #tpu.memory_space<vmem>>, vector<1x16xf32>,
      %get3A_102 = vector.shape_cast %get3A_101 : vector<1x16xf32> to vector<16xf32>
      %max3A_103 = arith.maximumf %get3A_98, %get3A_102 : vector<16xf32>
      %swap3A_104 = arith.index_cast %squeeze3A : i32 to index
      %swap3A_105 = arith.constant 80 : index
      %swap3A_106 = tpu.vector_load %arg7[%swap3A_104, %swap3A_105] {strides = array<i32>} : memref<272x128xf32, #tpu.memory_space<vmem>>, vector<1x16xf32>,
      %swap3A_107 = vector.shape_cast %swap3A_106 : vector<1x16xf32> to vector<16xf32>
      %swap3A_108 = vector.shape_cast %max3A_103 : vector<16xf32> to vector<1x16xf32>
      tpu.vector_store %arg7[%swap3A_104, %swap3A_105], %swap3A_108 {strides = array<i32>} : memref<272x128xf32, #tpu.memory_space<vmem>>, vector<1x16xf32>,
      %get3A_109 = arith.index_cast %squeeze3A : i32 to index
      %get3A_110 = arith.constant 96 : index
      %get3A_111 = tpu.vector_load %arg7[%get3A_109, %get3A_110] {strides = array<i32>} : memref<272x128xf32, #tpu.memory_space<vmem>>, vector<1x16xf32>,
      %get3A_112 = vector.shape_cast %get3A_111 : vector<1x16xf32> to vector<16xf32>
      %get3A_113 = arith.index_cast %add3A_26 : i32 to index
      %get3A_114 = arith.constant 96 : index
      %get3A_115 = tpu.vector_load %arg5[%get3A_113, %get3A_114] {strides = array<i32>} : memref<320x128xf32, #tpu.memory_space<vmem>>, vector<1x16xf32>,
      %get3A_116 = vector.shape_cast %get3A_115 : vector<1x16xf32> to vector<16xf32>
      %max3A_117 = arith.maximumf %get3A_112, %get3A_116 : vector<16xf32>
      %swap3A_118 = arith.index_cast %squeeze3A : i32 to index
      %swap3A_119 = arith.constant 96 : index
      %swap3A_120 = tpu.vector_load %arg7[%swap3A_118, %swap3A_119] {strides = array<i32>} : memref<272x128xf32, #tpu.memory_space<vmem>>, vector<1x16xf32>,
      %swap3A_121 = vector.shape_cast %swap3A_120 : vector<1x16xf32> to vector<16xf32>
      %swap3A_122 = vector.shape_cast %max3A_117 : vector<16xf32> to vector<1x16xf32>
      tpu.vector_store %arg7[%swap3A_118, %swap3A_119], %swap3A_122 {strides = array<i32>} : memref<272x128xf32, #tpu.memory_space<vmem>>, vector<1x16xf32>,
      %get3A_123 = arith.index_cast %squeeze3A : i32 to index
      %get3A_124 = arith.constant 112 : index
      %get3A_125 = tpu.vector_load %arg7[%get3A_123, %get3A_124] {strides = array<i32>} : memref<272x128xf32, #tpu.memory_space<vmem>>, vector<1x16xf32>,
      %get3A_126 = vector.shape_cast %get3A_125 : vector<1x16xf32> to vector<16xf32>
      %get3A_127 = arith.index_cast %add3A_26 : i32 to index
      %get3A_128 = arith.constant 112 : index
      %get3A_129 = tpu.vector_load %arg5[%get3A_127, %get3A_128] {strides = array<i32>} : memref<320x128xf32, #tpu.memory_space<vmem>>, vector<1x16xf32>,
      %get3A_130 = vector.shape_cast %get3A_129 : vector<1x16xf32> to vector<16xf32>
      %max3A_131 = arith.maximumf %get3A_126, %get3A_130 : vector<16xf32>
      %swap3A_132 = arith.index_cast %squeeze3A : i32 to index
      %swap3A_133 = arith.constant 112 : index
      %swap3A_134 = tpu.vector_load %arg7[%swap3A_132, %swap3A_133] {strides = array<i32>} : memref<272x128xf32, #tpu.memory_space<vmem>>, vector<1x16xf32>,
      %swap3A_135 = vector.shape_cast %swap3A_134 : vector<1x16xf32> to vector<16xf32>
      %swap3A_136 = vector.shape_cast %max3A_131 : vector<16xf32> to vector<1x16xf32>
      tpu.vector_store %arg7[%swap3A_132, %swap3A_133], %swap3A_136 {strides = array<i32>} : memref<272x128xf32, #tpu.memory_space<vmem>>, vector<1x16xf32>,
      %slice3A_137 = vector.extract_strided_slice %get3A_22 {offsets = [1], sizes = [1], strides = [1]} : vector<16xi32> to vector<1xi32>
      %squeeze3A_138 = vector.extract %slice3A_137[0] : i32 from vector<1xi32>
      %mul3A_139 = arith.constant 16 : i32
      %mul3A_140 = arith.muli %scan3A_17, %mul3A_139 : i32
      %add3A_141 = arith.constant 1 : i32
      %add3A_142 = arith.addi %mul3A_140, %add3A_141 : i32
      %get3A_143 = arith.index_cast %squeeze3A_138 : i32 to index
      %get3A_144 = arith.constant 0 : index
      %get3A_145 = tpu.vector_load %arg7[%get3A_143, %get3A_144] {strides = array<i32>} : memref<272x128xf32, #tpu.memory_space<vmem>>, vector<1x16xf32>,
      %get3A_146 = vector.shape_cast %get3A_145 : vector<1x16xf32> to vector<16xf32>
      %get3A_147 = arith.index_cast %add3A_142 : i32 to index
      %get3A_148 = arith.constant 0 : index
      %get3A_149 = tpu.vector_load %arg5[%get3A_147, %get3A_148] {strides = array<i32>} : memref<320x128xf32, #tpu.memory_space<vmem>>, vector<1x16xf32>,
      %get3A_150 = vector.shape_cast %get3A_149 : vector<1x16xf32> to vector<16xf32>
      %max3A_151 = arith.maximumf %get3A_146, %get3A_150 : vector<16xf32>
      %swap3A_152 = arith.index_cast %squeeze3A_138 : i32 to index
      %swap3A_153 = arith.constant 0 : index
      %swap3A_154 = tpu.vector_load %arg7[%swap3A_152, %swap3A_153] {strides = array<i32>} : memref<272x128xf32, #tpu.memory_space<vmem>>, vector<1x16xf32>,
      %swap3A_155 = vector.shape_cast %swap3A_154 : vector<1x16xf32> to vector<16xf32>
      %swap3A_156 = vector.shape_cast %max3A_151 : vector<16xf32> to vector<1x16xf32>
      tpu.vector_store %arg7[%swap3A_152, %swap3A_153], %swap3A_156 {strides = array<i32>} : memref<272x128xf32, #tpu.memory_space<vmem>>, vector<1x16xf32>,
      %get3A_157 = arith.index_cast %squeeze3A_138 : i32 to index
      %get3A_158 = arith.constant 16 : index
      %get3A_159 = tpu.vector_load %arg7[%get3A_157, %get3A_158] {strides = array<i32>} : memref<272x128xf32, #tpu.memory_space<vmem>>, vector<1x16xf32>,
      %get3A_160 = vector.shape_cast %get3A_159 : vector<1x16xf32> to vector<16xf32>
      %get3A_161 = arith.index_cast %add3A_142 : i32 to index
      %get3A_162 = arith.constant 16 : index
      %get3A_163 = tpu.vector_load %arg5[%get3A_161, %get3A_162] {strides = array<i32>} : memref<320x128xf32, #tpu.memory_space<vmem>>, vector<1x16xf32>,
      %get3A_164 = vector.shape_cast %get3A_163 : vector<1x16xf32> to vector<16xf32>
      %max3A_165 = arith.maximumf %get3A_160, %get3A_164 : vector<16xf32>
      %swap3A_166 = arith.index_cast %squeeze3A_138 : i32 to index
      %swap3A_167 = arith.constant 16 : index
      %swap3A_168 = tpu.vector_load %arg7[%swap3A_166, %swap3A_167] {strides = array<i32>} : memref<272x128xf32, #tpu.memory_space<vmem>>, vector<1x16xf32>,
      %swap3A_169 = vector.shape_cast %swap3A_168 : vector<1x16xf32> to vector<16xf32>
      %swap3A_170 = vector.shape_cast %max3A_165 : vector<16xf32> to vector<1x16xf32>
      tpu.vector_store %arg7[%swap3A_166, %swap3A_167], %swap3A_170 {strides = array<i32>} : memref<272x128xf32, #tpu.memory_space<vmem>>, vector<1x16xf32>,
      %get3A_171 = arith.index_cast %squeeze3A_138 : i32 to index
      %get3A_172 = arith.constant 32 : index
      %get3A_173 = tpu.vector_load %arg7[%get3A_171, %get3A_172] {strides = array<i32>} : memref<272x128xf32, #tpu.memory_space<vmem>>, vector<1x16xf32>,
      %get3A_174 = vector.shape_cast %get3A_173 : vector<1x16xf32> to vector<16xf32>
      %get3A_175 = arith.index_cast %add3A_142 : i32 to index
      %get3A_176 = arith.constant 32 : index
      %get3A_177 = tpu.vector_load %arg5[%get3A_175, %get3A_176] {strides = array<i32>} : memref<320x128xf32, #tpu.memory_space<vmem>>, vector<1x16xf32>,
      %get3A_178 = vector.shape_cast %get3A_177 : vector<1x16xf32> to vector<16xf32>
      %max3A_179 = arith.maximumf %get3A_174, %get3A_178 : vector<16xf32>
      %swap3A_180 = arith.index_cast %squeeze3A_138 : i32 to index
      %swap3A_181 = arith.constant 32 : index
      %swap3A_182 = tpu.vector_load %arg7[%swap3A_180, %swap3A_181] {strides = array<i32>} : memref<272x128xf32, #tpu.memory_space<vmem>>, vector<1x16xf32>,
      %swap3A_183 = vector.shape_cast %swap3A_182 : vector<1x16xf32> to vector<16xf32>
      %swap3A_184 = vector.shape_cast %max3A_179 : vector<16xf32> to vector<1x16xf32>
      tpu.vector_store %arg7[%swap3A_180, %swap3A_181], %swap3A_184 {strides = array<i32>} : memref<272x128xf32, #tpu.memory_space<vmem>>, vector<1x16xf32>,
      %get3A_185 = arith.index_cast %squeeze3A_138 : i32 to index
      %get3A_186 = arith.constant 48 : index
      %get3A_187 = tpu.vector_load %arg7[%get3A_185, %get3A_186] {strides = array<i32>} : memref<272x128xf32, #tpu.memory_space<vmem>>, vector<1x16xf32>,
      %get3A_188 = vector.shape_cast %get3A_187 : vector<1x16xf32> to vector<16xf32>
      %get3A_189 = arith.index_cast %add3A_142 : i32 to index
      %get3A_190 = arith.constant 48 : index
      %get3A_191 = tpu.vector_load %arg5[%get3A_189, %get3A_190] {strides = array<i32>} : memref<320x128xf32, #tpu.memory_space<vmem>>, vector<1x16xf32>,
      %get3A_192 = vector.shape_cast %get3A_191 : vector<1x16xf32> to vector<16xf32>
      %max3A_193 = arith.maximumf %get3A_188, %get3A_192 : vector<16xf32>
      %swap3A_194 = arith.index_cast %squeeze3A_138 : i32 to index
      %swap3A_195 = arith.constant 48 : index
      %swap3A_196 = tpu.vector_load %arg7[%swap3A_194, %swap3A_195] {strides = array<i32>} : memref<272x128xf32, #tpu.memory_space<vmem>>, vector<1x16xf32>,
      %swap3A_197 = vector.shape_cast %swap3A_196 : vector<1x16xf32> to vector<16xf32>
      %swap3A_198 = vector.shape_cast %max3A_193 : vector<16xf32> to vector<1x16xf32>
      tpu.vector_store %arg7[%swap3A_194, %swap3A_195], %swap3A_198 {strides = array<i32>} : memref<272x128xf32, #tpu.memory_space<vmem>>, vector<1x16xf32>,
      %get3A_199 = arith.index_cast %squeeze3A_138 : i32 to index
      %get3A_200 = arith.constant 64 : index
      %get3A_201 = tpu.vector_load %arg7[%get3A_199, %get3A_200] {strides = array<i32>} : memref<272x128xf32, #tpu.memory_space<vmem>>, vector<1x16xf32>,
      %get3A_202 = vector.shape_cast %get3A_201 : vector<1x16xf32> to vector<16xf32>
      %get3A_203 = arith.index_cast %add3A_142 : i32 to index
      %get3A_204 = arith.constant 64 : index
      %get3A_205 = tpu.vector_load %arg5[%get3A_203, %get3A_204] {strides = array<i32>} : memref<320x128xf32, #tpu.memory_space<vmem>>, vector<1x16xf32>,
      %get3A_206 = vector.shape_cast %get3A_205 : vector<1x16xf32> to vector<16xf32>
      %max3A_207 = arith.maximumf %get3A_202, %get3A_206 : vector<16xf32>
      %swap3A_208 = arith.index_cast %squeeze3A_138 : i32 to index
      %swap3A_209 = arith.constant 64 : index
      %swap3A_210 = tpu.vector_load %arg7[%swap3A_208, %swap3A_209] {strides = array<i32>} : memref<272x128xf32, #tpu.memory_space<vmem>>, vector<1x16xf32>,
      %swap3A_211 = vector.shape_cast %swap3A_210 : vector<1x16xf32> to vector<16xf32>
      %swap3A_212 = vector.shape_cast %max3A_207 : vector<16xf32> to vector<1x16xf32>
      tpu.vector_store %arg7[%swap3A_208, %swap3A_209], %swap3A_212 {strides = array<i32>} : memref<272x128xf32, #tpu.memory_space<vmem>>, vector<1x16xf32>,
      %get3A_213 = arith.index_cast %squeeze3A_138 : i32 to index
      %get3A_214 = arith.constant 80 : index
      %get3A_215 = tpu.vector_load %arg7[%get3A_213, %get3A_214] {strides = array<i32>} : memref<272x128xf32, #tpu.memory_space<vmem>>, vector<1x16xf32>,
      %get3A_216 = vector.shape_cast %get3A_215 : vector<1x16xf32> to vector<16xf32>
      %get3A_217 = arith.index_cast %add3A_142 : i32 to index
      %get3A_218 = arith.constant 80 : index
      %get3A_219 = tpu.vector_load %arg5[%get3A_217, %get3A_218] {strides = array<i32>} : memref<320x128xf32, #tpu.memory_space<vmem>>, vector<1x16xf32>,
      %get3A_220 = vector.shape_cast %get3A_219 : vector<1x16xf32> to vector<16xf32>
      %max3A_221 = arith.maximumf %get3A_216, %get3A_220 : vector<16xf32>
      %swap3A_222 = arith.index_cast %squeeze3A_138 : i32 to index
      %swap3A_223 = arith.constant 80 : index
      %swap3A_224 = tpu.vector_load %arg7[%swap3A_222, %swap3A_223] {strides = array<i32>} : memref<272x128xf32, #tpu.memory_space<vmem>>, vector<1x16xf32>,
      %swap3A_225 = vector.shape_cast %swap3A_224 : vector<1x16xf32> to vector<16xf32>
      %swap3A_226 = vector.shape_cast %max3A_221 : vector<16xf32> to vector<1x16xf32>
      tpu.vector_store %arg7[%swap3A_222, %swap3A_223], %swap3A_226 {strides = array<i32>} : memref<272x128xf32, #tpu.memory_space<vmem>>, vector<1x16xf32>,
      %get3A_227 = arith.index_cast %squeeze3A_138 : i32 to index
      %get3A_228 = arith.constant 96 : index
      %get3A_229 = tpu.vector_load %arg7[%get3A_227, %get3A_228] {strides = array<i32>} : memref<272x128xf32, #tpu.memory_space<vmem>>, vector<1x16xf32>,
      %get3A_230 = vector.shape_cast %get3A_229 : vector<1x16xf32> to vector<16xf32>
      %get3A_231 = arith.index_cast %add3A_142 : i32 to index
      %get3A_232 = arith.constant 96 : index
      %get3A_233 = tpu.vector_load %arg5[%get3A_231, %get3A_232] {strides = array<i32>} : memref<320x128xf32, #tpu.memory_space<vmem>>, vector<1x16xf32>,
      %get3A_234 = vector.shape_cast %get3A_233 : vector<1x16xf32> to vector<16xf32>
      %max3A_235 = arith.maximumf %get3A_230, %get3A_234 : vector<16xf32>
      %swap3A_236 = arith.index_cast %squeeze3A_138 : i32 to index
      %swap3A_237 = arith.constant 96 : index
      %swap3A_238 = tpu.vector_load %arg7[%swap3A_236, %swap3A_237] {strides = array<i32>} : memref<272x128xf32, #tpu.memory_space<vmem>>, vector<1x16xf32>,
      %swap3A_239 = vector.shape_cast %swap3A_238 : vector<1x16xf32> to vector<16xf32>
      %swap3A_240 = vector.shape_cast %max3A_235 : vector<16xf32> to vector<1x16xf32>
      tpu.vector_store %arg7[%swap3A_236, %swap3A_237], %swap3A_240 {strides = array<i32>} : memref<272x128xf32, #tpu.memory_space<vmem>>, vector<1x16xf32>,
      %get3A_241 = arith.index_cast %squeeze3A_138 : i32 to index
      %get3A_242 = arith.constant 112 : index
      %get3A_243 = tpu.vector_load %arg7[%get3A_241, %get3A_242] {strides = array<i32>} : memref<272x128xf32, #tpu.memory_space<vmem>>, vector<1x16xf32>,
      %get3A_244 = vector.shape_cast %get3A_243 : vector<1x16xf32> to vector<16xf32>
      %get3A_245 = arith.index_cast %add3A_142 : i32 to index
      %get3A_246 = arith.constant 112 : index
      %get3A_247 = tpu.vector_load %arg5[%get3A_245, %get3A_246] {strides = array<i32>} : memref<320x128xf32, #tpu.memory_space<vmem>>, vector<1x16xf32>,
      %get3A_248 = vector.shape_cast %get3A_247 : vector<1x16xf32> to vector<16xf32>
      %max3A_249 = arith.maximumf %get3A_244, %get3A_248 : vector<16xf32>
      %swap3A_250 = arith.index_cast %squeeze3A_138 : i32 to index
      %swap3A_251 = arith.constant 112 : index
      %swap3A_252 = tpu.vector_load %arg7[%swap3A_250, %swap3A_251] {strides = array<i32>} : memref<272x128xf32, #tpu.memory_space<vmem>>, vector<1x16xf32>,
      %swap3A_253 = vector.shape_cast %swap3A_252 : vector<1x16xf32> to vector<16xf32>
      %swap3A_254 = vector.shape_cast %max3A_249 : vector<16xf32> to vector<1x16xf32>
      tpu.vector_store %arg7[%swap3A_250, %swap3A_251], %swap3A_254 {strides = array<i32>} : memref<272x128xf32, #tpu.memory_space<vmem>>, vector<1x16xf32>,
      %slice3A_255 = vector.extract_strided_slice %get3A_22 {offsets = [2], sizes = [1], strides = [1]} : vector<16xi32> to vector<1xi32>
      %squeeze3A_256 = vector.extract %slice3A_255[0] : i32 from vector<1xi32>
      %mul3A_257 = arith.constant 16 : i32
      %mul3A_258 = arith.muli %scan3A_17, %mul3A_257 : i32
      %add3A_259 = arith.constant 2 : i32
      %add3A_260 = arith.addi %mul3A_258, %add3A_259 : i32
      %get3A_261 = arith.index_cast %squeeze3A_256 : i32 to index
      %get3A_262 = arith.constant 0 : index
      %get3A_263 = tpu.vector_load %arg7[%get3A_261, %get3A_262] {strides = array<i32>} : memref<272x128xf32, #tpu.memory_space<vmem>>, vector<1x16xf32>,
      %get3A_264 = vector.shape_cast %get3A_263 : vector<1x16xf32> to vector<16xf32>
      %get3A_265 = arith.index_cast %add3A_260 : i32 to index
      %get3A_266 = arith.constant 0 : index
      %get3A_267 = tpu.vector_load %arg5[%get3A_265, %get3A_266] {strides = array<i32>} : memref<320x128xf32, #tpu.memory_space<vmem>>, vector<1x16xf32>,
      %get3A_268 = vector.shape_cast %get3A_267 : vector<1x16xf32> to vector<16xf32>
      %max3A_269 = arith.maximumf %get3A_264, %get3A_268 : vector<16xf32>
      %swap3A_270 = arith.index_cast %squeeze3A_256 : i32 to index
      %swap3A_271 = arith.constant 0 : index
      %swap3A_272 = tpu.vector_load %arg7[%swap3A_270, %swap3A_271] {strides = array<i32>} : memref<272x128xf32, #tpu.memory_space<vmem>>, vector<1x16xf32>,
      %swap3A_273 = vector.shape_cast %swap3A_272 : vector<1x16xf32> to vector<16xf32>
      %swap3A_274 = vector.shape_cast %max3A_269 : vector<16xf32> to vector<1x16xf32>
      tpu.vector_store %arg7[%swap3A_270, %swap3A_271], %swap3A_274 {strides = array<i32>} : memref<272x128xf32, #tpu.memory_space<vmem>>, vector<1x16xf32>,
      %get3A_275 = arith.index_cast %squeeze3A_256 : i32 to index
      %get3A_276 = arith.constant 16 : index
      %get3A_277 = tpu.vector_load %arg7[%get3A_275, %get3A_276] {strides = array<i32>} : memref<272x128xf32, #tpu.memory_space<vmem>>, vector<1x16xf32>,
      %get3A_278 = vector.shape_cast %get3A_277 : vector<1x16xf32> to vector<16xf32>
      %get3A_279 = arith.index_cast %add3A_260 : i32 to index
      %get3A_280 = arith.constant 16 : index
      %get3A_281 = tpu.vector_load %arg5[%get3A_279, %get3A_280] {strides = array<i32>} : memref<320x128xf32, #tpu.memory_space<vmem>>, vector<1x16xf32>,
      %get3A_282 = vector.shape_cast %get3A_281 : vector<1x16xf32> to vector<16xf32>
      %max3A_283 = arith.maximumf %get3A_278, %get3A_282 : vector<16xf32>
      %swap3A_284 = arith.index_cast %squeeze3A_256 : i32 to index
      %swap3A_285 = arith.constant 16 : index
      %swap3A_286 = tpu.vector_load %arg7[%swap3A_284, %swap3A_285] {strides = array<i32>} : memref<272x128xf32, #tpu.memory_space<vmem>>, vector<1x16xf32>,
      %swap3A_287 = vector.shape_cast %swap3A_286 : vector<1x16xf32> to vector<16xf32>
      %swap3A_288 = vector.shape_cast %max3A_283 : vector<16xf32> to vector<1x16xf32>
      tpu.vector_store %arg7[%swap3A_284, %swap3A_285], %swap3A_288 {strides = array<i32>} : memref<272x128xf32, #tpu.memory_space<vmem>>, vector<1x16xf32>,
      %get3A_289 = arith.index_cast %squeeze3A_256 : i32 to index
      %get3A_290 = arith.constant 32 : index
      %get3A_291 = tpu.vector_load %arg7[%get3A_289, %get3A_290] {strides = array<i32>} : memref<272x128xf32, #tpu.memory_space<vmem>>, vector<1x16xf32>,
      %get3A_292 = vector.shape_cast %get3A_291 : vector<1x16xf32> to vector<16xf32>
      %get3A_293 = arith.index_cast %add3A_260 : i32 to index
      %get3A_294 = arith.constant 32 : index
      %get3A_295 = tpu.vector_load %arg5[%get3A_293, %get3A_294] {strides = array<i32>} : memref<320x128xf32, #tpu.memory_space<vmem>>, vector<1x16xf32>,
      %get3A_296 = vector.shape_cast %get3A_295 : vector<1x16xf32> to vector<16xf32>
      %max3A_297 = arith.maximumf %get3A_292, %get3A_296 : vector<16xf32>
      %swap3A_298 = arith.index_cast %squeeze3A_256 : i32 to index
      %swap3A_299 = arith.constant 32 : index
      %swap3A_300 = tpu.vector_load %arg7[%swap3A_298, %swap3A_299] {strides = array<i32>} : memref<272x128xf32, #tpu.memory_space<vmem>>, vector<1x16xf32>,
      %swap3A_301 = vector.shape_cast %swap3A_300 : vector<1x16xf32> to vector<16xf32>
      %swap3A_302 = vector.shape_cast %max3A_297 : vector<16xf32> to vector<1x16xf32>
      tpu.vector_store %arg7[%swap3A_298, %swap3A_299], %swap3A_302 {strides = array<i32>} : memref<272x128xf32, #tpu.memory_space<vmem>>, vector<1x16xf32>,
      %get3A_303 = arith.index_cast %squeeze3A_256 : i32 to index
      %get3A_304 = arith.constant 48 : index
      %get3A_305 = tpu.vector_load %arg7[%get3A_303, %get3A_304] {strides = array<i32>} : memref<272x128xf32, #tpu.memory_space<vmem>>, vector<1x16xf32>,
      %get3A_306 = vector.shape_cast %get3A_305 : vector<1x16xf32> to vector<16xf32>
      %get3A_307 = arith.index_cast %add3A_260 : i32 to index
      %get3A_308 = arith.constant 48 : index
      %get3A_309 = tpu.vector_load %arg5[%get3A_307, %get3A_308] {strides = array<i32>} : memref<320x128xf32, #tpu.memory_space<vmem>>, vector<1x16xf32>,
      %get3A_310 = vector.shape_cast %get3A_309 : vector<1x16xf32> to vector<16xf32>
      %max3A_311 = arith.maximumf %get3A_306, %get3A_310 : vector<16xf32>
      %swap3A_312 = arith.index_cast %squeeze3A_256 : i32 to index
      %swap3A_313 = arith.constant 48 : index
      %swap3A_314 = tpu.vector_load %arg7[%swap3A_312, %swap3A_313] {strides = array<i32>} : memref<272x128xf32, #tpu.memory_space<vmem>>, vector<1x16xf32>,
      %swap3A_315 = vector.shape_cast %swap3A_314 : vector<1x16xf32> to vector<16xf32>
      %swap3A_316 = vector.shape_cast %max3A_311 : vector<16xf32> to vector<1x16xf32>
      tpu.vector_store %arg7[%swap3A_312, %swap3A_313], %swap3A_316 {strides = array<i32>} : memref<272x128xf32, #tpu.memory_space<vmem>>, vector<1x16xf32>,
      %get3A_317 = arith.index_cast %squeeze3A_256 : i32 to index
      %get3A_318 = arith.constant 64 : index
      %get3A_319 = tpu.vector_load %arg7[%get3A_317, %get3A_318] {strides = array<i32>} : memref<272x128xf32, #tpu.memory_space<vmem>>, vector<1x16xf32>,
      %get3A_320 = vector.shape_cast %get3A_319 : vector<1x16xf32> to vector<16xf32>
      %get3A_321 = arith.index_cast %add3A_260 : i32 to index
      %get3A_322 = arith.constant 64 : index
      %get3A_323 = tpu.vector_load %arg5[%get3A_321, %get3A_322] {strides = array<i32>} : memref<320x128xf32, #tpu.memory_space<vmem>>, vector<1x16xf32>,
      %get3A_324 = vector.shape_cast %get3A_323 : vector<1x16xf32> to vector<16xf32>
      %max3A_325 = arith.maximumf %get3A_320, %get3A_324 : vector<16xf32>
      %swap3A_326 = arith.index_cast %squeeze3A_256 : i32 to index
      %swap3A_327 = arith.constant 64 : index
      %swap3A_328 = tpu.vector_load %arg7[%swap3A_326, %swap3A_327] {strides = array<i32>} : memref<272x128xf32, #tpu.memory_space<vmem>>, vector<1x16xf32>,
      %swap3A_329 = vector.shape_cast %swap3A_328 : vector<1x16xf32> to vector<16xf32>
      %swap3A_330 = vector.shape_cast %max3A_325 : vector<16xf32> to vector<1x16xf32>
      tpu.vector_store %arg7[%swap3A_326, %swap3A_327], %swap3A_330 {strides = array<i32>} : memref<272x128xf32, #tpu.memory_space<vmem>>, vector<1x16xf32>,
      %get3A_331 = arith.index_cast %squeeze3A_256 : i32 to index
      %get3A_332 = arith.constant 80 : index
      %get3A_333 = tpu.vector_load %arg7[%get3A_331, %get3A_332] {strides = array<i32>} : memref<272x128xf32, #tpu.memory_space<vmem>>, vector<1x16xf32>,
      %get3A_334 = vector.shape_cast %get3A_333 : vector<1x16xf32> to vector<16xf32>
      %get3A_335 = arith.index_cast %add3A_260 : i32 to index
      %get3A_336 = arith.constant 80 : index
      %get3A_337 = tpu.vector_load %arg5[%get3A_335, %get3A_336] {strides = array<i32>} : memref<320x128xf32, #tpu.memory_space<vmem>>, vector<1x16xf32>,
      %get3A_338 = vector.shape_cast %get3A_337 : vector<1x16xf32> to vector<16xf32>
      %max3A_339 = arith.maximumf %get3A_334, %get3A_338 : vector<16xf32>
      %swap3A_340 = arith.index_cast %squeeze3A_256 : i32 to index
      %swap3A_341 = arith.constant 80 : index
      %swap3A_342 = tpu.vector_load %arg7[%swap3A_340, %swap3A_341] {strides = array<i32>} : memref<272x128xf32, #tpu.memory_space<vmem>>, vector<1x16xf32>,
      %swap3A_343 = vector.shape_cast %swap3A_342 : vector<1x16xf32> to vector<16xf32>
      %swap3A_344 = vector.shape_cast %max3A_339 : vector<16xf32> to vector<1x16xf32>
      tpu.vector_store %arg7[%swap3A_340, %swap3A_341], %swap3A_344 {strides = array<i32>} : memref<272x128xf32, #tpu.memory_space<vmem>>, vector<1x16xf32>,
      %get3A_345 = arith.index_cast %squeeze3A_256 : i32 to index
      %get3A_346 = arith.constant 96 : index
      %get3A_347 = tpu.vector_load %arg7[%get3A_345, %get3A_346] {strides = array<i32>} : memref<272x128xf32, #tpu.memory_space<vmem>>, vector<1x16xf32>,
      %get3A_348 = vector.shape_cast %get3A_347 : vector<1x16xf32> to vector<16xf32>
      %get3A_349 = arith.index_cast %add3A_260 : i32 to index
      %get3A_350 = arith.constant 96 : index
      %get3A_351 = tpu.vector_load %arg5[%get3A_349, %get3A_350] {strides = array<i32>} : memref<320x128xf32, #tpu.memory_space<vmem>>, vector<1x16xf32>,
      %get3A_352 = vector.shape_cast %get3A_351 : vector<1x16xf32> to vector<16xf32>
      %max3A_353 = arith.maximumf %get3A_348, %get3A_352 : vector<16xf32>
      %swap3A_354 = arith.index_cast %squeeze3A_256 : i32 to index
      %swap3A_355 = arith.constant 96 : index
      %swap3A_356 = tpu.vector_load %arg7[%swap3A_354, %swap3A_355] {strides = array<i32>} : memref<272x128xf32, #tpu.memory_space<vmem>>, vector<1x16xf32>,
      %swap3A_357 = vector.shape_cast %swap3A_356 : vector<1x16xf32> to vector<16xf32>
      %swap3A_358 = vector.shape_cast %max3A_353 : vector<16xf32> to vector<1x16xf32>
      tpu.vector_store %arg7[%swap3A_354, %swap3A_355], %swap3A_358 {strides = array<i32>} : memref<272x128xf32, #tpu.memory_space<vmem>>, vector<1x16xf32>,
      %get3A_359 = arith.index_cast %squeeze3A_256 : i32 to index
      %get3A_360 = arith.constant 112 : index
      %get3A_361 = tpu.vector_load %arg7[%get3A_359, %get3A_360] {strides = array<i32>} : memref<272x128xf32, #tpu.memory_space<vmem>>, vector<1x16xf32>,
      %get3A_362 = vector.shape_cast %get3A_361 : vector<1x16xf32> to vector<16xf32>
      %get3A_363 = arith.index_cast %add3A_260 : i32 to index
      %get3A_364 = arith.constant 112 : index
      %get3A_365 = tpu.vector_load %arg5[%get3A_363, %get3A_364] {strides = array<i32>} : memref<320x128xf32, #tpu.memory_space<vmem>>, vector<1x16xf32>,
      %get3A_366 = vector.shape_cast %get3A_365 : vector<1x16xf32> to vector<16xf32>
      %max3A_367 = arith.maximumf %get3A_362, %get3A_366 : vector<16xf32>
      %swap3A_368 = arith.index_cast %squeeze3A_256 : i32 to index
      %swap3A_369 = arith.constant 112 : index
      %swap3A_370 = tpu.vector_load %arg7[%swap3A_368, %swap3A_369] {strides = array<i32>} : memref<272x128xf32, #tpu.memory_space<vmem>>, vector<1x16xf32>,
      %swap3A_371 = vector.shape_cast %swap3A_370 : vector<1x16xf32> to vector<16xf32>
      %swap3A_372 = vector.shape_cast %max3A_367 : vector<16xf32> to vector<1x16xf32>
      tpu.vector_store %arg7[%swap3A_368, %swap3A_369], %swap3A_372 {strides = array<i32>} : memref<272x128xf32, #tpu.memory_space<vmem>>, vector<1x16xf32>,
      %slice3A_373 = vector.extract_strided_slice %get3A_22 {offsets = [3], sizes = [1], strides = [1]} : vector<16xi32> to vector<1xi32>
      %squeeze3A_374 = vector.extract %slice3A_373[0] : i32 from vector<1xi32>
      %mul3A_375 = arith.constant 16 : i32
      %mul3A_376 = arith.muli %scan3A_17, %mul3A_375 : i32
      %add3A_377 = arith.constant 3 : i32
      %add3A_378 = arith.addi %mul3A_376, %add3A_377 : i32
      %get3A_379 = arith.index_cast %squeeze3A_374 : i32 to index
      %get3A_380 = arith.constant 0 : index
      %get3A_381 = tpu.vector_load %arg7[%get3A_379, %get3A_380] {strides = array<i32>} : memref<272x128xf32, #tpu.memory_space<vmem>>, vector<1x16xf32>,
      %get3A_382 = vector.shape_cast %get3A_381 : vector<1x16xf32> to vector<16xf32>
      %get3A_383 = arith.index_cast %add3A_378 : i32 to index
      %get3A_384 = arith.constant 0 : index
      %get3A_385 = tpu.vector_load %arg5[%get3A_383, %get3A_384] {strides = array<i32>} : memref<320x128xf32, #tpu.memory_space<vmem>>, vector<1x16xf32>,
      %get3A_386 = vector.shape_cast %get3A_385 : vector<1x16xf32> to vector<16xf32>
      %max3A_387 = arith.maximumf %get3A_382, %get3A_386 : vector<16xf32>
      %swap3A_388 = arith.index_cast %squeeze3A_374 : i32 to index
      %swap3A_389 = arith.constant 0 : index
      %swap3A_390 = tpu.vector_load %arg7[%swap3A_388, %swap3A_389] {strides = array<i32>} : memref<272x128xf32, #tpu.memory_space<vmem>>, vector<1x16xf32>,
      %swap3A_391 = vector.shape_cast %swap3A_390 : vector<1x16xf32> to vector<16xf32>
      %swap3A_392 = vector.shape_cast %max3A_387 : vector<16xf32> to vector<1x16xf32>
      tpu.vector_store %arg7[%swap3A_388, %swap3A_389], %swap3A_392 {strides = array<i32>} : memref<272x128xf32, #tpu.memory_space<vmem>>, vector<1x16xf32>,
      %get3A_393 = arith.index_cast %squeeze3A_374 : i32 to index
      %get3A_394 = arith.constant 16 : index
      %get3A_395 = tpu.vector_load %arg7[%get3A_393, %get3A_394] {strides = array<i32>} : memref<272x128xf32, #tpu.memory_space<vmem>>, vector<1x16xf32>,
      %get3A_396 = vector.shape_cast %get3A_395 : vector<1x16xf32> to vector<16xf32>
      %get3A_397 = arith.index_cast %add3A_378 : i32 to index
      %get3A_398 = arith.constant 16 : index
      %get3A_399 = tpu.vector_load %arg5[%get3A_397, %get3A_398] {strides = array<i32>} : memref<320x128xf32, #tpu.memory_space<vmem>>, vector<1x16xf32>,
      %get3A_400 = vector.shape_cast %get3A_399 : vector<1x16xf32> to vector<16xf32>
      %max3A_401 = arith.maximumf %get3A_396, %get3A_400 : vector<16xf32>
      %swap3A_402 = arith.index_cast %squeeze3A_374 : i32 to index
      %swap3A_403 = arith.constant 16 : index
      %swap3A_404 = tpu.vector_load %arg7[%swap3A_402, %swap3A_403] {strides = array<i32>} : memref<272x128xf32, #tpu.memory_space<vmem>>, vector<1x16xf32>,
      %swap3A_405 = vector.shape_cast %swap3A_404 : vector<1x16xf32> to vector<16xf32>
      %swap3A_406 = vector.shape_cast %max3A_401 : vector<16xf32> to vector<1x16xf32>
      tpu.vector_store %arg7[%swap3A_402, %swap3A_403], %swap3A_406 {strides = array<i32>} : memref<272x128xf32, #tpu.memory_space<vmem>>, vector<1x16xf32>,
      %get3A_407 = arith.index_cast %squeeze3A_374 : i32 to index
      %get3A_408 = arith.constant 32 : index
      %get3A_409 = tpu.vector_load %arg7[%get3A_407, %get3A_408] {strides = array<i32>} : memref<272x128xf32, #tpu.memory_space<vmem>>, vector<1x16xf32>,
      %get3A_410 = vector.shape_cast %get3A_409 : vector<1x16xf32> to vector<16xf32>
      %get3A_411 = arith.index_cast %add3A_378 : i32 to index
      %get3A_412 = arith.constant 32 : index
      %get3A_413 = tpu.vector_load %arg5[%get3A_411, %get3A_412] {strides = array<i32>} : memref<320x128xf32, #tpu.memory_space<vmem>>, vector<1x16xf32>,
      %get3A_414 = vector.shape_cast %get3A_413 : vector<1x16xf32> to vector<16xf32>
      %max3A_415 = arith.maximumf %get3A_410, %get3A_414 : vector<16xf32>
      %swap3A_416 = arith.index_cast %squeeze3A_374 : i32 to index
      %swap3A_417 = arith.constant 32 : index
      %swap3A_418 = tpu.vector_load %arg7[%swap3A_416, %swap3A_417] {strides = array<i32>} : memref<272x128xf32, #tpu.memory_space<vmem>>, vector<1x16xf32>,
      %swap3A_419 = vector.shape_cast %swap3A_418 : vector<1x16xf32> to vector<16xf32>
      %swap3A_420 = vector.shape_cast %max3A_415 : vector<16xf32> to vector<1x16xf32>
      tpu.vector_store %arg7[%swap3A_416, %swap3A_417], %swap3A_420 {strides = array<i32>} : memref<272x128xf32, #tpu.memory_space<vmem>>, vector<1x16xf32>,
      %get3A_421 = arith.index_cast %squeeze3A_374 : i32 to index
      %get3A_422 = arith.constant 48 : index
      %get3A_423 = tpu.vector_load %arg7[%get3A_421, %get3A_422] {strides = array<i32>} : memref<272x128xf32, #tpu.memory_space<vmem>>, vector<1x16xf32>,
      %get3A_424 = vector.shape_cast %get3A_423 : vector<1x16xf32> to vector<16xf32>
      %get3A_425 = arith.index_cast %add3A_378 : i32 to index
      %get3A_426 = arith.constant 48 : index
      %get3A_427 = tpu.vector_load %arg5[%get3A_425, %get3A_426] {strides = array<i32>} : memref<320x128xf32, #tpu.memory_space<vmem>>, vector<1x16xf32>,
      %get3A_428 = vector.shape_cast %get3A_427 : vector<1x16xf32> to vector<16xf32>
      %max3A_429 = arith.maximumf %get3A_424, %get3A_428 : vector<16xf32>
      %swap3A_430 = arith.index_cast %squeeze3A_374 : i32 to index
      %swap3A_431 = arith.constant 48 : index
      %swap3A_432 = tpu.vector_load %arg7[%swap3A_430, %swap3A_431] {strides = array<i32>} : memref<272x128xf32, #tpu.memory_space<vmem>>, vector<1x16xf32>,
      %swap3A_433 = vector.shape_cast %swap3A_432 : vector<1x16xf32> to vector<16xf32>
      %swap3A_434 = vector.shape_cast %max3A_429 : vector<16xf32> to vector<1x16xf32>
      tpu.vector_store %arg7[%swap3A_430, %swap3A_431], %swap3A_434 {strides = array<i32>} : memref<272x128xf32, #tpu.memory_space<vmem>>, vector<1x16xf32>,
      %get3A_435 = arith.index_cast %squeeze3A_374 : i32 to index
      %get3A_436 = arith.constant 64 : index
      %get3A_437 = tpu.vector_load %arg7[%get3A_435, %get3A_436] {strides = array<i32>} : memref<272x128xf32, #tpu.memory_space<vmem>>, vector<1x16xf32>,
      %get3A_438 = vector.shape_cast %get3A_437 : vector<1x16xf32> to vector<16xf32>
      %get3A_439 = arith.index_cast %add3A_378 : i32 to index
      %get3A_440 = arith.constant 64 : index
      %get3A_441 = tpu.vector_load %arg5[%get3A_439, %get3A_440] {strides = array<i32>} : memref<320x128xf32, #tpu.memory_space<vmem>>, vector<1x16xf32>,
      %get3A_442 = vector.shape_cast %get3A_441 : vector<1x16xf32> to vector<16xf32>
      %max3A_443 = arith.maximumf %get3A_438, %get3A_442 : vector<16xf32>
      %swap3A_444 = arith.index_cast %squeeze3A_374 : i32 to index
      %swap3A_445 = arith.constant 64 : index
      %swap3A_446 = tpu.vector_load %arg7[%swap3A_444, %swap3A_445] {strides = array<i32>} : memref<272x128xf32, #tpu.memory_space<vmem>>, vector<1x16xf32>,
      %swap3A_447 = vector.shape_cast %swap3A_446 : vector<1x16xf32> to vector<16xf32>
      %swap3A_448 = vector.shape_cast %max3A_443 : vector<16xf32> to vector<1x16xf32>
      tpu.vector_store %arg7[%swap3A_444, %swap3A_445], %swap3A_448 {strides = array<i32>} : memref<272x128xf32, #tpu.memory_space<vmem>>, vector<1x16xf32>,
      %get3A_449 = arith.index_cast %squeeze3A_374 : i32 to index
      %get3A_450 = arith.constant 80 : index
      %get3A_451 = tpu.vector_load %arg7[%get3A_449, %get3A_450] {strides = array<i32>} : memref<272x128xf32, #tpu.memory_space<vmem>>, vector<1x16xf32>,
      %get3A_452 = vector.shape_cast %get3A_451 : vector<1x16xf32> to vector<16xf32>
      %get3A_453 = arith.index_cast %add3A_378 : i32 to index
      %get3A_454 = arith.constant 80 : index
      %get3A_455 = tpu.vector_load %arg5[%get3A_453, %get3A_454] {strides = array<i32>} : memref<320x128xf32, #tpu.memory_space<vmem>>, vector<1x16xf32>,
      %get3A_456 = vector.shape_cast %get3A_455 : vector<1x16xf32> to vector<16xf32>
      %max3A_457 = arith.maximumf %get3A_452, %get3A_456 : vector<16xf32>
      %swap3A_458 = arith.index_cast %squeeze3A_374 : i32 to index
      %swap3A_459 = arith.constant 80 : index
      %swap3A_460 = tpu.vector_load %arg7[%swap3A_458, %swap3A_459] {strides = array<i32>} : memref<272x128xf32, #tpu.memory_space<vmem>>, vector<1x16xf32>,
      %swap3A_461 = vector.shape_cast %swap3A_460 : vector<1x16xf32> to vector<16xf32>
      %swap3A_462 = vector.shape_cast %max3A_457 : vector<16xf32> to vector<1x16xf32>
      tpu.vector_store %arg7[%swap3A_458, %swap3A_459], %swap3A_462 {strides = array<i32>} : memref<272x128xf32, #tpu.memory_space<vmem>>, vector<1x16xf32>,
      %get3A_463 = arith.index_cast %squeeze3A_374 : i32 to index
      %get3A_464 = arith.constant 96 : index
      %get3A_465 = tpu.vector_load %arg7[%get3A_463, %get3A_464] {strides = array<i32>} : memref<272x128xf32, #tpu.memory_space<vmem>>, vector<1x16xf32>,
      %get3A_466 = vector.shape_cast %get3A_465 : vector<1x16xf32> to vector<16xf32>
      %get3A_467 = arith.index_cast %add3A_378 : i32 to index
      %get3A_468 = arith.constant 96 : index
      %get3A_469 = tpu.vector_load %arg5[%get3A_467, %get3A_468] {strides = array<i32>} : memref<320x128xf32, #tpu.memory_space<vmem>>, vector<1x16xf32>,
      %get3A_470 = vector.shape_cast %get3A_469 : vector<1x16xf32> to vector<16xf32>
      %max3A_471 = arith.maximumf %get3A_466, %get3A_470 : vector<16xf32>
      %swap3A_472 = arith.index_cast %squeeze3A_374 : i32 to index
      %swap3A_473 = arith.constant 96 : index
      %swap3A_474 = tpu.vector_load %arg7[%swap3A_472, %swap3A_473] {strides = array<i32>} : memref<272x128xf32, #tpu.memory_space<vmem>>, vector<1x16xf32>,
      %swap3A_475 = vector.shape_cast %swap3A_474 : vector<1x16xf32> to vector<16xf32>
      %swap3A_476 = vector.shape_cast %max3A_471 : vector<16xf32> to vector<1x16xf32>
      tpu.vector_store %arg7[%swap3A_472, %swap3A_473], %swap3A_476 {strides = array<i32>} : memref<272x128xf32, #tpu.memory_space<vmem>>, vector<1x16xf32>,
      %get3A_477 = arith.index_cast %squeeze3A_374 : i32 to index
      %get3A_478 = arith.constant 112 : index
      %get3A_479 = tpu.vector_load %arg7[%get3A_477, %get3A_478] {strides = array<i32>} : memref<272x128xf32, #tpu.memory_space<vmem>>, vector<1x16xf32>,
      %get3A_480 = vector.shape_cast %get3A_479 : vector<1x16xf32> to vector<16xf32>
      %get3A_481 = arith.index_cast %add3A_378 : i32 to index
      %get3A_482 = arith.constant 112 : index
      %get3A_483 = tpu.vector_load %arg5[%get3A_481, %get3A_482] {strides = array<i32>} : memref<320x128xf32, #tpu.memory_space<vmem>>, vector<1x16xf32>,
      %get3A_484 = vector.shape_cast %get3A_483 : vector<1x16xf32> to vector<16xf32>
      %max3A_485 = arith.maximumf %get3A_480, %get3A_484 : vector<16xf32>
      %swap3A_486 = arith.index_cast %squeeze3A_374 : i32 to index
      %swap3A_487 = arith.constant 112 : index
      %swap3A_488 = tpu.vector_load %arg7[%swap3A_486, %swap3A_487] {strides = array<i32>} : memref<272x128xf32, #tpu.memory_space<vmem>>, vector<1x16xf32>,
      %swap3A_489 = vector.shape_cast %swap3A_488 : vector<1x16xf32> to vector<16xf32>
      %swap3A_490 = vector.shape_cast %max3A_485 : vector<16xf32> to vector<1x16xf32>
      tpu.vector_store %arg7[%swap3A_486, %swap3A_487], %swap3A_490 {strides = array<i32>} : memref<272x128xf32, #tpu.memory_space<vmem>>, vector<1x16xf32>,
      %slice3A_491 = vector.extract_strided_slice %get3A_22 {offsets = [4], sizes = [1], strides = [1]} : vector<16xi32> to vector<1xi32>
      %squeeze3A_492 = vector.extract %slice3A_491[0] : i32 from vector<1xi32>
      %mul3A_493 = arith.constant 16 : i32
      %mul3A_494 = arith.muli %scan3A_17, %mul3A_493 : i32
      %add3A_495 = arith.constant 4 : i32
      %add3A_496 = arith.addi %mul3A_494, %add3A_495 : i32
      %get3A_497 = arith.index_cast %squeeze3A_492 : i32 to index
      %get3A_498 = arith.constant 0 : index
      %get3A_499 = tpu.vector_load %arg7[%get3A_497, %get3A_498] {strides = array<i32>} : memref<272x128xf32, #tpu.memory_space<vmem>>, vector<1x16xf32>,
      %get3A_500 = vector.shape_cast %get3A_499 : vector<1x16xf32> to vector<16xf32>
      %get3A_501 = arith.index_cast %add3A_496 : i32 to index
      %get3A_502 = arith.constant 0 : index
      %get3A_503 = tpu.vector_load %arg5[%get3A_501, %get3A_502] {strides = array<i32>} : memref<320x128xf32, #tpu.memory_space<vmem>>, vector<1x16xf32>,
      %get3A_504 = vector.shape_cast %get3A_503 : vector<1x16xf32> to vector<16xf32>
      %max3A_505 = arith.maximumf %get3A_500, %get3A_504 : vector<16xf32>
      %swap3A_506 = arith.index_cast %squeeze3A_492 : i32 to index
      %swap3A_507 = arith.constant 0 : index
      %swap3A_508 = tpu.vector_load %arg7[%swap3A_506, %swap3A_507] {strides = array<i32>} : memref<272x128xf32, #tpu.memory_space<vmem>>, vector<1x16xf32>,
      %swap3A_509 = vector.shape_cast %swap3A_508 : vector<1x16xf32> to vector<16xf32>
      %swap3A_510 = vector.shape_cast %max3A_505 : vector<16xf32> to vector<1x16xf32>
      tpu.vector_store %arg7[%swap3A_506, %swap3A_507], %swap3A_510 {strides = array<i32>} : memref<272x128xf32, #tpu.memory_space<vmem>>, vector<1x16xf32>,
      %get3A_511 = arith.index_cast %squeeze3A_492 : i32 to index
      %get3A_512 = arith.constant 16 : index
      %get3A_513 = tpu.vector_load %arg7[%get3A_511, %get3A_512] {strides = array<i32>} : memref<272x128xf32, #tpu.memory_space<vmem>>, vector<1x16xf32>,
      %get3A_514 = vector.shape_cast %get3A_513 : vector<1x16xf32> to vector<16xf32>
      %get3A_515 = arith.index_cast %add3A_496 : i32 to index
      %get3A_516 = arith.constant 16 : index
      %get3A_517 = tpu.vector_load %arg5[%get3A_515, %get3A_516] {strides = array<i32>} : memref<320x128xf32, #tpu.memory_space<vmem>>, vector<1x16xf32>,
      %get3A_518 = vector.shape_cast %get3A_517 : vector<1x16xf32> to vector<16xf32>
      %max3A_519 = arith.maximumf %get3A_514, %get3A_518 : vector<16xf32>
      %swap3A_520 = arith.index_cast %squeeze3A_492 : i32 to index
      %swap3A_521 = arith.constant 16 : index
      %swap3A_522 = tpu.vector_load %arg7[%swap3A_520, %swap3A_521] {strides = array<i32>} : memref<272x128xf32, #tpu.memory_space<vmem>>, vector<1x16xf32>,
      %swap3A_523 = vector.shape_cast %swap3A_522 : vector<1x16xf32> to vector<16xf32>
      %swap3A_524 = vector.shape_cast %max3A_519 : vector<16xf32> to vector<1x16xf32>
      tpu.vector_store %arg7[%swap3A_520, %swap3A_521], %swap3A_524 {strides = array<i32>} : memref<272x128xf32, #tpu.memory_space<vmem>>, vector<1x16xf32>,
      %get3A_525 = arith.index_cast %squeeze3A_492 : i32 to index
      %get3A_526 = arith.constant 32 : index
      %get3A_527 = tpu.vector_load %arg7[%get3A_525, %get3A_526] {strides = array<i32>} : memref<272x128xf32, #tpu.memory_space<vmem>>, vector<1x16xf32>,
      %get3A_528 = vector.shape_cast %get3A_527 : vector<1x16xf32> to vector<16xf32>
      %get3A_529 = arith.index_cast %add3A_496 : i32 to index
      %get3A_530 = arith.constant 32 : index
      %get3A_531 = tpu.vector_load %arg5[%get3A_529, %get3A_530] {strides = array<i32>} : memref<320x128xf32, #tpu.memory_space<vmem>>, vector<1x16xf32>,
      %get3A_532 = vector.shape_cast %get3A_531 : vector<1x16xf32> to vector<16xf32>
      %max3A_533 = arith.maximumf %get3A_528, %get3A_532 : vector<16xf32>
      %swap3A_534 = arith.index_cast %squeeze3A_492 : i32 to index
      %swap3A_535 = arith.constant 32 : index
      %swap3A_536 = tpu.vector_load %arg7[%swap3A_534, %swap3A_535] {strides = array<i32>} : memref<272x128xf32, #tpu.memory_space<vmem>>, vector<1x16xf32>,
      %swap3A_537 = vector.shape_cast %swap3A_536 : vector<1x16xf32> to vector<16xf32>
      %swap3A_538 = vector.shape_cast %max3A_533 : vector<16xf32> to vector<1x16xf32>
      tpu.vector_store %arg7[%swap3A_534, %swap3A_535], %swap3A_538 {strides = array<i32>} : memref<272x128xf32, #tpu.memory_space<vmem>>, vector<1x16xf32>,
      %get3A_539 = arith.index_cast %squeeze3A_492 : i32 to index
      %get3A_540 = arith.constant 48 : index
      %get3A_541 = tpu.vector_load %arg7[%get3A_539, %get3A_540] {strides = array<i32>} : memref<272x128xf32, #tpu.memory_space<vmem>>, vector<1x16xf32>,
      %get3A_542 = vector.shape_cast %get3A_541 : vector<1x16xf32> to vector<16xf32>
      %get3A_543 = arith.index_cast %add3A_496 : i32 to index
      %get3A_544 = arith.constant 48 : index
      %get3A_545 = tpu.vector_load %arg5[%get3A_543, %get3A_544] {strides = array<i32>} : memref<320x128xf32, #tpu.memory_space<vmem>>, vector<1x16xf32>,
      %get3A_546 = vector.shape_cast %get3A_545 : vector<1x16xf32> to vector<16xf32>
      %max3A_547 = arith.maximumf %get3A_542, %get3A_546 : vector<16xf32>
      %swap3A_548 = arith.index_cast %squeeze3A_492 : i32 to index
      %swap3A_549 = arith.constant 48 : index
      %swap3A_550 = tpu.vector_load %arg7[%swap3A_548, %swap3A_549] {strides = array<i32>} : memref<272x128xf32, #tpu.memory_space<vmem>>, vector<1x16xf32>,
      %swap3A_551 = vector.shape_cast %swap3A_550 : vector<1x16xf32> to vector<16xf32>
      %swap3A_552 = vector.shape_cast %max3A_547 : vector<16xf32> to vector<1x16xf32>
      tpu.vector_store %arg7[%swap3A_548, %swap3A_549], %swap3A_552 {strides = array<i32>} : memref<272x128xf32, #tpu.memory_space<vmem>>, vector<1x16xf32>,
      %get3A_553 = arith.index_cast %squeeze3A_492 : i32 to index
      %get3A_554 = arith.constant 64 : index
      %get3A_555 = tpu.vector_load %arg7[%get3A_553, %get3A_554] {strides = array<i32>} : memref<272x128xf32, #tpu.memory_space<vmem>>, vector<1x16xf32>,
      %get3A_556 = vector.shape_cast %get3A_555 : vector<1x16xf32> to vector<16xf32>
      %get3A_557 = arith.index_cast %add3A_496 : i32 to index
      %get3A_558 = arith.constant 64 : index
      %get3A_559 = tpu.vector_load %arg5[%get3A_557, %get3A_558] {strides = array<i32>} : memref<320x128xf32, #tpu.memory_space<vmem>>, vector<1x16xf32>,
      %get3A_560 = vector.shape_cast %get3A_559 : vector<1x16xf32> to vector<16xf32>
      %max3A_561 = arith.maximumf %get3A_556, %get3A_560 : vector<16xf32>
      %swap3A_562 = arith.index_cast %squeeze3A_492 : i32 to index
      %swap3A_563 = arith.constant 64 : index
      %swap3A_564 = tpu.vector_load %arg7[%swap3A_562, %swap3A_563] {strides = array<i32>} : memref<272x128xf32, #tpu.memory_space<vmem>>, vector<1x16xf32>,
      %swap3A_565 = vector.shape_cast %swap3A_564 : vector<1x16xf32> to vector<16xf32>
      %swap3A_566 = vector.shape_cast %max3A_561 : vector<16xf32> to vector<1x16xf32>
      tpu.vector_store %arg7[%swap3A_562, %swap3A_563], %swap3A_566 {strides = array<i32>} : memref<272x128xf32, #tpu.memory_space<vmem>>, vector<1x16xf32>,
      %get3A_567 = arith.index_cast %squeeze3A_492 : i32 to index
      %get3A_568 = arith.constant 80 : index
      %get3A_569 = tpu.vector_load %arg7[%get3A_567, %get3A_568] {strides = array<i32>} : memref<272x128xf32, #tpu.memory_space<vmem>>, vector<1x16xf32>,
      %get3A_570 = vector.shape_cast %get3A_569 : vector<1x16xf32> to vector<16xf32>
      %get3A_571 = arith.index_cast %add3A_496 : i32 to index
      %get3A_572 = arith.constant 80 : index
      %get3A_573 = tpu.vector_load %arg5[%get3A_571, %get3A_572] {strides = array<i32>} : memref<320x128xf32, #tpu.memory_space<vmem>>, vector<1x16xf32>,
      %get3A_574 = vector.shape_cast %get3A_573 : vector<1x16xf32> to vector<16xf32>
      %max3A_575 = arith.maximumf %get3A_570, %get3A_574 : vector<16xf32>
      %swap3A_576 = arith.index_cast %squeeze3A_492 : i32 to index
      %swap3A_577 = arith.constant 80 : index
      %swap3A_578 = tpu.vector_load %arg7[%swap3A_576, %swap3A_577] {strides = array<i32>} : memref<272x128xf32, #tpu.memory_space<vmem>>, vector<1x16xf32>,
      %swap3A_579 = vector.shape_cast %swap3A_578 : vector<1x16xf32> to vector<16xf32>
      %swap3A_580 = vector.shape_cast %max3A_575 : vector<16xf32> to vector<1x16xf32>
      tpu.vector_store %arg7[%swap3A_576, %swap3A_577], %swap3A_580 {strides = array<i32>} : memref<272x128xf32, #tpu.memory_space<vmem>>, vector<1x16xf32>,
      %get3A_581 = arith.index_cast %squeeze3A_492 : i32 to index
      %get3A_582 = arith.constant 96 : index
      %get3A_583 = tpu.vector_load %arg7[%get3A_581, %get3A_582] {strides = array<i32>} : memref<272x128xf32, #tpu.memory_space<vmem>>, vector<1x16xf32>,
      %get3A_584 = vector.shape_cast %get3A_583 : vector<1x16xf32> to vector<16xf32>
      %get3A_585 = arith.index_cast %add3A_496 : i32 to index
      %get3A_586 = arith.constant 96 : index
      %get3A_587 = tpu.vector_load %arg5[%get3A_585, %get3A_586] {strides = array<i32>} : memref<320x128xf32, #tpu.memory_space<vmem>>, vector<1x16xf32>,
      %get3A_588 = vector.shape_cast %get3A_587 : vector<1x16xf32> to vector<16xf32>
      %max3A_589 = arith.maximumf %get3A_584, %get3A_588 : vector<16xf32>
      %swap3A_590 = arith.index_cast %squeeze3A_492 : i32 to index
      %swap3A_591 = arith.constant 96 : index
      %swap3A_592 = tpu.vector_load %arg7[%swap3A_590, %swap3A_591] {strides = array<i32>} : memref<272x128xf32, #tpu.memory_space<vmem>>, vector<1x16xf32>,
      %swap3A_593 = vector.shape_cast %swap3A_592 : vector<1x16xf32> to vector<16xf32>
      %swap3A_594 = vector.shape_cast %max3A_589 : vector<16xf32> to vector<1x16xf32>
      tpu.vector_store %arg7[%swap3A_590, %swap3A_591], %swap3A_594 {strides = array<i32>} : memref<272x128xf32, #tpu.memory_space<vmem>>, vector<1x16xf32>,
      %get3A_595 = arith.index_cast %squeeze3A_492 : i32 to index
      %get3A_596 = arith.constant 112 : index
      %get3A_597 = tpu.vector_load %arg7[%get3A_595, %get3A_596] {strides = array<i32>} : memref<272x128xf32, #tpu.memory_space<vmem>>, vector<1x16xf32>,
      %get3A_598 = vector.shape_cast %get3A_597 : vector<1x16xf32> to vector<16xf32>
      %get3A_599 = arith.index_cast %add3A_496 : i32 to index
      %get3A_600 = arith.constant 112 : index
      %get3A_601 = tpu.vector_load %arg5[%get3A_599, %get3A_600] {strides = array<i32>} : memref<320x128xf32, #tpu.memory_space<vmem>>, vector<1x16xf32>,
      %get3A_602 = vector.shape_cast %get3A_601 : vector<1x16xf32> to vector<16xf32>
      %max3A_603 = arith.maximumf %get3A_598, %get3A_602 : vector<16xf32>
      %swap3A_604 = arith.index_cast %squeeze3A_492 : i32 to index
      %swap3A_605 = arith.constant 112 : index
      %swap3A_606 = tpu.vector_load %arg7[%swap3A_604, %swap3A_605] {strides = array<i32>} : memref<272x128xf32, #tpu.memory_space<vmem>>, vector<1x16xf32>,
      %swap3A_607 = vector.shape_cast %swap3A_606 : vector<1x16xf32> to vector<16xf32>
      %swap3A_608 = vector.shape_cast %max3A_603 : vector<16xf32> to vector<1x16xf32>
      tpu.vector_store %arg7[%swap3A_604, %swap3A_605], %swap3A_608 {strides = array<i32>} : memref<272x128xf32, #tpu.memory_space<vmem>>, vector<1x16xf32>,
      %slice3A_609 = vector.extract_strided_slice %get3A_22 {offsets = [5], sizes = [1], strides = [1]} : vector<16xi32> to vector<1xi32>
      %squeeze3A_610 = vector.extract %slice3A_609[0] : i32 from vector<1xi32>
      %mul3A_611 = arith.constant 16 : i32
      %mul3A_612 = arith.muli %scan3A_17, %mul3A_611 : i32
      %add3A_613 = arith.constant 5 : i32
      %add3A_614 = arith.addi %mul3A_612, %add3A_613 : i32
      %get3A_615 = arith.index_cast %squeeze3A_610 : i32 to index
      %get3A_616 = arith.constant 0 : index
      %get3A_617 = tpu.vector_load %arg7[%get3A_615, %get3A_616] {strides = array<i32>} : memref<272x128xf32, #tpu.memory_space<vmem>>, vector<1x16xf32>,
      %get3A_618 = vector.shape_cast %get3A_617 : vector<1x16xf32> to vector<16xf32>
      %get3A_619 = arith.index_cast %add3A_614 : i32 to index
      %get3A_620 = arith.constant 0 : index
      %get3A_621 = tpu.vector_load %arg5[%get3A_619, %get3A_620] {strides = array<i32>} : memref<320x128xf32, #tpu.memory_space<vmem>>, vector<1x16xf32>,
      %get3A_622 = vector.shape_cast %get3A_621 : vector<1x16xf32> to vector<16xf32>
      %max3A_623 = arith.maximumf %get3A_618, %get3A_622 : vector<16xf32>
      %swap3A_624 = arith.index_cast %squeeze3A_610 : i32 to index
      %swap3A_625 = arith.constant 0 : index
      %swap3A_626 = tpu.vector_load %arg7[%swap3A_624, %swap3A_625] {strides = array<i32>} : memref<272x128xf32, #tpu.memory_space<vmem>>, vector<1x16xf32>,
      %swap3A_627 = vector.shape_cast %swap3A_626 : vector<1x16xf32> to vector<16xf32>
      %swap3A_628 = vector.shape_cast %max3A_623 : vector<16xf32> to vector<1x16xf32>
      tpu.vector_store %arg7[%swap3A_624, %swap3A_625], %swap3A_628 {strides = array<i32>} : memref<272x128xf32, #tpu.memory_space<vmem>>, vector<1x16xf32>,
      %get3A_629 = arith.index_cast %squeeze3A_610 : i32 to index
      %get3A_630 = arith.constant 16 : index
      %get3A_631 = tpu.vector_load %arg7[%get3A_629, %get3A_630] {strides = array<i32>} : memref<272x128xf32, #tpu.memory_space<vmem>>, vector<1x16xf32>,
      %get3A_632 = vector.shape_cast %get3A_631 : vector<1x16xf32> to vector<16xf32>
      %get3A_633 = arith.index_cast %add3A_614 : i32 to index
      %get3A_634 = arith.constant 16 : index
      %get3A_635 = tpu.vector_load %arg5[%get3A_633, %get3A_634] {strides = array<i32>} : memref<320x128xf32, #tpu.memory_space<vmem>>, vector<1x16xf32>,
      %get3A_636 = vector.shape_cast %get3A_635 : vector<1x16xf32> to vector<16xf32>
      %max3A_637 = arith.maximumf %get3A_632, %get3A_636 : vector<16xf32>
      %swap3A_638 = arith.index_cast %squeeze3A_610 : i32 to index
      %swap3A_639 = arith.constant 16 : index
      %swap3A_640 = tpu.vector_load %arg7[%swap3A_638, %swap3A_639] {strides = array<i32>} : memref<272x128xf32, #tpu.memory_space<vmem>>, vector<1x16xf32>,
      %swap3A_641 = vector.shape_cast %swap3A_640 : vector<1x16xf32> to vector<16xf32>
      %swap3A_642 = vector.shape_cast %max3A_637 : vector<16xf32> to vector<1x16xf32>
      tpu.vector_store %arg7[%swap3A_638, %swap3A_639], %swap3A_642 {strides = array<i32>} : memref<272x128xf32, #tpu.memory_space<vmem>>, vector<1x16xf32>,
      %get3A_643 = arith.index_cast %squeeze3A_610 : i32 to index
      %get3A_644 = arith.constant 32 : index
      %get3A_645 = tpu.vector_load %arg7[%get3A_643, %get3A_644] {strides = array<i32>} : memref<272x128xf32, #tpu.memory_space<vmem>>, vector<1x16xf32>,
      %get3A_646 = vector.shape_cast %get3A_645 : vector<1x16xf32> to vector<16xf32>
      %get3A_647 = arith.index_cast %add3A_614 : i32 to index
      %get3A_648 = arith.constant 32 : index
      %get3A_649 = tpu.vector_load %arg5[%get3A_647, %get3A_648] {strides = array<i32>} : memref<320x128xf32, #tpu.memory_space<vmem>>, vector<1x16xf32>,
      %get3A_650 = vector.shape_cast %get3A_649 : vector<1x16xf32> to vector<16xf32>
      %max3A_651 = arith.maximumf %get3A_646, %get3A_650 : vector<16xf32>
      %swap3A_652 = arith.index_cast %squeeze3A_610 : i32 to index
      %swap3A_653 = arith.constant 32 : index
      %swap3A_654 = tpu.vector_load %arg7[%swap3A_652, %swap3A_653] {strides = array<i32>} : memref<272x128xf32, #tpu.memory_space<vmem>>, vector<1x16xf32>,
      %swap3A_655 = vector.shape_cast %swap3A_654 : vector<1x16xf32> to vector<16xf32>
      %swap3A_656 = vector.shape_cast %max3A_651 : vector<16xf32> to vector<1x16xf32>
      tpu.vector_store %arg7[%swap3A_652, %swap3A_653], %swap3A_656 {strides = array<i32>} : memref<272x128xf32, #tpu.memory_space<vmem>>, vector<1x16xf32>,
      %get3A_657 = arith.index_cast %squeeze3A_610 : i32 to index
      %get3A_658 = arith.constant 48 : index
      %get3A_659 = tpu.vector_load %arg7[%get3A_657, %get3A_658] {strides = array<i32>} : memref<272x128xf32, #tpu.memory_space<vmem>>, vector<1x16xf32>,
      %get3A_660 = vector.shape_cast %get3A_659 : vector<1x16xf32> to vector<16xf32>
      %get3A_661 = arith.index_cast %add3A_614 : i32 to index
      %get3A_662 = arith.constant 48 : index
      %get3A_663 = tpu.vector_load %arg5[%get3A_661, %get3A_662] {strides = array<i32>} : memref<320x128xf32, #tpu.memory_space<vmem>>, vector<1x16xf32>,
      %get3A_664 = vector.shape_cast %get3A_663 : vector<1x16xf32> to vector<16xf32>
      %max3A_665 = arith.maximumf %get3A_660, %get3A_664 : vector<16xf32>
      %swap3A_666 = arith.index_cast %squeeze3A_610 : i32 to index
      %swap3A_667 = arith.constant 48 : index
      %swap3A_668 = tpu.vector_load %arg7[%swap3A_666, %swap3A_667] {strides = array<i32>} : memref<272x128xf32, #tpu.memory_space<vmem>>, vector<1x16xf32>,
      %swap3A_669 = vector.shape_cast %swap3A_668 : vector<1x16xf32> to vector<16xf32>
      %swap3A_670 = vector.shape_cast %max3A_665 : vector<16xf32> to vector<1x16xf32>
      tpu.vector_store %arg7[%swap3A_666, %swap3A_667], %swap3A_670 {strides = array<i32>} : memref<272x128xf32, #tpu.memory_space<vmem>>, vector<1x16xf32>,
      %get3A_671 = arith.index_cast %squeeze3A_610 : i32 to index
      %get3A_672 = arith.constant 64 : index
      %get3A_673 = tpu.vector_load %arg7[%get3A_671, %get3A_672] {strides = array<i32>} : memref<272x128xf32, #tpu.memory_space<vmem>>, vector<1x16xf32>,
      %get3A_674 = vector.shape_cast %get3A_673 : vector<1x16xf32> to vector<16xf32>
      %get3A_675 = arith.index_cast %add3A_614 : i32 to index
      %get3A_676 = arith.constant 64 : index
      %get3A_677 = tpu.vector_load %arg5[%get3A_675, %get3A_676] {strides = array<i32>} : memref<320x128xf32, #tpu.memory_space<vmem>>, vector<1x16xf32>,
      %get3A_678 = vector.shape_cast %get3A_677 : vector<1x16xf32> to vector<16xf32>
      %max3A_679 = arith.maximumf %get3A_674, %get3A_678 : vector<16xf32>
      %swap3A_680 = arith.index_cast %squeeze3A_610 : i32 to index
      %swap3A_681 = arith.constant 64 : index
      %swap3A_682 = tpu.vector_load %arg7[%swap3A_680, %swap3A_681] {strides = array<i32>} : memref<272x128xf32, #tpu.memory_space<vmem>>, vector<1x16xf32>,
      %swap3A_683 = vector.shape_cast %swap3A_682 : vector<1x16xf32> to vector<16xf32>
      %swap3A_684 = vector.shape_cast %max3A_679 : vector<16xf32> to vector<1x16xf32>
      tpu.vector_store %arg7[%swap3A_680, %swap3A_681], %swap3A_684 {strides = array<i32>} : memref<272x128xf32, #tpu.memory_space<vmem>>, vector<1x16xf32>,
      %get3A_685 = arith.index_cast %squeeze3A_610 : i32 to index
      %get3A_686 = arith.constant 80 : index
      %get3A_687 = tpu.vector_load %arg7[%get3A_685, %get3A_686] {strides = array<i32>} : memref<272x128xf32, #tpu.memory_space<vmem>>, vector<1x16xf32>,
      %get3A_688 = vector.shape_cast %get3A_687 : vector<1x16xf32> to vector<16xf32>
      %get3A_689 = arith.index_cast %add3A_614 : i32 to index
      %get3A_690 = arith.constant 80 : index
      %get3A_691 = tpu.vector_load %arg5[%get3A_689, %get3A_690] {strides = array<i32>} : memref<320x128xf32, #tpu.memory_space<vmem>>, vector<1x16xf32>,
      %get3A_692 = vector.shape_cast %get3A_691 : vector<1x16xf32> to vector<16xf32>
      %max3A_693 = arith.maximumf %get3A_688, %get3A_692 : vector<16xf32>
      %swap3A_694 = arith.index_cast %squeeze3A_610 : i32 to index
      %swap3A_695 = arith.constant 80 : index
      %swap3A_696 = tpu.vector_load %arg7[%swap3A_694, %swap3A_695] {strides = array<i32>} : memref<272x128xf32, #tpu.memory_space<vmem>>, vector<1x16xf32>,
      %swap3A_697 = vector.shape_cast %swap3A_696 : vector<1x16xf32> to vector<16xf32>
      %swap3A_698 = vector.shape_cast %max3A_693 : vector<16xf32> to vector<1x16xf32>
      tpu.vector_store %arg7[%swap3A_694, %swap3A_695], %swap3A_698 {strides = array<i32>} : memref<272x128xf32, #tpu.memory_space<vmem>>, vector<1x16xf32>,
      %get3A_699 = arith.index_cast %squeeze3A_610 : i32 to index
      %get3A_700 = arith.constant 96 : index
      %get3A_701 = tpu.vector_load %arg7[%get3A_699, %get3A_700] {strides = array<i32>} : memref<272x128xf32, #tpu.memory_space<vmem>>, vector<1x16xf32>,
      %get3A_702 = vector.shape_cast %get3A_701 : vector<1x16xf32> to vector<16xf32>
      %get3A_703 = arith.index_cast %add3A_614 : i32 to index
      %get3A_704 = arith.constant 96 : index
      %get3A_705 = tpu.vector_load %arg5[%get3A_703, %get3A_704] {strides = array<i32>} : memref<320x128xf32, #tpu.memory_space<vmem>>, vector<1x16xf32>,
      %get3A_706 = vector.shape_cast %get3A_705 : vector<1x16xf32> to vector<16xf32>
      %max3A_707 = arith.maximumf %get3A_702, %get3A_706 : vector<16xf32>
      %swap3A_708 = arith.index_cast %squeeze3A_610 : i32 to index
      %swap3A_709 = arith.constant 96 : index
      %swap3A_710 = tpu.vector_load %arg7[%swap3A_708, %swap3A_709] {strides = array<i32>} : memref<272x128xf32, #tpu.memory_space<vmem>>, vector<1x16xf32>,
      %swap3A_711 = vector.shape_cast %swap3A_710 : vector<1x16xf32> to vector<16xf32>
      %swap3A_712 = vector.shape_cast %max3A_707 : vector<16xf32> to vector<1x16xf32>
      tpu.vector_store %arg7[%swap3A_708, %swap3A_709], %swap3A_712 {strides = array<i32>} : memref<272x128xf32, #tpu.memory_space<vmem>>, vector<1x16xf32>,
      %get3A_713 = arith.index_cast %squeeze3A_610 : i32 to index
      %get3A_714 = arith.constant 112 : index
      %get3A_715 = tpu.vector_load %arg7[%get3A_713, %get3A_714] {strides = array<i32>} : memref<272x128xf32, #tpu.memory_space<vmem>>, vector<1x16xf32>,
      %get3A_716 = vector.shape_cast %get3A_715 : vector<1x16xf32> to vector<16xf32>
      %get3A_717 = arith.index_cast %add3A_614 : i32 to index
      %get3A_718 = arith.constant 112 : index
      %get3A_719 = tpu.vector_load %arg5[%get3A_717, %get3A_718] {strides = array<i32>} : memref<320x128xf32, #tpu.memory_space<vmem>>, vector<1x16xf32>,
      %get3A_720 = vector.shape_cast %get3A_719 : vector<1x16xf32> to vector<16xf32>
      %max3A_721 = arith.maximumf %get3A_716, %get3A_720 : vector<16xf32>
      %swap3A_722 = arith.index_cast %squeeze3A_610 : i32 to index
      %swap3A_723 = arith.constant 112 : index
      %swap3A_724 = tpu.vector_load %arg7[%swap3A_722, %swap3A_723] {strides = array<i32>} : memref<272x128xf32, #tpu.memory_space<vmem>>, vector<1x16xf32>,
      %swap3A_725 = vector.shape_cast %swap3A_724 : vector<1x16xf32> to vector<16xf32>
      %swap3A_726 = vector.shape_cast %max3A_721 : vector<16xf32> to vector<1x16xf32>
      tpu.vector_store %arg7[%swap3A_722, %swap3A_723], %swap3A_726 {strides = array<i32>} : memref<272x128xf32, #tpu.memory_space<vmem>>, vector<1x16xf32>,
      %slice3A_727 = vector.extract_strided_slice %get3A_22 {offsets = [6], sizes = [1], strides = [1]} : vector<16xi32> to vector<1xi32>
      %squeeze3A_728 = vector.extract %slice3A_727[0] : i32 from vector<1xi32>
      %mul3A_729 = arith.constant 16 : i32
      %mul3A_730 = arith.muli %scan3A_17, %mul3A_729 : i32
      %add3A_731 = arith.constant 6 : i32
      %add3A_732 = arith.addi %mul3A_730, %add3A_731 : i32
      %get3A_733 = arith.index_cast %squeeze3A_728 : i32 to index
      %get3A_734 = arith.constant 0 : index
      %get3A_735 = tpu.vector_load %arg7[%get3A_733, %get3A_734] {strides = array<i32>} : memref<272x128xf32, #tpu.memory_space<vmem>>, vector<1x16xf32>,
      %get3A_736 = vector.shape_cast %get3A_735 : vector<1x16xf32> to vector<16xf32>
      %get3A_737 = arith.index_cast %add3A_732 : i32 to index
      %get3A_738 = arith.constant 0 : index
      %get3A_739 = tpu.vector_load %arg5[%get3A_737, %get3A_738] {strides = array<i32>} : memref<320x128xf32, #tpu.memory_space<vmem>>, vector<1x16xf32>,
      %get3A_740 = vector.shape_cast %get3A_739 : vector<1x16xf32> to vector<16xf32>
      %max3A_741 = arith.maximumf %get3A_736, %get3A_740 : vector<16xf32>
      %swap3A_742 = arith.index_cast %squeeze3A_728 : i32 to index
      %swap3A_743 = arith.constant 0 : index
      %swap3A_744 = tpu.vector_load %arg7[%swap3A_742, %swap3A_743] {strides = array<i32>} : memref<272x128xf32, #tpu.memory_space<vmem>>, vector<1x16xf32>,
      %swap3A_745 = vector.shape_cast %swap3A_744 : vector<1x16xf32> to vector<16xf32>
      %swap3A_746 = vector.shape_cast %max3A_741 : vector<16xf32> to vector<1x16xf32>
      tpu.vector_store %arg7[%swap3A_742, %swap3A_743], %swap3A_746 {strides = array<i32>} : memref<272x128xf32, #tpu.memory_space<vmem>>, vector<1x16xf32>,
      %get3A_747 = arith.index_cast %squeeze3A_728 : i32 to index
      %get3A_748 = arith.constant 16 : index
      %get3A_749 = tpu.vector_load %arg7[%get3A_747, %get3A_748] {strides = array<i32>} : memref<272x128xf32, #tpu.memory_space<vmem>>, vector<1x16xf32>,
      %get3A_750 = vector.shape_cast %get3A_749 : vector<1x16xf32> to vector<16xf32>
      %get3A_751 = arith.index_cast %add3A_732 : i32 to index
      %get3A_752 = arith.constant 16 : index
      %get3A_753 = tpu.vector_load %arg5[%get3A_751, %get3A_752] {strides = array<i32>} : memref<320x128xf32, #tpu.memory_space<vmem>>, vector<1x16xf32>,
      %get3A_754 = vector.shape_cast %get3A_753 : vector<1x16xf32> to vector<16xf32>
      %max3A_755 = arith.maximumf %get3A_750, %get3A_754 : vector<16xf32>
      %swap3A_756 = arith.index_cast %squeeze3A_728 : i32 to index
      %swap3A_757 = arith.constant 16 : index
      %swap3A_758 = tpu.vector_load %arg7[%swap3A_756, %swap3A_757] {strides = array<i32>} : memref<272x128xf32, #tpu.memory_space<vmem>>, vector<1x16xf32>,
      %swap3A_759 = vector.shape_cast %swap3A_758 : vector<1x16xf32> to vector<16xf32>
      %swap3A_760 = vector.shape_cast %max3A_755 : vector<16xf32> to vector<1x16xf32>
      tpu.vector_store %arg7[%swap3A_756, %swap3A_757], %swap3A_760 {strides = array<i32>} : memref<272x128xf32, #tpu.memory_space<vmem>>, vector<1x16xf32>,
      %get3A_761 = arith.index_cast %squeeze3A_728 : i32 to index
      %get3A_762 = arith.constant 32 : index
      %get3A_763 = tpu.vector_load %arg7[%get3A_761, %get3A_762] {strides = array<i32>} : memref<272x128xf32, #tpu.memory_space<vmem>>, vector<1x16xf32>,
      %get3A_764 = vector.shape_cast %get3A_763 : vector<1x16xf32> to vector<16xf32>
      %get3A_765 = arith.index_cast %add3A_732 : i32 to index
      %get3A_766 = arith.constant 32 : index
      %get3A_767 = tpu.vector_load %arg5[%get3A_765, %get3A_766] {strides = array<i32>} : memref<320x128xf32, #tpu.memory_space<vmem>>, vector<1x16xf32>,
      %get3A_768 = vector.shape_cast %get3A_767 : vector<1x16xf32> to vector<16xf32>
      %max3A_769 = arith.maximumf %get3A_764, %get3A_768 : vector<16xf32>
      %swap3A_770 = arith.index_cast %squeeze3A_728 : i32 to index
      %swap3A_771 = arith.constant 32 : index
      %swap3A_772 = tpu.vector_load %arg7[%swap3A_770, %swap3A_771] {strides = array<i32>} : memref<272x128xf32, #tpu.memory_space<vmem>>, vector<1x16xf32>,
      %swap3A_773 = vector.shape_cast %swap3A_772 : vector<1x16xf32> to vector<16xf32>
      %swap3A_774 = vector.shape_cast %max3A_769 : vector<16xf32> to vector<1x16xf32>
      tpu.vector_store %arg7[%swap3A_770, %swap3A_771], %swap3A_774 {strides = array<i32>} : memref<272x128xf32, #tpu.memory_space<vmem>>, vector<1x16xf32>,
      %get3A_775 = arith.index_cast %squeeze3A_728 : i32 to index
      %get3A_776 = arith.constant 48 : index
      %get3A_777 = tpu.vector_load %arg7[%get3A_775, %get3A_776] {strides = array<i32>} : memref<272x128xf32, #tpu.memory_space<vmem>>, vector<1x16xf32>,
      %get3A_778 = vector.shape_cast %get3A_777 : vector<1x16xf32> to vector<16xf32>
      %get3A_779 = arith.index_cast %add3A_732 : i32 to index
      %get3A_780 = arith.constant 48 : index
      %get3A_781 = tpu.vector_load %arg5[%get3A_779, %get3A_780] {strides = array<i32>} : memref<320x128xf32, #tpu.memory_space<vmem>>, vector<1x16xf32>,
      %get3A_782 = vector.shape_cast %get3A_781 : vector<1x16xf32> to vector<16xf32>
      %max3A_783 = arith.maximumf %get3A_778, %get3A_782 : vector<16xf32>
      %swap3A_784 = arith.index_cast %squeeze3A_728 : i32 to index
      %swap3A_785 = arith.constant 48 : index
      %swap3A_786 = tpu.vector_load %arg7[%swap3A_784, %swap3A_785] {strides = array<i32>} : memref<272x128xf32, #tpu.memory_space<vmem>>, vector<1x16xf32>,
      %swap3A_787 = vector.shape_cast %swap3A_786 : vector<1x16xf32> to vector<16xf32>
      %swap3A_788 = vector.shape_cast %max3A_783 : vector<16xf32> to vector<1x16xf32>
      tpu.vector_store %arg7[%swap3A_784, %swap3A_785], %swap3A_788 {strides = array<i32>} : memref<272x128xf32, #tpu.memory_space<vmem>>, vector<1x16xf32>,
      %get3A_789 = arith.index_cast %squeeze3A_728 : i32 to index
      %get3A_790 = arith.constant 64 : index
      %get3A_791 = tpu.vector_load %arg7[%get3A_789, %get3A_790] {strides = array<i32>} : memref<272x128xf32, #tpu.memory_space<vmem>>, vector<1x16xf32>,
      %get3A_792 = vector.shape_cast %get3A_791 : vector<1x16xf32> to vector<16xf32>
      %get3A_793 = arith.index_cast %add3A_732 : i32 to index
      %get3A_794 = arith.constant 64 : index
      %get3A_795 = tpu.vector_load %arg5[%get3A_793, %get3A_794] {strides = array<i32>} : memref<320x128xf32, #tpu.memory_space<vmem>>, vector<1x16xf32>,
      %get3A_796 = vector.shape_cast %get3A_795 : vector<1x16xf32> to vector<16xf32>
      %max3A_797 = arith.maximumf %get3A_792, %get3A_796 : vector<16xf32>
      %swap3A_798 = arith.index_cast %squeeze3A_728 : i32 to index
      %swap3A_799 = arith.constant 64 : index
      %swap3A_800 = tpu.vector_load %arg7[%swap3A_798, %swap3A_799] {strides = array<i32>} : memref<272x128xf32, #tpu.memory_space<vmem>>, vector<1x16xf32>,
      %swap3A_801 = vector.shape_cast %swap3A_800 : vector<1x16xf32> to vector<16xf32>
      %swap3A_802 = vector.shape_cast %max3A_797 : vector<16xf32> to vector<1x16xf32>
      tpu.vector_store %arg7[%swap3A_798, %swap3A_799], %swap3A_802 {strides = array<i32>} : memref<272x128xf32, #tpu.memory_space<vmem>>, vector<1x16xf32>,
      %get3A_803 = arith.index_cast %squeeze3A_728 : i32 to index
      %get3A_804 = arith.constant 80 : index
      %get3A_805 = tpu.vector_load %arg7[%get3A_803, %get3A_804] {strides = array<i32>} : memref<272x128xf32, #tpu.memory_space<vmem>>, vector<1x16xf32>,
      %get3A_806 = vector.shape_cast %get3A_805 : vector<1x16xf32> to vector<16xf32>
      %get3A_807 = arith.index_cast %add3A_732 : i32 to index
      %get3A_808 = arith.constant 80 : index
      %get3A_809 = tpu.vector_load %arg5[%get3A_807, %get3A_808] {strides = array<i32>} : memref<320x128xf32, #tpu.memory_space<vmem>>, vector<1x16xf32>,
      %get3A_810 = vector.shape_cast %get3A_809 : vector<1x16xf32> to vector<16xf32>
      %max3A_811 = arith.maximumf %get3A_806, %get3A_810 : vector<16xf32>
      %swap3A_812 = arith.index_cast %squeeze3A_728 : i32 to index
      %swap3A_813 = arith.constant 80 : index
      %swap3A_814 = tpu.vector_load %arg7[%swap3A_812, %swap3A_813] {strides = array<i32>} : memref<272x128xf32, #tpu.memory_space<vmem>>, vector<1x16xf32>,
      %swap3A_815 = vector.shape_cast %swap3A_814 : vector<1x16xf32> to vector<16xf32>
      %swap3A_816 = vector.shape_cast %max3A_811 : vector<16xf32> to vector<1x16xf32>
      tpu.vector_store %arg7[%swap3A_812, %swap3A_813], %swap3A_816 {strides = array<i32>} : memref<272x128xf32, #tpu.memory_space<vmem>>, vector<1x16xf32>,
      %get3A_817 = arith.index_cast %squeeze3A_728 : i32 to index
      %get3A_818 = arith.constant 96 : index
      %get3A_819 = tpu.vector_load %arg7[%get3A_817, %get3A_818] {strides = array<i32>} : memref<272x128xf32, #tpu.memory_space<vmem>>, vector<1x16xf32>,
      %get3A_820 = vector.shape_cast %get3A_819 : vector<1x16xf32> to vector<16xf32>
      %get3A_821 = arith.index_cast %add3A_732 : i32 to index
      %get3A_822 = arith.constant 96 : index
      %get3A_823 = tpu.vector_load %arg5[%get3A_821, %get3A_822] {strides = array<i32>} : memref<320x128xf32, #tpu.memory_space<vmem>>, vector<1x16xf32>,
      %get3A_824 = vector.shape_cast %get3A_823 : vector<1x16xf32> to vector<16xf32>
      %max3A_825 = arith.maximumf %get3A_820, %get3A_824 : vector<16xf32>
      %swap3A_826 = arith.index_cast %squeeze3A_728 : i32 to index
      %swap3A_827 = arith.constant 96 : index
      %swap3A_828 = tpu.vector_load %arg7[%swap3A_826, %swap3A_827] {strides = array<i32>} : memref<272x128xf32, #tpu.memory_space<vmem>>, vector<1x16xf32>,
      %swap3A_829 = vector.shape_cast %swap3A_828 : vector<1x16xf32> to vector<16xf32>
      %swap3A_830 = vector.shape_cast %max3A_825 : vector<16xf32> to vector<1x16xf32>
      tpu.vector_store %arg7[%swap3A_826, %swap3A_827], %swap3A_830 {strides = array<i32>} : memref<272x128xf32, #tpu.memory_space<vmem>>, vector<1x16xf32>,
      %get3A_831 = arith.index_cast %squeeze3A_728 : i32 to index
      %get3A_832 = arith.constant 112 : index
      %get3A_833 = tpu.vector_load %arg7[%get3A_831, %get3A_832] {strides = array<i32>} : memref<272x128xf32, #tpu.memory_space<vmem>>, vector<1x16xf32>,
      %get3A_834 = vector.shape_cast %get3A_833 : vector<1x16xf32> to vector<16xf32>
      %get3A_835 = arith.index_cast %add3A_732 : i32 to index
      %get3A_836 = arith.constant 112 : index
      %get3A_837 = tpu.vector_load %arg5[%get3A_835, %get3A_836] {strides = array<i32>} : memref<320x128xf32, #tpu.memory_space<vmem>>, vector<1x16xf32>,
      %get3A_838 = vector.shape_cast %get3A_837 : vector<1x16xf32> to vector<16xf32>
      %max3A_839 = arith.maximumf %get3A_834, %get3A_838 : vector<16xf32>
      %swap3A_840 = arith.index_cast %squeeze3A_728 : i32 to index
      %swap3A_841 = arith.constant 112 : index
      %swap3A_842 = tpu.vector_load %arg7[%swap3A_840, %swap3A_841] {strides = array<i32>} : memref<272x128xf32, #tpu.memory_space<vmem>>, vector<1x16xf32>,
      %swap3A_843 = vector.shape_cast %swap3A_842 : vector<1x16xf32> to vector<16xf32>
      %swap3A_844 = vector.shape_cast %max3A_839 : vector<16xf32> to vector<1x16xf32>
      tpu.vector_store %arg7[%swap3A_840, %swap3A_841], %swap3A_844 {strides = array<i32>} : memref<272x128xf32, #tpu.memory_space<vmem>>, vector<1x16xf32>,
      %slice3A_845 = vector.extract_strided_slice %get3A_22 {offsets = [7], sizes = [1], strides = [1]} : vector<16xi32> to vector<1xi32>
      %squeeze3A_846 = vector.extract %slice3A_845[0] : i32 from vector<1xi32>
      %mul3A_847 = arith.constant 16 : i32
      %mul3A_848 = arith.muli %scan3A_17, %mul3A_847 : i32
      %add3A_849 = arith.constant 7 : i32
      %add3A_850 = arith.addi %mul3A_848, %add3A_849 : i32
      %get3A_851 = arith.index_cast %squeeze3A_846 : i32 to index
      %get3A_852 = arith.constant 0 : index
      %get3A_853 = tpu.vector_load %arg7[%get3A_851, %get3A_852] {strides = array<i32>} : memref<272x128xf32, #tpu.memory_space<vmem>>, vector<1x16xf32>,
      %get3A_854 = vector.shape_cast %get3A_853 : vector<1x16xf32> to vector<16xf32>
      %get3A_855 = arith.index_cast %add3A_850 : i32 to index
      %get3A_856 = arith.constant 0 : index
      %get3A_857 = tpu.vector_load %arg5[%get3A_855, %get3A_856] {strides = array<i32>} : memref<320x128xf32, #tpu.memory_space<vmem>>, vector<1x16xf32>,
      %get3A_858 = vector.shape_cast %get3A_857 : vector<1x16xf32> to vector<16xf32>
      %max3A_859 = arith.maximumf %get3A_854, %get3A_858 : vector<16xf32>
      %swap3A_860 = arith.index_cast %squeeze3A_846 : i32 to index
      %swap3A_861 = arith.constant 0 : index
      %swap3A_862 = tpu.vector_load %arg7[%swap3A_860, %swap3A_861] {strides = array<i32>} : memref<272x128xf32, #tpu.memory_space<vmem>>, vector<1x16xf32>,
      %swap3A_863 = vector.shape_cast %swap3A_862 : vector<1x16xf32> to vector<16xf32>
      %swap3A_864 = vector.shape_cast %max3A_859 : vector<16xf32> to vector<1x16xf32>
      tpu.vector_store %arg7[%swap3A_860, %swap3A_861], %swap3A_864 {strides = array<i32>} : memref<272x128xf32, #tpu.memory_space<vmem>>, vector<1x16xf32>,
      %get3A_865 = arith.index_cast %squeeze3A_846 : i32 to index
      %get3A_866 = arith.constant 16 : index
      %get3A_867 = tpu.vector_load %arg7[%get3A_865, %get3A_866] {strides = array<i32>} : memref<272x128xf32, #tpu.memory_space<vmem>>, vector<1x16xf32>,
      %get3A_868 = vector.shape_cast %get3A_867 : vector<1x16xf32> to vector<16xf32>
      %get3A_869 = arith.index_cast %add3A_850 : i32 to index
      %get3A_870 = arith.constant 16 : index
      %get3A_871 = tpu.vector_load %arg5[%get3A_869, %get3A_870] {strides = array<i32>} : memref<320x128xf32, #tpu.memory_space<vmem>>, vector<1x16xf32>,
      %get3A_872 = vector.shape_cast %get3A_871 : vector<1x16xf32> to vector<16xf32>
      %max3A_873 = arith.maximumf %get3A_868, %get3A_872 : vector<16xf32>
      %swap3A_874 = arith.index_cast %squeeze3A_846 : i32 to index
      %swap3A_875 = arith.constant 16 : index
      %swap3A_876 = tpu.vector_load %arg7[%swap3A_874, %swap3A_875] {strides = array<i32>} : memref<272x128xf32, #tpu.memory_space<vmem>>, vector<1x16xf32>,
      %swap3A_877 = vector.shape_cast %swap3A_876 : vector<1x16xf32> to vector<16xf32>
      %swap3A_878 = vector.shape_cast %max3A_873 : vector<16xf32> to vector<1x16xf32>
      tpu.vector_store %arg7[%swap3A_874, %swap3A_875], %swap3A_878 {strides = array<i32>} : memref<272x128xf32, #tpu.memory_space<vmem>>, vector<1x16xf32>,
      %get3A_879 = arith.index_cast %squeeze3A_846 : i32 to index
      %get3A_880 = arith.constant 32 : index
      %get3A_881 = tpu.vector_load %arg7[%get3A_879, %get3A_880] {strides = array<i32>} : memref<272x128xf32, #tpu.memory_space<vmem>>, vector<1x16xf32>,
      %get3A_882 = vector.shape_cast %get3A_881 : vector<1x16xf32> to vector<16xf32>
      %get3A_883 = arith.index_cast %add3A_850 : i32 to index
      %get3A_884 = arith.constant 32 : index
      %get3A_885 = tpu.vector_load %arg5[%get3A_883, %get3A_884] {strides = array<i32>} : memref<320x128xf32, #tpu.memory_space<vmem>>, vector<1x16xf32>,
      %get3A_886 = vector.shape_cast %get3A_885 : vector<1x16xf32> to vector<16xf32>
      %max3A_887 = arith.maximumf %get3A_882, %get3A_886 : vector<16xf32>
      %swap3A_888 = arith.index_cast %squeeze3A_846 : i32 to index
      %swap3A_889 = arith.constant 32 : index
      %swap3A_890 = tpu.vector_load %arg7[%swap3A_888, %swap3A_889] {strides = array<i32>} : memref<272x128xf32, #tpu.memory_space<vmem>>, vector<1x16xf32>,
      %swap3A_891 = vector.shape_cast %swap3A_890 : vector<1x16xf32> to vector<16xf32>
      %swap3A_892 = vector.shape_cast %max3A_887 : vector<16xf32> to vector<1x16xf32>
      tpu.vector_store %arg7[%swap3A_888, %swap3A_889], %swap3A_892 {strides = array<i32>} : memref<272x128xf32, #tpu.memory_space<vmem>>, vector<1x16xf32>,
      %get3A_893 = arith.index_cast %squeeze3A_846 : i32 to index
      %get3A_894 = arith.constant 48 : index
      %get3A_895 = tpu.vector_load %arg7[%get3A_893, %get3A_894] {strides = array<i32>} : memref<272x128xf32, #tpu.memory_space<vmem>>, vector<1x16xf32>,
      %get3A_896 = vector.shape_cast %get3A_895 : vector<1x16xf32> to vector<16xf32>
      %get3A_897 = arith.index_cast %add3A_850 : i32 to index
      %get3A_898 = arith.constant 48 : index
      %get3A_899 = tpu.vector_load %arg5[%get3A_897, %get3A_898] {strides = array<i32>} : memref<320x128xf32, #tpu.memory_space<vmem>>, vector<1x16xf32>,
      %get3A_900 = vector.shape_cast %get3A_899 : vector<1x16xf32> to vector<16xf32>
      %max3A_901 = arith.maximumf %get3A_896, %get3A_900 : vector<16xf32>
      %swap3A_902 = arith.index_cast %squeeze3A_846 : i32 to index
      %swap3A_903 = arith.constant 48 : index
      %swap3A_904 = tpu.vector_load %arg7[%swap3A_902, %swap3A_903] {strides = array<i32>} : memref<272x128xf32, #tpu.memory_space<vmem>>, vector<1x16xf32>,
      %swap3A_905 = vector.shape_cast %swap3A_904 : vector<1x16xf32> to vector<16xf32>
      %swap3A_906 = vector.shape_cast %max3A_901 : vector<16xf32> to vector<1x16xf32>
      tpu.vector_store %arg7[%swap3A_902, %swap3A_903], %swap3A_906 {strides = array<i32>} : memref<272x128xf32, #tpu.memory_space<vmem>>, vector<1x16xf32>,
      %get3A_907 = arith.index_cast %squeeze3A_846 : i32 to index
      %get3A_908 = arith.constant 64 : index
      %get3A_909 = tpu.vector_load %arg7[%get3A_907, %get3A_908] {strides = array<i32>} : memref<272x128xf32, #tpu.memory_space<vmem>>, vector<1x16xf32>,
      %get3A_910 = vector.shape_cast %get3A_909 : vector<1x16xf32> to vector<16xf32>
      %get3A_911 = arith.index_cast %add3A_850 : i32 to index
      %get3A_912 = arith.constant 64 : index
      %get3A_913 = tpu.vector_load %arg5[%get3A_911, %get3A_912] {strides = array<i32>} : memref<320x128xf32, #tpu.memory_space<vmem>>, vector<1x16xf32>,
      %get3A_914 = vector.shape_cast %get3A_913 : vector<1x16xf32> to vector<16xf32>
      %max3A_915 = arith.maximumf %get3A_910, %get3A_914 : vector<16xf32>
      %swap3A_916 = arith.index_cast %squeeze3A_846 : i32 to index
      %swap3A_917 = arith.constant 64 : index
      %swap3A_918 = tpu.vector_load %arg7[%swap3A_916, %swap3A_917] {strides = array<i32>} : memref<272x128xf32, #tpu.memory_space<vmem>>, vector<1x16xf32>,
      %swap3A_919 = vector.shape_cast %swap3A_918 : vector<1x16xf32> to vector<16xf32>
      %swap3A_920 = vector.shape_cast %max3A_915 : vector<16xf32> to vector<1x16xf32>
      tpu.vector_store %arg7[%swap3A_916, %swap3A_917], %swap3A_920 {strides = array<i32>} : memref<272x128xf32, #tpu.memory_space<vmem>>, vector<1x16xf32>,
      %get3A_921 = arith.index_cast %squeeze3A_846 : i32 to index
      %get3A_922 = arith.constant 80 : index
      %get3A_923 = tpu.vector_load %arg7[%get3A_921, %get3A_922] {strides = array<i32>} : memref<272x128xf32, #tpu.memory_space<vmem>>, vector<1x16xf32>,
      %get3A_924 = vector.shape_cast %get3A_923 : vector<1x16xf32> to vector<16xf32>
      %get3A_925 = arith.index_cast %add3A_850 : i32 to index
      %get3A_926 = arith.constant 80 : index
      %get3A_927 = tpu.vector_load %arg5[%get3A_925, %get3A_926] {strides = array<i32>} : memref<320x128xf32, #tpu.memory_space<vmem>>, vector<1x16xf32>,
      %get3A_928 = vector.shape_cast %get3A_927 : vector<1x16xf32> to vector<16xf32>
      %max3A_929 = arith.maximumf %get3A_924, %get3A_928 : vector<16xf32>
      %swap3A_930 = arith.index_cast %squeeze3A_846 : i32 to index
      %swap3A_931 = arith.constant 80 : index
      %swap3A_932 = tpu.vector_load %arg7[%swap3A_930, %swap3A_931] {strides = array<i32>} : memref<272x128xf32, #tpu.memory_space<vmem>>, vector<1x16xf32>,
      %swap3A_933 = vector.shape_cast %swap3A_932 : vector<1x16xf32> to vector<16xf32>
      %swap3A_934 = vector.shape_cast %max3A_929 : vector<16xf32> to vector<1x16xf32>
      tpu.vector_store %arg7[%swap3A_930, %swap3A_931], %swap3A_934 {strides = array<i32>} : memref<272x128xf32, #tpu.memory_space<vmem>>, vector<1x16xf32>,
      %get3A_935 = arith.index_cast %squeeze3A_846 : i32 to index
      %get3A_936 = arith.constant 96 : index
      %get3A_937 = tpu.vector_load %arg7[%get3A_935, %get3A_936] {strides = array<i32>} : memref<272x128xf32, #tpu.memory_space<vmem>>, vector<1x16xf32>,
      %get3A_938 = vector.shape_cast %get3A_937 : vector<1x16xf32> to vector<16xf32>
      %get3A_939 = arith.index_cast %add3A_850 : i32 to index
      %get3A_940 = arith.constant 96 : index
      %get3A_941 = tpu.vector_load %arg5[%get3A_939, %get3A_940] {strides = array<i32>} : memref<320x128xf32, #tpu.memory_space<vmem>>, vector<1x16xf32>,
      %get3A_942 = vector.shape_cast %get3A_941 : vector<1x16xf32> to vector<16xf32>
      %max3A_943 = arith.maximumf %get3A_938, %get3A_942 : vector<16xf32>
      %swap3A_944 = arith.index_cast %squeeze3A_846 : i32 to index
      %swap3A_945 = arith.constant 96 : index
      %swap3A_946 = tpu.vector_load %arg7[%swap3A_944, %swap3A_945] {strides = array<i32>} : memref<272x128xf32, #tpu.memory_space<vmem>>, vector<1x16xf32>,
      %swap3A_947 = vector.shape_cast %swap3A_946 : vector<1x16xf32> to vector<16xf32>
      %swap3A_948 = vector.shape_cast %max3A_943 : vector<16xf32> to vector<1x16xf32>
      tpu.vector_store %arg7[%swap3A_944, %swap3A_945], %swap3A_948 {strides = array<i32>} : memref<272x128xf32, #tpu.memory_space<vmem>>, vector<1x16xf32>,
      %get3A_949 = arith.index_cast %squeeze3A_846 : i32 to index
      %get3A_950 = arith.constant 112 : index
      %get3A_951 = tpu.vector_load %arg7[%get3A_949, %get3A_950] {strides = array<i32>} : memref<272x128xf32, #tpu.memory_space<vmem>>, vector<1x16xf32>,
      %get3A_952 = vector.shape_cast %get3A_951 : vector<1x16xf32> to vector<16xf32>
      %get3A_953 = arith.index_cast %add3A_850 : i32 to index
      %get3A_954 = arith.constant 112 : index
      %get3A_955 = tpu.vector_load %arg5[%get3A_953, %get3A_954] {strides = array<i32>} : memref<320x128xf32, #tpu.memory_space<vmem>>, vector<1x16xf32>,
      %get3A_956 = vector.shape_cast %get3A_955 : vector<1x16xf32> to vector<16xf32>
      %max3A_957 = arith.maximumf %get3A_952, %get3A_956 : vector<16xf32>
      %swap3A_958 = arith.index_cast %squeeze3A_846 : i32 to index
      %swap3A_959 = arith.constant 112 : index
      %swap3A_960 = tpu.vector_load %arg7[%swap3A_958, %swap3A_959] {strides = array<i32>} : memref<272x128xf32, #tpu.memory_space<vmem>>, vector<1x16xf32>,
      %swap3A_961 = vector.shape_cast %swap3A_960 : vector<1x16xf32> to vector<16xf32>
      %swap3A_962 = vector.shape_cast %max3A_957 : vector<16xf32> to vector<1x16xf32>
      tpu.vector_store %arg7[%swap3A_958, %swap3A_959], %swap3A_962 {strides = array<i32>} : memref<272x128xf32, #tpu.memory_space<vmem>>, vector<1x16xf32>,
      %slice3A_963 = vector.extract_strided_slice %get3A_22 {offsets = [8], sizes = [1], strides = [1]} : vector<16xi32> to vector<1xi32>
      %squeeze3A_964 = vector.extract %slice3A_963[0] : i32 from vector<1xi32>
      %mul3A_965 = arith.constant 16 : i32
      %mul3A_966 = arith.muli %scan3A_17, %mul3A_965 : i32
      %add3A_967 = arith.constant 8 : i32
      %add3A_968 = arith.addi %mul3A_966, %add3A_967 : i32
      %get3A_969 = arith.index_cast %squeeze3A_964 : i32 to index
      %get3A_970 = arith.constant 0 : index
      %get3A_971 = tpu.vector_load %arg7[%get3A_969, %get3A_970] {strides = array<i32>} : memref<272x128xf32, #tpu.memory_space<vmem>>, vector<1x16xf32>,
      %get3A_972 = vector.shape_cast %get3A_971 : vector<1x16xf32> to vector<16xf32>
      %get3A_973 = arith.index_cast %add3A_968 : i32 to index
      %get3A_974 = arith.constant 0 : index
      %get3A_975 = tpu.vector_load %arg5[%get3A_973, %get3A_974] {strides = array<i32>} : memref<320x128xf32, #tpu.memory_space<vmem>>, vector<1x16xf32>,
      %get3A_976 = vector.shape_cast %get3A_975 : vector<1x16xf32> to vector<16xf32>
      %max3A_977 = arith.maximumf %get3A_972, %get3A_976 : vector<16xf32>
      %swap3A_978 = arith.index_cast %squeeze3A_964 : i32 to index
      %swap3A_979 = arith.constant 0 : index
      %swap3A_980 = tpu.vector_load %arg7[%swap3A_978, %swap3A_979] {strides = array<i32>} : memref<272x128xf32, #tpu.memory_space<vmem>>, vector<1x16xf32>,
      %swap3A_981 = vector.shape_cast %swap3A_980 : vector<1x16xf32> to vector<16xf32>
      %swap3A_982 = vector.shape_cast %max3A_977 : vector<16xf32> to vector<1x16xf32>
      tpu.vector_store %arg7[%swap3A_978, %swap3A_979], %swap3A_982 {strides = array<i32>} : memref<272x128xf32, #tpu.memory_space<vmem>>, vector<1x16xf32>,
      %get3A_983 = arith.index_cast %squeeze3A_964 : i32 to index
      %get3A_984 = arith.constant 16 : index
      %get3A_985 = tpu.vector_load %arg7[%get3A_983, %get3A_984] {strides = array<i32>} : memref<272x128xf32, #tpu.memory_space<vmem>>, vector<1x16xf32>,
      %get3A_986 = vector.shape_cast %get3A_985 : vector<1x16xf32> to vector<16xf32>
      %get3A_987 = arith.index_cast %add3A_968 : i32 to index
      %get3A_988 = arith.constant 16 : index
      %get3A_989 = tpu.vector_load %arg5[%get3A_987, %get3A_988] {strides = array<i32>} : memref<320x128xf32, #tpu.memory_space<vmem>>, vector<1x16xf32>,
      %get3A_990 = vector.shape_cast %get3A_989 : vector<1x16xf32> to vector<16xf32>
      %max3A_991 = arith.maximumf %get3A_986, %get3A_990 : vector<16xf32>
      %swap3A_992 = arith.index_cast %squeeze3A_964 : i32 to index
      %swap3A_993 = arith.constant 16 : index
      %swap3A_994 = tpu.vector_load %arg7[%swap3A_992, %swap3A_993] {strides = array<i32>} : memref<272x128xf32, #tpu.memory_space<vmem>>, vector<1x16xf32>,
      %swap3A_995 = vector.shape_cast %swap3A_994 : vector<1x16xf32> to vector<16xf32>
      %swap3A_996 = vector.shape_cast %max3A_991 : vector<16xf32> to vector<1x16xf32>
      tpu.vector_store %arg7[%swap3A_992, %swap3A_993], %swap3A_996 {strides = array<i32>} : memref<272x128xf32, #tpu.memory_space<vmem>>, vector<1x16xf32>,
      %get3A_997 = arith.index_cast %squeeze3A_964 : i32 to index
      %get3A_998 = arith.constant 32 : index
      %get3A_999 = tpu.vector_load %arg7[%get3A_997, %get3A_998] {strides = array<i32>} : memref<272x128xf32, #tpu.memory_space<vmem>>, vector<1x16xf32>,
      %get3A_1000 = vector.shape_cast %get3A_999 : vector<1x16xf32> to vector<16xf32>
      %get3A_1001 = arith.index_cast %add3A_968 : i32 to index
      %get3A_1002 = arith.constant 32 : index
      %get3A_1003 = tpu.vector_load %arg5[%get3A_1001, %get3A_1002] {strides = array<i32>} : memref<320x128xf32, #tpu.memory_space<vmem>>, vector<1x16xf32>,
      %get3A_1004 = vector.shape_cast %get3A_1003 : vector<1x16xf32> to vector<16xf32>
      %max3A_1005 = arith.maximumf %get3A_1000, %get3A_1004 : vector<16xf32>
      %swap3A_1006 = arith.index_cast %squeeze3A_964 : i32 to index
      %swap3A_1007 = arith.constant 32 : index
      %swap3A_1008 = tpu.vector_load %arg7[%swap3A_1006, %swap3A_1007] {strides = array<i32>} : memref<272x128xf32, #tpu.memory_space<vmem>>, vector<1x16xf32>,
      %swap3A_1009 = vector.shape_cast %swap3A_1008 : vector<1x16xf32> to vector<16xf32>
      %swap3A_1010 = vector.shape_cast %max3A_1005 : vector<16xf32> to vector<1x16xf32>
      tpu.vector_store %arg7[%swap3A_1006, %swap3A_1007], %swap3A_1010 {strides = array<i32>} : memref<272x128xf32, #tpu.memory_space<vmem>>, vector<1x16xf32>,
      %get3A_1011 = arith.index_cast %squeeze3A_964 : i32 to index
      %get3A_1012 = arith.constant 48 : index
      %get3A_1013 = tpu.vector_load %arg7[%get3A_1011, %get3A_1012] {strides = array<i32>} : memref<272x128xf32, #tpu.memory_space<vmem>>, vector<1x16xf32>,
      %get3A_1014 = vector.shape_cast %get3A_1013 : vector<1x16xf32> to vector<16xf32>
      %get3A_1015 = arith.index_cast %add3A_968 : i32 to index
      %get3A_1016 = arith.constant 48 : index
      %get3A_1017 = tpu.vector_load %arg5[%get3A_1015, %get3A_1016] {strides = array<i32>} : memref<320x128xf32, #tpu.memory_space<vmem>>, vector<1x16xf32>,
      %get3A_1018 = vector.shape_cast %get3A_1017 : vector<1x16xf32> to vector<16xf32>
      %max3A_1019 = arith.maximumf %get3A_1014, %get3A_1018 : vector<16xf32>
      %swap3A_1020 = arith.index_cast %squeeze3A_964 : i32 to index
      %swap3A_1021 = arith.constant 48 : index
      %swap3A_1022 = tpu.vector_load %arg7[%swap3A_1020, %swap3A_1021] {strides = array<i32>} : memref<272x128xf32, #tpu.memory_space<vmem>>, vector<1x16xf32>,
      %swap3A_1023 = vector.shape_cast %swap3A_1022 : vector<1x16xf32> to vector<16xf32>
      %swap3A_1024 = vector.shape_cast %max3A_1019 : vector<16xf32> to vector<1x16xf32>
      tpu.vector_store %arg7[%swap3A_1020, %swap3A_1021], %swap3A_1024 {strides = array<i32>} : memref<272x128xf32, #tpu.memory_space<vmem>>, vector<1x16xf32>,
      %get3A_1025 = arith.index_cast %squeeze3A_964 : i32 to index
      %get3A_1026 = arith.constant 64 : index
      %get3A_1027 = tpu.vector_load %arg7[%get3A_1025, %get3A_1026] {strides = array<i32>} : memref<272x128xf32, #tpu.memory_space<vmem>>, vector<1x16xf32>,
      %get3A_1028 = vector.shape_cast %get3A_1027 : vector<1x16xf32> to vector<16xf32>
      %get3A_1029 = arith.index_cast %add3A_968 : i32 to index
      %get3A_1030 = arith.constant 64 : index
      %get3A_1031 = tpu.vector_load %arg5[%get3A_1029, %get3A_1030] {strides = array<i32>} : memref<320x128xf32, #tpu.memory_space<vmem>>, vector<1x16xf32>,
      %get3A_1032 = vector.shape_cast %get3A_1031 : vector<1x16xf32> to vector<16xf32>
      %max3A_1033 = arith.maximumf %get3A_1028, %get3A_1032 : vector<16xf32>
      %swap3A_1034 = arith.index_cast %squeeze3A_964 : i32 to index
      %swap3A_1035 = arith.constant 64 : index
      %swap3A_1036 = tpu.vector_load %arg7[%swap3A_1034, %swap3A_1035] {strides = array<i32>} : memref<272x128xf32, #tpu.memory_space<vmem>>, vector<1x16xf32>,
      %swap3A_1037 = vector.shape_cast %swap3A_1036 : vector<1x16xf32> to vector<16xf32>
      %swap3A_1038 = vector.shape_cast %max3A_1033 : vector<16xf32> to vector<1x16xf32>
      tpu.vector_store %arg7[%swap3A_1034, %swap3A_1035], %swap3A_1038 {strides = array<i32>} : memref<272x128xf32, #tpu.memory_space<vmem>>, vector<1x16xf32>,
      %get3A_1039 = arith.index_cast %squeeze3A_964 : i32 to index
      %get3A_1040 = arith.constant 80 : index
      %get3A_1041 = tpu.vector_load %arg7[%get3A_1039, %get3A_1040] {strides = array<i32>} : memref<272x128xf32, #tpu.memory_space<vmem>>, vector<1x16xf32>,
      %get3A_1042 = vector.shape_cast %get3A_1041 : vector<1x16xf32> to vector<16xf32>
      %get3A_1043 = arith.index_cast %add3A_968 : i32 to index
      %get3A_1044 = arith.constant 80 : index
      %get3A_1045 = tpu.vector_load %arg5[%get3A_1043, %get3A_1044] {strides = array<i32>} : memref<320x128xf32, #tpu.memory_space<vmem>>, vector<1x16xf32>,
      %get3A_1046 = vector.shape_cast %get3A_1045 : vector<1x16xf32> to vector<16xf32>
      %max3A_1047 = arith.maximumf %get3A_1042, %get3A_1046 : vector<16xf32>
      %swap3A_1048 = arith.index_cast %squeeze3A_964 : i32 to index
      %swap3A_1049 = arith.constant 80 : index
      %swap3A_1050 = tpu.vector_load %arg7[%swap3A_1048, %swap3A_1049] {strides = array<i32>} : memref<272x128xf32, #tpu.memory_space<vmem>>, vector<1x16xf32>,
      %swap3A_1051 = vector.shape_cast %swap3A_1050 : vector<1x16xf32> to vector<16xf32>
      %swap3A_1052 = vector.shape_cast %max3A_1047 : vector<16xf32> to vector<1x16xf32>
      tpu.vector_store %arg7[%swap3A_1048, %swap3A_1049], %swap3A_1052 {strides = array<i32>} : memref<272x128xf32, #tpu.memory_space<vmem>>, vector<1x16xf32>,
      %get3A_1053 = arith.index_cast %squeeze3A_964 : i32 to index
      %get3A_1054 = arith.constant 96 : index
      %get3A_1055 = tpu.vector_load %arg7[%get3A_1053, %get3A_1054] {strides = array<i32>} : memref<272x128xf32, #tpu.memory_space<vmem>>, vector<1x16xf32>,
      %get3A_1056 = vector.shape_cast %get3A_1055 : vector<1x16xf32> to vector<16xf32>
      %get3A_1057 = arith.index_cast %add3A_968 : i32 to index
      %get3A_1058 = arith.constant 96 : index
      %get3A_1059 = tpu.vector_load %arg5[%get3A_1057, %get3A_1058] {strides = array<i32>} : memref<320x128xf32, #tpu.memory_space<vmem>>, vector<1x16xf32>,
      %get3A_1060 = vector.shape_cast %get3A_1059 : vector<1x16xf32> to vector<16xf32>
      %max3A_1061 = arith.maximumf %get3A_1056, %get3A_1060 : vector<16xf32>
      %swap3A_1062 = arith.index_cast %squeeze3A_964 : i32 to index
      %swap3A_1063 = arith.constant 96 : index
      %swap3A_1064 = tpu.vector_load %arg7[%swap3A_1062, %swap3A_1063] {strides = array<i32>} : memref<272x128xf32, #tpu.memory_space<vmem>>, vector<1x16xf32>,
      %swap3A_1065 = vector.shape_cast %swap3A_1064 : vector<1x16xf32> to vector<16xf32>
      %swap3A_1066 = vector.shape_cast %max3A_1061 : vector<16xf32> to vector<1x16xf32>
      tpu.vector_store %arg7[%swap3A_1062, %swap3A_1063], %swap3A_1066 {strides = array<i32>} : memref<272x128xf32, #tpu.memory_space<vmem>>, vector<1x16xf32>,
      %get3A_1067 = arith.index_cast %squeeze3A_964 : i32 to index
      %get3A_1068 = arith.constant 112 : index
      %get3A_1069 = tpu.vector_load %arg7[%get3A_1067, %get3A_1068] {strides = array<i32>} : memref<272x128xf32, #tpu.memory_space<vmem>>, vector<1x16xf32>,
      %get3A_1070 = vector.shape_cast %get3A_1069 : vector<1x16xf32> to vector<16xf32>
      %get3A_1071 = arith.index_cast %add3A_968 : i32 to index
      %get3A_1072 = arith.constant 112 : index
      %get3A_1073 = tpu.vector_load %arg5[%get3A_1071, %get3A_1072] {strides = array<i32>} : memref<320x128xf32, #tpu.memory_space<vmem>>, vector<1x16xf32>,
      %get3A_1074 = vector.shape_cast %get3A_1073 : vector<1x16xf32> to vector<16xf32>
      %max3A_1075 = arith.maximumf %get3A_1070, %get3A_1074 : vector<16xf32>
      %swap3A_1076 = arith.index_cast %squeeze3A_964 : i32 to index
      %swap3A_1077 = arith.constant 112 : index
      %swap3A_1078 = tpu.vector_load %arg7[%swap3A_1076, %swap3A_1077] {strides = array<i32>} : memref<272x128xf32, #tpu.memory_space<vmem>>, vector<1x16xf32>,
      %swap3A_1079 = vector.shape_cast %swap3A_1078 : vector<1x16xf32> to vector<16xf32>
      %swap3A_1080 = vector.shape_cast %max3A_1075 : vector<16xf32> to vector<1x16xf32>
      tpu.vector_store %arg7[%swap3A_1076, %swap3A_1077], %swap3A_1080 {strides = array<i32>} : memref<272x128xf32, #tpu.memory_space<vmem>>, vector<1x16xf32>,
      %slice3A_1081 = vector.extract_strided_slice %get3A_22 {offsets = [9], sizes = [1], strides = [1]} : vector<16xi32> to vector<1xi32>
      %squeeze3A_1082 = vector.extract %slice3A_1081[0] : i32 from vector<1xi32>
      %mul3A_1083 = arith.constant 16 : i32
      %mul3A_1084 = arith.muli %scan3A_17, %mul3A_1083 : i32
      %add3A_1085 = arith.constant 9 : i32
      %add3A_1086 = arith.addi %mul3A_1084, %add3A_1085 : i32
      %get3A_1087 = arith.index_cast %squeeze3A_1082 : i32 to index
      %get3A_1088 = arith.constant 0 : index
      %get3A_1089 = tpu.vector_load %arg7[%get3A_1087, %get3A_1088] {strides = array<i32>} : memref<272x128xf32, #tpu.memory_space<vmem>>, vector<1x16xf32>,
      %get3A_1090 = vector.shape_cast %get3A_1089 : vector<1x16xf32> to vector<16xf32>
      %get3A_1091 = arith.index_cast %add3A_1086 : i32 to index
      %get3A_1092 = arith.constant 0 : index
      %get3A_1093 = tpu.vector_load %arg5[%get3A_1091, %get3A_1092] {strides = array<i32>} : memref<320x128xf32, #tpu.memory_space<vmem>>, vector<1x16xf32>,
      %get3A_1094 = vector.shape_cast %get3A_1093 : vector<1x16xf32> to vector<16xf32>
      %max3A_1095 = arith.maximumf %get3A_1090, %get3A_1094 : vector<16xf32>
      %swap3A_1096 = arith.index_cast %squeeze3A_1082 : i32 to index
      %swap3A_1097 = arith.constant 0 : index
      %swap3A_1098 = tpu.vector_load %arg7[%swap3A_1096, %swap3A_1097] {strides = array<i32>} : memref<272x128xf32, #tpu.memory_space<vmem>>, vector<1x16xf32>,
      %swap3A_1099 = vector.shape_cast %swap3A_1098 : vector<1x16xf32> to vector<16xf32>
      %swap3A_1100 = vector.shape_cast %max3A_1095 : vector<16xf32> to vector<1x16xf32>
      tpu.vector_store %arg7[%swap3A_1096, %swap3A_1097], %swap3A_1100 {strides = array<i32>} : memref<272x128xf32, #tpu.memory_space<vmem>>, vector<1x16xf32>,
      %get3A_1101 = arith.index_cast %squeeze3A_1082 : i32 to index
      %get3A_1102 = arith.constant 16 : index
      %get3A_1103 = tpu.vector_load %arg7[%get3A_1101, %get3A_1102] {strides = array<i32>} : memref<272x128xf32, #tpu.memory_space<vmem>>, vector<1x16xf32>,
      %get3A_1104 = vector.shape_cast %get3A_1103 : vector<1x16xf32> to vector<16xf32>
      %get3A_1105 = arith.index_cast %add3A_1086 : i32 to index
      %get3A_1106 = arith.constant 16 : index
      %get3A_1107 = tpu.vector_load %arg5[%get3A_1105, %get3A_1106] {strides = array<i32>} : memref<320x128xf32, #tpu.memory_space<vmem>>, vector<1x16xf32>,
      %get3A_1108 = vector.shape_cast %get3A_1107 : vector<1x16xf32> to vector<16xf32>
      %max3A_1109 = arith.maximumf %get3A_1104, %get3A_1108 : vector<16xf32>
      %swap3A_1110 = arith.index_cast %squeeze3A_1082 : i32 to index
      %swap3A_1111 = arith.constant 16 : index
      %swap3A_1112 = tpu.vector_load %arg7[%swap3A_1110, %swap3A_1111] {strides = array<i32>} : memref<272x128xf32, #tpu.memory_space<vmem>>, vector<1x16xf32>,
      %swap3A_1113 = vector.shape_cast %swap3A_1112 : vector<1x16xf32> to vector<16xf32>
      %swap3A_1114 = vector.shape_cast %max3A_1109 : vector<16xf32> to vector<1x16xf32>
      tpu.vector_store %arg7[%swap3A_1110, %swap3A_1111], %swap3A_1114 {strides = array<i32>} : memref<272x128xf32, #tpu.memory_space<vmem>>, vector<1x16xf32>,
      %get3A_1115 = arith.index_cast %squeeze3A_1082 : i32 to index
      %get3A_1116 = arith.constant 32 : index
      %get3A_1117 = tpu.vector_load %arg7[%get3A_1115, %get3A_1116] {strides = array<i32>} : memref<272x128xf32, #tpu.memory_space<vmem>>, vector<1x16xf32>,
      %get3A_1118 = vector.shape_cast %get3A_1117 : vector<1x16xf32> to vector<16xf32>
      %get3A_1119 = arith.index_cast %add3A_1086 : i32 to index
      %get3A_1120 = arith.constant 32 : index
      %get3A_1121 = tpu.vector_load %arg5[%get3A_1119, %get3A_1120] {strides = array<i32>} : memref<320x128xf32, #tpu.memory_space<vmem>>, vector<1x16xf32>,
      %get3A_1122 = vector.shape_cast %get3A_1121 : vector<1x16xf32> to vector<16xf32>
      %max3A_1123 = arith.maximumf %get3A_1118, %get3A_1122 : vector<16xf32>
      %swap3A_1124 = arith.index_cast %squeeze3A_1082 : i32 to index
      %swap3A_1125 = arith.constant 32 : index
      %swap3A_1126 = tpu.vector_load %arg7[%swap3A_1124, %swap3A_1125] {strides = array<i32>} : memref<272x128xf32, #tpu.memory_space<vmem>>, vector<1x16xf32>,
      %swap3A_1127 = vector.shape_cast %swap3A_1126 : vector<1x16xf32> to vector<16xf32>
      %swap3A_1128 = vector.shape_cast %max3A_1123 : vector<16xf32> to vector<1x16xf32>
      tpu.vector_store %arg7[%swap3A_1124, %swap3A_1125], %swap3A_1128 {strides = array<i32>} : memref<272x128xf32, #tpu.memory_space<vmem>>, vector<1x16xf32>,
      %get3A_1129 = arith.index_cast %squeeze3A_1082 : i32 to index
      %get3A_1130 = arith.constant 48 : index
      %get3A_1131 = tpu.vector_load %arg7[%get3A_1129, %get3A_1130] {strides = array<i32>} : memref<272x128xf32, #tpu.memory_space<vmem>>, vector<1x16xf32>,
      %get3A_1132 = vector.shape_cast %get3A_1131 : vector<1x16xf32> to vector<16xf32>
      %get3A_1133 = arith.index_cast %add3A_1086 : i32 to index
      %get3A_1134 = arith.constant 48 : index
      %get3A_1135 = tpu.vector_load %arg5[%get3A_1133, %get3A_1134] {strides = array<i32>} : memref<320x128xf32, #tpu.memory_space<vmem>>, vector<1x16xf32>,
      %get3A_1136 = vector.shape_cast %get3A_1135 : vector<1x16xf32> to vector<16xf32>
      %max3A_1137 = arith.maximumf %get3A_1132, %get3A_1136 : vector<16xf32>
      %swap3A_1138 = arith.index_cast %squeeze3A_1082 : i32 to index
      %swap3A_1139 = arith.constant 48 : index
      %swap3A_1140 = tpu.vector_load %arg7[%swap3A_1138, %swap3A_1139] {strides = array<i32>} : memref<272x128xf32, #tpu.memory_space<vmem>>, vector<1x16xf32>,
      %swap3A_1141 = vector.shape_cast %swap3A_1140 : vector<1x16xf32> to vector<16xf32>
      %swap3A_1142 = vector.shape_cast %max3A_1137 : vector<16xf32> to vector<1x16xf32>
      tpu.vector_store %arg7[%swap3A_1138, %swap3A_1139], %swap3A_1142 {strides = array<i32>} : memref<272x128xf32, #tpu.memory_space<vmem>>, vector<1x16xf32>,
      %get3A_1143 = arith.index_cast %squeeze3A_1082 : i32 to index
      %get3A_1144 = arith.constant 64 : index
      %get3A_1145 = tpu.vector_load %arg7[%get3A_1143, %get3A_1144] {strides = array<i32>} : memref<272x128xf32, #tpu.memory_space<vmem>>, vector<1x16xf32>,
      %get3A_1146 = vector.shape_cast %get3A_1145 : vector<1x16xf32> to vector<16xf32>
      %get3A_1147 = arith.index_cast %add3A_1086 : i32 to index
      %get3A_1148 = arith.constant 64 : index
      %get3A_1149 = tpu.vector_load %arg5[%get3A_1147, %get3A_1148] {strides = array<i32>} : memref<320x128xf32, #tpu.memory_space<vmem>>, vector<1x16xf32>,
      %get3A_1150 = vector.shape_cast %get3A_1149 : vector<1x16xf32> to vector<16xf32>
      %max3A_1151 = arith.maximumf %get3A_1146, %get3A_1150 : vector<16xf32>
      %swap3A_1152 = arith.index_cast %squeeze3A_1082 : i32 to index
      %swap3A_1153 = arith.constant 64 : index
      %swap3A_1154 = tpu.vector_load %arg7[%swap3A_1152, %swap3A_1153] {strides = array<i32>} : memref<272x128xf32, #tpu.memory_space<vmem>>, vector<1x16xf32>,
      %swap3A_1155 = vector.shape_cast %swap3A_1154 : vector<1x16xf32> to vector<16xf32>
      %swap3A_1156 = vector.shape_cast %max3A_1151 : vector<16xf32> to vector<1x16xf32>
      tpu.vector_store %arg7[%swap3A_1152, %swap3A_1153], %swap3A_1156 {strides = array<i32>} : memref<272x128xf32, #tpu.memory_space<vmem>>, vector<1x16xf32>,
      %get3A_1157 = arith.index_cast %squeeze3A_1082 : i32 to index
      %get3A_1158 = arith.constant 80 : index
      %get3A_1159 = tpu.vector_load %arg7[%get3A_1157, %get3A_1158] {strides = array<i32>} : memref<272x128xf32, #tpu.memory_space<vmem>>, vector<1x16xf32>,
      %get3A_1160 = vector.shape_cast %get3A_1159 : vector<1x16xf32> to vector<16xf32>
      %get3A_1161 = arith.index_cast %add3A_1086 : i32 to index
      %get3A_1162 = arith.constant 80 : index
      %get3A_1163 = tpu.vector_load %arg5[%get3A_1161, %get3A_1162] {strides = array<i32>} : memref<320x128xf32, #tpu.memory_space<vmem>>, vector<1x16xf32>,
      %get3A_1164 = vector.shape_cast %get3A_1163 : vector<1x16xf32> to vector<16xf32>
      %max3A_1165 = arith.maximumf %get3A_1160, %get3A_1164 : vector<16xf32>
      %swap3A_1166 = arith.index_cast %squeeze3A_1082 : i32 to index
      %swap3A_1167 = arith.constant 80 : index
      %swap3A_1168 = tpu.vector_load %arg7[%swap3A_1166, %swap3A_1167] {strides = array<i32>} : memref<272x128xf32, #tpu.memory_space<vmem>>, vector<1x16xf32>,
      %swap3A_1169 = vector.shape_cast %swap3A_1168 : vector<1x16xf32> to vector<16xf32>
      %swap3A_1170 = vector.shape_cast %max3A_1165 : vector<16xf32> to vector<1x16xf32>
      tpu.vector_store %arg7[%swap3A_1166, %swap3A_1167], %swap3A_1170 {strides = array<i32>} : memref<272x128xf32, #tpu.memory_space<vmem>>, vector<1x16xf32>,
      %get3A_1171 = arith.index_cast %squeeze3A_1082 : i32 to index
      %get3A_1172 = arith.constant 96 : index
      %get3A_1173 = tpu.vector_load %arg7[%get3A_1171, %get3A_1172] {strides = array<i32>} : memref<272x128xf32, #tpu.memory_space<vmem>>, vector<1x16xf32>,
      %get3A_1174 = vector.shape_cast %get3A_1173 : vector<1x16xf32> to vector<16xf32>
      %get3A_1175 = arith.index_cast %add3A_1086 : i32 to index
      %get3A_1176 = arith.constant 96 : index
      %get3A_1177 = tpu.vector_load %arg5[%get3A_1175, %get3A_1176] {strides = array<i32>} : memref<320x128xf32, #tpu.memory_space<vmem>>, vector<1x16xf32>,
      %get3A_1178 = vector.shape_cast %get3A_1177 : vector<1x16xf32> to vector<16xf32>
      %max3A_1179 = arith.maximumf %get3A_1174, %get3A_1178 : vector<16xf32>
      %swap3A_1180 = arith.index_cast %squeeze3A_1082 : i32 to index
      %swap3A_1181 = arith.constant 96 : index
      %swap3A_1182 = tpu.vector_load %arg7[%swap3A_1180, %swap3A_1181] {strides = array<i32>} : memref<272x128xf32, #tpu.memory_space<vmem>>, vector<1x16xf32>,
      %swap3A_1183 = vector.shape_cast %swap3A_1182 : vector<1x16xf32> to vector<16xf32>
      %swap3A_1184 = vector.shape_cast %max3A_1179 : vector<16xf32> to vector<1x16xf32>
      tpu.vector_store %arg7[%swap3A_1180, %swap3A_1181], %swap3A_1184 {strides = array<i32>} : memref<272x128xf32, #tpu.memory_space<vmem>>, vector<1x16xf32>,
      %get3A_1185 = arith.index_cast %squeeze3A_1082 : i32 to index
      %get3A_1186 = arith.constant 112 : index
      %get3A_1187 = tpu.vector_load %arg7[%get3A_1185, %get3A_1186] {strides = array<i32>} : memref<272x128xf32, #tpu.memory_space<vmem>>, vector<1x16xf32>,
      %get3A_1188 = vector.shape_cast %get3A_1187 : vector<1x16xf32> to vector<16xf32>
      %get3A_1189 = arith.index_cast %add3A_1086 : i32 to index
      %get3A_1190 = arith.constant 112 : index
      %get3A_1191 = tpu.vector_load %arg5[%get3A_1189, %get3A_1190] {strides = array<i32>} : memref<320x128xf32, #tpu.memory_space<vmem>>, vector<1x16xf32>,
      %get3A_1192 = vector.shape_cast %get3A_1191 : vector<1x16xf32> to vector<16xf32>
      %max3A_1193 = arith.maximumf %get3A_1188, %get3A_1192 : vector<16xf32>
      %swap3A_1194 = arith.index_cast %squeeze3A_1082 : i32 to index
      %swap3A_1195 = arith.constant 112 : index
      %swap3A_1196 = tpu.vector_load %arg7[%swap3A_1194, %swap3A_1195] {strides = array<i32>} : memref<272x128xf32, #tpu.memory_space<vmem>>, vector<1x16xf32>,
      %swap3A_1197 = vector.shape_cast %swap3A_1196 : vector<1x16xf32> to vector<16xf32>
      %swap3A_1198 = vector.shape_cast %max3A_1193 : vector<16xf32> to vector<1x16xf32>
      tpu.vector_store %arg7[%swap3A_1194, %swap3A_1195], %swap3A_1198 {strides = array<i32>} : memref<272x128xf32, #tpu.memory_space<vmem>>, vector<1x16xf32>,
      %slice3A_1199 = vector.extract_strided_slice %get3A_22 {offsets = [10], sizes = [1], strides = [1]} : vector<16xi32> to vector<1xi32>
      %squeeze3A_1200 = vector.extract %slice3A_1199[0] : i32 from vector<1xi32>
      %mul3A_1201 = arith.constant 16 : i32
      %mul3A_1202 = arith.muli %scan3A_17, %mul3A_1201 : i32
      %add3A_1203 = arith.constant 10 : i32
      %add3A_1204 = arith.addi %mul3A_1202, %add3A_1203 : i32
      %get3A_1205 = arith.index_cast %squeeze3A_1200 : i32 to index
      %get3A_1206 = arith.constant 0 : index
      %get3A_1207 = tpu.vector_load %arg7[%get3A_1205, %get3A_1206] {strides = array<i32>} : memref<272x128xf32, #tpu.memory_space<vmem>>, vector<1x16xf32>,
      %get3A_1208 = vector.shape_cast %get3A_1207 : vector<1x16xf32> to vector<16xf32>
      %get3A_1209 = arith.index_cast %add3A_1204 : i32 to index
      %get3A_1210 = arith.constant 0 : index
      %get3A_1211 = tpu.vector_load %arg5[%get3A_1209, %get3A_1210] {strides = array<i32>} : memref<320x128xf32, #tpu.memory_space<vmem>>, vector<1x16xf32>,
      %get3A_1212 = vector.shape_cast %get3A_1211 : vector<1x16xf32> to vector<16xf32>
      %max3A_1213 = arith.maximumf %get3A_1208, %get3A_1212 : vector<16xf32>
      %swap3A_1214 = arith.index_cast %squeeze3A_1200 : i32 to index
      %swap3A_1215 = arith.constant 0 : index
      %swap3A_1216 = tpu.vector_load %arg7[%swap3A_1214, %swap3A_1215] {strides = array<i32>} : memref<272x128xf32, #tpu.memory_space<vmem>>, vector<1x16xf32>,
      %swap3A_1217 = vector.shape_cast %swap3A_1216 : vector<1x16xf32> to vector<16xf32>
      %swap3A_1218 = vector.shape_cast %max3A_1213 : vector<16xf32> to vector<1x16xf32>
      tpu.vector_store %arg7[%swap3A_1214, %swap3A_1215], %swap3A_1218 {strides = array<i32>} : memref<272x128xf32, #tpu.memory_space<vmem>>, vector<1x16xf32>,
      %get3A_1219 = arith.index_cast %squeeze3A_1200 : i32 to index
      %get3A_1220 = arith.constant 16 : index
      %get3A_1221 = tpu.vector_load %arg7[%get3A_1219, %get3A_1220] {strides = array<i32>} : memref<272x128xf32, #tpu.memory_space<vmem>>, vector<1x16xf32>,
      %get3A_1222 = vector.shape_cast %get3A_1221 : vector<1x16xf32> to vector<16xf32>
      %get3A_1223 = arith.index_cast %add3A_1204 : i32 to index
      %get3A_1224 = arith.constant 16 : index
      %get3A_1225 = tpu.vector_load %arg5[%get3A_1223, %get3A_1224] {strides = array<i32>} : memref<320x128xf32, #tpu.memory_space<vmem>>, vector<1x16xf32>,
      %get3A_1226 = vector.shape_cast %get3A_1225 : vector<1x16xf32> to vector<16xf32>
      %max3A_1227 = arith.maximumf %get3A_1222, %get3A_1226 : vector<16xf32>
      %swap3A_1228 = arith.index_cast %squeeze3A_1200 : i32 to index
      %swap3A_1229 = arith.constant 16 : index
      %swap3A_1230 = tpu.vector_load %arg7[%swap3A_1228, %swap3A_1229] {strides = array<i32>} : memref<272x128xf32, #tpu.memory_space<vmem>>, vector<1x16xf32>,
      %swap3A_1231 = vector.shape_cast %swap3A_1230 : vector<1x16xf32> to vector<16xf32>
      %swap3A_1232 = vector.shape_cast %max3A_1227 : vector<16xf32> to vector<1x16xf32>
      tpu.vector_store %arg7[%swap3A_1228, %swap3A_1229], %swap3A_1232 {strides = array<i32>} : memref<272x128xf32, #tpu.memory_space<vmem>>, vector<1x16xf32>,
      %get3A_1233 = arith.index_cast %squeeze3A_1200 : i32 to index
      %get3A_1234 = arith.constant 32 : index
      %get3A_1235 = tpu.vector_load %arg7[%get3A_1233, %get3A_1234] {strides = array<i32>} : memref<272x128xf32, #tpu.memory_space<vmem>>, vector<1x16xf32>,
      %get3A_1236 = vector.shape_cast %get3A_1235 : vector<1x16xf32> to vector<16xf32>
      %get3A_1237 = arith.index_cast %add3A_1204 : i32 to index
      %get3A_1238 = arith.constant 32 : index
      %get3A_1239 = tpu.vector_load %arg5[%get3A_1237, %get3A_1238] {strides = array<i32>} : memref<320x128xf32, #tpu.memory_space<vmem>>, vector<1x16xf32>,
      %get3A_1240 = vector.shape_cast %get3A_1239 : vector<1x16xf32> to vector<16xf32>
      %max3A_1241 = arith.maximumf %get3A_1236, %get3A_1240 : vector<16xf32>
      %swap3A_1242 = arith.index_cast %squeeze3A_1200 : i32 to index
      %swap3A_1243 = arith.constant 32 : index
      %swap3A_1244 = tpu.vector_load %arg7[%swap3A_1242, %swap3A_1243] {strides = array<i32>} : memref<272x128xf32, #tpu.memory_space<vmem>>, vector<1x16xf32>,
      %swap3A_1245 = vector.shape_cast %swap3A_1244 : vector<1x16xf32> to vector<16xf32>
      %swap3A_1246 = vector.shape_cast %max3A_1241 : vector<16xf32> to vector<1x16xf32>
      tpu.vector_store %arg7[%swap3A_1242, %swap3A_1243], %swap3A_1246 {strides = array<i32>} : memref<272x128xf32, #tpu.memory_space<vmem>>, vector<1x16xf32>,
      %get3A_1247 = arith.index_cast %squeeze3A_1200 : i32 to index
      %get3A_1248 = arith.constant 48 : index
      %get3A_1249 = tpu.vector_load %arg7[%get3A_1247, %get3A_1248] {strides = array<i32>} : memref<272x128xf32, #tpu.memory_space<vmem>>, vector<1x16xf32>,
      %get3A_1250 = vector.shape_cast %get3A_1249 : vector<1x16xf32> to vector<16xf32>
      %get3A_1251 = arith.index_cast %add3A_1204 : i32 to index
      %get3A_1252 = arith.constant 48 : index
      %get3A_1253 = tpu.vector_load %arg5[%get3A_1251, %get3A_1252] {strides = array<i32>} : memref<320x128xf32, #tpu.memory_space<vmem>>, vector<1x16xf32>,
      %get3A_1254 = vector.shape_cast %get3A_1253 : vector<1x16xf32> to vector<16xf32>
      %max3A_1255 = arith.maximumf %get3A_1250, %get3A_1254 : vector<16xf32>
      %swap3A_1256 = arith.index_cast %squeeze3A_1200 : i32 to index
      %swap3A_1257 = arith.constant 48 : index
      %swap3A_1258 = tpu.vector_load %arg7[%swap3A_1256, %swap3A_1257] {strides = array<i32>} : memref<272x128xf32, #tpu.memory_space<vmem>>, vector<1x16xf32>,
      %swap3A_1259 = vector.shape_cast %swap3A_1258 : vector<1x16xf32> to vector<16xf32>
      %swap3A_1260 = vector.shape_cast %max3A_1255 : vector<16xf32> to vector<1x16xf32>
      tpu.vector_store %arg7[%swap3A_1256, %swap3A_1257], %swap3A_1260 {strides = array<i32>} : memref<272x128xf32, #tpu.memory_space<vmem>>, vector<1x16xf32>,
      %get3A_1261 = arith.index_cast %squeeze3A_1200 : i32 to index
      %get3A_1262 = arith.constant 64 : index
      %get3A_1263 = tpu.vector_load %arg7[%get3A_1261, %get3A_1262] {strides = array<i32>} : memref<272x128xf32, #tpu.memory_space<vmem>>, vector<1x16xf32>,
      %get3A_1264 = vector.shape_cast %get3A_1263 : vector<1x16xf32> to vector<16xf32>
      %get3A_1265 = arith.index_cast %add3A_1204 : i32 to index
      %get3A_1266 = arith.constant 64 : index
      %get3A_1267 = tpu.vector_load %arg5[%get3A_1265, %get3A_1266] {strides = array<i32>} : memref<320x128xf32, #tpu.memory_space<vmem>>, vector<1x16xf32>,
      %get3A_1268 = vector.shape_cast %get3A_1267 : vector<1x16xf32> to vector<16xf32>
      %max3A_1269 = arith.maximumf %get3A_1264, %get3A_1268 : vector<16xf32>
      %swap3A_1270 = arith.index_cast %squeeze3A_1200 : i32 to index
      %swap3A_1271 = arith.constant 64 : index
      %swap3A_1272 = tpu.vector_load %arg7[%swap3A_1270, %swap3A_1271] {strides = array<i32>} : memref<272x128xf32, #tpu.memory_space<vmem>>, vector<1x16xf32>,
      %swap3A_1273 = vector.shape_cast %swap3A_1272 : vector<1x16xf32> to vector<16xf32>
      %swap3A_1274 = vector.shape_cast %max3A_1269 : vector<16xf32> to vector<1x16xf32>
      tpu.vector_store %arg7[%swap3A_1270, %swap3A_1271], %swap3A_1274 {strides = array<i32>} : memref<272x128xf32, #tpu.memory_space<vmem>>, vector<1x16xf32>,
      %get3A_1275 = arith.index_cast %squeeze3A_1200 : i32 to index
      %get3A_1276 = arith.constant 80 : index
      %get3A_1277 = tpu.vector_load %arg7[%get3A_1275, %get3A_1276] {strides = array<i32>} : memref<272x128xf32, #tpu.memory_space<vmem>>, vector<1x16xf32>,
      %get3A_1278 = vector.shape_cast %get3A_1277 : vector<1x16xf32> to vector<16xf32>
      %get3A_1279 = arith.index_cast %add3A_1204 : i32 to index
      %get3A_1280 = arith.constant 80 : index
      %get3A_1281 = tpu.vector_load %arg5[%get3A_1279, %get3A_1280] {strides = array<i32>} : memref<320x128xf32, #tpu.memory_space<vmem>>, vector<1x16xf32>,
      %get3A_1282 = vector.shape_cast %get3A_1281 : vector<1x16xf32> to vector<16xf32>
      %max3A_1283 = arith.maximumf %get3A_1278, %get3A_1282 : vector<16xf32>
      %swap3A_1284 = arith.index_cast %squeeze3A_1200 : i32 to index
      %swap3A_1285 = arith.constant 80 : index
      %swap3A_1286 = tpu.vector_load %arg7[%swap3A_1284, %swap3A_1285] {strides = array<i32>} : memref<272x128xf32, #tpu.memory_space<vmem>>, vector<1x16xf32>,
      %swap3A_1287 = vector.shape_cast %swap3A_1286 : vector<1x16xf32> to vector<16xf32>
      %swap3A_1288 = vector.shape_cast %max3A_1283 : vector<16xf32> to vector<1x16xf32>
      tpu.vector_store %arg7[%swap3A_1284, %swap3A_1285], %swap3A_1288 {strides = array<i32>} : memref<272x128xf32, #tpu.memory_space<vmem>>, vector<1x16xf32>,
      %get3A_1289 = arith.index_cast %squeeze3A_1200 : i32 to index
      %get3A_1290 = arith.constant 96 : index
      %get3A_1291 = tpu.vector_load %arg7[%get3A_1289, %get3A_1290] {strides = array<i32>} : memref<272x128xf32, #tpu.memory_space<vmem>>, vector<1x16xf32>,
      %get3A_1292 = vector.shape_cast %get3A_1291 : vector<1x16xf32> to vector<16xf32>
      %get3A_1293 = arith.index_cast %add3A_1204 : i32 to index
      %get3A_1294 = arith.constant 96 : index
      %get3A_1295 = tpu.vector_load %arg5[%get3A_1293, %get3A_1294] {strides = array<i32>} : memref<320x128xf32, #tpu.memory_space<vmem>>, vector<1x16xf32>,
      %get3A_1296 = vector.shape_cast %get3A_1295 : vector<1x16xf32> to vector<16xf32>
      %max3A_1297 = arith.maximumf %get3A_1292, %get3A_1296 : vector<16xf32>
      %swap3A_1298 = arith.index_cast %squeeze3A_1200 : i32 to index
      %swap3A_1299 = arith.constant 96 : index
      %swap3A_1300 = tpu.vector_load %arg7[%swap3A_1298, %swap3A_1299] {strides = array<i32>} : memref<272x128xf32, #tpu.memory_space<vmem>>, vector<1x16xf32>,
      %swap3A_1301 = vector.shape_cast %swap3A_1300 : vector<1x16xf32> to vector<16xf32>
      %swap3A_1302 = vector.shape_cast %max3A_1297 : vector<16xf32> to vector<1x16xf32>
      tpu.vector_store %arg7[%swap3A_1298, %swap3A_1299], %swap3A_1302 {strides = array<i32>} : memref<272x128xf32, #tpu.memory_space<vmem>>, vector<1x16xf32>,
      %get3A_1303 = arith.index_cast %squeeze3A_1200 : i32 to index
      %get3A_1304 = arith.constant 112 : index
      %get3A_1305 = tpu.vector_load %arg7[%get3A_1303, %get3A_1304] {strides = array<i32>} : memref<272x128xf32, #tpu.memory_space<vmem>>, vector<1x16xf32>,
      %get3A_1306 = vector.shape_cast %get3A_1305 : vector<1x16xf32> to vector<16xf32>
      %get3A_1307 = arith.index_cast %add3A_1204 : i32 to index
      %get3A_1308 = arith.constant 112 : index
      %get3A_1309 = tpu.vector_load %arg5[%get3A_1307, %get3A_1308] {strides = array<i32>} : memref<320x128xf32, #tpu.memory_space<vmem>>, vector<1x16xf32>,
      %get3A_1310 = vector.shape_cast %get3A_1309 : vector<1x16xf32> to vector<16xf32>
      %max3A_1311 = arith.maximumf %get3A_1306, %get3A_1310 : vector<16xf32>
      %swap3A_1312 = arith.index_cast %squeeze3A_1200 : i32 to index
      %swap3A_1313 = arith.constant 112 : index
      %swap3A_1314 = tpu.vector_load %arg7[%swap3A_1312, %swap3A_1313] {strides = array<i32>} : memref<272x128xf32, #tpu.memory_space<vmem>>, vector<1x16xf32>,
      %swap3A_1315 = vector.shape_cast %swap3A_1314 : vector<1x16xf32> to vector<16xf32>
      %swap3A_1316 = vector.shape_cast %max3A_1311 : vector<16xf32> to vector<1x16xf32>
      tpu.vector_store %arg7[%swap3A_1312, %swap3A_1313], %swap3A_1316 {strides = array<i32>} : memref<272x128xf32, #tpu.memory_space<vmem>>, vector<1x16xf32>,
      %slice3A_1317 = vector.extract_strided_slice %get3A_22 {offsets = [11], sizes = [1], strides = [1]} : vector<16xi32> to vector<1xi32>
      %squeeze3A_1318 = vector.extract %slice3A_1317[0] : i32 from vector<1xi32>
      %mul3A_1319 = arith.constant 16 : i32
      %mul3A_1320 = arith.muli %scan3A_17, %mul3A_1319 : i32
      %add3A_1321 = arith.constant 11 : i32
      %add3A_1322 = arith.addi %mul3A_1320, %add3A_1321 : i32
      %get3A_1323 = arith.index_cast %squeeze3A_1318 : i32 to index
      %get3A_1324 = arith.constant 0 : index
      %get3A_1325 = tpu.vector_load %arg7[%get3A_1323, %get3A_1324] {strides = array<i32>} : memref<272x128xf32, #tpu.memory_space<vmem>>, vector<1x16xf32>,
      %get3A_1326 = vector.shape_cast %get3A_1325 : vector<1x16xf32> to vector<16xf32>
      %get3A_1327 = arith.index_cast %add3A_1322 : i32 to index
      %get3A_1328 = arith.constant 0 : index
      %get3A_1329 = tpu.vector_load %arg5[%get3A_1327, %get3A_1328] {strides = array<i32>} : memref<320x128xf32, #tpu.memory_space<vmem>>, vector<1x16xf32>,
      %get3A_1330 = vector.shape_cast %get3A_1329 : vector<1x16xf32> to vector<16xf32>
      %max3A_1331 = arith.maximumf %get3A_1326, %get3A_1330 : vector<16xf32>
      %swap3A_1332 = arith.index_cast %squeeze3A_1318 : i32 to index
      %swap3A_1333 = arith.constant 0 : index
      %swap3A_1334 = tpu.vector_load %arg7[%swap3A_1332, %swap3A_1333] {strides = array<i32>} : memref<272x128xf32, #tpu.memory_space<vmem>>, vector<1x16xf32>,
      %swap3A_1335 = vector.shape_cast %swap3A_1334 : vector<1x16xf32> to vector<16xf32>
      %swap3A_1336 = vector.shape_cast %max3A_1331 : vector<16xf32> to vector<1x16xf32>
      tpu.vector_store %arg7[%swap3A_1332, %swap3A_1333], %swap3A_1336 {strides = array<i32>} : memref<272x128xf32, #tpu.memory_space<vmem>>, vector<1x16xf32>,
      %get3A_1337 = arith.index_cast %squeeze3A_1318 : i32 to index
      %get3A_1338 = arith.constant 16 : index
      %get3A_1339 = tpu.vector_load %arg7[%get3A_1337, %get3A_1338] {strides = array<i32>} : memref<272x128xf32, #tpu.memory_space<vmem>>, vector<1x16xf32>,
      %get3A_1340 = vector.shape_cast %get3A_1339 : vector<1x16xf32> to vector<16xf32>
      %get3A_1341 = arith.index_cast %add3A_1322 : i32 to index
      %get3A_1342 = arith.constant 16 : index
      %get3A_1343 = tpu.vector_load %arg5[%get3A_1341, %get3A_1342] {strides = array<i32>} : memref<320x128xf32, #tpu.memory_space<vmem>>, vector<1x16xf32>,
      %get3A_1344 = vector.shape_cast %get3A_1343 : vector<1x16xf32> to vector<16xf32>
      %max3A_1345 = arith.maximumf %get3A_1340, %get3A_1344 : vector<16xf32>
      %swap3A_1346 = arith.index_cast %squeeze3A_1318 : i32 to index
      %swap3A_1347 = arith.constant 16 : index
      %swap3A_1348 = tpu.vector_load %arg7[%swap3A_1346, %swap3A_1347] {strides = array<i32>} : memref<272x128xf32, #tpu.memory_space<vmem>>, vector<1x16xf32>,
      %swap3A_1349 = vector.shape_cast %swap3A_1348 : vector<1x16xf32> to vector<16xf32>
      %swap3A_1350 = vector.shape_cast %max3A_1345 : vector<16xf32> to vector<1x16xf32>
      tpu.vector_store %arg7[%swap3A_1346, %swap3A_1347], %swap3A_1350 {strides = array<i32>} : memref<272x128xf32, #tpu.memory_space<vmem>>, vector<1x16xf32>,
      %get3A_1351 = arith.index_cast %squeeze3A_1318 : i32 to index
      %get3A_1352 = arith.constant 32 : index
      %get3A_1353 = tpu.vector_load %arg7[%get3A_1351, %get3A_1352] {strides = array<i32>} : memref<272x128xf32, #tpu.memory_space<vmem>>, vector<1x16xf32>,
      %get3A_1354 = vector.shape_cast %get3A_1353 : vector<1x16xf32> to vector<16xf32>
      %get3A_1355 = arith.index_cast %add3A_1322 : i32 to index
      %get3A_1356 = arith.constant 32 : index
      %get3A_1357 = tpu.vector_load %arg5[%get3A_1355, %get3A_1356] {strides = array<i32>} : memref<320x128xf32, #tpu.memory_space<vmem>>, vector<1x16xf32>,
      %get3A_1358 = vector.shape_cast %get3A_1357 : vector<1x16xf32> to vector<16xf32>
      %max3A_1359 = arith.maximumf %get3A_1354, %get3A_1358 : vector<16xf32>
      %swap3A_1360 = arith.index_cast %squeeze3A_1318 : i32 to index
      %swap3A_1361 = arith.constant 32 : index
      %swap3A_1362 = tpu.vector_load %arg7[%swap3A_1360, %swap3A_1361] {strides = array<i32>} : memref<272x128xf32, #tpu.memory_space<vmem>>, vector<1x16xf32>,
      %swap3A_1363 = vector.shape_cast %swap3A_1362 : vector<1x16xf32> to vector<16xf32>
      %swap3A_1364 = vector.shape_cast %max3A_1359 : vector<16xf32> to vector<1x16xf32>
      tpu.vector_store %arg7[%swap3A_1360, %swap3A_1361], %swap3A_1364 {strides = array<i32>} : memref<272x128xf32, #tpu.memory_space<vmem>>, vector<1x16xf32>,
      %get3A_1365 = arith.index_cast %squeeze3A_1318 : i32 to index
      %get3A_1366 = arith.constant 48 : index
      %get3A_1367 = tpu.vector_load %arg7[%get3A_1365, %get3A_1366] {strides = array<i32>} : memref<272x128xf32, #tpu.memory_space<vmem>>, vector<1x16xf32>,
      %get3A_1368 = vector.shape_cast %get3A_1367 : vector<1x16xf32> to vector<16xf32>
      %get3A_1369 = arith.index_cast %add3A_1322 : i32 to index
      %get3A_1370 = arith.constant 48 : index
      %get3A_1371 = tpu.vector_load %arg5[%get3A_1369, %get3A_1370] {strides = array<i32>} : memref<320x128xf32, #tpu.memory_space<vmem>>, vector<1x16xf32>,
      %get3A_1372 = vector.shape_cast %get3A_1371 : vector<1x16xf32> to vector<16xf32>
      %max3A_1373 = arith.maximumf %get3A_1368, %get3A_1372 : vector<16xf32>
      %swap3A_1374 = arith.index_cast %squeeze3A_1318 : i32 to index
      %swap3A_1375 = arith.constant 48 : index
      %swap3A_1376 = tpu.vector_load %arg7[%swap3A_1374, %swap3A_1375] {strides = array<i32>} : memref<272x128xf32, #tpu.memory_space<vmem>>, vector<1x16xf32>,
      %swap3A_1377 = vector.shape_cast %swap3A_1376 : vector<1x16xf32> to vector<16xf32>
      %swap3A_1378 = vector.shape_cast %max3A_1373 : vector<16xf32> to vector<1x16xf32>
      tpu.vector_store %arg7[%swap3A_1374, %swap3A_1375], %swap3A_1378 {strides = array<i32>} : memref<272x128xf32, #tpu.memory_space<vmem>>, vector<1x16xf32>,
      %get3A_1379 = arith.index_cast %squeeze3A_1318 : i32 to index
      %get3A_1380 = arith.constant 64 : index
      %get3A_1381 = tpu.vector_load %arg7[%get3A_1379, %get3A_1380] {strides = array<i32>} : memref<272x128xf32, #tpu.memory_space<vmem>>, vector<1x16xf32>,
      %get3A_1382 = vector.shape_cast %get3A_1381 : vector<1x16xf32> to vector<16xf32>
      %get3A_1383 = arith.index_cast %add3A_1322 : i32 to index
      %get3A_1384 = arith.constant 64 : index
      %get3A_1385 = tpu.vector_load %arg5[%get3A_1383, %get3A_1384] {strides = array<i32>} : memref<320x128xf32, #tpu.memory_space<vmem>>, vector<1x16xf32>,
      %get3A_1386 = vector.shape_cast %get3A_1385 : vector<1x16xf32> to vector<16xf32>
      %max3A_1387 = arith.maximumf %get3A_1382, %get3A_1386 : vector<16xf32>
      %swap3A_1388 = arith.index_cast %squeeze3A_1318 : i32 to index
      %swap3A_1389 = arith.constant 64 : index
      %swap3A_1390 = tpu.vector_load %arg7[%swap3A_1388, %swap3A_1389] {strides = array<i32>} : memref<272x128xf32, #tpu.memory_space<vmem>>, vector<1x16xf32>,
      %swap3A_1391 = vector.shape_cast %swap3A_1390 : vector<1x16xf32> to vector<16xf32>
      %swap3A_1392 = vector.shape_cast %max3A_1387 : vector<16xf32> to vector<1x16xf32>
      tpu.vector_store %arg7[%swap3A_1388, %swap3A_1389], %swap3A_1392 {strides = array<i32>} : memref<272x128xf32, #tpu.memory_space<vmem>>, vector<1x16xf32>,
      %get3A_1393 = arith.index_cast %squeeze3A_1318 : i32 to index
      %get3A_1394 = arith.constant 80 : index
      %get3A_1395 = tpu.vector_load %arg7[%get3A_1393, %get3A_1394] {strides = array<i32>} : memref<272x128xf32, #tpu.memory_space<vmem>>, vector<1x16xf32>,
      %get3A_1396 = vector.shape_cast %get3A_1395 : vector<1x16xf32> to vector<16xf32>
      %get3A_1397 = arith.index_cast %add3A_1322 : i32 to index
      %get3A_1398 = arith.constant 80 : index
      %get3A_1399 = tpu.vector_load %arg5[%get3A_1397, %get3A_1398] {strides = array<i32>} : memref<320x128xf32, #tpu.memory_space<vmem>>, vector<1x16xf32>,
      %get3A_1400 = vector.shape_cast %get3A_1399 : vector<1x16xf32> to vector<16xf32>
      %max3A_1401 = arith.maximumf %get3A_1396, %get3A_1400 : vector<16xf32>
      %swap3A_1402 = arith.index_cast %squeeze3A_1318 : i32 to index
      %swap3A_1403 = arith.constant 80 : index
      %swap3A_1404 = tpu.vector_load %arg7[%swap3A_1402, %swap3A_1403] {strides = array<i32>} : memref<272x128xf32, #tpu.memory_space<vmem>>, vector<1x16xf32>,
      %swap3A_1405 = vector.shape_cast %swap3A_1404 : vector<1x16xf32> to vector<16xf32>
      %swap3A_1406 = vector.shape_cast %max3A_1401 : vector<16xf32> to vector<1x16xf32>
      tpu.vector_store %arg7[%swap3A_1402, %swap3A_1403], %swap3A_1406 {strides = array<i32>} : memref<272x128xf32, #tpu.memory_space<vmem>>, vector<1x16xf32>,
      %get3A_1407 = arith.index_cast %squeeze3A_1318 : i32 to index
      %get3A_1408 = arith.constant 96 : index
      %get3A_1409 = tpu.vector_load %arg7[%get3A_1407, %get3A_1408] {strides = array<i32>} : memref<272x128xf32, #tpu.memory_space<vmem>>, vector<1x16xf32>,
      %get3A_1410 = vector.shape_cast %get3A_1409 : vector<1x16xf32> to vector<16xf32>
      %get3A_1411 = arith.index_cast %add3A_1322 : i32 to index
      %get3A_1412 = arith.constant 96 : index
      %get3A_1413 = tpu.vector_load %arg5[%get3A_1411, %get3A_1412] {strides = array<i32>} : memref<320x128xf32, #tpu.memory_space<vmem>>, vector<1x16xf32>,
      %get3A_1414 = vector.shape_cast %get3A_1413 : vector<1x16xf32> to vector<16xf32>
      %max3A_1415 = arith.maximumf %get3A_1410, %get3A_1414 : vector<16xf32>
      %swap3A_1416 = arith.index_cast %squeeze3A_1318 : i32 to index
      %swap3A_1417 = arith.constant 96 : index
      %swap3A_1418 = tpu.vector_load %arg7[%swap3A_1416, %swap3A_1417] {strides = array<i32>} : memref<272x128xf32, #tpu.memory_space<vmem>>, vector<1x16xf32>,
      %swap3A_1419 = vector.shape_cast %swap3A_1418 : vector<1x16xf32> to vector<16xf32>
      %swap3A_1420 = vector.shape_cast %max3A_1415 : vector<16xf32> to vector<1x16xf32>
      tpu.vector_store %arg7[%swap3A_1416, %swap3A_1417], %swap3A_1420 {strides = array<i32>} : memref<272x128xf32, #tpu.memory_space<vmem>>, vector<1x16xf32>,
      %get3A_1421 = arith.index_cast %squeeze3A_1318 : i32 to index
      %get3A_1422 = arith.constant 112 : index
      %get3A_1423 = tpu.vector_load %arg7[%get3A_1421, %get3A_1422] {strides = array<i32>} : memref<272x128xf32, #tpu.memory_space<vmem>>, vector<1x16xf32>,
      %get3A_1424 = vector.shape_cast %get3A_1423 : vector<1x16xf32> to vector<16xf32>
      %get3A_1425 = arith.index_cast %add3A_1322 : i32 to index
      %get3A_1426 = arith.constant 112 : index
      %get3A_1427 = tpu.vector_load %arg5[%get3A_1425, %get3A_1426] {strides = array<i32>} : memref<320x128xf32, #tpu.memory_space<vmem>>, vector<1x16xf32>,
      %get3A_1428 = vector.shape_cast %get3A_1427 : vector<1x16xf32> to vector<16xf32>
      %max3A_1429 = arith.maximumf %get3A_1424, %get3A_1428 : vector<16xf32>
      %swap3A_1430 = arith.index_cast %squeeze3A_1318 : i32 to index
      %swap3A_1431 = arith.constant 112 : index
      %swap3A_1432 = tpu.vector_load %arg7[%swap3A_1430, %swap3A_1431] {strides = array<i32>} : memref<272x128xf32, #tpu.memory_space<vmem>>, vector<1x16xf32>,
      %swap3A_1433 = vector.shape_cast %swap3A_1432 : vector<1x16xf32> to vector<16xf32>
      %swap3A_1434 = vector.shape_cast %max3A_1429 : vector<16xf32> to vector<1x16xf32>
      tpu.vector_store %arg7[%swap3A_1430, %swap3A_1431], %swap3A_1434 {strides = array<i32>} : memref<272x128xf32, #tpu.memory_space<vmem>>, vector<1x16xf32>,
      %slice3A_1435 = vector.extract_strided_slice %get3A_22 {offsets = [12], sizes = [1], strides = [1]} : vector<16xi32> to vector<1xi32>
      %squeeze3A_1436 = vector.extract %slice3A_1435[0] : i32 from vector<1xi32>
      %mul3A_1437 = arith.constant 16 : i32
      %mul3A_1438 = arith.muli %scan3A_17, %mul3A_1437 : i32
      %add3A_1439 = arith.constant 12 : i32
      %add3A_1440 = arith.addi %mul3A_1438, %add3A_1439 : i32
      %get3A_1441 = arith.index_cast %squeeze3A_1436 : i32 to index
      %get3A_1442 = arith.constant 0 : index
      %get3A_1443 = tpu.vector_load %arg7[%get3A_1441, %get3A_1442] {strides = array<i32>} : memref<272x128xf32, #tpu.memory_space<vmem>>, vector<1x16xf32>,
      %get3A_1444 = vector.shape_cast %get3A_1443 : vector<1x16xf32> to vector<16xf32>
      %get3A_1445 = arith.index_cast %add3A_1440 : i32 to index
      %get3A_1446 = arith.constant 0 : index
      %get3A_1447 = tpu.vector_load %arg5[%get3A_1445, %get3A_1446] {strides = array<i32>} : memref<320x128xf32, #tpu.memory_space<vmem>>, vector<1x16xf32>,
      %get3A_1448 = vector.shape_cast %get3A_1447 : vector<1x16xf32> to vector<16xf32>
      %max3A_1449 = arith.maximumf %get3A_1444, %get3A_1448 : vector<16xf32>
      %swap3A_1450 = arith.index_cast %squeeze3A_1436 : i32 to index
      %swap3A_1451 = arith.constant 0 : index
      %swap3A_1452 = tpu.vector_load %arg7[%swap3A_1450, %swap3A_1451] {strides = array<i32>} : memref<272x128xf32, #tpu.memory_space<vmem>>, vector<1x16xf32>,
      %swap3A_1453 = vector.shape_cast %swap3A_1452 : vector<1x16xf32> to vector<16xf32>
      %swap3A_1454 = vector.shape_cast %max3A_1449 : vector<16xf32> to vector<1x16xf32>
      tpu.vector_store %arg7[%swap3A_1450, %swap3A_1451], %swap3A_1454 {strides = array<i32>} : memref<272x128xf32, #tpu.memory_space<vmem>>, vector<1x16xf32>,
      %get3A_1455 = arith.index_cast %squeeze3A_1436 : i32 to index
      %get3A_1456 = arith.constant 16 : index
      %get3A_1457 = tpu.vector_load %arg7[%get3A_1455, %get3A_1456] {strides = array<i32>} : memref<272x128xf32, #tpu.memory_space<vmem>>, vector<1x16xf32>,
      %get3A_1458 = vector.shape_cast %get3A_1457 : vector<1x16xf32> to vector<16xf32>
      %get3A_1459 = arith.index_cast %add3A_1440 : i32 to index
      %get3A_1460 = arith.constant 16 : index
      %get3A_1461 = tpu.vector_load %arg5[%get3A_1459, %get3A_1460] {strides = array<i32>} : memref<320x128xf32, #tpu.memory_space<vmem>>, vector<1x16xf32>,
      %get3A_1462 = vector.shape_cast %get3A_1461 : vector<1x16xf32> to vector<16xf32>
      %max3A_1463 = arith.maximumf %get3A_1458, %get3A_1462 : vector<16xf32>
      %swap3A_1464 = arith.index_cast %squeeze3A_1436 : i32 to index
      %swap3A_1465 = arith.constant 16 : index
      %swap3A_1466 = tpu.vector_load %arg7[%swap3A_1464, %swap3A_1465] {strides = array<i32>} : memref<272x128xf32, #tpu.memory_space<vmem>>, vector<1x16xf32>,
      %swap3A_1467 = vector.shape_cast %swap3A_1466 : vector<1x16xf32> to vector<16xf32>
      %swap3A_1468 = vector.shape_cast %max3A_1463 : vector<16xf32> to vector<1x16xf32>
      tpu.vector_store %arg7[%swap3A_1464, %swap3A_1465], %swap3A_1468 {strides = array<i32>} : memref<272x128xf32, #tpu.memory_space<vmem>>, vector<1x16xf32>,
      %get3A_1469 = arith.index_cast %squeeze3A_1436 : i32 to index
      %get3A_1470 = arith.constant 32 : index
      %get3A_1471 = tpu.vector_load %arg7[%get3A_1469, %get3A_1470] {strides = array<i32>} : memref<272x128xf32, #tpu.memory_space<vmem>>, vector<1x16xf32>,
      %get3A_1472 = vector.shape_cast %get3A_1471 : vector<1x16xf32> to vector<16xf32>
      %get3A_1473 = arith.index_cast %add3A_1440 : i32 to index
      %get3A_1474 = arith.constant 32 : index
      %get3A_1475 = tpu.vector_load %arg5[%get3A_1473, %get3A_1474] {strides = array<i32>} : memref<320x128xf32, #tpu.memory_space<vmem>>, vector<1x16xf32>,
      %get3A_1476 = vector.shape_cast %get3A_1475 : vector<1x16xf32> to vector<16xf32>
      %max3A_1477 = arith.maximumf %get3A_1472, %get3A_1476 : vector<16xf32>
      %swap3A_1478 = arith.index_cast %squeeze3A_1436 : i32 to index
      %swap3A_1479 = arith.constant 32 : index
      %swap3A_1480 = tpu.vector_load %arg7[%swap3A_1478, %swap3A_1479] {strides = array<i32>} : memref<272x128xf32, #tpu.memory_space<vmem>>, vector<1x16xf32>,
      %swap3A_1481 = vector.shape_cast %swap3A_1480 : vector<1x16xf32> to vector<16xf32>
      %swap3A_1482 = vector.shape_cast %max3A_1477 : vector<16xf32> to vector<1x16xf32>
      tpu.vector_store %arg7[%swap3A_1478, %swap3A_1479], %swap3A_1482 {strides = array<i32>} : memref<272x128xf32, #tpu.memory_space<vmem>>, vector<1x16xf32>,
      %get3A_1483 = arith.index_cast %squeeze3A_1436 : i32 to index
      %get3A_1484 = arith.constant 48 : index
      %get3A_1485 = tpu.vector_load %arg7[%get3A_1483, %get3A_1484] {strides = array<i32>} : memref<272x128xf32, #tpu.memory_space<vmem>>, vector<1x16xf32>,
      %get3A_1486 = vector.shape_cast %get3A_1485 : vector<1x16xf32> to vector<16xf32>
      %get3A_1487 = arith.index_cast %add3A_1440 : i32 to index
      %get3A_1488 = arith.constant 48 : index
      %get3A_1489 = tpu.vector_load %arg5[%get3A_1487, %get3A_1488] {strides = array<i32>} : memref<320x128xf32, #tpu.memory_space<vmem>>, vector<1x16xf32>,
      %get3A_1490 = vector.shape_cast %get3A_1489 : vector<1x16xf32> to vector<16xf32>
      %max3A_1491 = arith.maximumf %get3A_1486, %get3A_1490 : vector<16xf32>
      %swap3A_1492 = arith.index_cast %squeeze3A_1436 : i32 to index
      %swap3A_1493 = arith.constant 48 : index
      %swap3A_1494 = tpu.vector_load %arg7[%swap3A_1492, %swap3A_1493] {strides = array<i32>} : memref<272x128xf32, #tpu.memory_space<vmem>>, vector<1x16xf32>,
      %swap3A_1495 = vector.shape_cast %swap3A_1494 : vector<1x16xf32> to vector<16xf32>
      %swap3A_1496 = vector.shape_cast %max3A_1491 : vector<16xf32> to vector<1x16xf32>
      tpu.vector_store %arg7[%swap3A_1492, %swap3A_1493], %swap3A_1496 {strides = array<i32>} : memref<272x128xf32, #tpu.memory_space<vmem>>, vector<1x16xf32>,
      %get3A_1497 = arith.index_cast %squeeze3A_1436 : i32 to index
      %get3A_1498 = arith.constant 64 : index
      %get3A_1499 = tpu.vector_load %arg7[%get3A_1497, %get3A_1498] {strides = array<i32>} : memref<272x128xf32, #tpu.memory_space<vmem>>, vector<1x16xf32>,
      %get3A_1500 = vector.shape_cast %get3A_1499 : vector<1x16xf32> to vector<16xf32>
      %get3A_1501 = arith.index_cast %add3A_1440 : i32 to index
      %get3A_1502 = arith.constant 64 : index
      %get3A_1503 = tpu.vector_load %arg5[%get3A_1501, %get3A_1502] {strides = array<i32>} : memref<320x128xf32, #tpu.memory_space<vmem>>, vector<1x16xf32>,
      %get3A_1504 = vector.shape_cast %get3A_1503 : vector<1x16xf32> to vector<16xf32>
      %max3A_1505 = arith.maximumf %get3A_1500, %get3A_1504 : vector<16xf32>
      %swap3A_1506 = arith.index_cast %squeeze3A_1436 : i32 to index
      %swap3A_1507 = arith.constant 64 : index
      %swap3A_1508 = tpu.vector_load %arg7[%swap3A_1506, %swap3A_1507] {strides = array<i32>} : memref<272x128xf32, #tpu.memory_space<vmem>>, vector<1x16xf32>,
      %swap3A_1509 = vector.shape_cast %swap3A_1508 : vector<1x16xf32> to vector<16xf32>
      %swap3A_1510 = vector.shape_cast %max3A_1505 : vector<16xf32> to vector<1x16xf32>
      tpu.vector_store %arg7[%swap3A_1506, %swap3A_1507], %swap3A_1510 {strides = array<i32>} : memref<272x128xf32, #tpu.memory_space<vmem>>, vector<1x16xf32>,
      %get3A_1511 = arith.index_cast %squeeze3A_1436 : i32 to index
      %get3A_1512 = arith.constant 80 : index
      %get3A_1513 = tpu.vector_load %arg7[%get3A_1511, %get3A_1512] {strides = array<i32>} : memref<272x128xf32, #tpu.memory_space<vmem>>, vector<1x16xf32>,
      %get3A_1514 = vector.shape_cast %get3A_1513 : vector<1x16xf32> to vector<16xf32>
      %get3A_1515 = arith.index_cast %add3A_1440 : i32 to index
      %get3A_1516 = arith.constant 80 : index
      %get3A_1517 = tpu.vector_load %arg5[%get3A_1515, %get3A_1516] {strides = array<i32>} : memref<320x128xf32, #tpu.memory_space<vmem>>, vector<1x16xf32>,
      %get3A_1518 = vector.shape_cast %get3A_1517 : vector<1x16xf32> to vector<16xf32>
      %max3A_1519 = arith.maximumf %get3A_1514, %get3A_1518 : vector<16xf32>
      %swap3A_1520 = arith.index_cast %squeeze3A_1436 : i32 to index
      %swap3A_1521 = arith.constant 80 : index
      %swap3A_1522 = tpu.vector_load %arg7[%swap3A_1520, %swap3A_1521] {strides = array<i32>} : memref<272x128xf32, #tpu.memory_space<vmem>>, vector<1x16xf32>,
      %swap3A_1523 = vector.shape_cast %swap3A_1522 : vector<1x16xf32> to vector<16xf32>
      %swap3A_1524 = vector.shape_cast %max3A_1519 : vector<16xf32> to vector<1x16xf32>
      tpu.vector_store %arg7[%swap3A_1520, %swap3A_1521], %swap3A_1524 {strides = array<i32>} : memref<272x128xf32, #tpu.memory_space<vmem>>, vector<1x16xf32>,
      %get3A_1525 = arith.index_cast %squeeze3A_1436 : i32 to index
      %get3A_1526 = arith.constant 96 : index
      %get3A_1527 = tpu.vector_load %arg7[%get3A_1525, %get3A_1526] {strides = array<i32>} : memref<272x128xf32, #tpu.memory_space<vmem>>, vector<1x16xf32>,
      %get3A_1528 = vector.shape_cast %get3A_1527 : vector<1x16xf32> to vector<16xf32>
      %get3A_1529 = arith.index_cast %add3A_1440 : i32 to index
      %get3A_1530 = arith.constant 96 : index
      %get3A_1531 = tpu.vector_load %arg5[%get3A_1529, %get3A_1530] {strides = array<i32>} : memref<320x128xf32, #tpu.memory_space<vmem>>, vector<1x16xf32>,
      %get3A_1532 = vector.shape_cast %get3A_1531 : vector<1x16xf32> to vector<16xf32>
      %max3A_1533 = arith.maximumf %get3A_1528, %get3A_1532 : vector<16xf32>
      %swap3A_1534 = arith.index_cast %squeeze3A_1436 : i32 to index
      %swap3A_1535 = arith.constant 96 : index
      %swap3A_1536 = tpu.vector_load %arg7[%swap3A_1534, %swap3A_1535] {strides = array<i32>} : memref<272x128xf32, #tpu.memory_space<vmem>>, vector<1x16xf32>,
      %swap3A_1537 = vector.shape_cast %swap3A_1536 : vector<1x16xf32> to vector<16xf32>
      %swap3A_1538 = vector.shape_cast %max3A_1533 : vector<16xf32> to vector<1x16xf32>
      tpu.vector_store %arg7[%swap3A_1534, %swap3A_1535], %swap3A_1538 {strides = array<i32>} : memref<272x128xf32, #tpu.memory_space<vmem>>, vector<1x16xf32>,
      %get3A_1539 = arith.index_cast %squeeze3A_1436 : i32 to index
      %get3A_1540 = arith.constant 112 : index
      %get3A_1541 = tpu.vector_load %arg7[%get3A_1539, %get3A_1540] {strides = array<i32>} : memref<272x128xf32, #tpu.memory_space<vmem>>, vector<1x16xf32>,
      %get3A_1542 = vector.shape_cast %get3A_1541 : vector<1x16xf32> to vector<16xf32>
      %get3A_1543 = arith.index_cast %add3A_1440 : i32 to index
      %get3A_1544 = arith.constant 112 : index
      %get3A_1545 = tpu.vector_load %arg5[%get3A_1543, %get3A_1544] {strides = array<i32>} : memref<320x128xf32, #tpu.memory_space<vmem>>, vector<1x16xf32>,
      %get3A_1546 = vector.shape_cast %get3A_1545 : vector<1x16xf32> to vector<16xf32>
      %max3A_1547 = arith.maximumf %get3A_1542, %get3A_1546 : vector<16xf32>
      %swap3A_1548 = arith.index_cast %squeeze3A_1436 : i32 to index
      %swap3A_1549 = arith.constant 112 : index
      %swap3A_1550 = tpu.vector_load %arg7[%swap3A_1548, %swap3A_1549] {strides = array<i32>} : memref<272x128xf32, #tpu.memory_space<vmem>>, vector<1x16xf32>,
      %swap3A_1551 = vector.shape_cast %swap3A_1550 : vector<1x16xf32> to vector<16xf32>
      %swap3A_1552 = vector.shape_cast %max3A_1547 : vector<16xf32> to vector<1x16xf32>
      tpu.vector_store %arg7[%swap3A_1548, %swap3A_1549], %swap3A_1552 {strides = array<i32>} : memref<272x128xf32, #tpu.memory_space<vmem>>, vector<1x16xf32>,
      %slice3A_1553 = vector.extract_strided_slice %get3A_22 {offsets = [13], sizes = [1], strides = [1]} : vector<16xi32> to vector<1xi32>
      %squeeze3A_1554 = vector.extract %slice3A_1553[0] : i32 from vector<1xi32>
      %mul3A_1555 = arith.constant 16 : i32
      %mul3A_1556 = arith.muli %scan3A_17, %mul3A_1555 : i32
      %add3A_1557 = arith.constant 13 : i32
      %add3A_1558 = arith.addi %mul3A_1556, %add3A_1557 : i32
      %get3A_1559 = arith.index_cast %squeeze3A_1554 : i32 to index
      %get3A_1560 = arith.constant 0 : index
      %get3A_1561 = tpu.vector_load %arg7[%get3A_1559, %get3A_1560] {strides = array<i32>} : memref<272x128xf32, #tpu.memory_space<vmem>>, vector<1x16xf32>,
      %get3A_1562 = vector.shape_cast %get3A_1561 : vector<1x16xf32> to vector<16xf32>
      %get3A_1563 = arith.index_cast %add3A_1558 : i32 to index
      %get3A_1564 = arith.constant 0 : index
      %get3A_1565 = tpu.vector_load %arg5[%get3A_1563, %get3A_1564] {strides = array<i32>} : memref<320x128xf32, #tpu.memory_space<vmem>>, vector<1x16xf32>,
      %get3A_1566 = vector.shape_cast %get3A_1565 : vector<1x16xf32> to vector<16xf32>
      %max3A_1567 = arith.maximumf %get3A_1562, %get3A_1566 : vector<16xf32>
      %swap3A_1568 = arith.index_cast %squeeze3A_1554 : i32 to index
      %swap3A_1569 = arith.constant 0 : index
      %swap3A_1570 = tpu.vector_load %arg7[%swap3A_1568, %swap3A_1569] {strides = array<i32>} : memref<272x128xf32, #tpu.memory_space<vmem>>, vector<1x16xf32>,
      %swap3A_1571 = vector.shape_cast %swap3A_1570 : vector<1x16xf32> to vector<16xf32>
      %swap3A_1572 = vector.shape_cast %max3A_1567 : vector<16xf32> to vector<1x16xf32>
      tpu.vector_store %arg7[%swap3A_1568, %swap3A_1569], %swap3A_1572 {strides = array<i32>} : memref<272x128xf32, #tpu.memory_space<vmem>>, vector<1x16xf32>,
      %get3A_1573 = arith.index_cast %squeeze3A_1554 : i32 to index
      %get3A_1574 = arith.constant 16 : index
      %get3A_1575 = tpu.vector_load %arg7[%get3A_1573, %get3A_1574] {strides = array<i32>} : memref<272x128xf32, #tpu.memory_space<vmem>>, vector<1x16xf32>,
      %get3A_1576 = vector.shape_cast %get3A_1575 : vector<1x16xf32> to vector<16xf32>
      %get3A_1577 = arith.index_cast %add3A_1558 : i32 to index
      %get3A_1578 = arith.constant 16 : index
      %get3A_1579 = tpu.vector_load %arg5[%get3A_1577, %get3A_1578] {strides = array<i32>} : memref<320x128xf32, #tpu.memory_space<vmem>>, vector<1x16xf32>,
      %get3A_1580 = vector.shape_cast %get3A_1579 : vector<1x16xf32> to vector<16xf32>
      %max3A_1581 = arith.maximumf %get3A_1576, %get3A_1580 : vector<16xf32>
      %swap3A_1582 = arith.index_cast %squeeze3A_1554 : i32 to index
      %swap3A_1583 = arith.constant 16 : index
      %swap3A_1584 = tpu.vector_load %arg7[%swap3A_1582, %swap3A_1583] {strides = array<i32>} : memref<272x128xf32, #tpu.memory_space<vmem>>, vector<1x16xf32>,
      %swap3A_1585 = vector.shape_cast %swap3A_1584 : vector<1x16xf32> to vector<16xf32>
      %swap3A_1586 = vector.shape_cast %max3A_1581 : vector<16xf32> to vector<1x16xf32>
      tpu.vector_store %arg7[%swap3A_1582, %swap3A_1583], %swap3A_1586 {strides = array<i32>} : memref<272x128xf32, #tpu.memory_space<vmem>>, vector<1x16xf32>,
      %get3A_1587 = arith.index_cast %squeeze3A_1554 : i32 to index
      %get3A_1588 = arith.constant 32 : index
      %get3A_1589 = tpu.vector_load %arg7[%get3A_1587, %get3A_1588] {strides = array<i32>} : memref<272x128xf32, #tpu.memory_space<vmem>>, vector<1x16xf32>,
      %get3A_1590 = vector.shape_cast %get3A_1589 : vector<1x16xf32> to vector<16xf32>
      %get3A_1591 = arith.index_cast %add3A_1558 : i32 to index
      %get3A_1592 = arith.constant 32 : index
      %get3A_1593 = tpu.vector_load %arg5[%get3A_1591, %get3A_1592] {strides = array<i32>} : memref<320x128xf32, #tpu.memory_space<vmem>>, vector<1x16xf32>,
      %get3A_1594 = vector.shape_cast %get3A_1593 : vector<1x16xf32> to vector<16xf32>
      %max3A_1595 = arith.maximumf %get3A_1590, %get3A_1594 : vector<16xf32>
      %swap3A_1596 = arith.index_cast %squeeze3A_1554 : i32 to index
      %swap3A_1597 = arith.constant 32 : index
      %swap3A_1598 = tpu.vector_load %arg7[%swap3A_1596, %swap3A_1597] {strides = array<i32>} : memref<272x128xf32, #tpu.memory_space<vmem>>, vector<1x16xf32>,
      %swap3A_1599 = vector.shape_cast %swap3A_1598 : vector<1x16xf32> to vector<16xf32>
      %swap3A_1600 = vector.shape_cast %max3A_1595 : vector<16xf32> to vector<1x16xf32>
      tpu.vector_store %arg7[%swap3A_1596, %swap3A_1597], %swap3A_1600 {strides = array<i32>} : memref<272x128xf32, #tpu.memory_space<vmem>>, vector<1x16xf32>,
      %get3A_1601 = arith.index_cast %squeeze3A_1554 : i32 to index
      %get3A_1602 = arith.constant 48 : index
      %get3A_1603 = tpu.vector_load %arg7[%get3A_1601, %get3A_1602] {strides = array<i32>} : memref<272x128xf32, #tpu.memory_space<vmem>>, vector<1x16xf32>,
      %get3A_1604 = vector.shape_cast %get3A_1603 : vector<1x16xf32> to vector<16xf32>
      %get3A_1605 = arith.index_cast %add3A_1558 : i32 to index
      %get3A_1606 = arith.constant 48 : index
      %get3A_1607 = tpu.vector_load %arg5[%get3A_1605, %get3A_1606] {strides = array<i32>} : memref<320x128xf32, #tpu.memory_space<vmem>>, vector<1x16xf32>,
      %get3A_1608 = vector.shape_cast %get3A_1607 : vector<1x16xf32> to vector<16xf32>
      %max3A_1609 = arith.maximumf %get3A_1604, %get3A_1608 : vector<16xf32>
      %swap3A_1610 = arith.index_cast %squeeze3A_1554 : i32 to index
      %swap3A_1611 = arith.constant 48 : index
      %swap3A_1612 = tpu.vector_load %arg7[%swap3A_1610, %swap3A_1611] {strides = array<i32>} : memref<272x128xf32, #tpu.memory_space<vmem>>, vector<1x16xf32>,
      %swap3A_1613 = vector.shape_cast %swap3A_1612 : vector<1x16xf32> to vector<16xf32>
      %swap3A_1614 = vector.shape_cast %max3A_1609 : vector<16xf32> to vector<1x16xf32>
      tpu.vector_store %arg7[%swap3A_1610, %swap3A_1611], %swap3A_1614 {strides = array<i32>} : memref<272x128xf32, #tpu.memory_space<vmem>>, vector<1x16xf32>,
      %get3A_1615 = arith.index_cast %squeeze3A_1554 : i32 to index
      %get3A_1616 = arith.constant 64 : index
      %get3A_1617 = tpu.vector_load %arg7[%get3A_1615, %get3A_1616] {strides = array<i32>} : memref<272x128xf32, #tpu.memory_space<vmem>>, vector<1x16xf32>,
      %get3A_1618 = vector.shape_cast %get3A_1617 : vector<1x16xf32> to vector<16xf32>
      %get3A_1619 = arith.index_cast %add3A_1558 : i32 to index
      %get3A_1620 = arith.constant 64 : index
      %get3A_1621 = tpu.vector_load %arg5[%get3A_1619, %get3A_1620] {strides = array<i32>} : memref<320x128xf32, #tpu.memory_space<vmem>>, vector<1x16xf32>,
      %get3A_1622 = vector.shape_cast %get3A_1621 : vector<1x16xf32> to vector<16xf32>
      %max3A_1623 = arith.maximumf %get3A_1618, %get3A_1622 : vector<16xf32>
      %swap3A_1624 = arith.index_cast %squeeze3A_1554 : i32 to index
      %swap3A_1625 = arith.constant 64 : index
      %swap3A_1626 = tpu.vector_load %arg7[%swap3A_1624, %swap3A_1625] {strides = array<i32>} : memref<272x128xf32, #tpu.memory_space<vmem>>, vector<1x16xf32>,
      %swap3A_1627 = vector.shape_cast %swap3A_1626 : vector<1x16xf32> to vector<16xf32>
      %swap3A_1628 = vector.shape_cast %max3A_1623 : vector<16xf32> to vector<1x16xf32>
      tpu.vector_store %arg7[%swap3A_1624, %swap3A_1625], %swap3A_1628 {strides = array<i32>} : memref<272x128xf32, #tpu.memory_space<vmem>>, vector<1x16xf32>,
      %get3A_1629 = arith.index_cast %squeeze3A_1554 : i32 to index
      %get3A_1630 = arith.constant 80 : index
      %get3A_1631 = tpu.vector_load %arg7[%get3A_1629, %get3A_1630] {strides = array<i32>} : memref<272x128xf32, #tpu.memory_space<vmem>>, vector<1x16xf32>,
      %get3A_1632 = vector.shape_cast %get3A_1631 : vector<1x16xf32> to vector<16xf32>
      %get3A_1633 = arith.index_cast %add3A_1558 : i32 to index
      %get3A_1634 = arith.constant 80 : index
      %get3A_1635 = tpu.vector_load %arg5[%get3A_1633, %get3A_1634] {strides = array<i32>} : memref<320x128xf32, #tpu.memory_space<vmem>>, vector<1x16xf32>,
      %get3A_1636 = vector.shape_cast %get3A_1635 : vector<1x16xf32> to vector<16xf32>
      %max3A_1637 = arith.maximumf %get3A_1632, %get3A_1636 : vector<16xf32>
      %swap3A_1638 = arith.index_cast %squeeze3A_1554 : i32 to index
      %swap3A_1639 = arith.constant 80 : index
      %swap3A_1640 = tpu.vector_load %arg7[%swap3A_1638, %swap3A_1639] {strides = array<i32>} : memref<272x128xf32, #tpu.memory_space<vmem>>, vector<1x16xf32>,
      %swap3A_1641 = vector.shape_cast %swap3A_1640 : vector<1x16xf32> to vector<16xf32>
      %swap3A_1642 = vector.shape_cast %max3A_1637 : vector<16xf32> to vector<1x16xf32>
      tpu.vector_store %arg7[%swap3A_1638, %swap3A_1639], %swap3A_1642 {strides = array<i32>} : memref<272x128xf32, #tpu.memory_space<vmem>>, vector<1x16xf32>,
      %get3A_1643 = arith.index_cast %squeeze3A_1554 : i32 to index
      %get3A_1644 = arith.constant 96 : index
      %get3A_1645 = tpu.vector_load %arg7[%get3A_1643, %get3A_1644] {strides = array<i32>} : memref<272x128xf32, #tpu.memory_space<vmem>>, vector<1x16xf32>,
      %get3A_1646 = vector.shape_cast %get3A_1645 : vector<1x16xf32> to vector<16xf32>
      %get3A_1647 = arith.index_cast %add3A_1558 : i32 to index
      %get3A_1648 = arith.constant 96 : index
      %get3A_1649 = tpu.vector_load %arg5[%get3A_1647, %get3A_1648] {strides = array<i32>} : memref<320x128xf32, #tpu.memory_space<vmem>>, vector<1x16xf32>,
      %get3A_1650 = vector.shape_cast %get3A_1649 : vector<1x16xf32> to vector<16xf32>
      %max3A_1651 = arith.maximumf %get3A_1646, %get3A_1650 : vector<16xf32>
      %swap3A_1652 = arith.index_cast %squeeze3A_1554 : i32 to index
      %swap3A_1653 = arith.constant 96 : index
      %swap3A_1654 = tpu.vector_load %arg7[%swap3A_1652, %swap3A_1653] {strides = array<i32>} : memref<272x128xf32, #tpu.memory_space<vmem>>, vector<1x16xf32>,
      %swap3A_1655 = vector.shape_cast %swap3A_1654 : vector<1x16xf32> to vector<16xf32>
      %swap3A_1656 = vector.shape_cast %max3A_1651 : vector<16xf32> to vector<1x16xf32>
      tpu.vector_store %arg7[%swap3A_1652, %swap3A_1653], %swap3A_1656 {strides = array<i32>} : memref<272x128xf32, #tpu.memory_space<vmem>>, vector<1x16xf32>,
      %get3A_1657 = arith.index_cast %squeeze3A_1554 : i32 to index
      %get3A_1658 = arith.constant 112 : index
      %get3A_1659 = tpu.vector_load %arg7[%get3A_1657, %get3A_1658] {strides = array<i32>} : memref<272x128xf32, #tpu.memory_space<vmem>>, vector<1x16xf32>,
      %get3A_1660 = vector.shape_cast %get3A_1659 : vector<1x16xf32> to vector<16xf32>
      %get3A_1661 = arith.index_cast %add3A_1558 : i32 to index
      %get3A_1662 = arith.constant 112 : index
      %get3A_1663 = tpu.vector_load %arg5[%get3A_1661, %get3A_1662] {strides = array<i32>} : memref<320x128xf32, #tpu.memory_space<vmem>>, vector<1x16xf32>,
      %get3A_1664 = vector.shape_cast %get3A_1663 : vector<1x16xf32> to vector<16xf32>
      %max3A_1665 = arith.maximumf %get3A_1660, %get3A_1664 : vector<16xf32>
      %swap3A_1666 = arith.index_cast %squeeze3A_1554 : i32 to index
      %swap3A_1667 = arith.constant 112 : index
      %swap3A_1668 = tpu.vector_load %arg7[%swap3A_1666, %swap3A_1667] {strides = array<i32>} : memref<272x128xf32, #tpu.memory_space<vmem>>, vector<1x16xf32>,
      %swap3A_1669 = vector.shape_cast %swap3A_1668 : vector<1x16xf32> to vector<16xf32>
      %swap3A_1670 = vector.shape_cast %max3A_1665 : vector<16xf32> to vector<1x16xf32>
      tpu.vector_store %arg7[%swap3A_1666, %swap3A_1667], %swap3A_1670 {strides = array<i32>} : memref<272x128xf32, #tpu.memory_space<vmem>>, vector<1x16xf32>,
      %slice3A_1671 = vector.extract_strided_slice %get3A_22 {offsets = [14], sizes = [1], strides = [1]} : vector<16xi32> to vector<1xi32>
      %squeeze3A_1672 = vector.extract %slice3A_1671[0] : i32 from vector<1xi32>
      %mul3A_1673 = arith.constant 16 : i32
      %mul3A_1674 = arith.muli %scan3A_17, %mul3A_1673 : i32
      %add3A_1675 = arith.constant 14 : i32
      %add3A_1676 = arith.addi %mul3A_1674, %add3A_1675 : i32
      %get3A_1677 = arith.index_cast %squeeze3A_1672 : i32 to index
      %get3A_1678 = arith.constant 0 : index
      %get3A_1679 = tpu.vector_load %arg7[%get3A_1677, %get3A_1678] {strides = array<i32>} : memref<272x128xf32, #tpu.memory_space<vmem>>, vector<1x16xf32>,
      %get3A_1680 = vector.shape_cast %get3A_1679 : vector<1x16xf32> to vector<16xf32>
      %get3A_1681 = arith.index_cast %add3A_1676 : i32 to index
      %get3A_1682 = arith.constant 0 : index
      %get3A_1683 = tpu.vector_load %arg5[%get3A_1681, %get3A_1682] {strides = array<i32>} : memref<320x128xf32, #tpu.memory_space<vmem>>, vector<1x16xf32>,
      %get3A_1684 = vector.shape_cast %get3A_1683 : vector<1x16xf32> to vector<16xf32>
      %max3A_1685 = arith.maximumf %get3A_1680, %get3A_1684 : vector<16xf32>
      %swap3A_1686 = arith.index_cast %squeeze3A_1672 : i32 to index
      %swap3A_1687 = arith.constant 0 : index
      %swap3A_1688 = tpu.vector_load %arg7[%swap3A_1686, %swap3A_1687] {strides = array<i32>} : memref<272x128xf32, #tpu.memory_space<vmem>>, vector<1x16xf32>,
      %swap3A_1689 = vector.shape_cast %swap3A_1688 : vector<1x16xf32> to vector<16xf32>
      %swap3A_1690 = vector.shape_cast %max3A_1685 : vector<16xf32> to vector<1x16xf32>
      tpu.vector_store %arg7[%swap3A_1686, %swap3A_1687], %swap3A_1690 {strides = array<i32>} : memref<272x128xf32, #tpu.memory_space<vmem>>, vector<1x16xf32>,
      %get3A_1691 = arith.index_cast %squeeze3A_1672 : i32 to index
      %get3A_1692 = arith.constant 16 : index
      %get3A_1693 = tpu.vector_load %arg7[%get3A_1691, %get3A_1692] {strides = array<i32>} : memref<272x128xf32, #tpu.memory_space<vmem>>, vector<1x16xf32>,
      %get3A_1694 = vector.shape_cast %get3A_1693 : vector<1x16xf32> to vector<16xf32>
      %get3A_1695 = arith.index_cast %add3A_1676 : i32 to index
      %get3A_1696 = arith.constant 16 : index
      %get3A_1697 = tpu.vector_load %arg5[%get3A_1695, %get3A_1696] {strides = array<i32>} : memref<320x128xf32, #tpu.memory_space<vmem>>, vector<1x16xf32>,
      %get3A_1698 = vector.shape_cast %get3A_1697 : vector<1x16xf32> to vector<16xf32>
      %max3A_1699 = arith.maximumf %get3A_1694, %get3A_1698 : vector<16xf32>
      %swap3A_1700 = arith.index_cast %squeeze3A_1672 : i32 to index
      %swap3A_1701 = arith.constant 16 : index
      %swap3A_1702 = tpu.vector_load %arg7[%swap3A_1700, %swap3A_1701] {strides = array<i32>} : memref<272x128xf32, #tpu.memory_space<vmem>>, vector<1x16xf32>,
      %swap3A_1703 = vector.shape_cast %swap3A_1702 : vector<1x16xf32> to vector<16xf32>
      %swap3A_1704 = vector.shape_cast %max3A_1699 : vector<16xf32> to vector<1x16xf32>
      tpu.vector_store %arg7[%swap3A_1700, %swap3A_1701], %swap3A_1704 {strides = array<i32>} : memref<272x128xf32, #tpu.memory_space<vmem>>, vector<1x16xf32>,
      %get3A_1705 = arith.index_cast %squeeze3A_1672 : i32 to index
      %get3A_1706 = arith.constant 32 : index
      %get3A_1707 = tpu.vector_load %arg7[%get3A_1705, %get3A_1706] {strides = array<i32>} : memref<272x128xf32, #tpu.memory_space<vmem>>, vector<1x16xf32>,
      %get3A_1708 = vector.shape_cast %get3A_1707 : vector<1x16xf32> to vector<16xf32>
      %get3A_1709 = arith.index_cast %add3A_1676 : i32 to index
      %get3A_1710 = arith.constant 32 : index
      %get3A_1711 = tpu.vector_load %arg5[%get3A_1709, %get3A_1710] {strides = array<i32>} : memref<320x128xf32, #tpu.memory_space<vmem>>, vector<1x16xf32>,
      %get3A_1712 = vector.shape_cast %get3A_1711 : vector<1x16xf32> to vector<16xf32>
      %max3A_1713 = arith.maximumf %get3A_1708, %get3A_1712 : vector<16xf32>
      %swap3A_1714 = arith.index_cast %squeeze3A_1672 : i32 to index
      %swap3A_1715 = arith.constant 32 : index
      %swap3A_1716 = tpu.vector_load %arg7[%swap3A_1714, %swap3A_1715] {strides = array<i32>} : memref<272x128xf32, #tpu.memory_space<vmem>>, vector<1x16xf32>,
      %swap3A_1717 = vector.shape_cast %swap3A_1716 : vector<1x16xf32> to vector<16xf32>
      %swap3A_1718 = vector.shape_cast %max3A_1713 : vector<16xf32> to vector<1x16xf32>
      tpu.vector_store %arg7[%swap3A_1714, %swap3A_1715], %swap3A_1718 {strides = array<i32>} : memref<272x128xf32, #tpu.memory_space<vmem>>, vector<1x16xf32>,
      %get3A_1719 = arith.index_cast %squeeze3A_1672 : i32 to index
      %get3A_1720 = arith.constant 48 : index
      %get3A_1721 = tpu.vector_load %arg7[%get3A_1719, %get3A_1720] {strides = array<i32>} : memref<272x128xf32, #tpu.memory_space<vmem>>, vector<1x16xf32>,
      %get3A_1722 = vector.shape_cast %get3A_1721 : vector<1x16xf32> to vector<16xf32>
      %get3A_1723 = arith.index_cast %add3A_1676 : i32 to index
      %get3A_1724 = arith.constant 48 : index
      %get3A_1725 = tpu.vector_load %arg5[%get3A_1723, %get3A_1724] {strides = array<i32>} : memref<320x128xf32, #tpu.memory_space<vmem>>, vector<1x16xf32>,
      %get3A_1726 = vector.shape_cast %get3A_1725 : vector<1x16xf32> to vector<16xf32>
      %max3A_1727 = arith.maximumf %get3A_1722, %get3A_1726 : vector<16xf32>
      %swap3A_1728 = arith.index_cast %squeeze3A_1672 : i32 to index
      %swap3A_1729 = arith.constant 48 : index
      %swap3A_1730 = tpu.vector_load %arg7[%swap3A_1728, %swap3A_1729] {strides = array<i32>} : memref<272x128xf32, #tpu.memory_space<vmem>>, vector<1x16xf32>,
      %swap3A_1731 = vector.shape_cast %swap3A_1730 : vector<1x16xf32> to vector<16xf32>
      %swap3A_1732 = vector.shape_cast %max3A_1727 : vector<16xf32> to vector<1x16xf32>
      tpu.vector_store %arg7[%swap3A_1728, %swap3A_1729], %swap3A_1732 {strides = array<i32>} : memref<272x128xf32, #tpu.memory_space<vmem>>, vector<1x16xf32>,
      %get3A_1733 = arith.index_cast %squeeze3A_1672 : i32 to index
      %get3A_1734 = arith.constant 64 : index
      %get3A_1735 = tpu.vector_load %arg7[%get3A_1733, %get3A_1734] {strides = array<i32>} : memref<272x128xf32, #tpu.memory_space<vmem>>, vector<1x16xf32>,
      %get3A_1736 = vector.shape_cast %get3A_1735 : vector<1x16xf32> to vector<16xf32>
      %get3A_1737 = arith.index_cast %add3A_1676 : i32 to index
      %get3A_1738 = arith.constant 64 : index
      %get3A_1739 = tpu.vector_load %arg5[%get3A_1737, %get3A_1738] {strides = array<i32>} : memref<320x128xf32, #tpu.memory_space<vmem>>, vector<1x16xf32>,
      %get3A_1740 = vector.shape_cast %get3A_1739 : vector<1x16xf32> to vector<16xf32>
      %max3A_1741 = arith.maximumf %get3A_1736, %get3A_1740 : vector<16xf32>
      %swap3A_1742 = arith.index_cast %squeeze3A_1672 : i32 to index
      %swap3A_1743 = arith.constant 64 : index
      %swap3A_1744 = tpu.vector_load %arg7[%swap3A_1742, %swap3A_1743] {strides = array<i32>} : memref<272x128xf32, #tpu.memory_space<vmem>>, vector<1x16xf32>,
      %swap3A_1745 = vector.shape_cast %swap3A_1744 : vector<1x16xf32> to vector<16xf32>
      %swap3A_1746 = vector.shape_cast %max3A_1741 : vector<16xf32> to vector<1x16xf32>
      tpu.vector_store %arg7[%swap3A_1742, %swap3A_1743], %swap3A_1746 {strides = array<i32>} : memref<272x128xf32, #tpu.memory_space<vmem>>, vector<1x16xf32>,
      %get3A_1747 = arith.index_cast %squeeze3A_1672 : i32 to index
      %get3A_1748 = arith.constant 80 : index
      %get3A_1749 = tpu.vector_load %arg7[%get3A_1747, %get3A_1748] {strides = array<i32>} : memref<272x128xf32, #tpu.memory_space<vmem>>, vector<1x16xf32>,
      %get3A_1750 = vector.shape_cast %get3A_1749 : vector<1x16xf32> to vector<16xf32>
      %get3A_1751 = arith.index_cast %add3A_1676 : i32 to index
      %get3A_1752 = arith.constant 80 : index
      %get3A_1753 = tpu.vector_load %arg5[%get3A_1751, %get3A_1752] {strides = array<i32>} : memref<320x128xf32, #tpu.memory_space<vmem>>, vector<1x16xf32>,
      %get3A_1754 = vector.shape_cast %get3A_1753 : vector<1x16xf32> to vector<16xf32>
      %max3A_1755 = arith.maximumf %get3A_1750, %get3A_1754 : vector<16xf32>
      %swap3A_1756 = arith.index_cast %squeeze3A_1672 : i32 to index
      %swap3A_1757 = arith.constant 80 : index
      %swap3A_1758 = tpu.vector_load %arg7[%swap3A_1756, %swap3A_1757] {strides = array<i32>} : memref<272x128xf32, #tpu.memory_space<vmem>>, vector<1x16xf32>,
      %swap3A_1759 = vector.shape_cast %swap3A_1758 : vector<1x16xf32> to vector<16xf32>
      %swap3A_1760 = vector.shape_cast %max3A_1755 : vector<16xf32> to vector<1x16xf32>
      tpu.vector_store %arg7[%swap3A_1756, %swap3A_1757], %swap3A_1760 {strides = array<i32>} : memref<272x128xf32, #tpu.memory_space<vmem>>, vector<1x16xf32>,
      %get3A_1761 = arith.index_cast %squeeze3A_1672 : i32 to index
      %get3A_1762 = arith.constant 96 : index
      %get3A_1763 = tpu.vector_load %arg7[%get3A_1761, %get3A_1762] {strides = array<i32>} : memref<272x128xf32, #tpu.memory_space<vmem>>, vector<1x16xf32>,
      %get3A_1764 = vector.shape_cast %get3A_1763 : vector<1x16xf32> to vector<16xf32>
      %get3A_1765 = arith.index_cast %add3A_1676 : i32 to index
      %get3A_1766 = arith.constant 96 : index
      %get3A_1767 = tpu.vector_load %arg5[%get3A_1765, %get3A_1766] {strides = array<i32>} : memref<320x128xf32, #tpu.memory_space<vmem>>, vector<1x16xf32>,
      %get3A_1768 = vector.shape_cast %get3A_1767 : vector<1x16xf32> to vector<16xf32>
      %max3A_1769 = arith.maximumf %get3A_1764, %get3A_1768 : vector<16xf32>
      %swap3A_1770 = arith.index_cast %squeeze3A_1672 : i32 to index
      %swap3A_1771 = arith.constant 96 : index
      %swap3A_1772 = tpu.vector_load %arg7[%swap3A_1770, %swap3A_1771] {strides = array<i32>} : memref<272x128xf32, #tpu.memory_space<vmem>>, vector<1x16xf32>,
      %swap3A_1773 = vector.shape_cast %swap3A_1772 : vector<1x16xf32> to vector<16xf32>
      %swap3A_1774 = vector.shape_cast %max3A_1769 : vector<16xf32> to vector<1x16xf32>
      tpu.vector_store %arg7[%swap3A_1770, %swap3A_1771], %swap3A_1774 {strides = array<i32>} : memref<272x128xf32, #tpu.memory_space<vmem>>, vector<1x16xf32>,
      %get3A_1775 = arith.index_cast %squeeze3A_1672 : i32 to index
      %get3A_1776 = arith.constant 112 : index
      %get3A_1777 = tpu.vector_load %arg7[%get3A_1775, %get3A_1776] {strides = array<i32>} : memref<272x128xf32, #tpu.memory_space<vmem>>, vector<1x16xf32>,
      %get3A_1778 = vector.shape_cast %get3A_1777 : vector<1x16xf32> to vector<16xf32>
      %get3A_1779 = arith.index_cast %add3A_1676 : i32 to index
      %get3A_1780 = arith.constant 112 : index
      %get3A_1781 = tpu.vector_load %arg5[%get3A_1779, %get3A_1780] {strides = array<i32>} : memref<320x128xf32, #tpu.memory_space<vmem>>, vector<1x16xf32>,
      %get3A_1782 = vector.shape_cast %get3A_1781 : vector<1x16xf32> to vector<16xf32>
      %max3A_1783 = arith.maximumf %get3A_1778, %get3A_1782 : vector<16xf32>
      %swap3A_1784 = arith.index_cast %squeeze3A_1672 : i32 to index
      %swap3A_1785 = arith.constant 112 : index
      %swap3A_1786 = tpu.vector_load %arg7[%swap3A_1784, %swap3A_1785] {strides = array<i32>} : memref<272x128xf32, #tpu.memory_space<vmem>>, vector<1x16xf32>,
      %swap3A_1787 = vector.shape_cast %swap3A_1786 : vector<1x16xf32> to vector<16xf32>
      %swap3A_1788 = vector.shape_cast %max3A_1783 : vector<16xf32> to vector<1x16xf32>
      tpu.vector_store %arg7[%swap3A_1784, %swap3A_1785], %swap3A_1788 {strides = array<i32>} : memref<272x128xf32, #tpu.memory_space<vmem>>, vector<1x16xf32>,
      %slice3A_1789 = vector.extract_strided_slice %get3A_22 {offsets = [15], sizes = [1], strides = [1]} : vector<16xi32> to vector<1xi32>
      %squeeze3A_1790 = vector.extract %slice3A_1789[0] : i32 from vector<1xi32>
      %mul3A_1791 = arith.constant 16 : i32
      %mul3A_1792 = arith.muli %scan3A_17, %mul3A_1791 : i32
      %add3A_1793 = arith.constant 15 : i32
      %add3A_1794 = arith.addi %mul3A_1792, %add3A_1793 : i32
      %get3A_1795 = arith.index_cast %squeeze3A_1790 : i32 to index
      %get3A_1796 = arith.constant 0 : index
      %get3A_1797 = tpu.vector_load %arg7[%get3A_1795, %get3A_1796] {strides = array<i32>} : memref<272x128xf32, #tpu.memory_space<vmem>>, vector<1x16xf32>,
      %get3A_1798 = vector.shape_cast %get3A_1797 : vector<1x16xf32> to vector<16xf32>
      %get3A_1799 = arith.index_cast %add3A_1794 : i32 to index
      %get3A_1800 = arith.constant 0 : index
      %get3A_1801 = tpu.vector_load %arg5[%get3A_1799, %get3A_1800] {strides = array<i32>} : memref<320x128xf32, #tpu.memory_space<vmem>>, vector<1x16xf32>,
      %get3A_1802 = vector.shape_cast %get3A_1801 : vector<1x16xf32> to vector<16xf32>
      %max3A_1803 = arith.maximumf %get3A_1798, %get3A_1802 : vector<16xf32>
      %swap3A_1804 = arith.index_cast %squeeze3A_1790 : i32 to index
      %swap3A_1805 = arith.constant 0 : index
      %swap3A_1806 = tpu.vector_load %arg7[%swap3A_1804, %swap3A_1805] {strides = array<i32>} : memref<272x128xf32, #tpu.memory_space<vmem>>, vector<1x16xf32>,
      %swap3A_1807 = vector.shape_cast %swap3A_1806 : vector<1x16xf32> to vector<16xf32>
      %swap3A_1808 = vector.shape_cast %max3A_1803 : vector<16xf32> to vector<1x16xf32>
      tpu.vector_store %arg7[%swap3A_1804, %swap3A_1805], %swap3A_1808 {strides = array<i32>} : memref<272x128xf32, #tpu.memory_space<vmem>>, vector<1x16xf32>,
      %get3A_1809 = arith.index_cast %squeeze3A_1790 : i32 to index
      %get3A_1810 = arith.constant 16 : index
      %get3A_1811 = tpu.vector_load %arg7[%get3A_1809, %get3A_1810] {strides = array<i32>} : memref<272x128xf32, #tpu.memory_space<vmem>>, vector<1x16xf32>,
      %get3A_1812 = vector.shape_cast %get3A_1811 : vector<1x16xf32> to vector<16xf32>
      %get3A_1813 = arith.index_cast %add3A_1794 : i32 to index
      %get3A_1814 = arith.constant 16 : index
      %get3A_1815 = tpu.vector_load %arg5[%get3A_1813, %get3A_1814] {strides = array<i32>} : memref<320x128xf32, #tpu.memory_space<vmem>>, vector<1x16xf32>,
      %get3A_1816 = vector.shape_cast %get3A_1815 : vector<1x16xf32> to vector<16xf32>
      %max3A_1817 = arith.maximumf %get3A_1812, %get3A_1816 : vector<16xf32>
      %swap3A_1818 = arith.index_cast %squeeze3A_1790 : i32 to index
      %swap3A_1819 = arith.constant 16 : index
      %swap3A_1820 = tpu.vector_load %arg7[%swap3A_1818, %swap3A_1819] {strides = array<i32>} : memref<272x128xf32, #tpu.memory_space<vmem>>, vector<1x16xf32>,
      %swap3A_1821 = vector.shape_cast %swap3A_1820 : vector<1x16xf32> to vector<16xf32>
      %swap3A_1822 = vector.shape_cast %max3A_1817 : vector<16xf32> to vector<1x16xf32>
      tpu.vector_store %arg7[%swap3A_1818, %swap3A_1819], %swap3A_1822 {strides = array<i32>} : memref<272x128xf32, #tpu.memory_space<vmem>>, vector<1x16xf32>,
      %get3A_1823 = arith.index_cast %squeeze3A_1790 : i32 to index
      %get3A_1824 = arith.constant 32 : index
      %get3A_1825 = tpu.vector_load %arg7[%get3A_1823, %get3A_1824] {strides = array<i32>} : memref<272x128xf32, #tpu.memory_space<vmem>>, vector<1x16xf32>,
      %get3A_1826 = vector.shape_cast %get3A_1825 : vector<1x16xf32> to vector<16xf32>
      %get3A_1827 = arith.index_cast %add3A_1794 : i32 to index
      %get3A_1828 = arith.constant 32 : index
      %get3A_1829 = tpu.vector_load %arg5[%get3A_1827, %get3A_1828] {strides = array<i32>} : memref<320x128xf32, #tpu.memory_space<vmem>>, vector<1x16xf32>,
      %get3A_1830 = vector.shape_cast %get3A_1829 : vector<1x16xf32> to vector<16xf32>
      %max3A_1831 = arith.maximumf %get3A_1826, %get3A_1830 : vector<16xf32>
      %swap3A_1832 = arith.index_cast %squeeze3A_1790 : i32 to index
      %swap3A_1833 = arith.constant 32 : index
      %swap3A_1834 = tpu.vector_load %arg7[%swap3A_1832, %swap3A_1833] {strides = array<i32>} : memref<272x128xf32, #tpu.memory_space<vmem>>, vector<1x16xf32>,
      %swap3A_1835 = vector.shape_cast %swap3A_1834 : vector<1x16xf32> to vector<16xf32>
      %swap3A_1836 = vector.shape_cast %max3A_1831 : vector<16xf32> to vector<1x16xf32>
      tpu.vector_store %arg7[%swap3A_1832, %swap3A_1833], %swap3A_1836 {strides = array<i32>} : memref<272x128xf32, #tpu.memory_space<vmem>>, vector<1x16xf32>,
      %get3A_1837 = arith.index_cast %squeeze3A_1790 : i32 to index
      %get3A_1838 = arith.constant 48 : index
      %get3A_1839 = tpu.vector_load %arg7[%get3A_1837, %get3A_1838] {strides = array<i32>} : memref<272x128xf32, #tpu.memory_space<vmem>>, vector<1x16xf32>,
      %get3A_1840 = vector.shape_cast %get3A_1839 : vector<1x16xf32> to vector<16xf32>
      %get3A_1841 = arith.index_cast %add3A_1794 : i32 to index
      %get3A_1842 = arith.constant 48 : index
      %get3A_1843 = tpu.vector_load %arg5[%get3A_1841, %get3A_1842] {strides = array<i32>} : memref<320x128xf32, #tpu.memory_space<vmem>>, vector<1x16xf32>,
      %get3A_1844 = vector.shape_cast %get3A_1843 : vector<1x16xf32> to vector<16xf32>
      %max3A_1845 = arith.maximumf %get3A_1840, %get3A_1844 : vector<16xf32>
      %swap3A_1846 = arith.index_cast %squeeze3A_1790 : i32 to index
      %swap3A_1847 = arith.constant 48 : index
      %swap3A_1848 = tpu.vector_load %arg7[%swap3A_1846, %swap3A_1847] {strides = array<i32>} : memref<272x128xf32, #tpu.memory_space<vmem>>, vector<1x16xf32>,
      %swap3A_1849 = vector.shape_cast %swap3A_1848 : vector<1x16xf32> to vector<16xf32>
      %swap3A_1850 = vector.shape_cast %max3A_1845 : vector<16xf32> to vector<1x16xf32>
      tpu.vector_store %arg7[%swap3A_1846, %swap3A_1847], %swap3A_1850 {strides = array<i32>} : memref<272x128xf32, #tpu.memory_space<vmem>>, vector<1x16xf32>,
      %get3A_1851 = arith.index_cast %squeeze3A_1790 : i32 to index
      %get3A_1852 = arith.constant 64 : index
      %get3A_1853 = tpu.vector_load %arg7[%get3A_1851, %get3A_1852] {strides = array<i32>} : memref<272x128xf32, #tpu.memory_space<vmem>>, vector<1x16xf32>,
      %get3A_1854 = vector.shape_cast %get3A_1853 : vector<1x16xf32> to vector<16xf32>
      %get3A_1855 = arith.index_cast %add3A_1794 : i32 to index
      %get3A_1856 = arith.constant 64 : index
      %get3A_1857 = tpu.vector_load %arg5[%get3A_1855, %get3A_1856] {strides = array<i32>} : memref<320x128xf32, #tpu.memory_space<vmem>>, vector<1x16xf32>,
      %get3A_1858 = vector.shape_cast %get3A_1857 : vector<1x16xf32> to vector<16xf32>
      %max3A_1859 = arith.maximumf %get3A_1854, %get3A_1858 : vector<16xf32>
      %swap3A_1860 = arith.index_cast %squeeze3A_1790 : i32 to index
      %swap3A_1861 = arith.constant 64 : index
      %swap3A_1862 = tpu.vector_load %arg7[%swap3A_1860, %swap3A_1861] {strides = array<i32>} : memref<272x128xf32, #tpu.memory_space<vmem>>, vector<1x16xf32>,
      %swap3A_1863 = vector.shape_cast %swap3A_1862 : vector<1x16xf32> to vector<16xf32>
      %swap3A_1864 = vector.shape_cast %max3A_1859 : vector<16xf32> to vector<1x16xf32>
      tpu.vector_store %arg7[%swap3A_1860, %swap3A_1861], %swap3A_1864 {strides = array<i32>} : memref<272x128xf32, #tpu.memory_space<vmem>>, vector<1x16xf32>,
      %get3A_1865 = arith.index_cast %squeeze3A_1790 : i32 to index
      %get3A_1866 = arith.constant 80 : index
      %get3A_1867 = tpu.vector_load %arg7[%get3A_1865, %get3A_1866] {strides = array<i32>} : memref<272x128xf32, #tpu.memory_space<vmem>>, vector<1x16xf32>,
      %get3A_1868 = vector.shape_cast %get3A_1867 : vector<1x16xf32> to vector<16xf32>
      %get3A_1869 = arith.index_cast %add3A_1794 : i32 to index
      %get3A_1870 = arith.constant 80 : index
      %get3A_1871 = tpu.vector_load %arg5[%get3A_1869, %get3A_1870] {strides = array<i32>} : memref<320x128xf32, #tpu.memory_space<vmem>>, vector<1x16xf32>,
      %get3A_1872 = vector.shape_cast %get3A_1871 : vector<1x16xf32> to vector<16xf32>
      %max3A_1873 = arith.maximumf %get3A_1868, %get3A_1872 : vector<16xf32>
      %swap3A_1874 = arith.index_cast %squeeze3A_1790 : i32 to index
      %swap3A_1875 = arith.constant 80 : index
      %swap3A_1876 = tpu.vector_load %arg7[%swap3A_1874, %swap3A_1875] {strides = array<i32>} : memref<272x128xf32, #tpu.memory_space<vmem>>, vector<1x16xf32>,
      %swap3A_1877 = vector.shape_cast %swap3A_1876 : vector<1x16xf32> to vector<16xf32>
      %swap3A_1878 = vector.shape_cast %max3A_1873 : vector<16xf32> to vector<1x16xf32>
      tpu.vector_store %arg7[%swap3A_1874, %swap3A_1875], %swap3A_1878 {strides = array<i32>} : memref<272x128xf32, #tpu.memory_space<vmem>>, vector<1x16xf32>,
      %get3A_1879 = arith.index_cast %squeeze3A_1790 : i32 to index
      %get3A_1880 = arith.constant 96 : index
      %get3A_1881 = tpu.vector_load %arg7[%get3A_1879, %get3A_1880] {strides = array<i32>} : memref<272x128xf32, #tpu.memory_space<vmem>>, vector<1x16xf32>,
      %get3A_1882 = vector.shape_cast %get3A_1881 : vector<1x16xf32> to vector<16xf32>
      %get3A_1883 = arith.index_cast %add3A_1794 : i32 to index
      %get3A_1884 = arith.constant 96 : index
      %get3A_1885 = tpu.vector_load %arg5[%get3A_1883, %get3A_1884] {strides = array<i32>} : memref<320x128xf32, #tpu.memory_space<vmem>>, vector<1x16xf32>,
      %get3A_1886 = vector.shape_cast %get3A_1885 : vector<1x16xf32> to vector<16xf32>
      %max3A_1887 = arith.maximumf %get3A_1882, %get3A_1886 : vector<16xf32>
      %swap3A_1888 = arith.index_cast %squeeze3A_1790 : i32 to index
      %swap3A_1889 = arith.constant 96 : index
      %swap3A_1890 = tpu.vector_load %arg7[%swap3A_1888, %swap3A_1889] {strides = array<i32>} : memref<272x128xf32, #tpu.memory_space<vmem>>, vector<1x16xf32>,
      %swap3A_1891 = vector.shape_cast %swap3A_1890 : vector<1x16xf32> to vector<16xf32>
      %swap3A_1892 = vector.shape_cast %max3A_1887 : vector<16xf32> to vector<1x16xf32>
      tpu.vector_store %arg7[%swap3A_1888, %swap3A_1889], %swap3A_1892 {strides = array<i32>} : memref<272x128xf32, #tpu.memory_space<vmem>>, vector<1x16xf32>,
      %get3A_1893 = arith.index_cast %squeeze3A_1790 : i32 to index
      %get3A_1894 = arith.constant 112 : index
      %get3A_1895 = tpu.vector_load %arg7[%get3A_1893, %get3A_1894] {strides = array<i32>} : memref<272x128xf32, #tpu.memory_space<vmem>>, vector<1x16xf32>,
      %get3A_1896 = vector.shape_cast %get3A_1895 : vector<1x16xf32> to vector<16xf32>
      %get3A_1897 = arith.index_cast %add3A_1794 : i32 to index
      %get3A_1898 = arith.constant 112 : index
      %get3A_1899 = tpu.vector_load %arg5[%get3A_1897, %get3A_1898] {strides = array<i32>} : memref<320x128xf32, #tpu.memory_space<vmem>>, vector<1x16xf32>,
      %get3A_1900 = vector.shape_cast %get3A_1899 : vector<1x16xf32> to vector<16xf32>
      %max3A_1901 = arith.maximumf %get3A_1896, %get3A_1900 : vector<16xf32>
      %swap3A_1902 = arith.index_cast %squeeze3A_1790 : i32 to index
      %swap3A_1903 = arith.constant 112 : index
      %swap3A_1904 = tpu.vector_load %arg7[%swap3A_1902, %swap3A_1903] {strides = array<i32>} : memref<272x128xf32, #tpu.memory_space<vmem>>, vector<1x16xf32>,
      %swap3A_1905 = vector.shape_cast %swap3A_1904 : vector<1x16xf32> to vector<16xf32>
      %swap3A_1906 = vector.shape_cast %max3A_1901 : vector<16xf32> to vector<1x16xf32>
      tpu.vector_store %arg7[%swap3A_1902, %swap3A_1903], %swap3A_1906 {strides = array<i32>} : memref<272x128xf32, #tpu.memory_space<vmem>>, vector<1x16xf32>,
      %scan3A_1907 = arith.constant 0 : i32
      scf.yield %scan3A_1907 : i32
    }
    %scan3A_16 = arith.constant 20 : i32
    "tpu.region"() ({
      %run_scoped3A = tpu.sem_alloc : memref<!tpu.dma_semaphore, #tpu.memory_space<semaphore_mem>>
      %dma_start3A = arith.constant 0 : i32
      %dma_start3A_17 = arith.constant 0 : i32
      %dma_start3A_18 = tpu.memref_slice %arg4[%add3A, %dma_start3A, %dma_start3A_17] : memref<32x272x128xf32, #tpu.memory_space<hbm>> -> memref<1x272x128xf32, #tpu.memory_space<hbm>>
      %dma_start3A_19 = tpu.memref_squeeze %dma_start3A_18 : memref<1x272x128xf32, #tpu.memory_space<hbm>> -> memref<272x128xf32, #tpu.memory_space<hbm>>
      %dma_start3A_20 = arith.constant 0 : i32
      %dma_start3A_21 = arith.constant 0 : i32
      %dma_start3A_22 = tpu.memref_slice %arg4[%add3A, %dma_start3A_20, %dma_start3A_21] : memref<32x272x128xf32, #tpu.memory_space<hbm>> -> memref<1x272x128xf32, #tpu.memory_space<hbm>>
      %dma_start3A_23 = tpu.memref_squeeze %dma_start3A_22 : memref<1x272x128xf32, #tpu.memory_space<hbm>> -> memref<272x128xf32, #tpu.memory_space<hbm>>
      tpu.enqueue_dma source(%arg7 : memref<272x128xf32, #tpu.memory_space<vmem>>) target(%dma_start3A_23 : memref<272x128xf32, #tpu.memory_space<hbm>>) target_semaphore(%run_scoped3A : memref<!tpu.dma_semaphore, #tpu.memory_space<semaphore_mem>>)
      %dma_wait3A = arith.constant 0 : i32
      %dma_wait3A_24 = arith.constant 0 : i32
      %dma_wait3A_25 = tpu.memref_slice %arg4[%add3A, %dma_wait3A, %dma_wait3A_24] : memref<32x272x128xf32, #tpu.memory_space<hbm>> -> memref<1x272x128xf32, #tpu.memory_space<hbm>>
      %dma_wait3A_26 = tpu.memref_squeeze %dma_wait3A_25 : memref<1x272x128xf32, #tpu.memory_space<hbm>> -> memref<272x128xf32, #tpu.memory_space<hbm>>
      %dma_wait3A_27 = arith.constant 0 : i32
      %dma_wait3A_28 = arith.constant 0 : i32
      %dma_wait3A_29 = tpu.memref_slice %arg4[%add3A, %dma_wait3A_27, %dma_wait3A_28] : memref<32x272x128xf32, #tpu.memory_space<hbm>> -> memref<1x272x128xf32, #tpu.memory_space<hbm>>
      %dma_wait3A_30 = tpu.memref_squeeze %dma_wait3A_29 : memref<1x272x128xf32, #tpu.memory_space<hbm>> -> memref<272x128xf32, #tpu.memory_space<hbm>>
      tpu.wait_dma2 semaphore(%run_scoped3A : memref<!tpu.dma_semaphore, #tpu.memory_space<semaphore_mem>>) src(%arg7 : memref<272x128xf32, #tpu.memory_space<vmem>>) dst(%dma_wait3A_30 : memref<272x128xf32, #tpu.memory_space<hbm>>)
      tpu.yield
    }) : () -> ()
    return
  }
}

#map = affine_map<(d0, d1) -> (0, 0, 0, 0)>
#map1 = affine_map<(d0, d1) -> (0, 0, 0)>
#map2 = affine_map<(d0, d1) -> (0, 0)>
module attributes {stable_mosaic.version = 14 : i64} {
  func.func @_sc_degree(%arg0: i32, %arg1: i32, %arg2: memref<2x16x80x128xi32, #tpu.memory_space<hbm>>, %arg3: memref<2x128x128xf32, #tpu.memory_space<hbm>>, %arg4: memref<2x10240xf32, #tpu.memory_space<hbm>>, %arg5: memref<80x128xi32, #tpu.memory_space<vmem>>, %arg6: memref<128x128xf32, #tpu.memory_space<vmem>>, %arg7: memref<128x128xf32, #tpu.memory_space<vmem>>, %arg8: memref<640xf32, #tpu.memory_space<vmem>>, %arg9: memref<10240x128xf32, #tpu.memory_space<vmem_shared>>, %arg10: memref<!tpu.dma_semaphore, #tpu.memory_space<semaphore_mem>>) attributes {dimension_semantics = [#tpu.dimension_semantics<core_parallel>, #tpu.dimension_semantics<subcore_parallel>], iteration_bounds = array<i64: 2, 16>, scalar_prefetch = 0 : i64, scratch_operands = 6 : i64, tpu.core_type = #tpu.core_type<sc_vector_subcore>, window_params = [{transform_indices = #map}, {transform_indices = #map1}, {transform_indices = #map2}]} {
    %run_scoped3A = arith.constant 0 : i32
    "tpu.region"() ({
      %run_scoped3A_23 = tpu.sem_alloc : memref<!tpu.dma_semaphore, #tpu.memory_space<semaphore_mem>>
      %dma_start3A = arith.constant 0 : i32
      %dma_start3A_24 = arith.constant 0 : i32
      %dma_start3A_25 = tpu.memref_slice %arg3[%run_scoped3A, %dma_start3A, %dma_start3A_24] : memref<2x128x128xf32, #tpu.memory_space<hbm>> -> memref<1x128x128xf32, #tpu.memory_space<hbm>>
      %dma_start3A_26 = tpu.memref_squeeze %dma_start3A_25 : memref<1x128x128xf32, #tpu.memory_space<hbm>> -> memref<128x128xf32, #tpu.memory_space<hbm>>
      %dma_start3A_27 = arith.constant 0 : i32
      %dma_start3A_28 = arith.constant 0 : i32
      %dma_start3A_29 = tpu.memref_slice %arg3[%run_scoped3A, %dma_start3A_27, %dma_start3A_28] : memref<2x128x128xf32, #tpu.memory_space<hbm>> -> memref<1x128x128xf32, #tpu.memory_space<hbm>>
      %dma_start3A_30 = tpu.memref_squeeze %dma_start3A_29 : memref<1x128x128xf32, #tpu.memory_space<hbm>> -> memref<128x128xf32, #tpu.memory_space<hbm>>
      tpu.enqueue_dma source(%dma_start3A_30 : memref<128x128xf32, #tpu.memory_space<hbm>>) target(%arg6 : memref<128x128xf32, #tpu.memory_space<vmem>>) target_semaphore(%run_scoped3A_23 : memref<!tpu.dma_semaphore, #tpu.memory_space<semaphore_mem>>)
      %dma_wait3A = arith.constant 0 : i32
      %dma_wait3A_31 = arith.constant 0 : i32
      %dma_wait3A_32 = tpu.memref_slice %arg3[%run_scoped3A, %dma_wait3A, %dma_wait3A_31] : memref<2x128x128xf32, #tpu.memory_space<hbm>> -> memref<1x128x128xf32, #tpu.memory_space<hbm>>
      %dma_wait3A_33 = tpu.memref_squeeze %dma_wait3A_32 : memref<1x128x128xf32, #tpu.memory_space<hbm>> -> memref<128x128xf32, #tpu.memory_space<hbm>>
      %dma_wait3A_34 = arith.constant 0 : i32
      %dma_wait3A_35 = arith.constant 0 : i32
      %dma_wait3A_36 = tpu.memref_slice %arg3[%run_scoped3A, %dma_wait3A_34, %dma_wait3A_35] : memref<2x128x128xf32, #tpu.memory_space<hbm>> -> memref<1x128x128xf32, #tpu.memory_space<hbm>>
      %dma_wait3A_37 = tpu.memref_squeeze %dma_wait3A_36 : memref<1x128x128xf32, #tpu.memory_space<hbm>> -> memref<128x128xf32, #tpu.memory_space<hbm>>
      tpu.wait_dma2 semaphore(%run_scoped3A_23 : memref<!tpu.dma_semaphore, #tpu.memory_space<semaphore_mem>>) src(%dma_wait3A_37 : memref<128x128xf32, #tpu.memory_space<hbm>>) dst(%arg6 : memref<128x128xf32, #tpu.memory_space<vmem>>)
      tpu.yield
    }) : () -> ()
    %run_scoped3A_0 = arith.constant 1 : i32
    "tpu.region"() ({
      %run_scoped3A_23 = tpu.sem_alloc : memref<!tpu.dma_semaphore, #tpu.memory_space<semaphore_mem>>
      %dma_start3A = arith.constant 0 : i32
      %dma_start3A_24 = arith.constant 0 : i32
      %dma_start3A_25 = tpu.memref_slice %arg3[%run_scoped3A_0, %dma_start3A, %dma_start3A_24] : memref<2x128x128xf32, #tpu.memory_space<hbm>> -> memref<1x128x128xf32, #tpu.memory_space<hbm>>
      %dma_start3A_26 = tpu.memref_squeeze %dma_start3A_25 : memref<1x128x128xf32, #tpu.memory_space<hbm>> -> memref<128x128xf32, #tpu.memory_space<hbm>>
      %dma_start3A_27 = arith.constant 0 : i32
      %dma_start3A_28 = arith.constant 0 : i32
      %dma_start3A_29 = tpu.memref_slice %arg3[%run_scoped3A_0, %dma_start3A_27, %dma_start3A_28] : memref<2x128x128xf32, #tpu.memory_space<hbm>> -> memref<1x128x128xf32, #tpu.memory_space<hbm>>
      %dma_start3A_30 = tpu.memref_squeeze %dma_start3A_29 : memref<1x128x128xf32, #tpu.memory_space<hbm>> -> memref<128x128xf32, #tpu.memory_space<hbm>>
      tpu.enqueue_dma source(%dma_start3A_30 : memref<128x128xf32, #tpu.memory_space<hbm>>) target(%arg7 : memref<128x128xf32, #tpu.memory_space<vmem>>) target_semaphore(%run_scoped3A_23 : memref<!tpu.dma_semaphore, #tpu.memory_space<semaphore_mem>>)
      %dma_wait3A = arith.constant 0 : i32
      %dma_wait3A_31 = arith.constant 0 : i32
      %dma_wait3A_32 = tpu.memref_slice %arg3[%run_scoped3A_0, %dma_wait3A, %dma_wait3A_31] : memref<2x128x128xf32, #tpu.memory_space<hbm>> -> memref<1x128x128xf32, #tpu.memory_space<hbm>>
      %dma_wait3A_33 = tpu.memref_squeeze %dma_wait3A_32 : memref<1x128x128xf32, #tpu.memory_space<hbm>> -> memref<128x128xf32, #tpu.memory_space<hbm>>
      %dma_wait3A_34 = arith.constant 0 : i32
      %dma_wait3A_35 = arith.constant 0 : i32
      %dma_wait3A_36 = tpu.memref_slice %arg3[%run_scoped3A_0, %dma_wait3A_34, %dma_wait3A_35] : memref<2x128x128xf32, #tpu.memory_space<hbm>> -> memref<1x128x128xf32, #tpu.memory_space<hbm>>
      %dma_wait3A_37 = tpu.memref_squeeze %dma_wait3A_36 : memref<1x128x128xf32, #tpu.memory_space<hbm>> -> memref<128x128xf32, #tpu.memory_space<hbm>>
      tpu.wait_dma2 semaphore(%run_scoped3A_23 : memref<!tpu.dma_semaphore, #tpu.memory_space<semaphore_mem>>) src(%dma_wait3A_37 : memref<128x128xf32, #tpu.memory_space<hbm>>) dst(%arg7 : memref<128x128xf32, #tpu.memory_space<vmem>>)
      tpu.yield
    }) : () -> ()
    %scan3A = arith.constant 0 : i32
    %scan3A_1 = arith.constant 0 : i32
    %scan3A_2 = arith.constant 5 : i32
    %scan3A_3 = arith.addi %scan3A_1, %scan3A_2 : i32
    %scan3A_4 = arith.constant 1 : i32
    %scan3A_5 = scf.for %scan3A_23 = %scan3A_1 to %scan3A_3 step %scan3A_4 iter_args(%scan3A_24 = %scan3A) -> (i32)  : i32 {
      %mul3A_25 = arith.constant 640 : i32
      %mul3A_26 = arith.muli %arg1, %mul3A_25 : i32
      %mul3A_27 = arith.constant 128 : i32
      %mul3A_28 = arith.muli %scan3A_23, %mul3A_27 : i32
      %add3A = arith.addi %mul3A_26, %mul3A_28 : i32
      "tpu.region"() ({
        %run_scoped3A_30 = tpu.sem_alloc : memref<!tpu.dma_semaphore, #tpu.memory_space<semaphore_mem>>
        %dma_start3A = arith.constant 0 : i32
        %dma_start3A_31 = tpu.memref_slice %arg9[%add3A, %dma_start3A] : memref<10240x128xf32, #tpu.memory_space<vmem_shared>> -> memref<128x128xf32, #tpu.memory_space<vmem_shared>>
        %dma_start3A_32 = arith.constant 0 : i32
        %dma_start3A_33 = tpu.memref_slice %arg9[%add3A, %dma_start3A_32] : memref<10240x128xf32, #tpu.memory_space<vmem_shared>> -> memref<128x128xf32, #tpu.memory_space<vmem_shared>>
        tpu.enqueue_dma source(%arg6 : memref<128x128xf32, #tpu.memory_space<vmem>>) target(%dma_start3A_33 : memref<128x128xf32, #tpu.memory_space<vmem_shared>>) target_semaphore(%run_scoped3A_30 : memref<!tpu.dma_semaphore, #tpu.memory_space<semaphore_mem>>)
        %dma_wait3A = arith.constant 0 : i32
        %dma_wait3A_34 = tpu.memref_slice %arg9[%add3A, %dma_wait3A] : memref<10240x128xf32, #tpu.memory_space<vmem_shared>> -> memref<128x128xf32, #tpu.memory_space<vmem_shared>>
        %dma_wait3A_35 = arith.constant 0 : i32
        %dma_wait3A_36 = tpu.memref_slice %arg9[%add3A, %dma_wait3A_35] : memref<10240x128xf32, #tpu.memory_space<vmem_shared>> -> memref<128x128xf32, #tpu.memory_space<vmem_shared>>
        tpu.wait_dma2 semaphore(%run_scoped3A_30 : memref<!tpu.dma_semaphore, #tpu.memory_space<semaphore_mem>>) src(%arg6 : memref<128x128xf32, #tpu.memory_space<vmem>>) dst(%dma_wait3A_36 : memref<128x128xf32, #tpu.memory_space<vmem_shared>>)
        tpu.yield
      }) : () -> ()
      %scan3A_29 = arith.constant 0 : i32
      scf.yield %scan3A_29 : i32
    }
    %scan3A_6 = arith.constant 5 : i32
    %barrier3A = arith.constant 0 : index
    tpu.barrier barrier_id(%barrier3A)
    "tpu.region"() ({
      %run_scoped3A_23 = tpu.sem_alloc : memref<!tpu.dma_semaphore, #tpu.memory_space<semaphore_mem>>
      %dma_start3A = arith.constant 0 : i32
      %dma_start3A_24 = arith.constant 0 : i32
      %dma_start3A_25 = tpu.memref_slice %arg2[%arg0, %arg1, %dma_start3A, %dma_start3A_24] : memref<2x16x80x128xi32, #tpu.memory_space<hbm>> -> memref<1x1x80x128xi32, #tpu.memory_space<hbm>>
      %dma_start3A_26 = tpu.memref_squeeze %dma_start3A_25 : memref<1x1x80x128xi32, #tpu.memory_space<hbm>> -> memref<80x128xi32, #tpu.memory_space<hbm>>
      %dma_start3A_27 = arith.constant 0 : i32
      %dma_start3A_28 = arith.constant 0 : i32
      %dma_start3A_29 = tpu.memref_slice %arg2[%arg0, %arg1, %dma_start3A_27, %dma_start3A_28] : memref<2x16x80x128xi32, #tpu.memory_space<hbm>> -> memref<1x1x80x128xi32, #tpu.memory_space<hbm>>
      %dma_start3A_30 = tpu.memref_squeeze %dma_start3A_29 : memref<1x1x80x128xi32, #tpu.memory_space<hbm>> -> memref<80x128xi32, #tpu.memory_space<hbm>>
      tpu.enqueue_dma source(%dma_start3A_30 : memref<80x128xi32, #tpu.memory_space<hbm>>) target(%arg5 : memref<80x128xi32, #tpu.memory_space<vmem>>) target_semaphore(%run_scoped3A_23 : memref<!tpu.dma_semaphore, #tpu.memory_space<semaphore_mem>>)
      %dma_wait3A = arith.constant 0 : i32
      %dma_wait3A_31 = arith.constant 0 : i32
      %dma_wait3A_32 = tpu.memref_slice %arg2[%arg0, %arg1, %dma_wait3A, %dma_wait3A_31] : memref<2x16x80x128xi32, #tpu.memory_space<hbm>> -> memref<1x1x80x128xi32, #tpu.memory_space<hbm>>
      %dma_wait3A_33 = tpu.memref_squeeze %dma_wait3A_32 : memref<1x1x80x128xi32, #tpu.memory_space<hbm>> -> memref<80x128xi32, #tpu.memory_space<hbm>>
      %dma_wait3A_34 = arith.constant 0 : i32
      %dma_wait3A_35 = arith.constant 0 : i32
      %dma_wait3A_36 = tpu.memref_slice %arg2[%arg0, %arg1, %dma_wait3A_34, %dma_wait3A_35] : memref<2x16x80x128xi32, #tpu.memory_space<hbm>> -> memref<1x1x80x128xi32, #tpu.memory_space<hbm>>
      %dma_wait3A_37 = tpu.memref_squeeze %dma_wait3A_36 : memref<1x1x80x128xi32, #tpu.memory_space<hbm>> -> memref<80x128xi32, #tpu.memory_space<hbm>>
      tpu.wait_dma2 semaphore(%run_scoped3A_23 : memref<!tpu.dma_semaphore, #tpu.memory_space<semaphore_mem>>) src(%dma_wait3A_37 : memref<80x128xi32, #tpu.memory_space<hbm>>) dst(%arg5 : memref<80x128xi32, #tpu.memory_space<vmem>>)
      tpu.yield
    }) : () -> ()
    %scan3A_7 = arith.constant 0 : i32
    %scan3A_8 = arith.constant 0 : i32
    %scan3A_9 = arith.constant 10 : i32
    %scan3A_10 = arith.addi %scan3A_8, %scan3A_9 : i32
    %scan3A_11 = arith.constant 1 : i32
    %scan3A_12 = scf.for %scan3A_23 = %scan3A_8 to %scan3A_10 step %scan3A_11 iter_args(%scan3A_24 = %scan3A_7) -> (i32)  : i32 {
      %mul3A_25 = arith.constant 8 : i32
      %mul3A_26 = arith.muli %scan3A_23, %mul3A_25 : i32
      %add3A = arith.constant 0 : i32
      %add3A_27 = arith.addi %mul3A_26, %add3A : i32
      %dma_start3A = arith.constant 0 : i32
      %dma_start3A_28 = tpu.memref_slice %arg5[%add3A_27, %dma_start3A] : memref<80x128xi32, #tpu.memory_space<vmem>> -> memref<1x128xi32, #tpu.memory_space<vmem>>
      %dma_start3A_29 = tpu.memref_squeeze %dma_start3A_28 : memref<1x128xi32, #tpu.memory_space<vmem>> -> memref<128xi32, #tpu.memory_space<vmem>>
      %dma_start3A_30 = arith.constant 0 : i32
      %dma_start3A_31 = arith.constant 0 : i32
      %dma_start3A_32 = tpu.memref_slice %arg9[%dma_start3A_30, %dma_start3A_31] : memref<10240x128xf32, #tpu.memory_space<vmem_shared>> -> memref<10240x128xf32, #tpu.memory_space<vmem_shared>>
      tpu.enqueue_indirect_dma source(%arg7 : memref<128x128xf32, #tpu.memory_space<vmem>>) target(%dma_start3A_32 : memref<10240x128xf32, #tpu.memory_space<vmem_shared>>) offsets(%dma_start3A_29 : memref<128xi32, #tpu.memory_space<vmem>>) semaphore(%arg10 : memref<!tpu.dma_semaphore, #tpu.memory_space<semaphore_mem>>) {add = true}
      %mul3A_33 = arith.constant 8 : i32
      %mul3A_34 = arith.muli %scan3A_23, %mul3A_33 : i32
      %add3A_35 = arith.constant 1 : i32
      %add3A_36 = arith.addi %mul3A_34, %add3A_35 : i32
      %dma_start3A_37 = arith.constant 0 : i32
      %dma_start3A_38 = tpu.memref_slice %arg5[%add3A_36, %dma_start3A_37] : memref<80x128xi32, #tpu.memory_space<vmem>> -> memref<1x128xi32, #tpu.memory_space<vmem>>
      %dma_start3A_39 = tpu.memref_squeeze %dma_start3A_38 : memref<1x128xi32, #tpu.memory_space<vmem>> -> memref<128xi32, #tpu.memory_space<vmem>>
      %dma_start3A_40 = arith.constant 0 : i32
      %dma_start3A_41 = arith.constant 0 : i32
      %dma_start3A_42 = tpu.memref_slice %arg9[%dma_start3A_40, %dma_start3A_41] : memref<10240x128xf32, #tpu.memory_space<vmem_shared>> -> memref<10240x128xf32, #tpu.memory_space<vmem_shared>>
      tpu.enqueue_indirect_dma source(%arg7 : memref<128x128xf32, #tpu.memory_space<vmem>>) target(%dma_start3A_42 : memref<10240x128xf32, #tpu.memory_space<vmem_shared>>) offsets(%dma_start3A_39 : memref<128xi32, #tpu.memory_space<vmem>>) semaphore(%arg10 : memref<!tpu.dma_semaphore, #tpu.memory_space<semaphore_mem>>) {add = true}
      %mul3A_43 = arith.constant 8 : i32
      %mul3A_44 = arith.muli %scan3A_23, %mul3A_43 : i32
      %add3A_45 = arith.constant 2 : i32
      %add3A_46 = arith.addi %mul3A_44, %add3A_45 : i32
      %dma_start3A_47 = arith.constant 0 : i32
      %dma_start3A_48 = tpu.memref_slice %arg5[%add3A_46, %dma_start3A_47] : memref<80x128xi32, #tpu.memory_space<vmem>> -> memref<1x128xi32, #tpu.memory_space<vmem>>
      %dma_start3A_49 = tpu.memref_squeeze %dma_start3A_48 : memref<1x128xi32, #tpu.memory_space<vmem>> -> memref<128xi32, #tpu.memory_space<vmem>>
      %dma_start3A_50 = arith.constant 0 : i32
      %dma_start3A_51 = arith.constant 0 : i32
      %dma_start3A_52 = tpu.memref_slice %arg9[%dma_start3A_50, %dma_start3A_51] : memref<10240x128xf32, #tpu.memory_space<vmem_shared>> -> memref<10240x128xf32, #tpu.memory_space<vmem_shared>>
      tpu.enqueue_indirect_dma source(%arg7 : memref<128x128xf32, #tpu.memory_space<vmem>>) target(%dma_start3A_52 : memref<10240x128xf32, #tpu.memory_space<vmem_shared>>) offsets(%dma_start3A_49 : memref<128xi32, #tpu.memory_space<vmem>>) semaphore(%arg10 : memref<!tpu.dma_semaphore, #tpu.memory_space<semaphore_mem>>) {add = true}
      %mul3A_53 = arith.constant 8 : i32
      %mul3A_54 = arith.muli %scan3A_23, %mul3A_53 : i32
      %add3A_55 = arith.constant 3 : i32
      %add3A_56 = arith.addi %mul3A_54, %add3A_55 : i32
      %dma_start3A_57 = arith.constant 0 : i32
      %dma_start3A_58 = tpu.memref_slice %arg5[%add3A_56, %dma_start3A_57] : memref<80x128xi32, #tpu.memory_space<vmem>> -> memref<1x128xi32, #tpu.memory_space<vmem>>
      %dma_start3A_59 = tpu.memref_squeeze %dma_start3A_58 : memref<1x128xi32, #tpu.memory_space<vmem>> -> memref<128xi32, #tpu.memory_space<vmem>>
      %dma_start3A_60 = arith.constant 0 : i32
      %dma_start3A_61 = arith.constant 0 : i32
      %dma_start3A_62 = tpu.memref_slice %arg9[%dma_start3A_60, %dma_start3A_61] : memref<10240x128xf32, #tpu.memory_space<vmem_shared>> -> memref<10240x128xf32, #tpu.memory_space<vmem_shared>>
      tpu.enqueue_indirect_dma source(%arg7 : memref<128x128xf32, #tpu.memory_space<vmem>>) target(%dma_start3A_62 : memref<10240x128xf32, #tpu.memory_space<vmem_shared>>) offsets(%dma_start3A_59 : memref<128xi32, #tpu.memory_space<vmem>>) semaphore(%arg10 : memref<!tpu.dma_semaphore, #tpu.memory_space<semaphore_mem>>) {add = true}
      %mul3A_63 = arith.constant 8 : i32
      %mul3A_64 = arith.muli %scan3A_23, %mul3A_63 : i32
      %add3A_65 = arith.constant 4 : i32
      %add3A_66 = arith.addi %mul3A_64, %add3A_65 : i32
      %dma_start3A_67 = arith.constant 0 : i32
      %dma_start3A_68 = tpu.memref_slice %arg5[%add3A_66, %dma_start3A_67] : memref<80x128xi32, #tpu.memory_space<vmem>> -> memref<1x128xi32, #tpu.memory_space<vmem>>
      %dma_start3A_69 = tpu.memref_squeeze %dma_start3A_68 : memref<1x128xi32, #tpu.memory_space<vmem>> -> memref<128xi32, #tpu.memory_space<vmem>>
      %dma_start3A_70 = arith.constant 0 : i32
      %dma_start3A_71 = arith.constant 0 : i32
      %dma_start3A_72 = tpu.memref_slice %arg9[%dma_start3A_70, %dma_start3A_71] : memref<10240x128xf32, #tpu.memory_space<vmem_shared>> -> memref<10240x128xf32, #tpu.memory_space<vmem_shared>>
      tpu.enqueue_indirect_dma source(%arg7 : memref<128x128xf32, #tpu.memory_space<vmem>>) target(%dma_start3A_72 : memref<10240x128xf32, #tpu.memory_space<vmem_shared>>) offsets(%dma_start3A_69 : memref<128xi32, #tpu.memory_space<vmem>>) semaphore(%arg10 : memref<!tpu.dma_semaphore, #tpu.memory_space<semaphore_mem>>) {add = true}
      %mul3A_73 = arith.constant 8 : i32
      %mul3A_74 = arith.muli %scan3A_23, %mul3A_73 : i32
      %add3A_75 = arith.constant 5 : i32
      %add3A_76 = arith.addi %mul3A_74, %add3A_75 : i32
      %dma_start3A_77 = arith.constant 0 : i32
      %dma_start3A_78 = tpu.memref_slice %arg5[%add3A_76, %dma_start3A_77] : memref<80x128xi32, #tpu.memory_space<vmem>> -> memref<1x128xi32, #tpu.memory_space<vmem>>
      %dma_start3A_79 = tpu.memref_squeeze %dma_start3A_78 : memref<1x128xi32, #tpu.memory_space<vmem>> -> memref<128xi32, #tpu.memory_space<vmem>>
      %dma_start3A_80 = arith.constant 0 : i32
      %dma_start3A_81 = arith.constant 0 : i32
      %dma_start3A_82 = tpu.memref_slice %arg9[%dma_start3A_80, %dma_start3A_81] : memref<10240x128xf32, #tpu.memory_space<vmem_shared>> -> memref<10240x128xf32, #tpu.memory_space<vmem_shared>>
      tpu.enqueue_indirect_dma source(%arg7 : memref<128x128xf32, #tpu.memory_space<vmem>>) target(%dma_start3A_82 : memref<10240x128xf32, #tpu.memory_space<vmem_shared>>) offsets(%dma_start3A_79 : memref<128xi32, #tpu.memory_space<vmem>>) semaphore(%arg10 : memref<!tpu.dma_semaphore, #tpu.memory_space<semaphore_mem>>) {add = true}
      %mul3A_83 = arith.constant 8 : i32
      %mul3A_84 = arith.muli %scan3A_23, %mul3A_83 : i32
      %add3A_85 = arith.constant 6 : i32
      %add3A_86 = arith.addi %mul3A_84, %add3A_85 : i32
      %dma_start3A_87 = arith.constant 0 : i32
      %dma_start3A_88 = tpu.memref_slice %arg5[%add3A_86, %dma_start3A_87] : memref<80x128xi32, #tpu.memory_space<vmem>> -> memref<1x128xi32, #tpu.memory_space<vmem>>
      %dma_start3A_89 = tpu.memref_squeeze %dma_start3A_88 : memref<1x128xi32, #tpu.memory_space<vmem>> -> memref<128xi32, #tpu.memory_space<vmem>>
      %dma_start3A_90 = arith.constant 0 : i32
      %dma_start3A_91 = arith.constant 0 : i32
      %dma_start3A_92 = tpu.memref_slice %arg9[%dma_start3A_90, %dma_start3A_91] : memref<10240x128xf32, #tpu.memory_space<vmem_shared>> -> memref<10240x128xf32, #tpu.memory_space<vmem_shared>>
      tpu.enqueue_indirect_dma source(%arg7 : memref<128x128xf32, #tpu.memory_space<vmem>>) target(%dma_start3A_92 : memref<10240x128xf32, #tpu.memory_space<vmem_shared>>) offsets(%dma_start3A_89 : memref<128xi32, #tpu.memory_space<vmem>>) semaphore(%arg10 : memref<!tpu.dma_semaphore, #tpu.memory_space<semaphore_mem>>) {add = true}
      %mul3A_93 = arith.constant 8 : i32
      %mul3A_94 = arith.muli %scan3A_23, %mul3A_93 : i32
      %add3A_95 = arith.constant 7 : i32
      %add3A_96 = arith.addi %mul3A_94, %add3A_95 : i32
      %dma_start3A_97 = arith.constant 0 : i32
      %dma_start3A_98 = tpu.memref_slice %arg5[%add3A_96, %dma_start3A_97] : memref<80x128xi32, #tpu.memory_space<vmem>> -> memref<1x128xi32, #tpu.memory_space<vmem>>
      %dma_start3A_99 = tpu.memref_squeeze %dma_start3A_98 : memref<1x128xi32, #tpu.memory_space<vmem>> -> memref<128xi32, #tpu.memory_space<vmem>>
      %dma_start3A_100 = arith.constant 0 : i32
      %dma_start3A_101 = arith.constant 0 : i32
      %dma_start3A_102 = tpu.memref_slice %arg9[%dma_start3A_100, %dma_start3A_101] : memref<10240x128xf32, #tpu.memory_space<vmem_shared>> -> memref<10240x128xf32, #tpu.memory_space<vmem_shared>>
      tpu.enqueue_indirect_dma source(%arg7 : memref<128x128xf32, #tpu.memory_space<vmem>>) target(%dma_start3A_102 : memref<10240x128xf32, #tpu.memory_space<vmem_shared>>) offsets(%dma_start3A_99 : memref<128xi32, #tpu.memory_space<vmem>>) semaphore(%arg10 : memref<!tpu.dma_semaphore, #tpu.memory_space<semaphore_mem>>) {add = true}
      %dma_wait3A = arith.constant 0 : i32
      %dma_wait3A_103 = tpu.memref_slice %arg5[%add3A_27, %dma_wait3A] : memref<80x128xi32, #tpu.memory_space<vmem>> -> memref<1x128xi32, #tpu.memory_space<vmem>>
      %dma_wait3A_104 = tpu.memref_squeeze %dma_wait3A_103 : memref<1x128xi32, #tpu.memory_space<vmem>> -> memref<128xi32, #tpu.memory_space<vmem>>
      %dma_wait3A_105 = arith.constant 0 : i32
      %dma_wait3A_106 = arith.constant 0 : i32
      %dma_wait3A_107 = tpu.memref_slice %arg9[%dma_wait3A_105, %dma_wait3A_106] : memref<10240x128xf32, #tpu.memory_space<vmem_shared>> -> memref<10240x128xf32, #tpu.memory_space<vmem_shared>>
      tpu.wait_indirect_dma semaphore(%arg10 : memref<!tpu.dma_semaphore, #tpu.memory_space<semaphore_mem>>) src(%arg7 : memref<128x128xf32, #tpu.memory_space<vmem>>) dst(%dma_wait3A_107 : memref<10240x128xf32, #tpu.memory_space<vmem_shared>>)
      %dma_wait3A_108 = arith.constant 0 : i32
      %dma_wait3A_109 = tpu.memref_slice %arg5[%add3A_36, %dma_wait3A_108] : memref<80x128xi32, #tpu.memory_space<vmem>> -> memref<1x128xi32, #tpu.memory_space<vmem>>
      %dma_wait3A_110 = tpu.memref_squeeze %dma_wait3A_109 : memref<1x128xi32, #tpu.memory_space<vmem>> -> memref<128xi32, #tpu.memory_space<vmem>>
      %dma_wait3A_111 = arith.constant 0 : i32
      %dma_wait3A_112 = arith.constant 0 : i32
      %dma_wait3A_113 = tpu.memref_slice %arg9[%dma_wait3A_111, %dma_wait3A_112] : memref<10240x128xf32, #tpu.memory_space<vmem_shared>> -> memref<10240x128xf32, #tpu.memory_space<vmem_shared>>
      tpu.wait_indirect_dma semaphore(%arg10 : memref<!tpu.dma_semaphore, #tpu.memory_space<semaphore_mem>>) src(%arg7 : memref<128x128xf32, #tpu.memory_space<vmem>>) dst(%dma_wait3A_113 : memref<10240x128xf32, #tpu.memory_space<vmem_shared>>)
      %dma_wait3A_114 = arith.constant 0 : i32
      %dma_wait3A_115 = tpu.memref_slice %arg5[%add3A_46, %dma_wait3A_114] : memref<80x128xi32, #tpu.memory_space<vmem>> -> memref<1x128xi32, #tpu.memory_space<vmem>>
      %dma_wait3A_116 = tpu.memref_squeeze %dma_wait3A_115 : memref<1x128xi32, #tpu.memory_space<vmem>> -> memref<128xi32, #tpu.memory_space<vmem>>
      %dma_wait3A_117 = arith.constant 0 : i32
      %dma_wait3A_118 = arith.constant 0 : i32
      %dma_wait3A_119 = tpu.memref_slice %arg9[%dma_wait3A_117, %dma_wait3A_118] : memref<10240x128xf32, #tpu.memory_space<vmem_shared>> -> memref<10240x128xf32, #tpu.memory_space<vmem_shared>>
      tpu.wait_indirect_dma semaphore(%arg10 : memref<!tpu.dma_semaphore, #tpu.memory_space<semaphore_mem>>) src(%arg7 : memref<128x128xf32, #tpu.memory_space<vmem>>) dst(%dma_wait3A_119 : memref<10240x128xf32, #tpu.memory_space<vmem_shared>>)
      %dma_wait3A_120 = arith.constant 0 : i32
      %dma_wait3A_121 = tpu.memref_slice %arg5[%add3A_56, %dma_wait3A_120] : memref<80x128xi32, #tpu.memory_space<vmem>> -> memref<1x128xi32, #tpu.memory_space<vmem>>
      %dma_wait3A_122 = tpu.memref_squeeze %dma_wait3A_121 : memref<1x128xi32, #tpu.memory_space<vmem>> -> memref<128xi32, #tpu.memory_space<vmem>>
      %dma_wait3A_123 = arith.constant 0 : i32
      %dma_wait3A_124 = arith.constant 0 : i32
      %dma_wait3A_125 = tpu.memref_slice %arg9[%dma_wait3A_123, %dma_wait3A_124] : memref<10240x128xf32, #tpu.memory_space<vmem_shared>> -> memref<10240x128xf32, #tpu.memory_space<vmem_shared>>
      tpu.wait_indirect_dma semaphore(%arg10 : memref<!tpu.dma_semaphore, #tpu.memory_space<semaphore_mem>>) src(%arg7 : memref<128x128xf32, #tpu.memory_space<vmem>>) dst(%dma_wait3A_125 : memref<10240x128xf32, #tpu.memory_space<vmem_shared>>)
      %dma_wait3A_126 = arith.constant 0 : i32
      %dma_wait3A_127 = tpu.memref_slice %arg5[%add3A_66, %dma_wait3A_126] : memref<80x128xi32, #tpu.memory_space<vmem>> -> memref<1x128xi32, #tpu.memory_space<vmem>>
      %dma_wait3A_128 = tpu.memref_squeeze %dma_wait3A_127 : memref<1x128xi32, #tpu.memory_space<vmem>> -> memref<128xi32, #tpu.memory_space<vmem>>
      %dma_wait3A_129 = arith.constant 0 : i32
      %dma_wait3A_130 = arith.constant 0 : i32
      %dma_wait3A_131 = tpu.memref_slice %arg9[%dma_wait3A_129, %dma_wait3A_130] : memref<10240x128xf32, #tpu.memory_space<vmem_shared>> -> memref<10240x128xf32, #tpu.memory_space<vmem_shared>>
      tpu.wait_indirect_dma semaphore(%arg10 : memref<!tpu.dma_semaphore, #tpu.memory_space<semaphore_mem>>) src(%arg7 : memref<128x128xf32, #tpu.memory_space<vmem>>) dst(%dma_wait3A_131 : memref<10240x128xf32, #tpu.memory_space<vmem_shared>>)
      %dma_wait3A_132 = arith.constant 0 : i32
      %dma_wait3A_133 = tpu.memref_slice %arg5[%add3A_76, %dma_wait3A_132] : memref<80x128xi32, #tpu.memory_space<vmem>> -> memref<1x128xi32, #tpu.memory_space<vmem>>
      %dma_wait3A_134 = tpu.memref_squeeze %dma_wait3A_133 : memref<1x128xi32, #tpu.memory_space<vmem>> -> memref<128xi32, #tpu.memory_space<vmem>>
      %dma_wait3A_135 = arith.constant 0 : i32
      %dma_wait3A_136 = arith.constant 0 : i32
      %dma_wait3A_137 = tpu.memref_slice %arg9[%dma_wait3A_135, %dma_wait3A_136] : memref<10240x128xf32, #tpu.memory_space<vmem_shared>> -> memref<10240x128xf32, #tpu.memory_space<vmem_shared>>
      tpu.wait_indirect_dma semaphore(%arg10 : memref<!tpu.dma_semaphore, #tpu.memory_space<semaphore_mem>>) src(%arg7 : memref<128x128xf32, #tpu.memory_space<vmem>>) dst(%dma_wait3A_137 : memref<10240x128xf32, #tpu.memory_space<vmem_shared>>)
      %dma_wait3A_138 = arith.constant 0 : i32
      %dma_wait3A_139 = tpu.memref_slice %arg5[%add3A_86, %dma_wait3A_138] : memref<80x128xi32, #tpu.memory_space<vmem>> -> memref<1x128xi32, #tpu.memory_space<vmem>>
      %dma_wait3A_140 = tpu.memref_squeeze %dma_wait3A_139 : memref<1x128xi32, #tpu.memory_space<vmem>> -> memref<128xi32, #tpu.memory_space<vmem>>
      %dma_wait3A_141 = arith.constant 0 : i32
      %dma_wait3A_142 = arith.constant 0 : i32
      %dma_wait3A_143 = tpu.memref_slice %arg9[%dma_wait3A_141, %dma_wait3A_142] : memref<10240x128xf32, #tpu.memory_space<vmem_shared>> -> memref<10240x128xf32, #tpu.memory_space<vmem_shared>>
      tpu.wait_indirect_dma semaphore(%arg10 : memref<!tpu.dma_semaphore, #tpu.memory_space<semaphore_mem>>) src(%arg7 : memref<128x128xf32, #tpu.memory_space<vmem>>) dst(%dma_wait3A_143 : memref<10240x128xf32, #tpu.memory_space<vmem_shared>>)
      %dma_wait3A_144 = arith.constant 0 : i32
      %dma_wait3A_145 = tpu.memref_slice %arg5[%add3A_96, %dma_wait3A_144] : memref<80x128xi32, #tpu.memory_space<vmem>> -> memref<1x128xi32, #tpu.memory_space<vmem>>
      %dma_wait3A_146 = tpu.memref_squeeze %dma_wait3A_145 : memref<1x128xi32, #tpu.memory_space<vmem>> -> memref<128xi32, #tpu.memory_space<vmem>>
      %dma_wait3A_147 = arith.constant 0 : i32
      %dma_wait3A_148 = arith.constant 0 : i32
      %dma_wait3A_149 = tpu.memref_slice %arg9[%dma_wait3A_147, %dma_wait3A_148] : memref<10240x128xf32, #tpu.memory_space<vmem_shared>> -> memref<10240x128xf32, #tpu.memory_space<vmem_shared>>
      tpu.wait_indirect_dma semaphore(%arg10 : memref<!tpu.dma_semaphore, #tpu.memory_space<semaphore_mem>>) src(%arg7 : memref<128x128xf32, #tpu.memory_space<vmem>>) dst(%dma_wait3A_149 : memref<10240x128xf32, #tpu.memory_space<vmem_shared>>)
      %scan3A_150 = arith.constant 0 : i32
      scf.yield %scan3A_150 : i32
    }
    %scan3A_13 = arith.constant 10 : i32
    %barrier3A_14 = arith.constant 0 : index
    tpu.barrier barrier_id(%barrier3A_14)
    %iota3A = tpu.iota {dimensions = array<i32: 0>} : vector<16xi32>
    %scan3A_15 = arith.constant 0 : i32
    %scan3A_16 = arith.constant 0 : i32
    %scan3A_17 = arith.constant 5 : i32
    %scan3A_18 = arith.addi %scan3A_16, %scan3A_17 : i32
    %scan3A_19 = arith.constant 1 : i32
    %scan3A_20 = scf.for %scan3A_23 = %scan3A_16 to %scan3A_18 step %scan3A_19 iter_args(%scan3A_24 = %scan3A_15) -> (i32)  : i32 {
      %mul3A_25 = arith.constant 640 : i32
      %mul3A_26 = arith.muli %arg1, %mul3A_25 : i32
      %mul3A_27 = arith.constant 128 : i32
      %mul3A_28 = arith.muli %scan3A_23, %mul3A_27 : i32
      %add3A = arith.addi %mul3A_26, %mul3A_28 : i32
      "tpu.region"() ({
        %run_scoped3A_37 = tpu.sem_alloc : memref<!tpu.dma_semaphore, #tpu.memory_space<semaphore_mem>>
        %dma_start3A = arith.constant 0 : i32
        %dma_start3A_38 = tpu.memref_slice %arg9[%add3A, %dma_start3A] : memref<10240x128xf32, #tpu.memory_space<vmem_shared>> -> memref<128x128xf32, #tpu.memory_space<vmem_shared>>
        %dma_start3A_39 = arith.constant 0 : i32
        %dma_start3A_40 = tpu.memref_slice %arg9[%add3A, %dma_start3A_39] : memref<10240x128xf32, #tpu.memory_space<vmem_shared>> -> memref<128x128xf32, #tpu.memory_space<vmem_shared>>
        tpu.enqueue_dma source(%dma_start3A_40 : memref<128x128xf32, #tpu.memory_space<vmem_shared>>) target(%arg6 : memref<128x128xf32, #tpu.memory_space<vmem>>) target_semaphore(%run_scoped3A_37 : memref<!tpu.dma_semaphore, #tpu.memory_space<semaphore_mem>>)
        %dma_wait3A = arith.constant 0 : i32
        %dma_wait3A_41 = tpu.memref_slice %arg9[%add3A, %dma_wait3A] : memref<10240x128xf32, #tpu.memory_space<vmem_shared>> -> memref<128x128xf32, #tpu.memory_space<vmem_shared>>
        %dma_wait3A_42 = arith.constant 0 : i32
        %dma_wait3A_43 = tpu.memref_slice %arg9[%add3A, %dma_wait3A_42] : memref<10240x128xf32, #tpu.memory_space<vmem_shared>> -> memref<128x128xf32, #tpu.memory_space<vmem_shared>>
        tpu.wait_dma2 semaphore(%run_scoped3A_37 : memref<!tpu.dma_semaphore, #tpu.memory_space<semaphore_mem>>) src(%dma_wait3A_43 : memref<128x128xf32, #tpu.memory_space<vmem_shared>>) dst(%arg6 : memref<128x128xf32, #tpu.memory_space<vmem>>)
        tpu.yield
      }) : () -> ()
      %scan3A_29 = arith.constant 0 : i32
      %scan3A_30 = arith.constant 0 : i32
      %scan3A_31 = arith.constant 8 : i32
      %scan3A_32 = arith.addi %scan3A_30, %scan3A_31 : i32
      %scan3A_33 = arith.constant 1 : i32
      %scan3A_34 = scf.for %scan3A_37 = %scan3A_30 to %scan3A_32 step %scan3A_33 iter_args(%scan3A_38 = %scan3A_29) -> (i32)  : i32 {
        %broadcast_in_dim3A = arith.constant 0.000000e+00 : f32
        %broadcast_in_dim3A_39 = vector.broadcast %broadcast_in_dim3A : f32 to vector<16xf32>
        %mul3A_40 = arith.constant 16 : i32
        %mul3A_41 = arith.muli %scan3A_37, %mul3A_40 : i32
        %add3A_42 = arith.constant 0 : i32
        %add3A_43 = arith.addi %mul3A_41, %add3A_42 : i32
        %get3A = arith.index_cast %add3A_43 : i32 to index
        %get3A_44 = arith.constant 0 : index
        %get3A_45 = tpu.vector_load %arg6[%get3A, %get3A_44] {strides = array<i32>} : memref<128x128xf32, #tpu.memory_space<vmem>>, vector<1x16xf32>,
        %get3A_46 = vector.shape_cast %get3A_45 : vector<1x16xf32> to vector<16xf32>
        %eq3A = arith.constant 0 : i32
        %eq3A_47 = vector.broadcast %eq3A : i32 to vector<16xi32>
        %eq3A_48 = arith.cmpi eq, %iota3A, %eq3A_47 : vector<16xi32>
        %slice3A = vector.extract_strided_slice %get3A_46 {offsets = [0], sizes = [1], strides = [1]} : vector<16xf32> to vector<1xf32>
        %squeeze3A = vector.extract %slice3A[0] : f32 from vector<1xf32>
        %broadcast_in_dim3A_49 = vector.broadcast %squeeze3A : f32 to vector<16xf32>
        %select_n3A = arith.select %eq3A_48, %broadcast_in_dim3A_49, %broadcast_in_dim3A_39 : vector<16xi1>, vector<16xf32>
        %mul3A_50 = arith.constant 16 : i32
        %mul3A_51 = arith.muli %scan3A_37, %mul3A_50 : i32
        %add3A_52 = arith.constant 1 : i32
        %add3A_53 = arith.addi %mul3A_51, %add3A_52 : i32
        %get3A_54 = arith.index_cast %add3A_53 : i32 to index
        %get3A_55 = arith.constant 0 : index
        %get3A_56 = tpu.vector_load %arg6[%get3A_54, %get3A_55] {strides = array<i32>} : memref<128x128xf32, #tpu.memory_space<vmem>>, vector<1x16xf32>,
        %get3A_57 = vector.shape_cast %get3A_56 : vector<1x16xf32> to vector<16xf32>
        %eq3A_58 = arith.constant 1 : i32
        %eq3A_59 = vector.broadcast %eq3A_58 : i32 to vector<16xi32>
        %eq3A_60 = arith.cmpi eq, %iota3A, %eq3A_59 : vector<16xi32>
        %slice3A_61 = vector.extract_strided_slice %get3A_57 {offsets = [0], sizes = [1], strides = [1]} : vector<16xf32> to vector<1xf32>
        %squeeze3A_62 = vector.extract %slice3A_61[0] : f32 from vector<1xf32>
        %broadcast_in_dim3A_63 = vector.broadcast %squeeze3A_62 : f32 to vector<16xf32>
        %select_n3A_64 = arith.select %eq3A_60, %broadcast_in_dim3A_63, %select_n3A : vector<16xi1>, vector<16xf32>
        %mul3A_65 = arith.constant 16 : i32
        %mul3A_66 = arith.muli %scan3A_37, %mul3A_65 : i32
        %add3A_67 = arith.constant 2 : i32
        %add3A_68 = arith.addi %mul3A_66, %add3A_67 : i32
        %get3A_69 = arith.index_cast %add3A_68 : i32 to index
        %get3A_70 = arith.constant 0 : index
        %get3A_71 = tpu.vector_load %arg6[%get3A_69, %get3A_70] {strides = array<i32>} : memref<128x128xf32, #tpu.memory_space<vmem>>, vector<1x16xf32>,
        %get3A_72 = vector.shape_cast %get3A_71 : vector<1x16xf32> to vector<16xf32>
        %eq3A_73 = arith.constant 2 : i32
        %eq3A_74 = vector.broadcast %eq3A_73 : i32 to vector<16xi32>
        %eq3A_75 = arith.cmpi eq, %iota3A, %eq3A_74 : vector<16xi32>
        %slice3A_76 = vector.extract_strided_slice %get3A_72 {offsets = [0], sizes = [1], strides = [1]} : vector<16xf32> to vector<1xf32>
        %squeeze3A_77 = vector.extract %slice3A_76[0] : f32 from vector<1xf32>
        %broadcast_in_dim3A_78 = vector.broadcast %squeeze3A_77 : f32 to vector<16xf32>
        %select_n3A_79 = arith.select %eq3A_75, %broadcast_in_dim3A_78, %select_n3A_64 : vector<16xi1>, vector<16xf32>
        %mul3A_80 = arith.constant 16 : i32
        %mul3A_81 = arith.muli %scan3A_37, %mul3A_80 : i32
        %add3A_82 = arith.constant 3 : i32
        %add3A_83 = arith.addi %mul3A_81, %add3A_82 : i32
        %get3A_84 = arith.index_cast %add3A_83 : i32 to index
        %get3A_85 = arith.constant 0 : index
        %get3A_86 = tpu.vector_load %arg6[%get3A_84, %get3A_85] {strides = array<i32>} : memref<128x128xf32, #tpu.memory_space<vmem>>, vector<1x16xf32>,
        %get3A_87 = vector.shape_cast %get3A_86 : vector<1x16xf32> to vector<16xf32>
        %eq3A_88 = arith.constant 3 : i32
        %eq3A_89 = vector.broadcast %eq3A_88 : i32 to vector<16xi32>
        %eq3A_90 = arith.cmpi eq, %iota3A, %eq3A_89 : vector<16xi32>
        %slice3A_91 = vector.extract_strided_slice %get3A_87 {offsets = [0], sizes = [1], strides = [1]} : vector<16xf32> to vector<1xf32>
        %squeeze3A_92 = vector.extract %slice3A_91[0] : f32 from vector<1xf32>
        %broadcast_in_dim3A_93 = vector.broadcast %squeeze3A_92 : f32 to vector<16xf32>
        %select_n3A_94 = arith.select %eq3A_90, %broadcast_in_dim3A_93, %select_n3A_79 : vector<16xi1>, vector<16xf32>
        %mul3A_95 = arith.constant 16 : i32
        %mul3A_96 = arith.muli %scan3A_37, %mul3A_95 : i32
        %add3A_97 = arith.constant 4 : i32
        %add3A_98 = arith.addi %mul3A_96, %add3A_97 : i32
        %get3A_99 = arith.index_cast %add3A_98 : i32 to index
        %get3A_100 = arith.constant 0 : index
        %get3A_101 = tpu.vector_load %arg6[%get3A_99, %get3A_100] {strides = array<i32>} : memref<128x128xf32, #tpu.memory_space<vmem>>, vector<1x16xf32>,
        %get3A_102 = vector.shape_cast %get3A_101 : vector<1x16xf32> to vector<16xf32>
        %eq3A_103 = arith.constant 4 : i32
        %eq3A_104 = vector.broadcast %eq3A_103 : i32 to vector<16xi32>
        %eq3A_105 = arith.cmpi eq, %iota3A, %eq3A_104 : vector<16xi32>
        %slice3A_106 = vector.extract_strided_slice %get3A_102 {offsets = [0], sizes = [1], strides = [1]} : vector<16xf32> to vector<1xf32>
        %squeeze3A_107 = vector.extract %slice3A_106[0] : f32 from vector<1xf32>
        %broadcast_in_dim3A_108 = vector.broadcast %squeeze3A_107 : f32 to vector<16xf32>
        %select_n3A_109 = arith.select %eq3A_105, %broadcast_in_dim3A_108, %select_n3A_94 : vector<16xi1>, vector<16xf32>
        %mul3A_110 = arith.constant 16 : i32
        %mul3A_111 = arith.muli %scan3A_37, %mul3A_110 : i32
        %add3A_112 = arith.constant 5 : i32
        %add3A_113 = arith.addi %mul3A_111, %add3A_112 : i32
        %get3A_114 = arith.index_cast %add3A_113 : i32 to index
        %get3A_115 = arith.constant 0 : index
        %get3A_116 = tpu.vector_load %arg6[%get3A_114, %get3A_115] {strides = array<i32>} : memref<128x128xf32, #tpu.memory_space<vmem>>, vector<1x16xf32>,
        %get3A_117 = vector.shape_cast %get3A_116 : vector<1x16xf32> to vector<16xf32>
        %eq3A_118 = arith.constant 5 : i32
        %eq3A_119 = vector.broadcast %eq3A_118 : i32 to vector<16xi32>
        %eq3A_120 = arith.cmpi eq, %iota3A, %eq3A_119 : vector<16xi32>
        %slice3A_121 = vector.extract_strided_slice %get3A_117 {offsets = [0], sizes = [1], strides = [1]} : vector<16xf32> to vector<1xf32>
        %squeeze3A_122 = vector.extract %slice3A_121[0] : f32 from vector<1xf32>
        %broadcast_in_dim3A_123 = vector.broadcast %squeeze3A_122 : f32 to vector<16xf32>
        %select_n3A_124 = arith.select %eq3A_120, %broadcast_in_dim3A_123, %select_n3A_109 : vector<16xi1>, vector<16xf32>
        %mul3A_125 = arith.constant 16 : i32
        %mul3A_126 = arith.muli %scan3A_37, %mul3A_125 : i32
        %add3A_127 = arith.constant 6 : i32
        %add3A_128 = arith.addi %mul3A_126, %add3A_127 : i32
        %get3A_129 = arith.index_cast %add3A_128 : i32 to index
        %get3A_130 = arith.constant 0 : index
        %get3A_131 = tpu.vector_load %arg6[%get3A_129, %get3A_130] {strides = array<i32>} : memref<128x128xf32, #tpu.memory_space<vmem>>, vector<1x16xf32>,
        %get3A_132 = vector.shape_cast %get3A_131 : vector<1x16xf32> to vector<16xf32>
        %eq3A_133 = arith.constant 6 : i32
        %eq3A_134 = vector.broadcast %eq3A_133 : i32 to vector<16xi32>
        %eq3A_135 = arith.cmpi eq, %iota3A, %eq3A_134 : vector<16xi32>
        %slice3A_136 = vector.extract_strided_slice %get3A_132 {offsets = [0], sizes = [1], strides = [1]} : vector<16xf32> to vector<1xf32>
        %squeeze3A_137 = vector.extract %slice3A_136[0] : f32 from vector<1xf32>
        %broadcast_in_dim3A_138 = vector.broadcast %squeeze3A_137 : f32 to vector<16xf32>
        %select_n3A_139 = arith.select %eq3A_135, %broadcast_in_dim3A_138, %select_n3A_124 : vector<16xi1>, vector<16xf32>
        %mul3A_140 = arith.constant 16 : i32
        %mul3A_141 = arith.muli %scan3A_37, %mul3A_140 : i32
        %add3A_142 = arith.constant 7 : i32
        %add3A_143 = arith.addi %mul3A_141, %add3A_142 : i32
        %get3A_144 = arith.index_cast %add3A_143 : i32 to index
        %get3A_145 = arith.constant 0 : index
        %get3A_146 = tpu.vector_load %arg6[%get3A_144, %get3A_145] {strides = array<i32>} : memref<128x128xf32, #tpu.memory_space<vmem>>, vector<1x16xf32>,
        %get3A_147 = vector.shape_cast %get3A_146 : vector<1x16xf32> to vector<16xf32>
        %eq3A_148 = arith.constant 7 : i32
        %eq3A_149 = vector.broadcast %eq3A_148 : i32 to vector<16xi32>
        %eq3A_150 = arith.cmpi eq, %iota3A, %eq3A_149 : vector<16xi32>
        %slice3A_151 = vector.extract_strided_slice %get3A_147 {offsets = [0], sizes = [1], strides = [1]} : vector<16xf32> to vector<1xf32>
        %squeeze3A_152 = vector.extract %slice3A_151[0] : f32 from vector<1xf32>
        %broadcast_in_dim3A_153 = vector.broadcast %squeeze3A_152 : f32 to vector<16xf32>
        %select_n3A_154 = arith.select %eq3A_150, %broadcast_in_dim3A_153, %select_n3A_139 : vector<16xi1>, vector<16xf32>
        %mul3A_155 = arith.constant 16 : i32
        %mul3A_156 = arith.muli %scan3A_37, %mul3A_155 : i32
        %add3A_157 = arith.constant 8 : i32
        %add3A_158 = arith.addi %mul3A_156, %add3A_157 : i32
        %get3A_159 = arith.index_cast %add3A_158 : i32 to index
        %get3A_160 = arith.constant 0 : index
        %get3A_161 = tpu.vector_load %arg6[%get3A_159, %get3A_160] {strides = array<i32>} : memref<128x128xf32, #tpu.memory_space<vmem>>, vector<1x16xf32>,
        %get3A_162 = vector.shape_cast %get3A_161 : vector<1x16xf32> to vector<16xf32>
        %eq3A_163 = arith.constant 8 : i32
        %eq3A_164 = vector.broadcast %eq3A_163 : i32 to vector<16xi32>
        %eq3A_165 = arith.cmpi eq, %iota3A, %eq3A_164 : vector<16xi32>
        %slice3A_166 = vector.extract_strided_slice %get3A_162 {offsets = [0], sizes = [1], strides = [1]} : vector<16xf32> to vector<1xf32>
        %squeeze3A_167 = vector.extract %slice3A_166[0] : f32 from vector<1xf32>
        %broadcast_in_dim3A_168 = vector.broadcast %squeeze3A_167 : f32 to vector<16xf32>
        %select_n3A_169 = arith.select %eq3A_165, %broadcast_in_dim3A_168, %select_n3A_154 : vector<16xi1>, vector<16xf32>
        %mul3A_170 = arith.constant 16 : i32
        %mul3A_171 = arith.muli %scan3A_37, %mul3A_170 : i32
        %add3A_172 = arith.constant 9 : i32
        %add3A_173 = arith.addi %mul3A_171, %add3A_172 : i32
        %get3A_174 = arith.index_cast %add3A_173 : i32 to index
        %get3A_175 = arith.constant 0 : index
        %get3A_176 = tpu.vector_load %arg6[%get3A_174, %get3A_175] {strides = array<i32>} : memref<128x128xf32, #tpu.memory_space<vmem>>, vector<1x16xf32>,
        %get3A_177 = vector.shape_cast %get3A_176 : vector<1x16xf32> to vector<16xf32>
        %eq3A_178 = arith.constant 9 : i32
        %eq3A_179 = vector.broadcast %eq3A_178 : i32 to vector<16xi32>
        %eq3A_180 = arith.cmpi eq, %iota3A, %eq3A_179 : vector<16xi32>
        %slice3A_181 = vector.extract_strided_slice %get3A_177 {offsets = [0], sizes = [1], strides = [1]} : vector<16xf32> to vector<1xf32>
        %squeeze3A_182 = vector.extract %slice3A_181[0] : f32 from vector<1xf32>
        %broadcast_in_dim3A_183 = vector.broadcast %squeeze3A_182 : f32 to vector<16xf32>
        %select_n3A_184 = arith.select %eq3A_180, %broadcast_in_dim3A_183, %select_n3A_169 : vector<16xi1>, vector<16xf32>
        %mul3A_185 = arith.constant 16 : i32
        %mul3A_186 = arith.muli %scan3A_37, %mul3A_185 : i32
        %add3A_187 = arith.constant 10 : i32
        %add3A_188 = arith.addi %mul3A_186, %add3A_187 : i32
        %get3A_189 = arith.index_cast %add3A_188 : i32 to index
        %get3A_190 = arith.constant 0 : index
        %get3A_191 = tpu.vector_load %arg6[%get3A_189, %get3A_190] {strides = array<i32>} : memref<128x128xf32, #tpu.memory_space<vmem>>, vector<1x16xf32>,
        %get3A_192 = vector.shape_cast %get3A_191 : vector<1x16xf32> to vector<16xf32>
        %eq3A_193 = arith.constant 10 : i32
        %eq3A_194 = vector.broadcast %eq3A_193 : i32 to vector<16xi32>
        %eq3A_195 = arith.cmpi eq, %iota3A, %eq3A_194 : vector<16xi32>
        %slice3A_196 = vector.extract_strided_slice %get3A_192 {offsets = [0], sizes = [1], strides = [1]} : vector<16xf32> to vector<1xf32>
        %squeeze3A_197 = vector.extract %slice3A_196[0] : f32 from vector<1xf32>
        %broadcast_in_dim3A_198 = vector.broadcast %squeeze3A_197 : f32 to vector<16xf32>
        %select_n3A_199 = arith.select %eq3A_195, %broadcast_in_dim3A_198, %select_n3A_184 : vector<16xi1>, vector<16xf32>
        %mul3A_200 = arith.constant 16 : i32
        %mul3A_201 = arith.muli %scan3A_37, %mul3A_200 : i32
        %add3A_202 = arith.constant 11 : i32
        %add3A_203 = arith.addi %mul3A_201, %add3A_202 : i32
        %get3A_204 = arith.index_cast %add3A_203 : i32 to index
        %get3A_205 = arith.constant 0 : index
        %get3A_206 = tpu.vector_load %arg6[%get3A_204, %get3A_205] {strides = array<i32>} : memref<128x128xf32, #tpu.memory_space<vmem>>, vector<1x16xf32>,
        %get3A_207 = vector.shape_cast %get3A_206 : vector<1x16xf32> to vector<16xf32>
        %eq3A_208 = arith.constant 11 : i32
        %eq3A_209 = vector.broadcast %eq3A_208 : i32 to vector<16xi32>
        %eq3A_210 = arith.cmpi eq, %iota3A, %eq3A_209 : vector<16xi32>
        %slice3A_211 = vector.extract_strided_slice %get3A_207 {offsets = [0], sizes = [1], strides = [1]} : vector<16xf32> to vector<1xf32>
        %squeeze3A_212 = vector.extract %slice3A_211[0] : f32 from vector<1xf32>
        %broadcast_in_dim3A_213 = vector.broadcast %squeeze3A_212 : f32 to vector<16xf32>
        %select_n3A_214 = arith.select %eq3A_210, %broadcast_in_dim3A_213, %select_n3A_199 : vector<16xi1>, vector<16xf32>
        %mul3A_215 = arith.constant 16 : i32
        %mul3A_216 = arith.muli %scan3A_37, %mul3A_215 : i32
        %add3A_217 = arith.constant 12 : i32
        %add3A_218 = arith.addi %mul3A_216, %add3A_217 : i32
        %get3A_219 = arith.index_cast %add3A_218 : i32 to index
        %get3A_220 = arith.constant 0 : index
        %get3A_221 = tpu.vector_load %arg6[%get3A_219, %get3A_220] {strides = array<i32>} : memref<128x128xf32, #tpu.memory_space<vmem>>, vector<1x16xf32>,
        %get3A_222 = vector.shape_cast %get3A_221 : vector<1x16xf32> to vector<16xf32>
        %eq3A_223 = arith.constant 12 : i32
        %eq3A_224 = vector.broadcast %eq3A_223 : i32 to vector<16xi32>
        %eq3A_225 = arith.cmpi eq, %iota3A, %eq3A_224 : vector<16xi32>
        %slice3A_226 = vector.extract_strided_slice %get3A_222 {offsets = [0], sizes = [1], strides = [1]} : vector<16xf32> to vector<1xf32>
        %squeeze3A_227 = vector.extract %slice3A_226[0] : f32 from vector<1xf32>
        %broadcast_in_dim3A_228 = vector.broadcast %squeeze3A_227 : f32 to vector<16xf32>
        %select_n3A_229 = arith.select %eq3A_225, %broadcast_in_dim3A_228, %select_n3A_214 : vector<16xi1>, vector<16xf32>
        %mul3A_230 = arith.constant 16 : i32
        %mul3A_231 = arith.muli %scan3A_37, %mul3A_230 : i32
        %add3A_232 = arith.constant 13 : i32
        %add3A_233 = arith.addi %mul3A_231, %add3A_232 : i32
        %get3A_234 = arith.index_cast %add3A_233 : i32 to index
        %get3A_235 = arith.constant 0 : index
        %get3A_236 = tpu.vector_load %arg6[%get3A_234, %get3A_235] {strides = array<i32>} : memref<128x128xf32, #tpu.memory_space<vmem>>, vector<1x16xf32>,
        %get3A_237 = vector.shape_cast %get3A_236 : vector<1x16xf32> to vector<16xf32>
        %eq3A_238 = arith.constant 13 : i32
        %eq3A_239 = vector.broadcast %eq3A_238 : i32 to vector<16xi32>
        %eq3A_240 = arith.cmpi eq, %iota3A, %eq3A_239 : vector<16xi32>
        %slice3A_241 = vector.extract_strided_slice %get3A_237 {offsets = [0], sizes = [1], strides = [1]} : vector<16xf32> to vector<1xf32>
        %squeeze3A_242 = vector.extract %slice3A_241[0] : f32 from vector<1xf32>
        %broadcast_in_dim3A_243 = vector.broadcast %squeeze3A_242 : f32 to vector<16xf32>
        %select_n3A_244 = arith.select %eq3A_240, %broadcast_in_dim3A_243, %select_n3A_229 : vector<16xi1>, vector<16xf32>
        %mul3A_245 = arith.constant 16 : i32
        %mul3A_246 = arith.muli %scan3A_37, %mul3A_245 : i32
        %add3A_247 = arith.constant 14 : i32
        %add3A_248 = arith.addi %mul3A_246, %add3A_247 : i32
        %get3A_249 = arith.index_cast %add3A_248 : i32 to index
        %get3A_250 = arith.constant 0 : index
        %get3A_251 = tpu.vector_load %arg6[%get3A_249, %get3A_250] {strides = array<i32>} : memref<128x128xf32, #tpu.memory_space<vmem>>, vector<1x16xf32>,
        %get3A_252 = vector.shape_cast %get3A_251 : vector<1x16xf32> to vector<16xf32>
        %eq3A_253 = arith.constant 14 : i32
        %eq3A_254 = vector.broadcast %eq3A_253 : i32 to vector<16xi32>
        %eq3A_255 = arith.cmpi eq, %iota3A, %eq3A_254 : vector<16xi32>
        %slice3A_256 = vector.extract_strided_slice %get3A_252 {offsets = [0], sizes = [1], strides = [1]} : vector<16xf32> to vector<1xf32>
        %squeeze3A_257 = vector.extract %slice3A_256[0] : f32 from vector<1xf32>
        %broadcast_in_dim3A_258 = vector.broadcast %squeeze3A_257 : f32 to vector<16xf32>
        %select_n3A_259 = arith.select %eq3A_255, %broadcast_in_dim3A_258, %select_n3A_244 : vector<16xi1>, vector<16xf32>
        %mul3A_260 = arith.constant 16 : i32
        %mul3A_261 = arith.muli %scan3A_37, %mul3A_260 : i32
        %add3A_262 = arith.constant 15 : i32
        %add3A_263 = arith.addi %mul3A_261, %add3A_262 : i32
        %get3A_264 = arith.index_cast %add3A_263 : i32 to index
        %get3A_265 = arith.constant 0 : index
        %get3A_266 = tpu.vector_load %arg6[%get3A_264, %get3A_265] {strides = array<i32>} : memref<128x128xf32, #tpu.memory_space<vmem>>, vector<1x16xf32>,
        %get3A_267 = vector.shape_cast %get3A_266 : vector<1x16xf32> to vector<16xf32>
        %eq3A_268 = arith.constant 15 : i32
        %eq3A_269 = vector.broadcast %eq3A_268 : i32 to vector<16xi32>
        %eq3A_270 = arith.cmpi eq, %iota3A, %eq3A_269 : vector<16xi32>
        %slice3A_271 = vector.extract_strided_slice %get3A_267 {offsets = [0], sizes = [1], strides = [1]} : vector<16xf32> to vector<1xf32>
        %squeeze3A_272 = vector.extract %slice3A_271[0] : f32 from vector<1xf32>
        %broadcast_in_dim3A_273 = vector.broadcast %squeeze3A_272 : f32 to vector<16xf32>
        %select_n3A_274 = arith.select %eq3A_270, %broadcast_in_dim3A_273, %select_n3A_259 : vector<16xi1>, vector<16xf32>
        %mul3A_275 = arith.constant 128 : i32
        %mul3A_276 = arith.muli %scan3A_23, %mul3A_275 : i32
        %mul3A_277 = arith.constant 16 : i32
        %mul3A_278 = arith.muli %scan3A_37, %mul3A_277 : i32
        %add3A_279 = arith.addi %mul3A_276, %mul3A_278 : i32
        %swap3A = arith.index_cast %add3A_279 : i32 to index
        %swap3A_280 = tpu.vector_load %arg8[%swap3A] {strides = array<i32>} : memref<640xf32, #tpu.memory_space<vmem>>, vector<16xf32>,
        %swap3A_281 = vector.shape_cast %swap3A_280 : vector<16xf32> to vector<16xf32>
        %swap3A_282 = vector.shape_cast %select_n3A_274 : vector<16xf32> to vector<16xf32>
        tpu.vector_store %arg8[%swap3A], %swap3A_282 {strides = array<i32>} : memref<640xf32, #tpu.memory_space<vmem>>, vector<16xf32>,
        %scan3A_283 = arith.constant 0 : i32
        scf.yield %scan3A_283 : i32
      }
      %scan3A_35 = arith.constant 8 : i32
      %scan3A_36 = arith.constant 0 : i32
      scf.yield %scan3A_36 : i32
    }
    %scan3A_21 = arith.constant 5 : i32
    %mul3A = arith.constant 640 : i32
    %mul3A_22 = arith.muli %arg1, %mul3A : i32
    "tpu.region"() ({
      %run_scoped3A_23 = tpu.sem_alloc : memref<!tpu.dma_semaphore, #tpu.memory_space<semaphore_mem>>
      %dma_start3A = tpu.memref_slice %arg4[%arg0, %mul3A_22] : memref<2x10240xf32, #tpu.memory_space<hbm>> -> memref<1x640xf32, #tpu.memory_space<hbm>>
      %dma_start3A_24 = tpu.memref_squeeze %dma_start3A : memref<1x640xf32, #tpu.memory_space<hbm>> -> memref<640xf32, #tpu.memory_space<hbm>>
      %dma_start3A_25 = tpu.memref_slice %arg4[%arg0, %mul3A_22] : memref<2x10240xf32, #tpu.memory_space<hbm>> -> memref<1x640xf32, #tpu.memory_space<hbm>>
      %dma_start3A_26 = tpu.memref_squeeze %dma_start3A_25 : memref<1x640xf32, #tpu.memory_space<hbm>> -> memref<640xf32, #tpu.memory_space<hbm>>
      tpu.enqueue_dma source(%arg8 : memref<640xf32, #tpu.memory_space<vmem>>) target(%dma_start3A_26 : memref<640xf32, #tpu.memory_space<hbm>>) target_semaphore(%run_scoped3A_23 : memref<!tpu.dma_semaphore, #tpu.memory_space<semaphore_mem>>)
      %dma_wait3A = tpu.memref_slice %arg4[%arg0, %mul3A_22] : memref<2x10240xf32, #tpu.memory_space<hbm>> -> memref<1x640xf32, #tpu.memory_space<hbm>>
      %dma_wait3A_27 = tpu.memref_squeeze %dma_wait3A : memref<1x640xf32, #tpu.memory_space<hbm>> -> memref<640xf32, #tpu.memory_space<hbm>>
      %dma_wait3A_28 = tpu.memref_slice %arg4[%arg0, %mul3A_22] : memref<2x10240xf32, #tpu.memory_space<hbm>> -> memref<1x640xf32, #tpu.memory_space<hbm>>
      %dma_wait3A_29 = tpu.memref_squeeze %dma_wait3A_28 : memref<1x640xf32, #tpu.memory_space<hbm>> -> memref<640xf32, #tpu.memory_space<hbm>>
      tpu.wait_dma2 semaphore(%run_scoped3A_23 : memref<!tpu.dma_semaphore, #tpu.memory_space<semaphore_mem>>) src(%arg8 : memref<640xf32, #tpu.memory_space<vmem>>) dst(%dma_wait3A_29 : memref<640xf32, #tpu.memory_space<hbm>>)
      tpu.yield
    }) : () -> ()
    return
  }
}

#map = affine_map<(d0, d1) -> (0, 0)>
#map1 = affine_map<(d0, d1) -> (0, 0, 0, 0)>
#map2 = affine_map<(d0, d1) -> (0, 0, 0)>
module attributes {stable_mosaic.version = 14 : i64} {
  func.func @conv_scatter_c1(%arg0: i32, %arg1: i32, %arg2: memref<20480x128xf32, #tpu.memory_space<hbm>>, %arg3: memref<2x16x160x128xi32, #tpu.memory_space<hbm>>, %arg4: memref<2x16x160x128xi32, #tpu.memory_space<hbm>>, %arg5: memref<2x10112x128xf32, #tpu.memory_space<hbm>>, %arg6: memref<32x128xi32, #tpu.memory_space<vmem>>, %arg7: memref<32x128xi32, #tpu.memory_space<vmem>>, %arg8: memref<128x128xf32, #tpu.memory_space<vmem>>, %arg9: memref<128x128xf32, #tpu.memory_space<vmem>>, %arg10: memref<10112x128xf32, #tpu.memory_space<vmem_shared>>, %arg11: memref<!tpu.dma_semaphore, #tpu.memory_space<semaphore_mem>>, %arg12: memref<!tpu.dma_semaphore, #tpu.memory_space<semaphore_mem>>) attributes {dimension_semantics = [#tpu.dimension_semantics<core_parallel>, #tpu.dimension_semantics<subcore_parallel>], iteration_bounds = array<i64: 2, 16>, scalar_prefetch = 0 : i64, scratch_operands = 7 : i64, tpu.core_type = #tpu.core_type<sc_vector_subcore>, window_params = [{transform_indices = #map}, {transform_indices = #map1}, {transform_indices = #map1}, {transform_indices = #map2}]} {
    %mul3A = arith.constant 10240 : i32
    %mul3A_0 = arith.muli %arg0, %mul3A : i32
    %mul3A_1 = arith.constant 632 : i32
    %mul3A_2 = arith.muli %arg1, %mul3A_1 : i32
    %add3A = arith.addi %mul3A_0, %mul3A_2 : i32
    %scan3A = arith.constant 0 : i32
    %scan3A_3 = arith.constant 0 : i32
    %scan3A_4 = arith.constant 4 : i32
    %scan3A_5 = arith.addi %scan3A_3, %scan3A_4 : i32
    %scan3A_6 = arith.constant 1 : i32
    %scan3A_7 = scf.for %scan3A_27 = %scan3A_3 to %scan3A_5 step %scan3A_6 iter_args(%scan3A_28 = %scan3A) -> (i32)  : i32 {
      %mul3A_29 = arith.constant 128 : i32
      %mul3A_30 = arith.muli %scan3A_27, %mul3A_29 : i32
      %add3A_31 = arith.addi %add3A, %mul3A_30 : i32
      %mul3A_32 = arith.constant 632 : i32
      %mul3A_33 = arith.muli %arg1, %mul3A_32 : i32
      %mul3A_34 = arith.constant 128 : i32
      %mul3A_35 = arith.muli %scan3A_27, %mul3A_34 : i32
      %add3A_36 = arith.addi %mul3A_33, %mul3A_35 : i32
      "tpu.region"() ({
        %run_scoped3A = tpu.sem_alloc : memref<!tpu.dma_semaphore, #tpu.memory_space<semaphore_mem>>
        %dma_start3A = arith.constant 0 : i32
        %dma_start3A_38 = tpu.memref_slice %arg10[%add3A_36, %dma_start3A] : memref<10112x128xf32, #tpu.memory_space<vmem_shared>> -> memref<128x128xf32, #tpu.memory_space<vmem_shared>>
        %dma_start3A_39 = arith.constant 0 : i32
        %dma_start3A_40 = tpu.memref_slice %arg2[%add3A_31, %dma_start3A_39] : memref<20480x128xf32, #tpu.memory_space<hbm>> -> memref<128x128xf32, #tpu.memory_space<hbm>>
        tpu.enqueue_dma source(%dma_start3A_40 : memref<128x128xf32, #tpu.memory_space<hbm>>) target(%dma_start3A_38 : memref<128x128xf32, #tpu.memory_space<vmem_shared>>) target_semaphore(%run_scoped3A : memref<!tpu.dma_semaphore, #tpu.memory_space<semaphore_mem>>)
        %dma_wait3A = arith.constant 0 : i32
        %dma_wait3A_41 = tpu.memref_slice %arg10[%add3A_36, %dma_wait3A] : memref<10112x128xf32, #tpu.memory_space<vmem_shared>> -> memref<128x128xf32, #tpu.memory_space<vmem_shared>>
        %dma_wait3A_42 = arith.constant 0 : i32
        %dma_wait3A_43 = tpu.memref_slice %arg2[%add3A_31, %dma_wait3A_42] : memref<20480x128xf32, #tpu.memory_space<hbm>> -> memref<128x128xf32, #tpu.memory_space<hbm>>
        tpu.wait_dma2 semaphore(%run_scoped3A : memref<!tpu.dma_semaphore, #tpu.memory_space<semaphore_mem>>) src(%dma_wait3A_43 : memref<128x128xf32, #tpu.memory_space<hbm>>) dst(%dma_wait3A_41 : memref<128x128xf32, #tpu.memory_space<vmem_shared>>)
        tpu.yield
      }) : () -> ()
      %scan3A_37 = arith.constant 0 : i32
      scf.yield %scan3A_37 : i32
    }
    %scan3A_8 = arith.constant 4 : i32
    %add3A_9 = arith.constant 512 : i32
    %add3A_10 = arith.addi %add3A, %add3A_9 : i32
    %mul3A_11 = arith.constant 632 : i32
    %mul3A_12 = arith.muli %arg1, %mul3A_11 : i32
    %add3A_13 = arith.constant 512 : i32
    %add3A_14 = arith.addi %mul3A_12, %add3A_13 : i32
    "tpu.region"() ({
      %run_scoped3A = tpu.sem_alloc : memref<!tpu.dma_semaphore, #tpu.memory_space<semaphore_mem>>
      %dma_start3A = arith.constant 0 : i32
      %dma_start3A_27 = tpu.memref_slice %arg10[%add3A_14, %dma_start3A] : memref<10112x128xf32, #tpu.memory_space<vmem_shared>> -> memref<120x128xf32, #tpu.memory_space<vmem_shared>>
      %dma_start3A_28 = arith.constant 0 : i32
      %dma_start3A_29 = tpu.memref_slice %arg2[%add3A_10, %dma_start3A_28] : memref<20480x128xf32, #tpu.memory_space<hbm>> -> memref<120x128xf32, #tpu.memory_space<hbm>>
      tpu.enqueue_dma source(%dma_start3A_29 : memref<120x128xf32, #tpu.memory_space<hbm>>) target(%dma_start3A_27 : memref<120x128xf32, #tpu.memory_space<vmem_shared>>) target_semaphore(%run_scoped3A : memref<!tpu.dma_semaphore, #tpu.memory_space<semaphore_mem>>)
      %dma_wait3A = arith.constant 0 : i32
      %dma_wait3A_30 = tpu.memref_slice %arg10[%add3A_14, %dma_wait3A] : memref<10112x128xf32, #tpu.memory_space<vmem_shared>> -> memref<120x128xf32, #tpu.memory_space<vmem_shared>>
      %dma_wait3A_31 = arith.constant 0 : i32
      %dma_wait3A_32 = tpu.memref_slice %arg2[%add3A_10, %dma_wait3A_31] : memref<20480x128xf32, #tpu.memory_space<hbm>> -> memref<120x128xf32, #tpu.memory_space<hbm>>
      tpu.wait_dma2 semaphore(%run_scoped3A : memref<!tpu.dma_semaphore, #tpu.memory_space<semaphore_mem>>) src(%dma_wait3A_32 : memref<120x128xf32, #tpu.memory_space<hbm>>) dst(%dma_wait3A_30 : memref<120x128xf32, #tpu.memory_space<vmem_shared>>)
      tpu.yield
    }) : () -> ()
    %barrier3A = arith.constant 0 : index
    tpu.barrier barrier_id(%barrier3A)
    %scan3A_15 = arith.constant 0 : i32
    %scan3A_16 = arith.constant 0 : i32
    %scan3A_17 = arith.constant 5 : i32
    %scan3A_18 = arith.addi %scan3A_16, %scan3A_17 : i32
    %scan3A_19 = arith.constant 1 : i32
    %scan3A_20 = scf.for %scan3A_27 = %scan3A_16 to %scan3A_18 step %scan3A_19 iter_args(%scan3A_28 = %scan3A_15) -> (i32)  : i32 {
      %mul3A_29 = arith.constant 32 : i32
      %mul3A_30 = arith.muli %scan3A_27, %mul3A_29 : i32
      "tpu.region"() ({
        %run_scoped3A = tpu.sem_alloc : memref<!tpu.dma_semaphore, #tpu.memory_space<semaphore_mem>>
        %dma_start3A_48 = arith.constant 0 : i32
        %dma_start3A_49 = tpu.memref_slice %arg3[%arg0, %arg1, %mul3A_30, %dma_start3A_48] : memref<2x16x160x128xi32, #tpu.memory_space<hbm>> -> memref<1x1x32x128xi32, #tpu.memory_space<hbm>>
        %dma_start3A_50 = tpu.memref_squeeze %dma_start3A_49 : memref<1x1x32x128xi32, #tpu.memory_space<hbm>> -> memref<32x128xi32, #tpu.memory_space<hbm>>
        %dma_start3A_51 = arith.constant 0 : i32
        %dma_start3A_52 = tpu.memref_slice %arg3[%arg0, %arg1, %mul3A_30, %dma_start3A_51] : memref<2x16x160x128xi32, #tpu.memory_space<hbm>> -> memref<1x1x32x128xi32, #tpu.memory_space<hbm>>
        %dma_start3A_53 = tpu.memref_squeeze %dma_start3A_52 : memref<1x1x32x128xi32, #tpu.memory_space<hbm>> -> memref<32x128xi32, #tpu.memory_space<hbm>>
        tpu.enqueue_dma source(%dma_start3A_53 : memref<32x128xi32, #tpu.memory_space<hbm>>) target(%arg6 : memref<32x128xi32, #tpu.memory_space<vmem>>) target_semaphore(%run_scoped3A : memref<!tpu.dma_semaphore, #tpu.memory_space<semaphore_mem>>)
        %dma_wait3A = arith.constant 0 : i32
        %dma_wait3A_54 = tpu.memref_slice %arg3[%arg0, %arg1, %mul3A_30, %dma_wait3A] : memref<2x16x160x128xi32, #tpu.memory_space<hbm>> -> memref<1x1x32x128xi32, #tpu.memory_space<hbm>>
        %dma_wait3A_55 = tpu.memref_squeeze %dma_wait3A_54 : memref<1x1x32x128xi32, #tpu.memory_space<hbm>> -> memref<32x128xi32, #tpu.memory_space<hbm>>
        %dma_wait3A_56 = arith.constant 0 : i32
        %dma_wait3A_57 = tpu.memref_slice %arg3[%arg0, %arg1, %mul3A_30, %dma_wait3A_56] : memref<2x16x160x128xi32, #tpu.memory_space<hbm>> -> memref<1x1x32x128xi32, #tpu.memory_space<hbm>>
        %dma_wait3A_58 = tpu.memref_squeeze %dma_wait3A_57 : memref<1x1x32x128xi32, #tpu.memory_space<hbm>> -> memref<32x128xi32, #tpu.memory_space<hbm>>
        tpu.wait_dma2 semaphore(%run_scoped3A : memref<!tpu.dma_semaphore, #tpu.memory_space<semaphore_mem>>) src(%dma_wait3A_58 : memref<32x128xi32, #tpu.memory_space<hbm>>) dst(%arg6 : memref<32x128xi32, #tpu.memory_space<vmem>>)
        tpu.yield
      }) : () -> ()
      %mul3A_31 = arith.constant 32 : i32
      %mul3A_32 = arith.muli %scan3A_27, %mul3A_31 : i32
      "tpu.region"() ({
        %run_scoped3A = tpu.sem_alloc : memref<!tpu.dma_semaphore, #tpu.memory_space<semaphore_mem>>
        %dma_start3A_48 = arith.constant 0 : i32
        %dma_start3A_49 = tpu.memref_slice %arg4[%arg0, %arg1, %mul3A_32, %dma_start3A_48] : memref<2x16x160x128xi32, #tpu.memory_space<hbm>> -> memref<1x1x32x128xi32, #tpu.memory_space<hbm>>
        %dma_start3A_50 = tpu.memref_squeeze %dma_start3A_49 : memref<1x1x32x128xi32, #tpu.memory_space<hbm>> -> memref<32x128xi32, #tpu.memory_space<hbm>>
        %dma_start3A_51 = arith.constant 0 : i32
        %dma_start3A_52 = tpu.memref_slice %arg4[%arg0, %arg1, %mul3A_32, %dma_start3A_51] : memref<2x16x160x128xi32, #tpu.memory_space<hbm>> -> memref<1x1x32x128xi32, #tpu.memory_space<hbm>>
        %dma_start3A_53 = tpu.memref_squeeze %dma_start3A_52 : memref<1x1x32x128xi32, #tpu.memory_space<hbm>> -> memref<32x128xi32, #tpu.memory_space<hbm>>
        tpu.enqueue_dma source(%dma_start3A_53 : memref<32x128xi32, #tpu.memory_space<hbm>>) target(%arg7 : memref<32x128xi32, #tpu.memory_space<vmem>>) target_semaphore(%run_scoped3A : memref<!tpu.dma_semaphore, #tpu.memory_space<semaphore_mem>>)
        %dma_wait3A = arith.constant 0 : i32
        %dma_wait3A_54 = tpu.memref_slice %arg4[%arg0, %arg1, %mul3A_32, %dma_wait3A] : memref<2x16x160x128xi32, #tpu.memory_space<hbm>> -> memref<1x1x32x128xi32, #tpu.memory_space<hbm>>
        %dma_wait3A_55 = tpu.memref_squeeze %dma_wait3A_54 : memref<1x1x32x128xi32, #tpu.memory_space<hbm>> -> memref<32x128xi32, #tpu.memory_space<hbm>>
        %dma_wait3A_56 = arith.constant 0 : i32
        %dma_wait3A_57 = tpu.memref_slice %arg4[%arg0, %arg1, %mul3A_32, %dma_wait3A_56] : memref<2x16x160x128xi32, #tpu.memory_space<hbm>> -> memref<1x1x32x128xi32, #tpu.memory_space<hbm>>
        %dma_wait3A_58 = tpu.memref_squeeze %dma_wait3A_57 : memref<1x1x32x128xi32, #tpu.memory_space<hbm>> -> memref<32x128xi32, #tpu.memory_space<hbm>>
        tpu.wait_dma2 semaphore(%run_scoped3A : memref<!tpu.dma_semaphore, #tpu.memory_space<semaphore_mem>>) src(%dma_wait3A_58 : memref<32x128xi32, #tpu.memory_space<hbm>>) dst(%arg7 : memref<32x128xi32, #tpu.memory_space<vmem>>)
        tpu.yield
      }) : () -> ()
      %dma_start3A = arith.constant 0 : i32
      %dma_start3A_33 = arith.constant 0 : i32
      %dma_start3A_34 = tpu.memref_slice %arg6[%dma_start3A, %dma_start3A_33] : memref<32x128xi32, #tpu.memory_space<vmem>> -> memref<1x128xi32, #tpu.memory_space<vmem>>
      %dma_start3A_35 = tpu.memref_squeeze %dma_start3A_34 : memref<1x128xi32, #tpu.memory_space<vmem>> -> memref<128xi32, #tpu.memory_space<vmem>>
      %dma_start3A_36 = arith.constant 0 : i32
      %dma_start3A_37 = arith.constant 0 : i32
      %dma_start3A_38 = tpu.memref_slice %arg2[%dma_start3A_36, %dma_start3A_37] : memref<20480x128xf32, #tpu.memory_space<hbm>> -> memref<20480x128xf32, #tpu.memory_space<hbm>>
      tpu.enqueue_indirect_dma source(%dma_start3A_38 : memref<20480x128xf32, #tpu.memory_space<hbm>>) target(%arg8 : memref<128x128xf32, #tpu.memory_space<vmem>>) offsets(%dma_start3A_35 : memref<128xi32, #tpu.memory_space<vmem>>) semaphore(%arg11 : memref<!tpu.dma_semaphore, #tpu.memory_space<semaphore_mem>>)
      %scan3A_39 = arith.constant 0 : i32
      %scan3A_40 = arith.constant 0 : i32
      %scan3A_41 = arith.constant 0 : i32
      %scan3A_42 = arith.constant 16 : i32
      %scan3A_43 = arith.addi %scan3A_41, %scan3A_42 : i32
      %scan3A_44 = arith.constant 1 : i32
      %scan3A_45 = scf.for %scan3A_48 = %scan3A_41 to %scan3A_43 step %scan3A_44 iter_args(%scan3A_49 = %scan3A_40) -> (i32)  : i32 {
        %mul3A_50 = arith.constant 2 : i32
        %mul3A_51 = arith.muli %mul3A_50, %scan3A_48 : i32
        %add3A_52 = arith.constant 1 : i32
        %add3A_53 = arith.addi %mul3A_51, %add3A_52 : i32
        %dma_start3A_54 = arith.constant 0 : i32
        %dma_start3A_55 = tpu.memref_slice %arg6[%add3A_53, %dma_start3A_54] : memref<32x128xi32, #tpu.memory_space<vmem>> -> memref<1x128xi32, #tpu.memory_space<vmem>>
        %dma_start3A_56 = tpu.memref_squeeze %dma_start3A_55 : memref<1x128xi32, #tpu.memory_space<vmem>> -> memref<128xi32, #tpu.memory_space<vmem>>
        %dma_start3A_57 = arith.constant 0 : i32
        %dma_start3A_58 = arith.constant 0 : i32
        %dma_start3A_59 = tpu.memref_slice %arg2[%dma_start3A_57, %dma_start3A_58] : memref<20480x128xf32, #tpu.memory_space<hbm>> -> memref<20480x128xf32, #tpu.memory_space<hbm>>
        tpu.enqueue_indirect_dma source(%dma_start3A_59 : memref<20480x128xf32, #tpu.memory_space<hbm>>) target(%arg9 : memref<128x128xf32, #tpu.memory_space<vmem>>) offsets(%dma_start3A_56 : memref<128xi32, #tpu.memory_space<vmem>>) semaphore(%arg12 : memref<!tpu.dma_semaphore, #tpu.memory_space<semaphore_mem>>)
        %dma_wait3A = arith.constant 0 : i32
        %dma_wait3A_60 = tpu.memref_slice %arg6[%scan3A_39, %dma_wait3A] : memref<32x128xi32, #tpu.memory_space<vmem>> -> memref<1x128xi32, #tpu.memory_space<vmem>>
        %dma_wait3A_61 = tpu.memref_squeeze %dma_wait3A_60 : memref<1x128xi32, #tpu.memory_space<vmem>> -> memref<128xi32, #tpu.memory_space<vmem>>
        %dma_wait3A_62 = arith.constant 0 : i32
        %dma_wait3A_63 = arith.constant 0 : i32
        %dma_wait3A_64 = tpu.memref_slice %arg2[%dma_wait3A_62, %dma_wait3A_63] : memref<20480x128xf32, #tpu.memory_space<hbm>> -> memref<20480x128xf32, #tpu.memory_space<hbm>>
        tpu.wait_indirect_dma semaphore(%arg11 : memref<!tpu.dma_semaphore, #tpu.memory_space<semaphore_mem>>) src(%dma_wait3A_64 : memref<20480x128xf32, #tpu.memory_space<hbm>>) dst(%arg8 : memref<128x128xf32, #tpu.memory_space<vmem>>)
        "tpu.region"() ({
          %run_scoped3A = tpu.sem_alloc : memref<!tpu.dma_semaphore, #tpu.memory_space<semaphore_mem>>
          %dma_start3A_76 = arith.constant 0 : i32
          %dma_start3A_77 = tpu.memref_slice %arg7[%mul3A_51, %dma_start3A_76] : memref<32x128xi32, #tpu.memory_space<vmem>> -> memref<1x128xi32, #tpu.memory_space<vmem>>
          %dma_start3A_78 = tpu.memref_squeeze %dma_start3A_77 : memref<1x128xi32, #tpu.memory_space<vmem>> -> memref<128xi32, #tpu.memory_space<vmem>>
          %dma_start3A_79 = arith.constant 0 : i32
          %dma_start3A_80 = arith.constant 0 : i32
          %dma_start3A_81 = tpu.memref_slice %arg10[%dma_start3A_79, %dma_start3A_80] : memref<10112x128xf32, #tpu.memory_space<vmem_shared>> -> memref<10112x128xf32, #tpu.memory_space<vmem_shared>>
          tpu.enqueue_indirect_dma source(%arg8 : memref<128x128xf32, #tpu.memory_space<vmem>>) target(%dma_start3A_81 : memref<10112x128xf32, #tpu.memory_space<vmem_shared>>) offsets(%dma_start3A_78 : memref<128xi32, #tpu.memory_space<vmem>>) semaphore(%run_scoped3A : memref<!tpu.dma_semaphore, #tpu.memory_space<semaphore_mem>>) {add = true}
          %dma_wait3A_82 = arith.constant 0 : i32
          %dma_wait3A_83 = tpu.memref_slice %arg7[%mul3A_51, %dma_wait3A_82] : memref<32x128xi32, #tpu.memory_space<vmem>> -> memref<1x128xi32, #tpu.memory_space<vmem>>
          %dma_wait3A_84 = tpu.memref_squeeze %dma_wait3A_83 : memref<1x128xi32, #tpu.memory_space<vmem>> -> memref<128xi32, #tpu.memory_space<vmem>>
          %dma_wait3A_85 = arith.constant 0 : i32
          %dma_wait3A_86 = arith.constant 0 : i32
          %dma_wait3A_87 = tpu.memref_slice %arg10[%dma_wait3A_85, %dma_wait3A_86] : memref<10112x128xf32, #tpu.memory_space<vmem_shared>> -> memref<10112x128xf32, #tpu.memory_space<vmem_shared>>
          tpu.wait_indirect_dma semaphore(%run_scoped3A : memref<!tpu.dma_semaphore, #tpu.memory_space<semaphore_mem>>) src(%arg8 : memref<128x128xf32, #tpu.memory_space<vmem>>) dst(%dma_wait3A_87 : memref<10112x128xf32, #tpu.memory_space<vmem_shared>>)
          tpu.yield
        }) : () -> ()
        %lt3A = arith.constant 15 : i32
        %lt3A_65 = arith.cmpi slt, %scan3A_48, %lt3A : i32
        %convert_element_type3A = arith.extui %lt3A_65 : i1 to i32
        %cond3A = arith.constant 0 : i32
        %cond3A_66 = arith.cmpi ne, %convert_element_type3A, %cond3A : i32
        scf.if %cond3A_66 {
          %add3A_76 = arith.constant 2 : i32
          %add3A_77 = arith.addi %mul3A_51, %add3A_76 : i32
          %dma_start3A_78 = arith.constant 0 : i32
          %dma_start3A_79 = tpu.memref_slice %arg6[%add3A_77, %dma_start3A_78] : memref<32x128xi32, #tpu.memory_space<vmem>> -> memref<1x128xi32, #tpu.memory_space<vmem>>
          %dma_start3A_80 = tpu.memref_squeeze %dma_start3A_79 : memref<1x128xi32, #tpu.memory_space<vmem>> -> memref<128xi32, #tpu.memory_space<vmem>>
          %dma_start3A_81 = arith.constant 0 : i32
          %dma_start3A_82 = arith.constant 0 : i32
          %dma_start3A_83 = tpu.memref_slice %arg2[%dma_start3A_81, %dma_start3A_82] : memref<20480x128xf32, #tpu.memory_space<hbm>> -> memref<20480x128xf32, #tpu.memory_space<hbm>>
          tpu.enqueue_indirect_dma source(%dma_start3A_83 : memref<20480x128xf32, #tpu.memory_space<hbm>>) target(%arg8 : memref<128x128xf32, #tpu.memory_space<vmem>>) offsets(%dma_start3A_80 : memref<128xi32, #tpu.memory_space<vmem>>) semaphore(%arg11 : memref<!tpu.dma_semaphore, #tpu.memory_space<semaphore_mem>>)
        } else {
        }
        %dma_wait3A_67 = arith.constant 0 : i32
        %dma_wait3A_68 = tpu.memref_slice %arg6[%add3A_53, %dma_wait3A_67] : memref<32x128xi32, #tpu.memory_space<vmem>> -> memref<1x128xi32, #tpu.memory_space<vmem>>
        %dma_wait3A_69 = tpu.memref_squeeze %dma_wait3A_68 : memref<1x128xi32, #tpu.memory_space<vmem>> -> memref<128xi32, #tpu.memory_space<vmem>>
        %dma_wait3A_70 = arith.constant 0 : i32
        %dma_wait3A_71 = arith.constant 0 : i32
        %dma_wait3A_72 = tpu.memref_slice %arg2[%dma_wait3A_70, %dma_wait3A_71] : memref<20480x128xf32, #tpu.memory_space<hbm>> -> memref<20480x128xf32, #tpu.memory_space<hbm>>
        tpu.wait_indirect_dma semaphore(%arg12 : memref<!tpu.dma_semaphore, #tpu.memory_space<semaphore_mem>>) src(%dma_wait3A_72 : memref<20480x128xf32, #tpu.memory_space<hbm>>) dst(%arg9 : memref<128x128xf32, #tpu.memory_space<vmem>>)
        %add3A_73 = arith.constant 1 : i32
        %add3A_74 = arith.addi %mul3A_51, %add3A_73 : i32
        "tpu.region"() ({
          %run_scoped3A = tpu.sem_alloc : memref<!tpu.dma_semaphore, #tpu.memory_space<semaphore_mem>>
          %dma_start3A_76 = arith.constant 0 : i32
          %dma_start3A_77 = tpu.memref_slice %arg7[%add3A_74, %dma_start3A_76] : memref<32x128xi32, #tpu.memory_space<vmem>> -> memref<1x128xi32, #tpu.memory_space<vmem>>
          %dma_start3A_78 = tpu.memref_squeeze %dma_start3A_77 : memref<1x128xi32, #tpu.memory_space<vmem>> -> memref<128xi32, #tpu.memory_space<vmem>>
          %dma_start3A_79 = arith.constant 0 : i32
          %dma_start3A_80 = arith.constant 0 : i32
          %dma_start3A_81 = tpu.memref_slice %arg10[%dma_start3A_79, %dma_start3A_80] : memref<10112x128xf32, #tpu.memory_space<vmem_shared>> -> memref<10112x128xf32, #tpu.memory_space<vmem_shared>>
          tpu.enqueue_indirect_dma source(%arg9 : memref<128x128xf32, #tpu.memory_space<vmem>>) target(%dma_start3A_81 : memref<10112x128xf32, #tpu.memory_space<vmem_shared>>) offsets(%dma_start3A_78 : memref<128xi32, #tpu.memory_space<vmem>>) semaphore(%run_scoped3A : memref<!tpu.dma_semaphore, #tpu.memory_space<semaphore_mem>>) {add = true}
          %dma_wait3A_82 = arith.constant 0 : i32
          %dma_wait3A_83 = tpu.memref_slice %arg7[%add3A_74, %dma_wait3A_82] : memref<32x128xi32, #tpu.memory_space<vmem>> -> memref<1x128xi32, #tpu.memory_space<vmem>>
          %dma_wait3A_84 = tpu.memref_squeeze %dma_wait3A_83 : memref<1x128xi32, #tpu.memory_space<vmem>> -> memref<128xi32, #tpu.memory_space<vmem>>
          %dma_wait3A_85 = arith.constant 0 : i32
          %dma_wait3A_86 = arith.constant 0 : i32
          %dma_wait3A_87 = tpu.memref_slice %arg10[%dma_wait3A_85, %dma_wait3A_86] : memref<10112x128xf32, #tpu.memory_space<vmem_shared>> -> memref<10112x128xf32, #tpu.memory_space<vmem_shared>>
          tpu.wait_indirect_dma semaphore(%run_scoped3A : memref<!tpu.dma_semaphore, #tpu.memory_space<semaphore_mem>>) src(%arg9 : memref<128x128xf32, #tpu.memory_space<vmem>>) dst(%dma_wait3A_87 : memref<10112x128xf32, #tpu.memory_space<vmem_shared>>)
          tpu.yield
        }) : () -> ()
        %scan3A_75 = arith.constant 0 : i32
        scf.yield %scan3A_75 : i32
      }
      %scan3A_46 = arith.constant 16 : i32
      %scan3A_47 = arith.constant 0 : i32
      scf.yield %scan3A_47 : i32
    }
    %scan3A_21 = arith.constant 5 : i32
    %barrier3A_22 = arith.constant 0 : index
    tpu.barrier barrier_id(%barrier3A_22)
    %mul3A_23 = arith.constant 632 : i32
    %mul3A_24 = arith.muli %arg1, %mul3A_23 : i32
    %mul3A_25 = arith.constant 632 : i32
    %mul3A_26 = arith.muli %arg1, %mul3A_25 : i32
    "tpu.region"() ({
      %run_scoped3A = tpu.sem_alloc : memref<!tpu.dma_semaphore, #tpu.memory_space<semaphore_mem>>
      %dma_start3A = arith.constant 0 : i32
      %dma_start3A_27 = tpu.memref_slice %arg5[%arg0, %mul3A_26, %dma_start3A] : memref<2x10112x128xf32, #tpu.memory_space<hbm>> -> memref<1x632x128xf32, #tpu.memory_space<hbm>>
      %dma_start3A_28 = tpu.memref_squeeze %dma_start3A_27 : memref<1x632x128xf32, #tpu.memory_space<hbm>> -> memref<632x128xf32, #tpu.memory_space<hbm>>
      %dma_start3A_29 = arith.constant 0 : i32
      %dma_start3A_30 = tpu.memref_slice %arg10[%mul3A_24, %dma_start3A_29] : memref<10112x128xf32, #tpu.memory_space<vmem_shared>> -> memref<632x128xf32, #tpu.memory_space<vmem_shared>>
      tpu.enqueue_dma source(%dma_start3A_30 : memref<632x128xf32, #tpu.memory_space<vmem_shared>>) target(%dma_start3A_28 : memref<632x128xf32, #tpu.memory_space<hbm>>) target_semaphore(%run_scoped3A : memref<!tpu.dma_semaphore, #tpu.memory_space<semaphore_mem>>)
      %dma_wait3A = arith.constant 0 : i32
      %dma_wait3A_31 = tpu.memref_slice %arg5[%arg0, %mul3A_26, %dma_wait3A] : memref<2x10112x128xf32, #tpu.memory_space<hbm>> -> memref<1x632x128xf32, #tpu.memory_space<hbm>>
      %dma_wait3A_32 = tpu.memref_squeeze %dma_wait3A_31 : memref<1x632x128xf32, #tpu.memory_space<hbm>> -> memref<632x128xf32, #tpu.memory_space<hbm>>
      %dma_wait3A_33 = arith.constant 0 : i32
      %dma_wait3A_34 = tpu.memref_slice %arg10[%mul3A_24, %dma_wait3A_33] : memref<10112x128xf32, #tpu.memory_space<vmem_shared>> -> memref<632x128xf32, #tpu.memory_space<vmem_shared>>
      tpu.wait_dma2 semaphore(%run_scoped3A : memref<!tpu.dma_semaphore, #tpu.memory_space<semaphore_mem>>) src(%dma_wait3A_34 : memref<632x128xf32, #tpu.memory_space<vmem_shared>>) dst(%dma_wait3A_32 : memref<632x128xf32, #tpu.memory_space<hbm>>)
      tpu.yield
    }) : () -> ()
    return
  }
}

module attributes {stable_mosaic.version = 14 : i64} {
  func.func @_t12(%arg0: i32, %arg1: i32, %arg2: memref<512x128xf32, #tpu.memory_space<vmem>>, %arg3: memref<128x128xf32, #tpu.memory_space<vmem>>, %arg4: memref<2x512xf32, #tpu.memory_space<vmem>>, %arg5: memref<1x512x128xf32, #tpu.memory_space<vmem>>, %arg6: memref<512x1xf32, #tpu.memory_space<vmem>>) attributes {dimension_semantics = [#tpu.dimension_semantics<arbitrary>, #tpu.dimension_semantics<arbitrary>], iteration_bounds = array<i64: 20, 2>, scalar_prefetch = 0 : i64, scratch_operands = 0 : i64, tpu.core_type = #tpu.core_type<tc>, window_params = [{transform_indices = @transform_0, window_bounds = array<i64: 512, 128>}, {transform_indices = @transform_1, window_bounds = array<i64: 128, 128>}, {transform_indices = @transform_2, window_bounds = array<i64: 2, 512>}, {transform_indices = @transform_3, window_bounds = array<i64: 1, 512, 128>}, {transform_indices = @transform_4, window_bounds = array<i64: 512, 1>}]} {
    %get3A = arith.constant 0 : index
    %get3A_0 = arith.constant 0 : index
    %get3A_1 = vector.load %arg2[%get3A, %get3A_0] : memref<512x128xf32, #tpu.memory_space<vmem>>, vector<512x128xf32>
    %get3A_2 = arith.constant 0 : index
    %get3A_3 = arith.constant 0 : index
    %get3A_4 = vector.load %arg3[%get3A_2, %get3A_3] : memref<128x128xf32, #tpu.memory_space<vmem>>, vector<128x128xf32>
    %dot_general3A = arith.constant dense<0.000000e+00> : vector<512x128xf32>
    %dot_general3A_5 = tpu.matmul %get3A_1, %get3A_4, %dot_general3A {dimension_numbers = #tpu.dot_dimension_numbers<[1], [0], [0], [1], [0, 0, 1, 1], [], []>, transpose_lhs_hint = false} : vector<512x128xf32>, vector<128x128xf32>, vector<512x128xf32> -> vector<512x128xf32>
    %get3A_6 = arith.constant 0 : index
    %get3A_7 = arith.constant 0 : index
    %get3A_8 = vector.load %arg4[%get3A_6, %get3A_7] : memref<2x512xf32, #tpu.memory_space<vmem>>, vector<2x512xf32>
    %slice3A = vector.extract_strided_slice %get3A_8 {offsets = [0, 0], sizes = [1, 512], strides = [1, 1]} : vector<2x512xf32> to vector<1x512xf32>
    %slice3A_9 = vector.extract_strided_slice %get3A_8 {offsets = [1, 0], sizes = [1, 512], strides = [1, 1]} : vector<2x512xf32> to vector<1x512xf32>
    %add3A = arith.addf %slice3A, %slice3A_9 : vector<1x512xf32>
    %add3A_10 = arith.constant 1.000000e+00 : f32
    %add3A_11 = vector.broadcast %add3A_10 : f32 to vector<1x512xf32>
    %add3A_12 = arith.addf %add3A, %add3A_11 : vector<1x512xf32>
    %rsqrt3A = math.rsqrt %add3A_12 : vector<1x512xf32>
    %transpose3A = tpu.transpose %rsqrt3A, [1, 0] : vector<1x512xf32> -> vector<512x1xf32>
    %swap3A = arith.constant 0 : index
    %swap3A_13 = arith.constant 0 : index
    %swap3A_14 = vector.load %arg6[%swap3A, %swap3A_13] : memref<512x1xf32, #tpu.memory_space<vmem>>, vector<512x1xf32>
    tpu.vector_store %arg6[%swap3A, %swap3A_13], %transpose3A {strides = array<i32>} : memref<512x1xf32, #tpu.memory_space<vmem>>, vector<512x1xf32>,
    %mul3A = vector.broadcast %transpose3A : vector<512x1xf32> to vector<512x128xf32>
    %mul3A_15 = arith.mulf %dot_general3A_5, %mul3A : vector<512x128xf32>
    %broadcast_in_dim3A = vector.shape_cast %mul3A_15 : vector<512x128xf32> to vector<1x512x128xf32>
    %swap3A_16 = arith.constant 0 : index
    %swap3A_17 = arith.constant 0 : index
    %swap3A_18 = arith.constant 0 : index
    %swap3A_19 = vector.load %arg5[%swap3A_16, %swap3A_17, %swap3A_18] : memref<1x512x128xf32, #tpu.memory_space<vmem>>, vector<1x512x128xf32>
    tpu.vector_store %arg5[%swap3A_16, %swap3A_17, %swap3A_18], %broadcast_in_dim3A {strides = array<i32>} : memref<1x512x128xf32, #tpu.memory_space<vmem>>, vector<1x512x128xf32>,
    return
  }
  func.func @transform_0(%arg0: i32, %arg1: i32) -> (i32, i32) {
    %c0_i32 = arith.constant 0 : i32
    %c0_i32_0 = arith.constant 0 : i32
    return %arg0, %c0_i32 : i32, i32
  }
  func.func @transform_1(%arg0: i32, %arg1: i32) -> (i32, i32) {
    %c0_i32 = arith.constant 0 : i32
    %c0_i32_0 = arith.constant 0 : i32
    return %c0_i32, %arg1 : i32, i32
  }
  func.func @transform_2(%arg0: i32, %arg1: i32) -> (i32, i32) {
    %c0_i32 = arith.constant 0 : i32
    %c0_i32_0 = arith.constant 0 : i32
    return %c0_i32, %arg0 : i32, i32
  }
  func.func @transform_3(%arg0: i32, %arg1: i32) -> (i32, i32, i32) {
    %c0_i32 = arith.constant 0 : i32
    %c0_i32_0 = arith.constant 0 : i32
    return %arg1, %arg0, %c0_i32 : i32, i32, i32
  }
  func.func @transform_4(%arg0: i32, %arg1: i32) -> (i32, i32) {
    %c0_i32 = arith.constant 0 : i32
    %c0_i32_0 = arith.constant 0 : i32
    return %arg0, %c0_i32 : i32, i32
  }
}

module attributes {stable_mosaic.version = 14 : i64} {
  func.func @_t34(%arg0: i32, %arg1: memref<2x512x128xf32, #tpu.memory_space<vmem>>, %arg2: memref<512x1xf32, #tpu.memory_space<vmem>>, %arg3: memref<1x256xf32, #tpu.memory_space<vmem>>, %arg4: memref<256x128xf32, #tpu.memory_space<vmem>>, %arg5: memref<1x256xf32, #tpu.memory_space<vmem>>, %arg6: memref<1x256xf32, #tpu.memory_space<vmem>>, %arg7: memref<512x128xf32, #tpu.memory_space<vmem>>, %arg8: memref<10240x256xf32, #tpu.memory_space<vmem>>, %arg9: memref<2x256xf32, #tpu.memory_space<vmem>>) attributes {dimension_semantics = [#tpu.dimension_semantics<arbitrary>], iteration_bounds = array<i64: 40>, scalar_prefetch = 0 : i64, scratch_operands = 2 : i64, tpu.core_type = #tpu.core_type<tc>, window_params = [{transform_indices = @transform_0, window_bounds = array<i64: 2, 512, 128>}, {transform_indices = @transform_1, window_bounds = array<i64: 512, 1>}, {pipeline_mode = #tpu.pipeline_mode<synchronous>, transform_indices = @transform_2, window_bounds = array<i64: 1, 256>}, {pipeline_mode = #tpu.pipeline_mode<synchronous>, transform_indices = @transform_3, window_bounds = array<i64: 256, 128>}, {pipeline_mode = #tpu.pipeline_mode<synchronous>, transform_indices = @transform_4, window_bounds = array<i64: 1, 256>}, {pipeline_mode = #tpu.pipeline_mode<synchronous>, transform_indices = @transform_5, window_bounds = array<i64: 1, 256>}, {transform_indices = @transform_6, window_bounds = array<i64: 512, 128>}]} {
    %lt3A = arith.constant 20 : i32
    %lt3A_0 = arith.cmpi slt, %arg0, %lt3A : i32
    %convert_element_type3A = arith.extui %lt3A_0 : i1 to i32
    %cond3A = arith.constant 0 : i32
    %cond3A_1 = arith.cmpi ne, %convert_element_type3A, %cond3A : i32
    scf.if %cond3A_1 {
      %get3A = arith.constant 0 : index
      %get3A_6 = arith.constant 0 : index
      %get3A_7 = vector.load %arg2[%get3A, %get3A_6] : memref<512x1xf32, #tpu.memory_space<vmem>>, vector<512x1xf32>
      %get3A_8 = arith.constant 0 : index
      %get3A_9 = arith.constant 0 : index
      %get3A_10 = arith.constant 0 : index
      %get3A_11 = vector.load %arg1[%get3A_8, %get3A_9, %get3A_10] : memref<2x512x128xf32, #tpu.memory_space<vmem>>, vector<1x512x128xf32>
      %get3A_12 = vector.shape_cast %get3A_11 : vector<1x512x128xf32> to vector<512x128xf32>
      %get3A_13 = arith.constant 1 : index
      %get3A_14 = arith.constant 0 : index
      %get3A_15 = arith.constant 0 : index
      %get3A_16 = vector.load %arg1[%get3A_13, %get3A_14, %get3A_15] : memref<2x512x128xf32, #tpu.memory_space<vmem>>, vector<1x512x128xf32>
      %get3A_17 = vector.shape_cast %get3A_16 : vector<1x512x128xf32> to vector<512x128xf32>
      %concatenate3A = tpu.concatenate %get3A_12, %get3A_17 in 1 : vector<512x128xf32>, vector<512x128xf32> -> vector<512x256xf32>
      %mul3A = vector.broadcast %get3A_7 : vector<512x1xf32> to vector<512x256xf32>
      %mul3A_18 = arith.mulf %mul3A, %concatenate3A : vector<512x256xf32>
      %get3A_19 = arith.constant 0 : index
      %get3A_20 = arith.constant 0 : index
      %get3A_21 = vector.load %arg3[%get3A_19, %get3A_20] : memref<1x256xf32, #tpu.memory_space<vmem>>, vector<1x256xf32>
      %add3A = vector.broadcast %get3A_21 : vector<1x256xf32> to vector<512x256xf32>
      %add3A_22 = arith.addf %mul3A_18, %add3A : vector<512x256xf32>
      %max3A = arith.constant 0.000000e+00 : f32
      %max3A_23 = vector.broadcast %max3A : f32 to vector<512x256xf32>
      %max3A_24 = arith.maximumf %add3A_22, %max3A_23 : vector<512x256xf32>
      %mul3A_25 = arith.constant 512 : i32
      %mul3A_26 = arith.muli %arg0, %mul3A_25 : i32
      %swap3A = arith.index_cast %mul3A_26 : i32 to index
      %swap3A_27 = arith.constant 0 : index
      %swap3A_28 = vector.load %arg8[%swap3A, %swap3A_27] : memref<10240x256xf32, #tpu.memory_space<vmem>>, vector<512x256xf32>
      tpu.vector_store %arg8[%swap3A, %swap3A_27], %max3A_24 {strides = array<i32>} : memref<10240x256xf32, #tpu.memory_space<vmem>>, vector<512x256xf32>,
      %mul3A_29 = arith.constant 512 : i32
      %mul3A_30 = arith.muli %arg0, %mul3A_29 : i32
      %iota3A = tpu.iota {dimensions = array<i32: 0>} : vector<512x1xi32>
      %add3A_31 = vector.broadcast %mul3A_30 : i32 to vector<512x1xi32>
      %add3A_32 = arith.addi %add3A_31, %iota3A : vector<512x1xi32>
      %lt3A_33 = arith.constant 10000 : i32
      %lt3A_34 = vector.broadcast %lt3A_33 : i32 to vector<512x1xi32>
      %lt3A_35 = arith.cmpi slt, %add3A_32, %lt3A_34 : vector<512x1xi32>
      %jit3A = arith.constant 0.000000e+00 : f32
      %broadcast_in_dim3A = vector.shape_cast %lt3A_35 : vector<512x1xi1> to vector<512x1xi1>
      %broadcast_in_dim3A_36 = vector.broadcast %broadcast_in_dim3A : vector<512x1xi1> to vector<512x256xi1>
      %broadcast_in_dim3A_37 = vector.broadcast %jit3A : f32 to vector<512x256xf32>
      %select_n3A = arith.select %broadcast_in_dim3A_36, %max3A_24, %broadcast_in_dim3A_37 : vector<512x256xi1>, vector<512x256xf32>
      %reduce_sum3A = arith.constant dense<0.000000e+00> : vector<256xf32>
      %reduce_sum3A_38 = vector.multi_reduction <add>, %select_n3A, %reduce_sum3A [0] : vector<512x256xf32> to vector<256xf32>
      %broadcast_in_dim3A_39 = vector.shape_cast %reduce_sum3A_38 : vector<256xf32> to vector<1x256xf32>
      %mul3A_40 = arith.mulf %select_n3A, %select_n3A : vector<512x256xf32>
      %reduce_sum3A_41 = arith.constant dense<0.000000e+00> : vector<256xf32>
      %reduce_sum3A_42 = vector.multi_reduction <add>, %mul3A_40, %reduce_sum3A_41 [0] : vector<512x256xf32> to vector<256xf32>
      %broadcast_in_dim3A_43 = vector.shape_cast %reduce_sum3A_42 : vector<256xf32> to vector<1x256xf32>
      %concatenate3A_44 = tpu.concatenate %broadcast_in_dim3A_39, %broadcast_in_dim3A_43 in 0 : vector<1x256xf32>, vector<1x256xf32> -> vector<2x256xf32>
      %eq3A = arith.constant 0 : i32
      %eq3A_45 = arith.cmpi eq, %arg0, %eq3A : i32
      %convert_element_type3A_46 = arith.extui %eq3A_45 : i1 to i32
      %cond3A_47 = arith.constant 0 : i32
      %cond3A_48 = arith.cmpi ne, %convert_element_type3A_46, %cond3A_47 : i32
      scf.if %cond3A_48 {
        %swap3A_53 = arith.constant 0 : index
        %swap3A_54 = arith.constant 0 : index
        %swap3A_55 = vector.load %arg9[%swap3A_53, %swap3A_54] : memref<2x256xf32, #tpu.memory_space<vmem>>, vector<2x256xf32>
        tpu.vector_store %arg9[%swap3A_53, %swap3A_54], %concatenate3A_44 {strides = array<i32>} : memref<2x256xf32, #tpu.memory_space<vmem>>, vector<2x256xf32>,
      } else {
      }
      %gt3A = arith.constant 0 : i32
      %gt3A_49 = arith.cmpi sgt, %arg0, %gt3A : i32
      %convert_element_type3A_50 = arith.extui %gt3A_49 : i1 to i32
      %cond3A_51 = arith.constant 0 : i32
      %cond3A_52 = arith.cmpi ne, %convert_element_type3A_50, %cond3A_51 : i32
      scf.if %cond3A_52 {
        %get3A_53 = arith.constant 0 : index
        %get3A_54 = arith.constant 0 : index
        %get3A_55 = vector.load %arg9[%get3A_53, %get3A_54] : memref<2x256xf32, #tpu.memory_space<vmem>>, vector<2x256xf32>
        %add3A_56 = arith.addf %get3A_55, %concatenate3A_44 : vector<2x256xf32>
        %swap3A_57 = arith.constant 0 : index
        %swap3A_58 = arith.constant 0 : index
        %swap3A_59 = vector.load %arg9[%swap3A_57, %swap3A_58] : memref<2x256xf32, #tpu.memory_space<vmem>>, vector<2x256xf32>
        tpu.vector_store %arg9[%swap3A_57, %swap3A_58], %add3A_56 {strides = array<i32>} : memref<2x256xf32, #tpu.memory_space<vmem>>, vector<2x256xf32>,
      } else {
      }
    } else {
    }
    %ge3A = arith.constant 20 : i32
    %ge3A_2 = arith.cmpi sge, %arg0, %ge3A : i32
    %convert_element_type3A_3 = arith.extui %ge3A_2 : i1 to i32
    %cond3A_4 = arith.constant 0 : i32
    %cond3A_5 = arith.cmpi ne, %convert_element_type3A_3, %cond3A_4 : i32
    scf.if %cond3A_5 {
      %sub3A = arith.constant 20 : i32
      %sub3A_6 = arith.subi %arg0, %sub3A : i32
      %get3A = arith.constant 0 : index
      %get3A_7 = arith.constant 0 : index
      %get3A_8 = vector.load %arg9[%get3A, %get3A_7] : memref<2x256xf32, #tpu.memory_space<vmem>>, vector<2x256xf32>
      %slice3A = vector.extract_strided_slice %get3A_8 {offsets = [0, 0], sizes = [1, 256], strides = [1, 1]} : vector<2x256xf32> to vector<1x256xf32>
      %div3A = arith.constant 1.000000e+04 : f32
      %div3A_9 = vector.broadcast %div3A : f32 to vector<1x256xf32>
      %div3A_10 = arith.divf %slice3A, %div3A_9 : vector<1x256xf32>
      %slice3A_11 = vector.extract_strided_slice %get3A_8 {offsets = [1, 0], sizes = [1, 256], strides = [1, 1]} : vector<2x256xf32> to vector<1x256xf32>
      %div3A_12 = arith.constant 1.000000e+04 : f32
      %div3A_13 = vector.broadcast %div3A_12 : f32 to vector<1x256xf32>
      %div3A_14 = arith.divf %slice3A_11, %div3A_13 : vector<1x256xf32>
      %mul3A = arith.mulf %div3A_10, %div3A_10 : vector<1x256xf32>
      %sub3A_15 = arith.subf %div3A_14, %mul3A : vector<1x256xf32>
      %add3A = arith.constant 9.99999974E-6 : f32
      %add3A_16 = vector.broadcast %add3A : f32 to vector<1x256xf32>
      %add3A_17 = arith.addf %sub3A_15, %add3A_16 : vector<1x256xf32>
      %rsqrt3A = math.rsqrt %add3A_17 : vector<1x256xf32>
      %get3A_18 = arith.constant 0 : index
      %get3A_19 = arith.constant 0 : index
      %get3A_20 = vector.load %arg5[%get3A_18, %get3A_19] : memref<1x256xf32, #tpu.memory_space<vmem>>, vector<1x256xf32>
      %mul3A_21 = arith.mulf %rsqrt3A, %get3A_20 : vector<1x256xf32>
      %get3A_22 = arith.constant 0 : index
      %get3A_23 = arith.constant 0 : index
      %get3A_24 = vector.load %arg6[%get3A_22, %get3A_23] : memref<1x256xf32, #tpu.memory_space<vmem>>, vector<1x256xf32>
      %mul3A_25 = arith.mulf %div3A_10, %mul3A_21 : vector<1x256xf32>
      %sub3A_26 = arith.subf %get3A_24, %mul3A_25 : vector<1x256xf32>
      %mul3A_27 = arith.constant 512 : i32
      %mul3A_28 = arith.muli %sub3A_6, %mul3A_27 : i32
      %get3A_29 = arith.index_cast %mul3A_28 : i32 to index
      %get3A_30 = arith.constant 0 : index
      %get3A_31 = vector.load %arg8[%get3A_29, %get3A_30] : memref<10240x256xf32, #tpu.memory_space<vmem>>, vector<512x256xf32>
      %mul3A_32 = vector.broadcast %mul3A_21 : vector<1x256xf32> to vector<512x256xf32>
      %mul3A_33 = arith.mulf %get3A_31, %mul3A_32 : vector<512x256xf32>
      %add3A_34 = vector.broadcast %sub3A_26 : vector<1x256xf32> to vector<512x256xf32>
      %add3A_35 = arith.addf %mul3A_33, %add3A_34 : vector<512x256xf32>
      %get3A_36 = arith.constant 0 : index
      %get3A_37 = arith.constant 0 : index
      %get3A_38 = vector.load %arg4[%get3A_36, %get3A_37] : memref<256x128xf32, #tpu.memory_space<vmem>>, vector<256x128xf32>
      %dot_general3A = arith.constant dense<0.000000e+00> : vector<512x128xf32>
      %dot_general3A_39 = tpu.matmul %add3A_35, %get3A_38, %dot_general3A {dimension_numbers = #tpu.dot_dimension_numbers<[1], [0], [0], [1], [0, 0, 1, 1], [], []>, transpose_lhs_hint = false} : vector<512x256xf32>, vector<256x128xf32>, vector<512x128xf32> -> vector<512x128xf32>
      %mul3A_40 = arith.constant 512 : i32
      %mul3A_41 = arith.muli %sub3A_6, %mul3A_40 : i32
      %iota3A = tpu.iota {dimensions = array<i32: 0>} : vector<512x1xi32>
      %add3A_42 = vector.broadcast %mul3A_41 : i32 to vector<512x1xi32>
      %add3A_43 = arith.addi %add3A_42, %iota3A : vector<512x1xi32>
      %lt3A_44 = arith.constant 10000 : i32
      %lt3A_45 = vector.broadcast %lt3A_44 : i32 to vector<512x1xi32>
      %lt3A_46 = arith.cmpi slt, %add3A_43, %lt3A_45 : vector<512x1xi32>
      %get3A_47 = arith.constant 0 : index
      %get3A_48 = arith.constant 0 : index
      %get3A_49 = vector.load %arg2[%get3A_47, %get3A_48] : memref<512x1xf32, #tpu.memory_space<vmem>>, vector<512x1xf32>
      %mul3A_50 = vector.broadcast %get3A_49 : vector<512x1xf32> to vector<512x128xf32>
      %mul3A_51 = arith.mulf %dot_general3A_39, %mul3A_50 : vector<512x128xf32>
      %jit3A = arith.constant 0.000000e+00 : f32
      %broadcast_in_dim3A = vector.shape_cast %lt3A_46 : vector<512x1xi1> to vector<512x1xi1>
      %broadcast_in_dim3A_52 = vector.broadcast %broadcast_in_dim3A : vector<512x1xi1> to vector<512x128xi1>
      %broadcast_in_dim3A_53 = vector.broadcast %jit3A : f32 to vector<512x128xf32>
      %select_n3A = arith.select %broadcast_in_dim3A_52, %mul3A_51, %broadcast_in_dim3A_53 : vector<512x128xi1>, vector<512x128xf32>
      %swap3A = arith.constant 0 : index
      %swap3A_54 = arith.constant 0 : index
      %swap3A_55 = vector.load %arg7[%swap3A, %swap3A_54] : memref<512x128xf32, #tpu.memory_space<vmem>>, vector<512x128xf32>
      tpu.vector_store %arg7[%swap3A, %swap3A_54], %select_n3A {strides = array<i32>} : memref<512x128xf32, #tpu.memory_space<vmem>>, vector<512x128xf32>,
    } else {
    }
    return
  }
  func.func @transform_0(%arg0: i32) -> (i32, i32, i32) {
    %min3A = arith.constant 19 : i32
    %min3A_0 = arith.minsi %arg0, %min3A : i32
    %c0_i32 = arith.constant 0 : i32
    %c0_i32_1 = arith.constant 0 : i32
    %c0_i32_2 = arith.constant 0 : i32
    return %c0_i32, %min3A_0, %c0_i32_1 : i32, i32, i32
  }
  func.func @transform_1(%arg0: i32) -> (i32, i32) {
    %lt3A = arith.constant 20 : i32
    %lt3A_0 = arith.cmpi slt, %arg0, %lt3A : i32
    %sub3A = arith.constant 20 : i32
    %sub3A_1 = arith.subi %arg0, %sub3A : i32
    %select_n3A = arith.select %lt3A_0, %arg0, %sub3A_1 : i32
    %c0_i32 = arith.constant 0 : i32
    %c0_i32_2 = arith.constant 0 : i32
    return %select_n3A, %c0_i32 : i32, i32
  }
  func.func @transform_2(%arg0: i32) -> (i32, i32) {
    %c0_i32 = arith.constant 0 : i32
    %c0_i32_0 = arith.constant 0 : i32
    %c0_i32_1 = arith.constant 0 : i32
    return %c0_i32, %c0_i32_0 : i32, i32
  }
  func.func @transform_3(%arg0: i32) -> (i32, i32) {
    %c0_i32 = arith.constant 0 : i32
    %c0_i32_0 = arith.constant 0 : i32
    %c0_i32_1 = arith.constant 0 : i32
    return %c0_i32, %c0_i32_0 : i32, i32
  }
  func.func @transform_4(%arg0: i32) -> (i32, i32) {
    %c0_i32 = arith.constant 0 : i32
    %c0_i32_0 = arith.constant 0 : i32
    %c0_i32_1 = arith.constant 0 : i32
    return %c0_i32, %c0_i32_0 : i32, i32
  }
  func.func @transform_5(%arg0: i32) -> (i32, i32) {
    %c0_i32 = arith.constant 0 : i32
    %c0_i32_0 = arith.constant 0 : i32
    %c0_i32_1 = arith.constant 0 : i32
    return %c0_i32, %c0_i32_0 : i32, i32
  }
  func.func @transform_6(%arg0: i32) -> (i32, i32) {
    %lt3A = arith.constant 20 : i32
    %lt3A_0 = arith.cmpi slt, %arg0, %lt3A : i32
    %sub3A = arith.constant 20 : i32
    %sub3A_1 = arith.subi %arg0, %sub3A : i32
    %jit3A = arith.constant 0 : i32
    %select_n3A = arith.select %lt3A_0, %jit3A, %sub3A_1 : i32
    %c0_i32 = arith.constant 0 : i32
    %c0_i32_2 = arith.constant 0 : i32
    return %select_n3A, %c0_i32 : i32, i32
  }
}

module attributes {stable_mosaic.version = 14 : i64} {
  func.func @_t5(%arg0: i32, %arg1: memref<2x512x128xf32, #tpu.memory_space<vmem>>, %arg2: memref<512x1xf32, #tpu.memory_space<vmem>>, %arg3: memref<1x128xf32, #tpu.memory_space<vmem>>, %arg4: memref<512x128xf32, #tpu.memory_space<vmem>>, %arg5: memref<1x8x128xf32, #tpu.memory_space<vmem>>) attributes {dimension_semantics = [#tpu.dimension_semantics<arbitrary>], iteration_bounds = array<i64: 20>, scalar_prefetch = 0 : i64, scratch_operands = 0 : i64, tpu.core_type = #tpu.core_type<tc>, window_params = [{transform_indices = @transform_0, window_bounds = array<i64: 2, 512, 128>}, {transform_indices = @transform_1, window_bounds = array<i64: 512, 1>}, {pipeline_mode = #tpu.pipeline_mode<synchronous>, transform_indices = @transform_2, window_bounds = array<i64: 1, 128>}, {transform_indices = @transform_3, window_bounds = array<i64: 512, 128>}, {transform_indices = @transform_4, window_bounds = array<i64: 1, 8, 128>}]} {
    %get3A = arith.constant 0 : index
    %get3A_0 = arith.constant 0 : index
    %get3A_1 = vector.load %arg2[%get3A, %get3A_0] : memref<512x1xf32, #tpu.memory_space<vmem>>, vector<512x1xf32>
    %get3A_2 = arith.constant 0 : index
    %get3A_3 = arith.constant 0 : index
    %get3A_4 = arith.constant 0 : index
    %get3A_5 = vector.load %arg1[%get3A_2, %get3A_3, %get3A_4] : memref<2x512x128xf32, #tpu.memory_space<vmem>>, vector<1x512x128xf32>
    %get3A_6 = vector.shape_cast %get3A_5 : vector<1x512x128xf32> to vector<512x128xf32>
    %get3A_7 = arith.constant 1 : index
    %get3A_8 = arith.constant 0 : index
    %get3A_9 = arith.constant 0 : index
    %get3A_10 = vector.load %arg1[%get3A_7, %get3A_8, %get3A_9] : memref<2x512x128xf32, #tpu.memory_space<vmem>>, vector<1x512x128xf32>
    %get3A_11 = vector.shape_cast %get3A_10 : vector<1x512x128xf32> to vector<512x128xf32>
    %add3A = arith.addf %get3A_6, %get3A_11 : vector<512x128xf32>
    %mul3A = vector.broadcast %get3A_1 : vector<512x1xf32> to vector<512x128xf32>
    %mul3A_12 = arith.mulf %mul3A, %add3A : vector<512x128xf32>
    %get3A_13 = arith.constant 0 : index
    %get3A_14 = arith.constant 0 : index
    %get3A_15 = vector.load %arg3[%get3A_13, %get3A_14] : memref<1x128xf32, #tpu.memory_space<vmem>>, vector<1x128xf32>
    %add3A_16 = vector.broadcast %get3A_15 : vector<1x128xf32> to vector<512x128xf32>
    %add3A_17 = arith.addf %mul3A_12, %add3A_16 : vector<512x128xf32>
    %max3A = arith.constant 0.000000e+00 : f32
    %max3A_18 = vector.broadcast %max3A : f32 to vector<512x128xf32>
    %max3A_19 = arith.maximumf %add3A_17, %max3A_18 : vector<512x128xf32>
    %swap3A = arith.constant 0 : index
    %swap3A_20 = arith.constant 0 : index
    %swap3A_21 = vector.load %arg4[%swap3A, %swap3A_20] : memref<512x128xf32, #tpu.memory_space<vmem>>, vector<512x128xf32>
    tpu.vector_store %arg4[%swap3A, %swap3A_20], %max3A_19 {strides = array<i32>} : memref<512x128xf32, #tpu.memory_space<vmem>>, vector<512x128xf32>,
    %mul3A_22 = arith.constant 512 : i32
    %mul3A_23 = arith.muli %arg0, %mul3A_22 : i32
    %iota3A = tpu.iota {dimensions = array<i32: 0>} : vector<512x1xi32>
    %add3A_24 = vector.broadcast %mul3A_23 : i32 to vector<512x1xi32>
    %add3A_25 = arith.addi %add3A_24, %iota3A : vector<512x1xi32>
    %lt3A = arith.constant 10000 : i32
    %lt3A_26 = vector.broadcast %lt3A : i32 to vector<512x1xi32>
    %lt3A_27 = arith.cmpi slt, %add3A_25, %lt3A_26 : vector<512x1xi32>
    %jit3A = arith.constant 0.000000e+00 : f32
    %broadcast_in_dim3A = vector.shape_cast %lt3A_27 : vector<512x1xi1> to vector<512x1xi1>
    %broadcast_in_dim3A_28 = vector.broadcast %broadcast_in_dim3A : vector<512x1xi1> to vector<512x128xi1>
    %broadcast_in_dim3A_29 = vector.broadcast %jit3A : f32 to vector<512x128xf32>
    %select_n3A = arith.select %broadcast_in_dim3A_28, %max3A_19, %broadcast_in_dim3A_29 : vector<512x128xi1>, vector<512x128xf32>
    %reduce_sum3A = arith.constant dense<0.000000e+00> : vector<128xf32>
    %reduce_sum3A_30 = vector.multi_reduction <add>, %select_n3A, %reduce_sum3A [0] : vector<512x128xf32> to vector<128xf32>
    %broadcast_in_dim3A_31 = vector.shape_cast %reduce_sum3A_30 : vector<128xf32> to vector<1x128xf32>
    %mul3A_32 = arith.mulf %select_n3A, %select_n3A : vector<512x128xf32>
    %reduce_sum3A_33 = arith.constant dense<0.000000e+00> : vector<128xf32>
    %reduce_sum3A_34 = vector.multi_reduction <add>, %mul3A_32, %reduce_sum3A_33 [0] : vector<512x128xf32> to vector<128xf32>
    %broadcast_in_dim3A_35 = vector.shape_cast %reduce_sum3A_34 : vector<128xf32> to vector<1x128xf32>
    %broadcast_in_dim3A_36 = arith.constant 0.000000e+00 : f32
    %broadcast_in_dim3A_37 = vector.broadcast %broadcast_in_dim3A_36 : f32 to vector<6x128xf32>
    %concatenate3A = tpu.concatenate %broadcast_in_dim3A_31, %broadcast_in_dim3A_35, %broadcast_in_dim3A_37 in 0 : vector<1x128xf32>, vector<1x128xf32>, vector<6x128xf32> -> vector<8x128xf32>
    %broadcast_in_dim3A_38 = vector.shape_cast %concatenate3A : vector<8x128xf32> to vector<1x8x128xf32>
    %swap3A_39 = arith.constant 0 : index
    %swap3A_40 = arith.constant 0 : index
    %swap3A_41 = arith.constant 0 : index
    %swap3A_42 = vector.load %arg5[%swap3A_39, %swap3A_40, %swap3A_41] : memref<1x8x128xf32, #tpu.memory_space<vmem>>, vector<1x8x128xf32>
    tpu.vector_store %arg5[%swap3A_39, %swap3A_40, %swap3A_41], %broadcast_in_dim3A_38 {strides = array<i32>} : memref<1x8x128xf32, #tpu.memory_space<vmem>>, vector<1x8x128xf32>,
    return
  }
  func.func @transform_0(%arg0: i32) -> (i32, i32, i32) {
    %c0_i32 = arith.constant 0 : i32
    %c0_i32_0 = arith.constant 0 : i32
    %c0_i32_1 = arith.constant 0 : i32
    return %c0_i32, %arg0, %c0_i32_0 : i32, i32, i32
  }
  func.func @transform_1(%arg0: i32) -> (i32, i32) {
    %c0_i32 = arith.constant 0 : i32
    %c0_i32_0 = arith.constant 0 : i32
    return %arg0, %c0_i32 : i32, i32
  }
  func.func @transform_2(%arg0: i32) -> (i32, i32) {
    %c0_i32 = arith.constant 0 : i32
    %c0_i32_0 = arith.constant 0 : i32
    %c0_i32_1 = arith.constant 0 : i32
    return %c0_i32, %c0_i32_0 : i32, i32
  }
  func.func @transform_3(%arg0: i32) -> (i32, i32) {
    %c0_i32 = arith.constant 0 : i32
    %c0_i32_0 = arith.constant 0 : i32
    return %arg0, %c0_i32 : i32, i32
  }
  func.func @transform_4(%arg0: i32) -> (i32, i32, i32) {
    %c0_i32 = arith.constant 0 : i32
    %c0_i32_0 = arith.constant 0 : i32
    %c0_i32_1 = arith.constant 0 : i32
    return %arg0, %c0_i32, %c0_i32_0 : i32, i32, i32
  }
}

module attributes {stable_mosaic.version = 14 : i64} {
  func.func @_t67(%arg0: i32, %arg1: memref<32x272x128xf32, #tpu.memory_space<vmem>>, %arg2: memref<20x8x128xf32, #tpu.memory_space<vmem>>, %arg3: memref<1x128xf32, #tpu.memory_space<vmem>>, %arg4: memref<1x128xf32, #tpu.memory_space<vmem>>, %arg5: memref<256x1024xf32, #tpu.memory_space<vmem>>, %arg6: memref<1024x256xf32, #tpu.memory_space<vmem>>, %arg7: memref<1x256xf32, #tpu.memory_space<vmem>>, %arg8: memref<1x256xf32, #tpu.memory_space<vmem>>, %arg9: memref<1x256xf32, #tpu.memory_space<vmem>>, %arg10: memref<256x128xf32, #tpu.memory_space<vmem>>, %arg11: memref<1x128xf32, #tpu.memory_space<vmem>>, %arg12: memref<256x128xf32, #tpu.memory_space<vmem>>, %arg13: memref<256x128xf32, #tpu.memory_space<vmem>>) attributes {dimension_semantics = [#tpu.dimension_semantics<arbitrary>], iteration_bounds = array<i64: 1>, scalar_prefetch = 0 : i64, scratch_operands = 0 : i64, tpu.core_type = #tpu.core_type<tc>, window_params = [{pipeline_mode = #tpu.pipeline_mode<synchronous>, transform_indices = @transform_0, window_bounds = array<i64: 32, 272, 128>}, {pipeline_mode = #tpu.pipeline_mode<synchronous>, transform_indices = @transform_1, window_bounds = array<i64: 20, 8, 128>}, {pipeline_mode = #tpu.pipeline_mode<synchronous>, transform_indices = @transform_2, window_bounds = array<i64: 1, 128>}, {pipeline_mode = #tpu.pipeline_mode<synchronous>, transform_indices = @transform_3, window_bounds = array<i64: 1, 128>}, {pipeline_mode = #tpu.pipeline_mode<synchronous>, transform_indices = @transform_4, window_bounds = array<i64: 256, 1024>}, {pipeline_mode = #tpu.pipeline_mode<synchronous>, transform_indices = @transform_5, window_bounds = array<i64: 1024, 256>}, {pipeline_mode = #tpu.pipeline_mode<synchronous>, transform_indices = @transform_6, window_bounds = array<i64: 1, 256>}, {pipeline_mode = #tpu.pipeline_mode<synchronous>, transform_indices = @transform_7, window_bounds = array<i64: 1, 256>}, {pipeline_mode = #tpu.pipeline_mode<synchronous>, transform_indices = @transform_8, window_bounds = array<i64: 1, 256>}, {pipeline_mode = #tpu.pipeline_mode<synchronous>, transform_indices = @transform_9, window_bounds = array<i64: 256, 128>}, {pipeline_mode = #tpu.pipeline_mode<synchronous>, transform_indices = @transform_10, window_bounds = array<i64: 1, 128>}, {pipeline_mode = #tpu.pipeline_mode<synchronous>, transform_indices = @transform_11, window_bounds = array<i64: 256, 128>}, {pipeline_mode = #tpu.pipeline_mode<synchronous>, transform_indices = @transform_12, window_bounds = array<i64: 256, 128>}]} {
    %get3A = arith.constant 0 : index
    %get3A_0 = arith.constant 0 : index
    %get3A_1 = arith.constant 0 : index
    %get3A_2 = vector.load %arg1[%get3A, %get3A_0, %get3A_1] : memref<32x272x128xf32, #tpu.memory_space<vmem>>, vector<1x272x128xf32>
    %get3A_3 = vector.shape_cast %get3A_2 : vector<1x272x128xf32> to vector<272x128xf32>
    %get3A_4 = arith.constant 1 : index
    %get3A_5 = arith.constant 0 : index
    %get3A_6 = arith.constant 0 : index
    %get3A_7 = vector.load %arg1[%get3A_4, %get3A_5, %get3A_6] : memref<32x272x128xf32, #tpu.memory_space<vmem>>, vector<1x272x128xf32>
    %get3A_8 = vector.shape_cast %get3A_7 : vector<1x272x128xf32> to vector<272x128xf32>
    %max3A = arith.maximumf %get3A_3, %get3A_8 : vector<272x128xf32>
    %get3A_9 = arith.constant 2 : index
    %get3A_10 = arith.constant 0 : index
    %get3A_11 = arith.constant 0 : index
    %get3A_12 = vector.load %arg1[%get3A_9, %get3A_10, %get3A_11] : memref<32x272x128xf32, #tpu.memory_space<vmem>>, vector<1x272x128xf32>
    %get3A_13 = vector.shape_cast %get3A_12 : vector<1x272x128xf32> to vector<272x128xf32>
    %max3A_14 = arith.maximumf %max3A, %get3A_13 : vector<272x128xf32>
    %get3A_15 = arith.constant 3 : index
    %get3A_16 = arith.constant 0 : index
    %get3A_17 = arith.constant 0 : index
    %get3A_18 = vector.load %arg1[%get3A_15, %get3A_16, %get3A_17] : memref<32x272x128xf32, #tpu.memory_space<vmem>>, vector<1x272x128xf32>
    %get3A_19 = vector.shape_cast %get3A_18 : vector<1x272x128xf32> to vector<272x128xf32>
    %max3A_20 = arith.maximumf %max3A_14, %get3A_19 : vector<272x128xf32>
    %get3A_21 = arith.constant 4 : index
    %get3A_22 = arith.constant 0 : index
    %get3A_23 = arith.constant 0 : index
    %get3A_24 = vector.load %arg1[%get3A_21, %get3A_22, %get3A_23] : memref<32x272x128xf32, #tpu.memory_space<vmem>>, vector<1x272x128xf32>
    %get3A_25 = vector.shape_cast %get3A_24 : vector<1x272x128xf32> to vector<272x128xf32>
    %max3A_26 = arith.maximumf %max3A_20, %get3A_25 : vector<272x128xf32>
    %get3A_27 = arith.constant 5 : index
    %get3A_28 = arith.constant 0 : index
    %get3A_29 = arith.constant 0 : index
    %get3A_30 = vector.load %arg1[%get3A_27, %get3A_28, %get3A_29] : memref<32x272x128xf32, #tpu.memory_space<vmem>>, vector<1x272x128xf32>
    %get3A_31 = vector.shape_cast %get3A_30 : vector<1x272x128xf32> to vector<272x128xf32>
    %max3A_32 = arith.maximumf %max3A_26, %get3A_31 : vector<272x128xf32>
    %get3A_33 = arith.constant 6 : index
    %get3A_34 = arith.constant 0 : index
    %get3A_35 = arith.constant 0 : index
    %get3A_36 = vector.load %arg1[%get3A_33, %get3A_34, %get3A_35] : memref<32x272x128xf32, #tpu.memory_space<vmem>>, vector<1x272x128xf32>
    %get3A_37 = vector.shape_cast %get3A_36 : vector<1x272x128xf32> to vector<272x128xf32>
    %max3A_38 = arith.maximumf %max3A_32, %get3A_37 : vector<272x128xf32>
    %get3A_39 = arith.constant 7 : index
    %get3A_40 = arith.constant 0 : index
    %get3A_41 = arith.constant 0 : index
    %get3A_42 = vector.load %arg1[%get3A_39, %get3A_40, %get3A_41] : memref<32x272x128xf32, #tpu.memory_space<vmem>>, vector<1x272x128xf32>
    %get3A_43 = vector.shape_cast %get3A_42 : vector<1x272x128xf32> to vector<272x128xf32>
    %max3A_44 = arith.maximumf %max3A_38, %get3A_43 : vector<272x128xf32>
    %get3A_45 = arith.constant 8 : index
    %get3A_46 = arith.constant 0 : index
    %get3A_47 = arith.constant 0 : index
    %get3A_48 = vector.load %arg1[%get3A_45, %get3A_46, %get3A_47] : memref<32x272x128xf32, #tpu.memory_space<vmem>>, vector<1x272x128xf32>
    %get3A_49 = vector.shape_cast %get3A_48 : vector<1x272x128xf32> to vector<272x128xf32>
    %max3A_50 = arith.maximumf %max3A_44, %get3A_49 : vector<272x128xf32>
    %get3A_51 = arith.constant 9 : index
    %get3A_52 = arith.constant 0 : index
    %get3A_53 = arith.constant 0 : index
    %get3A_54 = vector.load %arg1[%get3A_51, %get3A_52, %get3A_53] : memref<32x272x128xf32, #tpu.memory_space<vmem>>, vector<1x272x128xf32>
    %get3A_55 = vector.shape_cast %get3A_54 : vector<1x272x128xf32> to vector<272x128xf32>
    %max3A_56 = arith.maximumf %max3A_50, %get3A_55 : vector<272x128xf32>
    %get3A_57 = arith.constant 10 : index
    %get3A_58 = arith.constant 0 : index
    %get3A_59 = arith.constant 0 : index
    %get3A_60 = vector.load %arg1[%get3A_57, %get3A_58, %get3A_59] : memref<32x272x128xf32, #tpu.memory_space<vmem>>, vector<1x272x128xf32>
    %get3A_61 = vector.shape_cast %get3A_60 : vector<1x272x128xf32> to vector<272x128xf32>
    %max3A_62 = arith.maximumf %max3A_56, %get3A_61 : vector<272x128xf32>
    %get3A_63 = arith.constant 11 : index
    %get3A_64 = arith.constant 0 : index
    %get3A_65 = arith.constant 0 : index
    %get3A_66 = vector.load %arg1[%get3A_63, %get3A_64, %get3A_65] : memref<32x272x128xf32, #tpu.memory_space<vmem>>, vector<1x272x128xf32>
    %get3A_67 = vector.shape_cast %get3A_66 : vector<1x272x128xf32> to vector<272x128xf32>
    %max3A_68 = arith.maximumf %max3A_62, %get3A_67 : vector<272x128xf32>
    %get3A_69 = arith.constant 12 : index
    %get3A_70 = arith.constant 0 : index
    %get3A_71 = arith.constant 0 : index
    %get3A_72 = vector.load %arg1[%get3A_69, %get3A_70, %get3A_71] : memref<32x272x128xf32, #tpu.memory_space<vmem>>, vector<1x272x128xf32>
    %get3A_73 = vector.shape_cast %get3A_72 : vector<1x272x128xf32> to vector<272x128xf32>
    %max3A_74 = arith.maximumf %max3A_68, %get3A_73 : vector<272x128xf32>
    %get3A_75 = arith.constant 13 : index
    %get3A_76 = arith.constant 0 : index
    %get3A_77 = arith.constant 0 : index
    %get3A_78 = vector.load %arg1[%get3A_75, %get3A_76, %get3A_77] : memref<32x272x128xf32, #tpu.memory_space<vmem>>, vector<1x272x128xf32>
    %get3A_79 = vector.shape_cast %get3A_78 : vector<1x272x128xf32> to vector<272x128xf32>
    %max3A_80 = arith.maximumf %max3A_74, %get3A_79 : vector<272x128xf32>
    %get3A_81 = arith.constant 14 : index
    %get3A_82 = arith.constant 0 : index
    %get3A_83 = arith.constant 0 : index
    %get3A_84 = vector.load %arg1[%get3A_81, %get3A_82, %get3A_83] : memref<32x272x128xf32, #tpu.memory_space<vmem>>, vector<1x272x128xf32>
    %get3A_85 = vector.shape_cast %get3A_84 : vector<1x272x128xf32> to vector<272x128xf32>
    %max3A_86 = arith.maximumf %max3A_80, %get3A_85 : vector<272x128xf32>
    %get3A_87 = arith.constant 15 : index
    %get3A_88 = arith.constant 0 : index
    %get3A_89 = arith.constant 0 : index
    %get3A_90 = vector.load %arg1[%get3A_87, %get3A_88, %get3A_89] : memref<32x272x128xf32, #tpu.memory_space<vmem>>, vector<1x272x128xf32>
    %get3A_91 = vector.shape_cast %get3A_90 : vector<1x272x128xf32> to vector<272x128xf32>
    %max3A_92 = arith.maximumf %max3A_86, %get3A_91 : vector<272x128xf32>
    %get3A_93 = arith.constant 16 : index
    %get3A_94 = arith.constant 0 : index
    %get3A_95 = arith.constant 0 : index
    %get3A_96 = vector.load %arg1[%get3A_93, %get3A_94, %get3A_95] : memref<32x272x128xf32, #tpu.memory_space<vmem>>, vector<1x272x128xf32>
    %get3A_97 = vector.shape_cast %get3A_96 : vector<1x272x128xf32> to vector<272x128xf32>
    %max3A_98 = arith.maximumf %max3A_92, %get3A_97 : vector<272x128xf32>
    %get3A_99 = arith.constant 17 : index
    %get3A_100 = arith.constant 0 : index
    %get3A_101 = arith.constant 0 : index
    %get3A_102 = vector.load %arg1[%get3A_99, %get3A_100, %get3A_101] : memref<32x272x128xf32, #tpu.memory_space<vmem>>, vector<1x272x128xf32>
    %get3A_103 = vector.shape_cast %get3A_102 : vector<1x272x128xf32> to vector<272x128xf32>
    %max3A_104 = arith.maximumf %max3A_98, %get3A_103 : vector<272x128xf32>
    %get3A_105 = arith.constant 18 : index
    %get3A_106 = arith.constant 0 : index
    %get3A_107 = arith.constant 0 : index
    %get3A_108 = vector.load %arg1[%get3A_105, %get3A_106, %get3A_107] : memref<32x272x128xf32, #tpu.memory_space<vmem>>, vector<1x272x128xf32>
    %get3A_109 = vector.shape_cast %get3A_108 : vector<1x272x128xf32> to vector<272x128xf32>
    %max3A_110 = arith.maximumf %max3A_104, %get3A_109 : vector<272x128xf32>
    %get3A_111 = arith.constant 19 : index
    %get3A_112 = arith.constant 0 : index
    %get3A_113 = arith.constant 0 : index
    %get3A_114 = vector.load %arg1[%get3A_111, %get3A_112, %get3A_113] : memref<32x272x128xf32, #tpu.memory_space<vmem>>, vector<1x272x128xf32>
    %get3A_115 = vector.shape_cast %get3A_114 : vector<1x272x128xf32> to vector<272x128xf32>
    %max3A_116 = arith.maximumf %max3A_110, %get3A_115 : vector<272x128xf32>
    %get3A_117 = arith.constant 20 : index
    %get3A_118 = arith.constant 0 : index
    %get3A_119 = arith.constant 0 : index
    %get3A_120 = vector.load %arg1[%get3A_117, %get3A_118, %get3A_119] : memref<32x272x128xf32, #tpu.memory_space<vmem>>, vector<1x272x128xf32>
    %get3A_121 = vector.shape_cast %get3A_120 : vector<1x272x128xf32> to vector<272x128xf32>
    %max3A_122 = arith.maximumf %max3A_116, %get3A_121 : vector<272x128xf32>
    %get3A_123 = arith.constant 21 : index
    %get3A_124 = arith.constant 0 : index
    %get3A_125 = arith.constant 0 : index
    %get3A_126 = vector.load %arg1[%get3A_123, %get3A_124, %get3A_125] : memref<32x272x128xf32, #tpu.memory_space<vmem>>, vector<1x272x128xf32>
    %get3A_127 = vector.shape_cast %get3A_126 : vector<1x272x128xf32> to vector<272x128xf32>
    %max3A_128 = arith.maximumf %max3A_122, %get3A_127 : vector<272x128xf32>
    %get3A_129 = arith.constant 22 : index
    %get3A_130 = arith.constant 0 : index
    %get3A_131 = arith.constant 0 : index
    %get3A_132 = vector.load %arg1[%get3A_129, %get3A_130, %get3A_131] : memref<32x272x128xf32, #tpu.memory_space<vmem>>, vector<1x272x128xf32>
    %get3A_133 = vector.shape_cast %get3A_132 : vector<1x272x128xf32> to vector<272x128xf32>
    %max3A_134 = arith.maximumf %max3A_128, %get3A_133 : vector<272x128xf32>
    %get3A_135 = arith.constant 23 : index
    %get3A_136 = arith.constant 0 : index
    %get3A_137 = arith.constant 0 : index
    %get3A_138 = vector.load %arg1[%get3A_135, %get3A_136, %get3A_137] : memref<32x272x128xf32, #tpu.memory_space<vmem>>, vector<1x272x128xf32>
    %get3A_139 = vector.shape_cast %get3A_138 : vector<1x272x128xf32> to vector<272x128xf32>
    %max3A_140 = arith.maximumf %max3A_134, %get3A_139 : vector<272x128xf32>
    %get3A_141 = arith.constant 24 : index
    %get3A_142 = arith.constant 0 : index
    %get3A_143 = arith.constant 0 : index
    %get3A_144 = vector.load %arg1[%get3A_141, %get3A_142, %get3A_143] : memref<32x272x128xf32, #tpu.memory_space<vmem>>, vector<1x272x128xf32>
    %get3A_145 = vector.shape_cast %get3A_144 : vector<1x272x128xf32> to vector<272x128xf32>
    %max3A_146 = arith.maximumf %max3A_140, %get3A_145 : vector<272x128xf32>
    %get3A_147 = arith.constant 25 : index
    %get3A_148 = arith.constant 0 : index
    %get3A_149 = arith.constant 0 : index
    %get3A_150 = vector.load %arg1[%get3A_147, %get3A_148, %get3A_149] : memref<32x272x128xf32, #tpu.memory_space<vmem>>, vector<1x272x128xf32>
    %get3A_151 = vector.shape_cast %get3A_150 : vector<1x272x128xf32> to vector<272x128xf32>
    %max3A_152 = arith.maximumf %max3A_146, %get3A_151 : vector<272x128xf32>
    %get3A_153 = arith.constant 26 : index
    %get3A_154 = arith.constant 0 : index
    %get3A_155 = arith.constant 0 : index
    %get3A_156 = vector.load %arg1[%get3A_153, %get3A_154, %get3A_155] : memref<32x272x128xf32, #tpu.memory_space<vmem>>, vector<1x272x128xf32>
    %get3A_157 = vector.shape_cast %get3A_156 : vector<1x272x128xf32> to vector<272x128xf32>
    %max3A_158 = arith.maximumf %max3A_152, %get3A_157 : vector<272x128xf32>
    %get3A_159 = arith.constant 27 : index
    %get3A_160 = arith.constant 0 : index
    %get3A_161 = arith.constant 0 : index
    %get3A_162 = vector.load %arg1[%get3A_159, %get3A_160, %get3A_161] : memref<32x272x128xf32, #tpu.memory_space<vmem>>, vector<1x272x128xf32>
    %get3A_163 = vector.shape_cast %get3A_162 : vector<1x272x128xf32> to vector<272x128xf32>
    %max3A_164 = arith.maximumf %max3A_158, %get3A_163 : vector<272x128xf32>
    %get3A_165 = arith.constant 28 : index
    %get3A_166 = arith.constant 0 : index
    %get3A_167 = arith.constant 0 : index
    %get3A_168 = vector.load %arg1[%get3A_165, %get3A_166, %get3A_167] : memref<32x272x128xf32, #tpu.memory_space<vmem>>, vector<1x272x128xf32>
    %get3A_169 = vector.shape_cast %get3A_168 : vector<1x272x128xf32> to vector<272x128xf32>
    %max3A_170 = arith.maximumf %max3A_164, %get3A_169 : vector<272x128xf32>
    %get3A_171 = arith.constant 29 : index
    %get3A_172 = arith.constant 0 : index
    %get3A_173 = arith.constant 0 : index
    %get3A_174 = vector.load %arg1[%get3A_171, %get3A_172, %get3A_173] : memref<32x272x128xf32, #tpu.memory_space<vmem>>, vector<1x272x128xf32>
    %get3A_175 = vector.shape_cast %get3A_174 : vector<1x272x128xf32> to vector<272x128xf32>
    %max3A_176 = arith.maximumf %max3A_170, %get3A_175 : vector<272x128xf32>
    %get3A_177 = arith.constant 30 : index
    %get3A_178 = arith.constant 0 : index
    %get3A_179 = arith.constant 0 : index
    %get3A_180 = vector.load %arg1[%get3A_177, %get3A_178, %get3A_179] : memref<32x272x128xf32, #tpu.memory_space<vmem>>, vector<1x272x128xf32>
    %get3A_181 = vector.shape_cast %get3A_180 : vector<1x272x128xf32> to vector<272x128xf32>
    %max3A_182 = arith.maximumf %max3A_176, %get3A_181 : vector<272x128xf32>
    %get3A_183 = arith.constant 31 : index
    %get3A_184 = arith.constant 0 : index
    %get3A_185 = arith.constant 0 : index
    %get3A_186 = vector.load %arg1[%get3A_183, %get3A_184, %get3A_185] : memref<32x272x128xf32, #tpu.memory_space<vmem>>, vector<1x272x128xf32>
    %get3A_187 = vector.shape_cast %get3A_186 : vector<1x272x128xf32> to vector<272x128xf32>
    %max3A_188 = arith.maximumf %max3A_182, %get3A_187 : vector<272x128xf32>
    %slice3A = vector.extract_strided_slice %max3A_188 {offsets = [0, 0], sizes = [256, 128], strides = [1, 1]} : vector<272x128xf32> to vector<256x128xf32>
    %get3A_189 = arith.constant 0 : index
    %get3A_190 = arith.constant 0 : index
    %get3A_191 = arith.constant 0 : index
    %get3A_192 = vector.load %arg2[%get3A_189, %get3A_190, %get3A_191] : memref<20x8x128xf32, #tpu.memory_space<vmem>>, vector<20x8x128xf32>
    %get3A_193 = arith.constant 0 : index
    %get3A_194 = arith.constant 0 : index
    %get3A_195 = vector.load %arg3[%get3A_193, %get3A_194] : memref<1x128xf32, #tpu.memory_space<vmem>>, vector<1x128xf32>
    %get3A_196 = arith.constant 0 : index
    %get3A_197 = arith.constant 0 : index
    %get3A_198 = vector.load %arg4[%get3A_196, %get3A_197] : memref<1x128xf32, #tpu.memory_space<vmem>>, vector<1x128xf32>
    %reduce_sum3A = arith.constant dense<0.000000e+00> : vector<8x128xf32>
    %reduce_sum3A_199 = vector.multi_reduction <add>, %get3A_192, %reduce_sum3A [0] : vector<20x8x128xf32> to vector<8x128xf32>
    %slice3A_200 = vector.extract_strided_slice %reduce_sum3A_199 {offsets = [0, 0], sizes = [1, 128], strides = [1, 1]} : vector<8x128xf32> to vector<1x128xf32>
    %div3A = arith.constant 1.000000e+04 : f32
    %div3A_201 = vector.broadcast %div3A : f32 to vector<1x128xf32>
    %div3A_202 = arith.divf %slice3A_200, %div3A_201 : vector<1x128xf32>
    %slice3A_203 = vector.extract_strided_slice %reduce_sum3A_199 {offsets = [1, 0], sizes = [1, 128], strides = [1, 1]} : vector<8x128xf32> to vector<1x128xf32>
    %div3A_204 = arith.constant 1.000000e+04 : f32
    %div3A_205 = vector.broadcast %div3A_204 : f32 to vector<1x128xf32>
    %div3A_206 = arith.divf %slice3A_203, %div3A_205 : vector<1x128xf32>
    %mul3A = arith.mulf %div3A_202, %div3A_202 : vector<1x128xf32>
    %sub3A = arith.subf %div3A_206, %mul3A : vector<1x128xf32>
    %add3A = arith.constant 9.99999974E-6 : f32
    %add3A_207 = vector.broadcast %add3A : f32 to vector<1x128xf32>
    %add3A_208 = arith.addf %sub3A, %add3A_207 : vector<1x128xf32>
    %rsqrt3A = math.rsqrt %add3A_208 : vector<1x128xf32>
    %mul3A_209 = arith.mulf %rsqrt3A, %get3A_195 : vector<1x128xf32>
    %mul3A_210 = arith.mulf %div3A_202, %mul3A_209 : vector<1x128xf32>
    %sub3A_211 = arith.subf %get3A_198, %mul3A_210 : vector<1x128xf32>
    %mul3A_212 = vector.broadcast %mul3A_209 : vector<1x128xf32> to vector<256x128xf32>
    %mul3A_213 = arith.mulf %slice3A, %mul3A_212 : vector<256x128xf32>
    %add3A_214 = vector.broadcast %sub3A_211 : vector<1x128xf32> to vector<256x128xf32>
    %add3A_215 = arith.addf %mul3A_213, %add3A_214 : vector<256x128xf32>
    %swap3A = arith.constant 0 : index
    %swap3A_216 = arith.constant 0 : index
    %swap3A_217 = vector.load %arg12[%swap3A, %swap3A_216] : memref<256x128xf32, #tpu.memory_space<vmem>>, vector<256x128xf32>
    tpu.vector_store %arg12[%swap3A, %swap3A_216], %add3A_215 {strides = array<i32>} : memref<256x128xf32, #tpu.memory_space<vmem>>, vector<256x128xf32>,
    %get3A_218 = arith.constant 0 : index
    %get3A_219 = arith.constant 0 : index
    %get3A_220 = vector.load %arg5[%get3A_218, %get3A_219] : memref<256x1024xf32, #tpu.memory_space<vmem>>, vector<256x1024xf32>
    %get3A_221 = arith.constant 0 : index
    %get3A_222 = arith.constant 0 : index
    %get3A_223 = vector.load %arg6[%get3A_221, %get3A_222] : memref<1024x256xf32, #tpu.memory_space<vmem>>, vector<1024x256xf32>
    %dot_general3A = arith.constant dense<0.000000e+00> : vector<256x256xf32>
    %dot_general3A_224 = tpu.matmul %get3A_220, %get3A_223, %dot_general3A {dimension_numbers = #tpu.dot_dimension_numbers<[1], [0], [0], [1], [0, 0, 1, 1], [], []>, transpose_lhs_hint = false} : vector<256x1024xf32>, vector<1024x256xf32>, vector<256x256xf32> -> vector<256x256xf32>
    %get3A_225 = arith.constant 0 : index
    %get3A_226 = arith.constant 0 : index
    %get3A_227 = vector.load %arg7[%get3A_225, %get3A_226] : memref<1x256xf32, #tpu.memory_space<vmem>>, vector<1x256xf32>
    %add3A_228 = vector.broadcast %get3A_227 : vector<1x256xf32> to vector<256x256xf32>
    %add3A_229 = arith.addf %dot_general3A_224, %add3A_228 : vector<256x256xf32>
    %max3A_230 = arith.constant 0.000000e+00 : f32
    %max3A_231 = vector.broadcast %max3A_230 : f32 to vector<256x256xf32>
    %max3A_232 = arith.maximumf %add3A_229, %max3A_231 : vector<256x256xf32>
    %reduce_sum3A_233 = arith.constant dense<0.000000e+00> : vector<256xf32>
    %reduce_sum3A_234 = vector.multi_reduction <add>, %max3A_232, %reduce_sum3A_233 [0] : vector<256x256xf32> to vector<256xf32>
    %broadcast_in_dim3A = vector.shape_cast %reduce_sum3A_234 : vector<256xf32> to vector<1x256xf32>
    %div3A_235 = arith.constant 2.560000e+02 : f32
    %div3A_236 = vector.broadcast %div3A_235 : f32 to vector<1x256xf32>
    %div3A_237 = arith.divf %broadcast_in_dim3A, %div3A_236 : vector<1x256xf32>
    %mul3A_238 = arith.mulf %max3A_232, %max3A_232 : vector<256x256xf32>
    %reduce_sum3A_239 = arith.constant dense<0.000000e+00> : vector<256xf32>
    %reduce_sum3A_240 = vector.multi_reduction <add>, %mul3A_238, %reduce_sum3A_239 [0] : vector<256x256xf32> to vector<256xf32>
    %broadcast_in_dim3A_241 = vector.shape_cast %reduce_sum3A_240 : vector<256xf32> to vector<1x256xf32>
    %div3A_242 = arith.constant 2.560000e+02 : f32
    %div3A_243 = vector.broadcast %div3A_242 : f32 to vector<1x256xf32>
    %div3A_244 = arith.divf %broadcast_in_dim3A_241, %div3A_243 : vector<1x256xf32>
    %mul3A_245 = arith.mulf %div3A_237, %div3A_237 : vector<1x256xf32>
    %sub3A_246 = arith.subf %div3A_244, %mul3A_245 : vector<1x256xf32>
    %sub3A_247 = vector.broadcast %div3A_237 : vector<1x256xf32> to vector<256x256xf32>
    %sub3A_248 = arith.subf %max3A_232, %sub3A_247 : vector<256x256xf32>
    %add3A_249 = arith.constant 9.99999974E-6 : f32
    %add3A_250 = vector.broadcast %add3A_249 : f32 to vector<1x256xf32>
    %add3A_251 = arith.addf %sub3A_246, %add3A_250 : vector<1x256xf32>
    %rsqrt3A_252 = math.rsqrt %add3A_251 : vector<1x256xf32>
    %mul3A_253 = vector.broadcast %rsqrt3A_252 : vector<1x256xf32> to vector<256x256xf32>
    %mul3A_254 = arith.mulf %sub3A_248, %mul3A_253 : vector<256x256xf32>
    %get3A_255 = arith.constant 0 : index
    %get3A_256 = arith.constant 0 : index
    %get3A_257 = vector.load %arg8[%get3A_255, %get3A_256] : memref<1x256xf32, #tpu.memory_space<vmem>>, vector<1x256xf32>
    %mul3A_258 = vector.broadcast %get3A_257 : vector<1x256xf32> to vector<256x256xf32>
    %mul3A_259 = arith.mulf %mul3A_254, %mul3A_258 : vector<256x256xf32>
    %get3A_260 = arith.constant 0 : index
    %get3A_261 = arith.constant 0 : index
    %get3A_262 = vector.load %arg9[%get3A_260, %get3A_261] : memref<1x256xf32, #tpu.memory_space<vmem>>, vector<1x256xf32>
    %add3A_263 = vector.broadcast %get3A_262 : vector<1x256xf32> to vector<256x256xf32>
    %add3A_264 = arith.addf %mul3A_259, %add3A_263 : vector<256x256xf32>
    %get3A_265 = arith.constant 0 : index
    %get3A_266 = arith.constant 0 : index
    %get3A_267 = vector.load %arg10[%get3A_265, %get3A_266] : memref<256x128xf32, #tpu.memory_space<vmem>>, vector<256x128xf32>
    %dot_general3A_268 = arith.constant dense<0.000000e+00> : vector<256x128xf32>
    %dot_general3A_269 = tpu.matmul %add3A_264, %get3A_267, %dot_general3A_268 {dimension_numbers = #tpu.dot_dimension_numbers<[1], [0], [0], [1], [0, 0, 1, 1], [], []>, transpose_lhs_hint = false} : vector<256x256xf32>, vector<256x128xf32>, vector<256x128xf32> -> vector<256x128xf32>
    %get3A_270 = arith.constant 0 : index
    %get3A_271 = arith.constant 0 : index
    %get3A_272 = vector.load %arg11[%get3A_270, %get3A_271] : memref<1x128xf32, #tpu.memory_space<vmem>>, vector<1x128xf32>
    %add3A_273 = vector.broadcast %get3A_272 : vector<1x128xf32> to vector<256x128xf32>
    %add3A_274 = arith.addf %dot_general3A_269, %add3A_273 : vector<256x128xf32>
    %max3A_275 = arith.constant 0.000000e+00 : f32
    %max3A_276 = vector.broadcast %max3A_275 : f32 to vector<256x128xf32>
    %max3A_277 = arith.maximumf %add3A_274, %max3A_276 : vector<256x128xf32>
    %swap3A_278 = arith.constant 0 : index
    %swap3A_279 = arith.constant 0 : index
    %swap3A_280 = vector.load %arg13[%swap3A_278, %swap3A_279] : memref<256x128xf32, #tpu.memory_space<vmem>>, vector<256x128xf32>
    tpu.vector_store %arg13[%swap3A_278, %swap3A_279], %max3A_277 {strides = array<i32>} : memref<256x128xf32, #tpu.memory_space<vmem>>, vector<256x128xf32>,
    return
  }
  func.func @transform_0(%arg0: i32) -> (i32, i32, i32) {
    %c0_i32 = arith.constant 0 : i32
    %c0_i32_0 = arith.constant 0 : i32
    %c0_i32_1 = arith.constant 0 : i32
    %c0_i32_2 = arith.constant 0 : i32
    return %c0_i32, %c0_i32_0, %c0_i32_1 : i32, i32, i32
  }
  func.func @transform_1(%arg0: i32) -> (i32, i32, i32) {
    %c0_i32 = arith.constant 0 : i32
    %c0_i32_0 = arith.constant 0 : i32
    %c0_i32_1 = arith.constant 0 : i32
    %c0_i32_2 = arith.constant 0 : i32
    return %c0_i32, %c0_i32_0, %c0_i32_1 : i32, i32, i32
  }
  func.func @transform_2(%arg0: i32) -> (i32, i32) {
    %c0_i32 = arith.constant 0 : i32
    %c0_i32_0 = arith.constant 0 : i32
    %c0_i32_1 = arith.constant 0 : i32
    return %c0_i32, %c0_i32_0 : i32, i32
  }
  func.func @transform_3(%arg0: i32) -> (i32, i32) {
    %c0_i32 = arith.constant 0 : i32
    %c0_i32_0 = arith.constant 0 : i32
    %c0_i32_1 = arith.constant 0 : i32
    return %c0_i32, %c0_i32_0 : i32, i32
  }
  func.func @transform_4(%arg0: i32) -> (i32, i32) {
    %c0_i32 = arith.constant 0 : i32
    %c0_i32_0 = arith.constant 0 : i32
    %c0_i32_1 = arith.constant 0 : i32
    return %c0_i32, %c0_i32_0 : i32, i32
  }
  func.func @transform_5(%arg0: i32) -> (i32, i32) {
    %c0_i32 = arith.constant 0 : i32
    %c0_i32_0 = arith.constant 0 : i32
    %c0_i32_1 = arith.constant 0 : i32
    return %c0_i32, %c0_i32_0 : i32, i32
  }
  func.func @transform_6(%arg0: i32) -> (i32, i32) {
    %c0_i32 = arith.constant 0 : i32
    %c0_i32_0 = arith.constant 0 : i32
    %c0_i32_1 = arith.constant 0 : i32
    return %c0_i32, %c0_i32_0 : i32, i32
  }
  func.func @transform_7(%arg0: i32) -> (i32, i32) {
    %c0_i32 = arith.constant 0 : i32
    %c0_i32_0 = arith.constant 0 : i32
    %c0_i32_1 = arith.constant 0 : i32
    return %c0_i32, %c0_i32_0 : i32, i32
  }
  func.func @transform_8(%arg0: i32) -> (i32, i32) {
    %c0_i32 = arith.constant 0 : i32
    %c0_i32_0 = arith.constant 0 : i32
    %c0_i32_1 = arith.constant 0 : i32
    return %c0_i32, %c0_i32_0 : i32, i32
  }
  func.func @transform_9(%arg0: i32) -> (i32, i32) {
    %c0_i32 = arith.constant 0 : i32
    %c0_i32_0 = arith.constant 0 : i32
    %c0_i32_1 = arith.constant 0 : i32
    return %c0_i32, %c0_i32_0 : i32, i32
  }
  func.func @transform_10(%arg0: i32) -> (i32, i32) {
    %c0_i32 = arith.constant 0 : i32
    %c0_i32_0 = arith.constant 0 : i32
    %c0_i32_1 = arith.constant 0 : i32
    return %c0_i32, %c0_i32_0 : i32, i32
  }
  func.func @transform_11(%arg0: i32) -> (i32, i32) {
    %c0_i32 = arith.constant 0 : i32
    %c0_i32_0 = arith.constant 0 : i32
    %c0_i32_1 = arith.constant 0 : i32
    return %c0_i32, %c0_i32_0 : i32, i32
  }
  func.func @transform_12(%arg0: i32) -> (i32, i32) {
    %c0_i32 = arith.constant 0 : i32
    %c0_i32_0 = arith.constant 0 : i32
    %c0_i32_1 = arith.constant 0 : i32
    return %c0_i32, %c0_i32_0 : i32, i32
  }
}

</mosaic_0001>

<sc_bundles>
// kernel: conv_scatter_c1.3.cloned.1.call-start
scs
__scs_entry_jumppad:
0x0: {  	(pc) =	sbr.rel $0x88, $3  }
0x1: {  	(tag) =	ssettag $0x0;
	lr =	simm.s32 $0x1  }
0x2: {  	[smem:$0x3F8F] =	sst lr;
	_ =	strace $0xD0000000  }
0x3: {  	_ = 	snop  }
0x4: {  	_ = 	snop  }
0x5: {  	_ = 	snop  }
0x6: {  	_ = 	snop  }
0x7: {  	_ = 	snop  }
__scs_overlays_trampoline_lowered:
0x8: {  	[smem:$0x3F9E] =	sst s0  }
0x9: {  	[smem:$0x3F9F] =	sst s1  }
0xa: {  	[smem:$0x3FA0] =	sst s2  }
0xb: {  	[smem:$0x3FA1] =	sst s3  }
0xc: {  	[smem:$0x3FA2] =	sst s4  }
0xd: {  	[smem:$0x3FA3] =	sst s5  }
0xe: {  	[smem:$0x3FA4] =	sst s6  }
0xf: {  	[smem:$0x3FA5] =	sst s7  }
0x10: {  	[smem:$0x3FA6] =	sst s8  }
0x11: {  	[smem:$0x3FA7] =	sst s9;
	s0 =	simm.s32 @!p0 $0x0  }
0x12: {  	s1 =	sld [smem:$0x3F8D];
	s0 =	simm.s32 @p0 $0x1  }
0x13: {  	[smem:$0x3FA8] =	sst s0;
	s0 =	simm.s32 @!p1 $0x0  }
0x14: {  	s2 =	sld [smem:$0x3F8C];
	s0 =	simm.s32 @p1 $0x1  }
0x15: {  	[smem:$0x3FA9] =	sst s0;
	s0 =	simm.s32 @!p2 $0x0  }
0x16: {  	s3 =	sld [smem:$0x3FDB];
	s0 =	simm.s32 @p2 $0x1  }
0x17: {  	s4 =	simm.s32 $0x1BF5;
	[smem:$0x3FAB] =	sst s0  }
0x18: {  	s0 =	sld [smem:$0x3F8E];
	_ =	swait.ge [sflag:s4], $0x0  }
0x19: {  	s7 =	sld [smem:$0x3F8F]  }
0x1a: {  	s8 =	sadd.s32 $0xFFFFE003, lr  }
0x1b: {  	s9 =	sadd.s32 $0xFFFFFEF7, lr;
	s5 =	simm.s32 $0xFFFFFFFF;
	p2 =	slt.u32 s8, $0xFFFFF086  }
0x1c: {  	p1 =	slt.u32 s9, $0xF7A;
	s5 =	simm.s32 @!p2 $0x0  }
0x1d: {  	s5 =	simm.s32 @p1 $0x1;
	p0 =	seq.s32 s7, s2  }
0x1e: {  	s7 =	smul.u32 @!p0 $0xF7A, s2;
	p2 =	seq.s32 @!p0 s5, $0x0  }
0x1f: {  	s9 =	smul.u32 $0xF7A, s1;
	s8 =	simm.s32 @!p0 $0x1BF5;
	p2 =	por !p2, p0  }
0x20: {  	[sflag:s8] =	ssyncset.s32 @!p0 $0xFFFFF086;
	s6 =	sadd.s32 @!p0 s3, s7;
	s7 =	simm.s32 @!p0 $0x108  }
0x21: {  	s3 =	sadd.s32 s3, s9;
	s6 =	sadd.s32 @!p0 $0x88, s6;
	s7 =	simm.s32 @p2 $0x1082  }
0x22: {  	[simem:s7], [sflag:s8] =	dma.local @!p0 [hbm:s6], $0xF7A  }
0x23: {  	s9 =	sor.u32 $0xD0000000, s2;
	s6 =	simm.s32 $0x108;
	_ =	swait.ge @!p0 [sflag:s8], $0x0  }
0x24: {  	s3 =	sadd.s32 $0x88, s3;
	s6 =	simm.s32 @!p1 $0x1082;
	[sflag:s4] =	ssyncset.s32 $0xFFFFF086  }
0x25: {  	[simem:s6], [sflag:s4] =	dma.local [hbm:s3], $0xF7A  }
0x26: {  	[smem:$0x3F8F] =	sst s1;
	(tag) =	ssettag s2;
	_ =	strace s9  }
0x27: {  	s1 =	sld [smem:$0x3F9F]  }
0x28: {  	s2 =	sld [smem:$0x3FA0]  }
0x29: {  	s4 =	sld [smem:$0x3FA2]  }
0x2a: {  	p0 =	seq.s32 s5, $0x0;
	s5 =	sld [smem:$0x3FA3]  }
0x2b: {  	s6 =	sld [smem:$0x3FA4]  }
0x2c: {  	s7 =	sld [smem:$0x3FA5]  }
0x2d: {  	s3 =	simm.s32 $0x108;
	s8 =	sld [smem:$0x3FA6]  }
0x2e: {  	s3 =	simm.s32 @!p0 $0x1082;
	s9 =	sld [smem:$0x3FA7]  }
0x2f: {  	lr =	sadd.s32 s0, s3;
	s0 =	sld [smem:$0x3F9E]  }
0x30: {  	s3 =	sld [smem:$0x3FA1]  }
0x31: {  	[smem:$0x3FAA] =	sst s10  }
0x32: {  	s10 =	sld [smem:$0x3FA8];
	_ =	sdelay $0x3  }
0x33: {  	p0 =	seq.s32 s10, $0x1;
	s10 =	sld [smem:$0x3FAA];
	_ =	sdelay $0x3  }
0x34: {  	[smem:$0x3FAA] =	sst s10  }
0x35: {  	s10 =	sld [smem:$0x3FA9];
	_ =	sdelay $0x3  }
0x36: {  	p1 =	seq.s32 s10, $0x1;
	s10 =	sld [smem:$0x3FAA];
	_ =	sdelay $0x3  }
0x37: {  	[smem:$0x3FAA] =	sst s10  }
0x38: {  	s10 =	sld [smem:$0x3FAB]  }
0x39: {  	_ = 	snop;
	(pc) =	sbr.ind lr, $3  }
0x3a: {  	_ = 	snop  }
0x3b: {  	_ = 	snop  }
0x3c: {  	p2 =	seq.s32 s10, $0x1;
	s10 =	sld [smem:$0x3FAA]  }
0x3d: {  	_ =	shalt  }
0x3e: {  	_ =	shalt  }
0x3f: {  	_ =	shalt  }
0x40: {  	_ =	shalt  }
0x41: {  	_ =	shalt  }
0x42: {  	_ =	shalt  }
0x43: {  	_ =	shalt  }
0x44: {  	_ =	shalt  }
0x45: {  	_ =	shalt  }
0x46: {  	_ =	shalt  }
0x47: {  	_ =	shalt  }
0x48: {  	_ =	shalt  }
0x49: {  	_ =	shalt  }
0x4a: {  	_ =	shalt  }
0x4b: {  	_ =	shalt  }
0x4c: {  	_ =	shalt  }
0x4d: {  	_ =	shalt  }
0x4e: {  	_ =	shalt  }
0x4f: {  	_ =	shalt  }
0x50: {  	_ =	shalt  }
0x51: {  	_ =	shalt  }
0x52: {  	_ =	shalt  }
0x53: {  	_ =	shalt  }
0x54: {  	_ =	shalt  }
0x55: {  	_ =	shalt  }
0x56: {  	_ =	shalt  }
0x57: {  	_ =	shalt  }
0x58: {  	_ =	shalt  }
0x59: {  	_ =	shalt  }
0x5a: {  	_ =	shalt  }
0x5b: {  	_ =	shalt  }
0x5c: {  	_ =	shalt  }
0x5d: {  	_ =	shalt  }
0x5e: {  	_ =	shalt  }
0x5f: {  	_ =	shalt  }
0x60: {  	_ =	shalt  }
0x61: {  	_ =	shalt  }
0x62: {  	_ =	shalt  }
0x63: {  	_ =	shalt  }
0x64: {  	_ =	shalt  }
0x65: {  	_ =	shalt  }
0x66: {  	_ =	shalt  }
0x67: {  	_ =	shalt  }
0x68: {  	_ =	shalt  }
0x69: {  	_ =	shalt  }
0x6a: {  	_ =	shalt  }
0x6b: {  	_ =	shalt  }
0x6c: {  	_ =	shalt  }
0x6d: {  	_ =	shalt  }
0x6e: {  	_ =	shalt  }
0x6f: {  	_ =	shalt  }
0x70: {  	_ =	shalt  }
0x71: {  	_ =	shalt  }
0x72: {  	_ =	shalt  }
0x73: {  	_ =	shalt  }
0x74: {  	_ =	shalt  }
0x75: {  	_ =	shalt  }
0x76: {  	_ =	shalt  }
0x77: {  	_ =	shalt  }
0x78: {  	_ =	shalt  }
0x79: {  	_ =	shalt  }
0x7a: {  	_ =	shalt  }
0x7b: {  	_ =	shalt  }
0x7c: {  	_ =	shalt  }
0x7d: {  	_ =	shalt  }
0x7e: {  	_ =	shalt  }
0x7f: {  	_ =	shalt  }
0x80: {  	_ =	shalt  }
0x81: {  	_ =	shalt  }
0x82: {  	_ =	shalt  }
0x83: {  	_ =	shalt  }
0x84: {  	_ =	shalt  }
0x85: {  	_ =	shalt  }
0x86: {  	_ =	shalt  }
0x87: {  	_ =	shalt  }
.Lfunc_end0:
.L_simem_size_0:
called_computation.1_lowered:
.L_overlay_start_0:
0x88: {  	s2 =	sld [smem:$0x3FD9]  }
0x89: {  	s3 =	sld [smem:$0x3FFE];
	_ =	sdelay $0x1  }
0x8a: {  	s1 =	srdreg.scid  }
0x8b: {  	s0 =	sand.u32 $0x1, s1  }
0x8c: {  	s16 =	sshll.u32 s0, $0xA;
	s2 =	sadd.s32 s3, s2  }
0x8d: {  	s2 =	sadd.s32 s2, s16  }
0x8e: {  	[smem:$0x3FB6] =	sst s2  }
0x8f: {  	_ = 	snop  }
0x90: {  	(tm) =	ssettm $0x1  }
0x91: {  	s17 =	sld [smem:$0x3FFB];
	_ =	sdelay $0x3  }
0x92: {  	_ =	strace s17  }
0x93: {  	s2 =	sld [smem:$0x3FFC];
	_ =	sdelay $0x3  }
0x94: {  	_ =	strace s2  }
0x95: {  	s2 =	sld [smem:$0x3FFD];
	_ =	sdelay $0x3  }
0x96: {  	_ =	strace s2  }
0x97: {  	_ =	strace $0x8FFFFFFF  }
0x98: {  	s18 =	sld [smem:$0x3FDB];
	_ =	sdelay $0x1  }
0x99: {  	s19 =	simm.s32 $_scs_section_size  }
0x9a: {  	s4 =	simm.s32 $_size__tile_overlayer_lowered;
	s5 =	simm.s32 $_tile_overlayer_lowered  }
0x9b: {  	s22 =	simm.s32 $0x1BFF;
	s21 =	sshll.u32 s5, $0x1;
	s2 =	sadd.s32 s19, s18  }
0x9c: {  	s6 =	simm.s32 $0x0;
	s20 =	sshll.u32 s4, $0x1;
	s4 =	sadd.s32 s21, s2  }
0x9d: {  	[timem:s6], [sflag:s22] =	dma.local [hbm:s4], s20  }
0x9e: {  	_ =	swait.ge [sflag:s22], s20  }
0x9f: {  	s3 =	ssub.s32 $0x0, s20;
	[sflag:s22] =	ssyncset.done $0x0  }
0xa0: {  	[sflag:s22] =	ssyncadd.s32 s3;
	_ =	sdelay $0x1  }
0xa1: {  	s23 =	simm.s32 $0x1B8B  }
0xa2: {  	_ =	swait.ge [sflag:s23], $0x1  }
0xa3: {  	[sflag:s23] =	ssyncset.done $0x0  }
0xa4: {  	s25 =	simm.s32 $0x1B8E;
	s24 =	sld [smem:$0x3FFE];
	[sflag:s23] =	ssyncadd.s32 $0xFFFFFFFF  }
0xa5: {  	s26 =	simm.s32 $execute0_lowered;
	[smem:$0x3FD2] =	sst s25  }
0xa6: {  	s4 =	sshll.u32 s26, $0x1;
	_ =	strace $0x80000049;
	[dreg:$0x1] =	wrdreg $0xFFFFFFFF  }
0xa7: {  	s28 =	simm.s32 $_size_execute0_lowered;
	s2 =	sadd.s32 s2, s4;
	[dreg:$0x0] =	wrdreg $0x0  }
0xa8: {  	s4 =	sshll.u32 s28, $0x1;
	[dreg:$0x2] =	wrdreg s2  }
0xa9: {  	[dreg:$0x3] =	wrdreg s4  }
0xaa: {  	[dreg:$0x4] =	wrdreg $0xC0  }
0xab: {  	_ =	task [dreg:s6], $0x5FFFF  }
0xac: {  	[dreg:$0x1] =	wrdreg $0xFFFFFFFF  }
0xad: {  	[dreg:$0x0] =	wrdreg $0x60  }
0xae: {  	[dreg:$0x2] =	wrdreg s24  }
0xaf: {  	[dreg:$0x3] =	wrdreg $0xA0000  }
0xb0: {  	[dreg:$0x4] =	wrdreg $0x9  }
0xb1: {  	_ =	task.clear_ibuf [dreg:s6], $0x5FFFF;
	_ =	strace $0x90000049  }
0xb2: {  	s29 =	simm.s32 $0x9;
	_ =	strace $0x8000004B  }
0xb3: {  	_ =	swait.ge [sflag:s29], $0x1  }
0xb4: {  	[sflag:s29] =	ssyncadd.s32 $0xFFFFFFFF  }
0xb5: {  	_ =	strace $0x9000004B  }
0xb6: {  	_ =	sfence  }
0xb7: {  	s30 =	sld [smem:$0x0];
	_ =	sdelay $0x2  }
0xb8: {  	s31 =	sshll.u32 s1, $0xD;
	s1 =	sshrl.u32 s1, $0x2  }
0xb9: {  	s3 =	sand.u32 $0x4000, s31;
	s1 =	sadd.s32 s1, s30  }
0xba: {  	s0 =	sor.u32 s3, s0;
	s1 =	sshll.u32 s1, $0x11  }
0xbb: {  	s0 =	sor.u32 s1, s0  }
0xbc: {  	s0 =	sadd.s32 $0x8F2B, s0  }
0xbd: {  	[sflag:s0] =	ssyncadd.remote.s32 $0x1  }
0xbe: {  	_ =	sfence.sel $0xFFFF  }
0xbf: {  	[dreg:$0x0] =	wrdreg $0xFFFFFFFF;
	(pc) =	sbr.abs _section_cstart, $3  }
0xc0: {  	[dreg:$0x1] =	wrdreg $0xFFFFFFFF  }
0xc1: {  	_ =	task.clear_ibuf [dreg:s6], $0x2FFFF;
	_ =	strace $0x9FFFFFFF  }
0xc2: {  	(tm) =	ssettm $0x7FFFFFFF  }
0xc3: {  	_ =	shalt  }
tec
execute0_lowered:
.L_overlay_start_1:
0x0: {  	(tag) =	ssettag $0x1  }
0x1: {  	s0 =	rddreg [dreg:$0x0]  }
0x2: {  	s1 =	rddreg [dreg:$0x1]  }
0x3: {  	s2 =	srdreg.scid;
	s13 =	stileid.u32  }
0x4: {  	s3 =	simm.s32 $0x0;
	s28 =	simm.s32 $0x2;
	s7 =	smul.u32 $0x13C00, s13  }
0x5: {  	s29 =	simm.s32 $0xF80;
	s30 =	simm.s32 $0x1F00;
	s16 =	smul.u32 $0x278, s13  }
0x6: {  	s31 =	simm.s32 $0x1F80;
	s2 =	sand.u32 $0x1, s2;
	s11 =	smul.u32 $0x4F000, s13  }
0x7: {  	[smem:$0x7FF] =	sst s3;
	s4 =	sadd.s32 $0x40A00, s0;
	s19 =	smul.u32 $0x5000, s13  }
0x8: {  	s5 =	sadd.s32 $0x18A00, s0;
	s22 =	sshll.u32 s13, $0x6;
	s6 =	smul.u32 $0x13C000, s2  }
0x9: {  	_ =	strace $0x8000004A;
	s8 =	smul.u32 $0x2800, s2;
	s10 =	ssub.s32 $0x2, s2  }
0xa: {  	s2 =	smul.u32 $0x50000, s2;
	s17 =	sshrl.u32 s10, $0x1;
	s18 =	sshrl.u32 s11, $0x2  }
0xb: {  	s6 =	sadd.s32 s7, s6;
	s7 =	sadd.s32 s16, s8;
	s8 =	sadd.s32 s18, s1  }
0xc: {  	s12 =	ssub.s32 s10, s17;
	s17 =	simm.s32 $0x3;
	s9 =	sshrl.u32 s6, $0x3  }
0xd: {  	s6 =	sadd.s32 $0x2CA00, s0;
	s7 =	sshll.u32 s7, $0x4;
	s21 =	sadd.s32 $0x10000, s8  }
0xe: {  	s23 =	smax.u32 s12, $0x1;
	s12 =	sor.u32 $0x1C03, s22;
	s24 =	sadd.s32 $0x4000, s8  }
0xf: {  	s26 =	sadd.s32 $0x8000, s8;
	s16 =	sshrl.u32 s8, $0x3;
	s22 =	simm.s32 $0x1000  }
0x10: {  	s0 =	sadd.s32 s9, s0;
	s7 =	sadd.s32 s4, s7;
	s9 =	sadd.s32 s19, s2  }
0x11: {  	[dreg:$0x5] =	wrdreg s23;
	s18 =	sshrl.u32 s24, $0x3;
	s19 =	sshrl.u32 s26, $0x3  }
0x12: {  	s21 =	sshrl.u32 s21, $0x3;
	s23 =	simm.s32 $0x80;
	s24 =	simm.s32 $0x2000  }
0x13: {  	s26 =	simm.s32 $0x1;
	s20 =	sadd.s32 $0x2000, s7;
	s0 =	sadd.s32 $0x90A00, s0  }
0x14: {  	s25 =	sadd.s32 $0x800, s7;
	s14 =	sadd.s32 $0x1000, s7;
	[dreg:$0x3] =	wrdreg s20  }
0x15: {  	s15 =	sadd.s32 $0x1800, s7;
	[dreg:$0x4] =	wrdreg s0;
	s20 =	sadd.s32 $0xC000, s8  }
0x16: {  	[dreg:$0x6] =	wrdreg s25;
	s25 =	simm.s32 $0x6000;
	s20 =	sshrl.u32 s20, $0x3  }
.LBB2_1:
0x17: {  	[spmem:s16], [sflag:s12] =	dma.local [hbm:s7], $0x800  }
0x18: {  	_ =	swait.ge [sflag:s17], $0x800  }
0x19: {  	[sflag:s17] =	ssyncset.done $0x0  }
0x1a: {  	s0 =	rddreg [dreg:$0x6];
	[sflag:s17] =	ssyncadd.s32 $0xFFFFF800  }
0x1b: {  	[spmem:s18], [sflag:s12] =	dma.local [hbm:s0], $0x800  }
0x1c: {  	_ =	swait.ge [sflag:s17], $0x800  }
0x1d: {  	[sflag:s17] =	ssyncset.done $0x0  }
0x1e: {  	[sflag:s17] =	ssyncadd.s32 $0xFFFFF800  }
0x1f: {  	[spmem:s19], [sflag:s12] =	dma.local [hbm:s14], $0x800  }
0x20: {  	_ =	swait.ge [sflag:s17], $0x800  }
0x21: {  	[sflag:s17] =	ssyncset.done $0x0  }
0x22: {  	[sflag:s17] =	ssyncadd.s32 $0xFFFFF800  }
0x23: {  	[spmem:s20], [sflag:s12] =	dma.local [hbm:s15], $0x800  }
0x24: {  	_ =	swait.ge [sflag:s17], $0x800  }
0x25: {  	[sflag:s17] =	ssyncset.done $0x0  }
0x26: {  	s13 =	rddreg [dreg:$0x3];
	[sflag:s17] =	ssyncadd.s32 $0xFFFFF800  }
0x27: {  	[spmem:s21], [sflag:s12] =	dma.local [hbm:s13], $0x780  }
0x28: {  	_ =	swait.ge [sflag:s17], $0x780  }
0x29: {  	[sflag:s17] =	ssyncset.done $0x0  }
0x2a: {  	[sflag:s17] =	ssyncadd.s32 $0xFFFFF880  }
0x2b: {  	s0 =	simm.s32 $0x0;
	[bflag:$0x0] =	sbarrier.arrive $0xFFFF  }
.LBB2_2:
0x2c: {  	s2 =	sshll.u32 s0, $0xC  }
0x2d: {  	s2 =	sadd.s32 s2, s9  }
0x2e: {  	s2 =	sshrl.u32 s2, $0x3  }
0x2f: {  	s10 =	simm.s32 $0x0;
	s8 =	sadd.s32 s5, s2  }
0x30: {  	[tilespmem:s10], [sflag:$0x3] =	stream.linear.gather [hbm4b:s8+s10], $0x1000, $0x38;
	[tilespmem:$0x1DC00] =	vst v63  }
0x31: {  	_ =	swait.ge [sflag:s17], $0x1000  }
0x32: {  	[sflag:s17] =	ssyncset.done $0x0  }
0x33: {  	s2 =	sadd.s32 s6, s2;
	[sflag:s17] =	ssyncadd.s32 $0xFFFFF000  }
0x34: {  	[tilespmem:s22], [sflag:$0x3] =	stream.linear.gather [hbm4b:s2+s10], $0x1000, $0x38;
	[tilespmem:$0x1DC00] =	vst v63  }
0x35: {  	_ =	swait.ge [sflag:s17], $0x1000  }
0x36: {  	[sflag:s17] =	ssyncset.done $0x0  }
0x37: {  	[sflag:s17] =	ssyncadd.s32 $0xFFFFF000  }
0x38: {  	[tilespmem:s24], [sflag:$0x1] =	stream.indirect.gather [hbm4b:s4+s23], $0x80, s10, s23, $0xb8;
	[tilespmem:$0x1DC00] =	vst v63  }
0x39: {  	s8 =	simm.s32 $0x80  }
0x3a: {  	[tilespmem:s25], [sflag:$0x2] =	stream.indirect.gather [hbm4b:s4+s23], $0x80, s8, s23, $0xb8;
	[tilespmem:$0x1DC00] =	vst v63  }
0x3b: {  	_ =	swait.ge [sflag:s26], $0x4000  }
0x3c: {  	[sflag:s26] =	ssyncset.done $0x0  }
0x3d: {  	s10 =	simm.s32 $0x1000;
	[sflag:s26] =	ssyncadd.s32 $0xFFFFC000  }
0x3e: {  	[spmem:s1] =	stream.indirect.scatter.add.f32 [tilespmem:s24], [sflag:$0x3], $0x80, s10, s23, $0xb8;
	[tilespmem:$0x1DC00] =	vst v63  }
0x3f: {  	_ =	swait.ge [sflag:s17], $0x4000  }
0x40: {  	[sflag:s17] =	ssyncset.done $0x0  }
0x41: {  	s11 =	simm.s32 $0x100;
	[sflag:s17] =	ssyncadd.s32 $0xFFFFC000  }
0x42: {  	[tilespmem:s24], [sflag:$0x1] =	stream.indirect.gather [hbm4b:s4+s23], $0x80, s11, s23, $0xb8;
	[tilespmem:$0x1DC00] =	vst v63  }
0x43: {  	_ =	swait.ge [sflag:s28], $0x4000  }
0x44: {  	[sflag:s28] =	ssyncset.done $0x0  }
0x45: {  	s13 =	simm.s32 $0x1080;
	[sflag:s28] =	ssyncadd.s32 $0xFFFFC000  }
0x46: {  	[spmem:s1] =	stream.indirect.scatter.add.f32 [tilespmem:s25], [sflag:$0x3], $0x80, s13, s23, $0xb8;
	[tilespmem:$0x1DC00] =	vst v63  }
0x47: {  	_ =	swait.ge [sflag:s17], $0x4000  }
0x48: {  	s2 =	simm.s32 $0x100;
	s8 =	simm.s32 $0x800;
	[sflag:s17] =	ssyncset.done $0x0  }
.LBB2_3:
0x49: {  	s10 =	sadd.s32 $0x80, s2  }
0x4a: {  	[sflag:s17] =	ssyncadd.s32 $0xFFFFC000;
	s11 =	smov.u32 s8;
	s13 =	sadd.s32 $0x400, s8  }
0x4b: {  	[tilespmem:s25], [sflag:$0x2] =	stream.indirect.gather [hbm4b:s4+s23], $0x80, s10, s23, $0xb8;
	[tilespmem:$0x1DC00] =	vst v63  }
0x4c: {  	p0 =	sne.s32 s8, $0x3800;
	_ =	swait.ge [sflag:s26], $0x4000  }
0x4d: {  	[sflag:s26] =	ssyncset.done $0x0  }
0x4e: {  	s8 =	sadd.s32 $0x1000, s2;
	[sflag:s26] =	ssyncadd.s32 $0xFFFFC000  }
0x4f: {  	[spmem:s1] =	stream.indirect.scatter.add.f32 [tilespmem:s24], [sflag:$0x3], $0x80, s8, s23, $0xb8;
	[tilespmem:$0x1DC00] =	vst v63  }
0x50: {  	_ =	swait.ge [sflag:s17], $0x4000  }
0x51: {  	[sflag:s17] =	ssyncset.done $0x0  }
0x52: {  	s8 =	sadd.s32 $0x100, s2;
	[sflag:s17] =	ssyncadd.s32 $0xFFFFC000  }
0x53: {  	[tilespmem:s24], [sflag:$0x1] =	stream.indirect.gather [hbm4b:s4+s23], $0x80, s8, s23, $0xb8;
	[tilespmem:$0x1DC00] =	vst v63  }
0x54: {  	_ =	swait.ge [sflag:s28], $0x4000  }
.Ltmp0:
0x55: {  	[sflag:s28] =	ssyncset.done $0x0;
	(pc) =	sbr.rel @p0 .LBB2_3-.Ltmp0, $4  }
0x56: {  	s2 =	sadd.s32 $0x1080, s2;
	[sflag:s28] =	ssyncadd.s32 $0xFFFFC000  }
0x57: {  	[spmem:s1] =	stream.indirect.scatter.add.f32 [tilespmem:s25], [sflag:$0x3], $0x80, s2, s23, $0xb8;
	[tilespmem:$0x1DC00] =	vst v63  }
0x58: {  	_ =	swait.ge [sflag:s17], $0x4000  }
0x59: {  	s8 =	smov.u32 s13;
	s2 =	sshra.s32 s11, $0x2;
	[sflag:s17] =	ssyncset.done $0x0  }
0x5a: {  	s8 =	sadd.s32 $0x80, s2;
	[sflag:s17] =	ssyncadd.s32 $0xFFFFC000  }
0x5b: {  	[tilespmem:s25], [sflag:$0x2] =	stream.indirect.gather [hbm4b:s4+s23], $0x80, s8, s23, $0xb8;
	[tilespmem:$0x1DC00] =	vst v63  }
0x5c: {  	_ =	swait.ge [sflag:s26], $0x4000  }
0x5d: {  	[sflag:s26] =	ssyncset.done $0x0  }
0x5e: {  	s10 =	sadd.s32 $0x1000, s2;
	[sflag:s26] =	ssyncadd.s32 $0xFFFFC000  }
0x5f: {  	[spmem:s1] =	stream.indirect.scatter.add.f32 [tilespmem:s24], [sflag:$0x3], $0x80, s10, s23, $0xb8;
	[tilespmem:$0x1DC00] =	vst v63  }
0x60: {  	_ =	swait.ge [sflag:s17], $0x4000  }
0x61: {  	[sflag:s17] =	ssyncset.done $0x0  }
0x62: {  	s11 =	sadd.s32 $0x100, s2;
	[sflag:s17] =	ssyncadd.s32 $0xFFFFC000  }
0x63: {  	[tilespmem:s24], [sflag:$0x1] =	stream.indirect.gather [hbm4b:s4+s23], $0x80, s11, s23, $0xb8;
	[tilespmem:$0x1DC00] =	vst v63  }
0x64: {  	_ =	swait.ge [sflag:s28], $0x4000  }
0x65: {  	[sflag:s28] =	ssyncset.done $0x0  }
0x66: {  	s13 =	sadd.s32 $0x1080, s2;
	[sflag:s28] =	ssyncadd.s32 $0xFFFFC000  }
0x67: {  	[spmem:s1] =	stream.indirect.scatter.add.f32 [tilespmem:s25], [sflag:$0x3], $0x80, s13, s23, $0xb8;
	[tilespmem:$0x1DC00] =	vst v63  }
0x68: {  	_ =	swait.ge [sflag:s17], $0x4000  }
0x69: {  	[sflag:s17] =	ssyncset.done $0x0  }
0x6a: {  	[sflag:s17] =	ssyncadd.s32 $0xFFFFC000  }
0x6b: {  	[tilespmem:s25], [sflag:$0x2] =	stream.indirect.gather [hbm4b:s4+s23], $0x80, s29, s23, $0xb8;
	[tilespmem:$0x1DC00] =	vst v63  }
0x6c: {  	_ =	swait.ge [sflag:s26], $0x4000  }
0x6d: {  	[sflag:s26] =	ssyncset.done $0x0  }
0x6e: {  	[sflag:s26] =	ssyncadd.s32 $0xFFFFC000  }
0x6f: {  	[spmem:s1] =	stream.indirect.scatter.add.f32 [tilespmem:s24], [sflag:$0x3], $0x80, s30, s23, $0xb8;
	[tilespmem:$0x1DC00] =	vst v63  }
0x70: {  	_ =	swait.ge [sflag:s17], $0x4000  }
0x71: {  	[sflag:s17] =	ssyncset.done $0x0  }
0x72: {  	[sflag:s17] =	ssyncadd.s32 $0xFFFFC000  }
0x73: {  	s0 =	sadd.s32 $0x1, s0;
	_ =	swait.ge [sflag:s28], $0x4000  }
0x74: {  	p0 =	sne.s32 s0, $0x5;
	[sflag:s28] =	ssyncset.done $0x0  }
.Ltmp1:
0x75: {  	[sflag:s28] =	ssyncadd.s32 $0xFFFFC000;
	(pc) =	sbr.rel @p0 .LBB2_2-.Ltmp1, $4  }
0x76: {  	[spmem:s1] =	stream.indirect.scatter.add.f32 [tilespmem:s25], [sflag:$0x3], $0x80, s31, s23, $0xb8;
	[tilespmem:$0x1DC00] =	vst v63  }
0x77: {  	_ =	swait.ge [sflag:s17], $0x4000  }
0x78: {  	[sflag:s17] =	ssyncset.done $0x0  }
0x79: {  	[sflag:s17] =	ssyncadd.s32 $0xFFFFC000  }
0x7a: {  	[bflag:$0x0] =	sbarrier.arrive $0xFFFF  }
0x7b: {  	s0 =	rddreg [dreg:$0x4]  }
0x7c: {  	[hbm:s0], [sflag:s12] =	dma.local [spmem:s16], $0x2780  }
0x7d: {  	_ =	swait.ge [sflag:s17], $0x2780  }
0x7e: {  	s3 =	sadd.s32 $0x1, s3;
	s13 =	rddreg [dreg:$0x5]  }
0x7f: {  	p0 =	sne.s32 s3, s13  }
.Ltmp2:
0x80: {  	_ = 	snop;
	(pc) =	sbr.rel @p0 .LBB2_1-.Ltmp2, $3  }
0x81: {  	_ =	sdelay $0x1  }
0x82: {  	[sflag:s17] =	ssyncset.done $0x0  }
0x83: {  	[sflag:s17] =	ssyncadd.s32 $0xFFFFD880  }
0x84: {  	_ =	sfence.sel $0x180000  }
0x85: {  	[bflag:$0x0] =	sbarrier.arrive $0xFFFF  }
0x86: {  	_ =	strace $0x9000004A  }
0x87: {  	s0 =	stileid.u32;
	[bflag:$0x2] =	sbarrier.arrive $0xFFFF  }
0x88: {  	p0 =	sne.s32 s0, $0x0;
	s0 =	rddreg [dreg:$0x2]  }
0x89: {  	s0 =	sadd.s32 @!p0 $0x100000, s0  }
0x8a: {  	[sflag:s0] =	ssyncadd.tile.s32 @!p0 $0x1;
	_ =	shalt  }
.Lfunc_end2:
_tile_overlayer_lowered:
.L_overlay_start_2:
0x8b: {  	(tag) =	ssettag $0x2  }
0x8c: {  	s0 =	rddreg [dreg:$0x0];
	s2 =	stileid.u32  }
0x8d: {  	s1 =	rddreg [dreg:$0x1];
	p0 =	sne.s32 s2, $0x0  }
0x8e: {  	s3 =	rddreg [dreg:$0x2];
	[bflag:$0x3] =	sbarrier.arrive $0xFFFF;
	s2 =	simm.s32 @!p0 $0x1C03  }
0x8f: {  	[timem:s3], [sflag:s2] =	dma.local @!p0 [hbm:s0], s1  }
0x90: {  	s0 =	simm.s32 @!p0 $0x3  }
0x91: {  	_ =	swait.ge @!p0 [sflag:s0], s1  }
0x92: {  	s1 =	ssub.s32 @!p0 $0x0, s1;
	[sflag:s0] =	ssyncset.done @!p0 $0x0  }
0x93: {  	[sflag:s0] =	ssyncadd.s32 @!p0 s1  }
0x94: {  	[bflag:$0x3] =	sbarrier.arrive $0xFFFF  }
0x95: {  	_ =	shalt  }

// kernel: conv_scatter_c2.3.cloned.1.call-start
scs
__scs_entry_jumppad:
0x0: {  	(pc) =	sbr.rel $0x88, $3  }
0x1: {  	(tag) =	ssettag $0x0;
	lr =	simm.s32 $0x1  }
0x2: {  	[smem:$0x3F8F] =	sst lr;
	_ =	strace $0xD0000000  }
0x3: {  	_ = 	snop  }
0x4: {  	_ = 	snop  }
0x5: {  	_ = 	snop  }
0x6: {  	_ = 	snop  }
0x7: {  	_ = 	snop  }
__scs_overlays_trampoline_lowered:
0x8: {  	[smem:$0x3F9E] =	sst s0  }
0x9: {  	[smem:$0x3F9F] =	sst s1  }
0xa: {  	[smem:$0x3FA0] =	sst s2  }
0xb: {  	[smem:$0x3FA1] =	sst s3  }
0xc: {  	[smem:$0x3FA2] =	sst s4  }
0xd: {  	[smem:$0x3FA3] =	sst s5  }
0xe: {  	[smem:$0x3FA4] =	sst s6  }
0xf: {  	[smem:$0x3FA5] =	sst s7  }
0x10: {  	[smem:$0x3FA6] =	sst s8  }
0x11: {  	[smem:$0x3FA7] =	sst s9;
	s0 =	simm.s32 @!p0 $0x0  }
0x12: {  	s1 =	sld [smem:$0x3F8D];
	s0 =	simm.s32 @p0 $0x1  }
0x13: {  	[smem:$0x3FA8] =	sst s0;
	s0 =	simm.s32 @!p1 $0x0  }
0x14: {  	s2 =	sld [smem:$0x3F8C];
	s0 =	simm.s32 @p1 $0x1  }
0x15: {  	[smem:$0x3FA9] =	sst s0;
	s0 =	simm.s32 @!p2 $0x0  }
0x16: {  	s3 =	sld [smem:$0x3FDB];
	s0 =	simm.s32 @p2 $0x1  }
0x17: {  	s4 =	simm.s32 $0x1BF5;
	[smem:$0x3FAB] =	sst s0  }
0x18: {  	s0 =	sld [smem:$0x3F8E];
	_ =	swait.ge [sflag:s4], $0x0  }
0x19: {  	s7 =	sld [smem:$0x3F8F]  }
0x1a: {  	s8 =	sadd.s32 $0xFFFFE003, lr  }
0x1b: {  	s9 =	sadd.s32 $0xFFFFFEF7, lr;
	s5 =	simm.s32 $0xFFFFFFFF;
	p2 =	slt.u32 s8, $0xFFFFF086  }
0x1c: {  	p1 =	slt.u32 s9, $0xF7A;
	s5 =	simm.s32 @!p2 $0x0  }
0x1d: {  	s5 =	simm.s32 @p1 $0x1;
	p0 =	seq.s32 s7, s2  }
0x1e: {  	s7 =	smul.u32 @!p0 $0xF7A, s2;
	p2 =	seq.s32 @!p0 s5, $0x0  }
0x1f: {  	s9 =	smul.u32 $0xF7A, s1;
	s8 =	simm.s32 @!p0 $0x1BF5;
	p2 =	por !p2, p0  }
0x20: {  	[sflag:s8] =	ssyncset.s32 @!p0 $0xFFFFF086;
	s6 =	sadd.s32 @!p0 s3, s7;
	s7 =	simm.s32 @!p0 $0x108  }
0x21: {  	s3 =	sadd.s32 s3, s9;
	s6 =	sadd.s32 @!p0 $0x88, s6;
	s7 =	simm.s32 @p2 $0x1082  }
0x22: {  	[simem:s7], [sflag:s8] =	dma.local @!p0 [hbm:s6], $0xF7A  }
0x23: {  	s9 =	sor.u32 $0xD0000000, s2;
	s6 =	simm.s32 $0x108;
	_ =	swait.ge @!p0 [sflag:s8], $0x0  }
0x24: {  	s3 =	sadd.s32 $0x88, s3;
	s6 =	simm.s32 @!p1 $0x1082;
	[sflag:s4] =	ssyncset.s32 $0xFFFFF086  }
0x25: {  	[simem:s6], [sflag:s4] =	dma.local [hbm:s3], $0xF7A  }
0x26: {  	[smem:$0x3F8F] =	sst s1;
	(tag) =	ssettag s2;
	_ =	strace s9  }
0x27: {  	s1 =	sld [smem:$0x3F9F]  }
0x28: {  	s2 =	sld [smem:$0x3FA0]  }
0x29: {  	s4 =	sld [smem:$0x3FA2]  }
0x2a: {  	p0 =	seq.s32 s5, $0x0;
	s5 =	sld [smem:$0x3FA3]  }
0x2b: {  	s6 =	sld [smem:$0x3FA4]  }
0x2c: {  	s7 =	sld [smem:$0x3FA5]  }
0x2d: {  	s3 =	simm.s32 $0x108;
	s8 =	sld [smem:$0x3FA6]  }
0x2e: {  	s3 =	simm.s32 @!p0 $0x1082;
	s9 =	sld [smem:$0x3FA7]  }
0x2f: {  	lr =	sadd.s32 s0, s3;
	s0 =	sld [smem:$0x3F9E]  }
0x30: {  	s3 =	sld [smem:$0x3FA1]  }
0x31: {  	[smem:$0x3FAA] =	sst s10  }
0x32: {  	s10 =	sld [smem:$0x3FA8];
	_ =	sdelay $0x3  }
0x33: {  	p0 =	seq.s32 s10, $0x1;
	s10 =	sld [smem:$0x3FAA];
	_ =	sdelay $0x3  }
0x34: {  	[smem:$0x3FAA] =	sst s10  }
0x35: {  	s10 =	sld [smem:$0x3FA9];
	_ =	sdelay $0x3  }
0x36: {  	p1 =	seq.s32 s10, $0x1;
	s10 =	sld [smem:$0x3FAA];
	_ =	sdelay $0x3  }
0x37: {  	[smem:$0x3FAA] =	sst s10  }
0x38: {  	s10 =	sld [smem:$0x3FAB]  }
0x39: {  	_ = 	snop;
	(pc) =	sbr.ind lr, $3  }
0x3a: {  	_ = 	snop  }
0x3b: {  	_ = 	snop  }
0x3c: {  	p2 =	seq.s32 s10, $0x1;
	s10 =	sld [smem:$0x3FAA]  }
0x3d: {  	_ =	shalt  }
0x3e: {  	_ =	shalt  }
0x3f: {  	_ =	shalt  }
0x40: {  	_ =	shalt  }
0x41: {  	_ =	shalt  }
0x42: {  	_ =	shalt  }
0x43: {  	_ =	shalt  }
0x44: {  	_ =	shalt  }
0x45: {  	_ =	shalt  }
0x46: {  	_ =	shalt  }
0x47: {  	_ =	shalt  }
0x48: {  	_ =	shalt  }
0x49: {  	_ =	shalt  }
0x4a: {  	_ =	shalt  }
0x4b: {  	_ =	shalt  }
0x4c: {  	_ =	shalt  }
0x4d: {  	_ =	shalt  }
0x4e: {  	_ =	shalt  }
0x4f: {  	_ =	shalt  }
0x50: {  	_ =	shalt  }
0x51: {  	_ =	shalt  }
0x52: {  	_ =	shalt  }
0x53: {  	_ =	shalt  }
0x54: {  	_ =	shalt  }
0x55: {  	_ =	shalt  }
0x56: {  	_ =	shalt  }
0x57: {  	_ =	shalt  }
0x58: {  	_ =	shalt  }
0x59: {  	_ =	shalt  }
0x5a: {  	_ =	shalt  }
0x5b: {  	_ =	shalt  }
0x5c: {  	_ =	shalt  }
0x5d: {  	_ =	shalt  }
0x5e: {  	_ =	shalt  }
0x5f: {  	_ =	shalt  }
0x60: {  	_ =	shalt  }
0x61: {  	_ =	shalt  }
0x62: {  	_ =	shalt  }
0x63: {  	_ =	shalt  }
0x64: {  	_ =	shalt  }
0x65: {  	_ =	shalt  }
0x66: {  	_ =	shalt  }
0x67: {  	_ =	shalt  }
0x68: {  	_ =	shalt  }
0x69: {  	_ =	shalt  }
0x6a: {  	_ =	shalt  }
0x6b: {  	_ =	shalt  }
0x6c: {  	_ =	shalt  }
0x6d: {  	_ =	shalt  }
0x6e: {  	_ =	shalt  }
0x6f: {  	_ =	shalt  }
0x70: {  	_ =	shalt  }
0x71: {  	_ =	shalt  }
0x72: {  	_ =	shalt  }
0x73: {  	_ =	shalt  }
0x74: {  	_ =	shalt  }
0x75: {  	_ =	shalt  }
0x76: {  	_ =	shalt  }
0x77: {  	_ =	shalt  }
0x78: {  	_ =	shalt  }
0x79: {  	_ =	shalt  }
0x7a: {  	_ =	shalt  }
0x7b: {  	_ =	shalt  }
0x7c: {  	_ =	shalt  }
0x7d: {  	_ =	shalt  }
0x7e: {  	_ =	shalt  }
0x7f: {  	_ =	shalt  }
0x80: {  	_ =	shalt  }
0x81: {  	_ =	shalt  }
0x82: {  	_ =	shalt  }
0x83: {  	_ =	shalt  }
0x84: {  	_ =	shalt  }
0x85: {  	_ =	shalt  }
0x86: {  	_ =	shalt  }
0x87: {  	_ =	shalt  }
.Lfunc_end0:
.L_simem_size_0:
called_computation.2_lowered:
.L_overlay_start_0:
0x88: {  	s2 =	sld [smem:$0x3FD9]  }
0x89: {  	s3 =	sld [smem:$0x3FFE];
	_ =	sdelay $0x1  }
0x8a: {  	s1 =	srdreg.scid  }
0x8b: {  	s0 =	sand.u32 $0x1, s1  }
0x8c: {  	s16 =	sshll.u32 s0, $0xA;
	s2 =	sadd.s32 s3, s2  }
0x8d: {  	s2 =	sadd.s32 s2, s16  }
0x8e: {  	[smem:$0x3FB6] =	sst s2  }
0x8f: {  	_ = 	snop  }
0x90: {  	(tm) =	ssettm $0x1  }
0x91: {  	s17 =	sld [smem:$0x3FFB];
	_ =	sdelay $0x3  }
0x92: {  	_ =	strace s17  }
0x93: {  	s2 =	sld [smem:$0x3FFC];
	_ =	sdelay $0x3  }
0x94: {  	_ =	strace s2  }
0x95: {  	s2 =	sld [smem:$0x3FFD];
	_ =	sdelay $0x3  }
0x96: {  	_ =	strace s2  }
0x97: {  	_ =	strace $0x8FFFFFFF  }
0x98: {  	s18 =	sld [smem:$0x3FDB];
	_ =	sdelay $0x1  }
0x99: {  	s19 =	simm.s32 $_scs_section_size  }
0x9a: {  	s4 =	simm.s32 $_size__tile_overlayer_lowered;
	s5 =	simm.s32 $_tile_overlayer_lowered  }
0x9b: {  	s22 =	simm.s32 $0x1BFF;
	s21 =	sshll.u32 s5, $0x1;
	s2 =	sadd.s32 s19, s18  }
0x9c: {  	s6 =	simm.s32 $0x0;
	s20 =	sshll.u32 s4, $0x1;
	s4 =	sadd.s32 s21, s2  }
0x9d: {  	[timem:s6], [sflag:s22] =	dma.local [hbm:s4], s20  }
0x9e: {  	_ =	swait.ge [sflag:s22], s20  }
0x9f: {  	s3 =	ssub.s32 $0x0, s20;
	[sflag:s22] =	ssyncset.done $0x0  }
0xa0: {  	[sflag:s22] =	ssyncadd.s32 s3;
	_ =	sdelay $0x1  }
0xa1: {  	s23 =	simm.s32 $0x1B8B  }
0xa2: {  	_ =	swait.ge [sflag:s23], $0x1  }
0xa3: {  	[sflag:s23] =	ssyncset.done $0x0  }
0xa4: {  	s25 =	simm.s32 $0x1B8E;
	s24 =	sld [smem:$0x3FFE];
	[sflag:s23] =	ssyncadd.s32 $0xFFFFFFFF  }
0xa5: {  	s26 =	simm.s32 $execute0_lowered;
	[smem:$0x3FD2] =	sst s25  }
0xa6: {  	s4 =	sshll.u32 s26, $0x1;
	_ =	strace $0x8000004C;
	[dreg:$0x1] =	wrdreg $0xFFFFFFFF  }
0xa7: {  	s28 =	simm.s32 $_size_execute0_lowered;
	s2 =	sadd.s32 s2, s4;
	[dreg:$0x0] =	wrdreg $0x0  }
0xa8: {  	s4 =	sshll.u32 s28, $0x1;
	[dreg:$0x2] =	wrdreg s2  }
0xa9: {  	[dreg:$0x3] =	wrdreg s4  }
0xaa: {  	[dreg:$0x4] =	wrdreg $0xC0  }
0xab: {  	_ =	task [dreg:s6], $0x5FFFF  }
0xac: {  	[dreg:$0x1] =	wrdreg $0xFFFFFFFF  }
0xad: {  	[dreg:$0x0] =	wrdreg $0x60  }
0xae: {  	[dreg:$0x2] =	wrdreg s24  }
0xaf: {  	[dreg:$0x3] =	wrdreg $0xA8000  }
0xb0: {  	[dreg:$0x4] =	wrdreg $0x9  }
0xb1: {  	_ =	task.clear_ibuf [dreg:s6], $0x5FFFF;
	_ =	strace $0x9000004C  }
0xb2: {  	s29 =	simm.s32 $0x9;
	_ =	strace $0x8000004E  }
0xb3: {  	_ =	swait.ge [sflag:s29], $0x1  }
0xb4: {  	[sflag:s29] =	ssyncadd.s32 $0xFFFFFFFF  }
0xb5: {  	_ =	strace $0x9000004E  }
0xb6: {  	_ =	sfence  }
0xb7: {  	s30 =	sld [smem:$0x0];
	_ =	sdelay $0x2  }
0xb8: {  	s31 =	sshll.u32 s1, $0xD;
	s1 =	sshrl.u32 s1, $0x2  }
0xb9: {  	s3 =	sand.u32 $0x4000, s31;
	s1 =	sadd.s32 s1, s30  }
0xba: {  	s0 =	sor.u32 s3, s0;
	s1 =	sshll.u32 s1, $0x11  }
0xbb: {  	s0 =	sor.u32 s1, s0  }
0xbc: {  	s0 =	sadd.s32 $0x8F2B, s0  }
0xbd: {  	[sflag:s0] =	ssyncadd.remote.s32 $0x1  }
0xbe: {  	_ =	sfence.sel $0xFFFF  }
0xbf: {  	[dreg:$0x0] =	wrdreg $0xFFFFFFFF;
	(pc) =	sbr.abs _section_cstart, $3  }
0xc0: {  	[dreg:$0x1] =	wrdreg $0xFFFFFFFF  }
0xc1: {  	_ =	task.clear_ibuf [dreg:s6], $0x2FFFF;
	_ =	strace $0x9FFFFFFF  }
0xc2: {  	(tm) =	ssettm $0x7FFFFFFF  }
0xc3: {  	_ =	shalt  }
tec
execute0_lowered:
.L_overlay_start_1:
0x0: {  	(tag) =	ssettag $0x1  }
0x1: {  	s0 =	rddreg [dreg:$0x0]  }
0x2: {  	s2 =	rddreg [dreg:$0x1];
	s1 =	srdreg.scid  }
0x3: {  	s13 =	stileid.u32;
	s3 =	simm.s32 $0x0;
	s28 =	simm.s32 $0x1  }
0x4: {  	s29 =	simm.s32 $0x2;
	s30 =	simm.s32 $0x1380;
	s5 =	smul.u32 $0x13C00, s13  }
0x5: {  	s31 =	simm.s32 $0x2700;
	s1 =	sand.u32 $0x1, s1;
	s12 =	smul.u32 $0x278, s13  }
0x6: {  	[smem:$0x7FF] =	sst s3;
	s4 =	sadd.s32 $0x18A00, s0;
	s14 =	smul.u32 $0x4F000, s13  }
0x7: {  	s7 =	sadd.s32 $0xEA00, s0;
	s8 =	sadd.s32 $0x4A00, s0;
	s11 =	smul.u32 $0x2800, s13  }
0x8: {  	s19 =	sshll.u32 s13, $0x6;
	s6 =	smul.u32 $0x13C000, s1;
	_ =	strace $0x8000004D  }
0x9: {  	s9 =	ssub.s32 $0x2, s1;
	p0 =	seq.s32 s1, $0x0;
	s1 =	smul.u32 $0x28000, s1  }
0xa: {  	s10 =	sshrl.u32 s9, $0x1;
	s20 =	sadd.s32 $0x80, s12;
	s23 =	sadd.s32 $0x100, s12  }
0xb: {  	s6 =	sadd.s32 s5, s6;
	s26 =	ssub.s32 s9, s10;
	s5 =	sshrl.u32 s5, $0x3  }
0xc: {  	s9 =	sshrl.u32 s14, $0x2;
	s1 =	sadd.s32 s11, s1;
	s21 =	sshll.u32 s20, $0x7  }
0xd: {  	s25 =	sshll.u32 s23, $0x7;
	s14 =	sadd.s32 $0x180, s12;
	s6 =	sshrl.u32 s6, $0x3  }
0xe: {  	s10 =	sadd.s32 $0x2000, s5;
	s15 =	sadd.s32 s9, s2;
	s9 =	smul.u32 $0x2780, s13  }
0xf: {  	s17 =	smax.u32 s26, $0x1;
	s13 =	sshll.u32 s23, $0x4;
	s26 =	sshll.u32 s14, $0x7  }
0x10: {  	s14 =	sshll.u32 s14, $0x4;
	s1 =	sshrl.u32 s1, $0x3;
	s23 =	simm.s32 $0x1400  }
0x11: {  	s0 =	sadd.s32 s6, s0;
	s10 =	simm.s32 @!p0 $0x27800;
	[dreg:$0x3] =	wrdreg s15  }
0x12: {  	s22 =	sadd.s32 $0x10000, s15;
	[dreg:$0x6] =	wrdreg s17;
	s6 =	sshll.u32 s20, $0x4  }
0x13: {  	s13 =	simm.s32 @!p0 $0x27800;
	s14 =	simm.s32 @!p0 $0x27800;
	s17 =	sadd.s32 $0x280, s1  }
0x14: {  	s15 =	sadd.s32 s8, s1;
	s16 =	sadd.s32 s4, s10;
	s0 =	sadd.s32 $0x40A00, s0  }
0x15: {  	s9 =	simm.s32 @!p0 $0x27800;
	s10 =	sor.u32 $0x1C03, s19;
	s6 =	simm.s32 @!p0 $0x27800  }
0x16: {  	s12 =	sadd.s32 s4, s13;
	s13 =	sadd.s32 s4, s14;
	s14 =	sadd.s32 s7, s1  }
0x17: {  	s22 =	sshrl.u32 s22, $0x3;
	s1 =	simm.s32 $0x0;
	[dreg:$0x4] =	wrdreg s16  }
0x18: {  	[dreg:$0x5] =	wrdreg s0;
	s18 =	sadd.s32 s4, s9;
	s0 =	sadd.s32 s21, s2  }
0x19: {  	s24 =	sadd.s32 s4, s6;
	s6 =	sadd.s32 s25, s2;
	s21 =	sadd.s32 s26, s2  }
0x1a: {  	s16 =	sadd.s32 s7, s17;
	s17 =	sadd.s32 s8, s17;
	[dreg:$0x7] =	wrdreg s18  }
0x1b: {  	s25 =	simm.s32 $0x2800;
	s26 =	simm.s32 $0x6800;
	[dreg:$0x8] =	wrdreg s24  }
0x1c: {  	s18 =	simm.s32 $0x3;
	s19 =	sshrl.u32 s0, $0x3;
	s20 =	sshrl.u32 s6, $0x3  }
0x1d: {  	s21 =	sshrl.u32 s21, $0x3;
	s24 =	simm.s32 $0x80;
	s0 =	simm.s32 $0x2780  }
.LBB2_1:
0x1e: {  	s5 =	rddreg [dreg:$0x3]  }
0x1f: {  	s9 =	rddreg [dreg:$0x7];
	s6 =	sshrl.u32 s5, $0x3  }
0x20: {  	[spmem:s6], [sflag:s10] =	dma.local [hbm:s9], $0x800  }
0x21: {  	_ =	swait.ge [sflag:s18], $0x800  }
0x22: {  	[sflag:s18] =	ssyncset.done $0x0  }
0x23: {  	s11 =	rddreg [dreg:$0x8];
	[sflag:s18] =	ssyncadd.s32 $0xFFFFF800  }
0x24: {  	[spmem:s19], [sflag:s10] =	dma.local [hbm:s11], $0x800  }
0x25: {  	_ =	swait.ge [sflag:s18], $0x800  }
0x26: {  	[sflag:s18] =	ssyncset.done $0x0  }
0x27: {  	[sflag:s18] =	ssyncadd.s32 $0xFFFFF800  }
0x28: {  	[spmem:s20], [sflag:s10] =	dma.local [hbm:s12], $0x800  }
0x29: {  	_ =	swait.ge [sflag:s18], $0x800  }
0x2a: {  	[sflag:s18] =	ssyncset.done $0x0  }
0x2b: {  	[sflag:s18] =	ssyncadd.s32 $0xFFFFF800  }
0x2c: {  	[spmem:s21], [sflag:s10] =	dma.local [hbm:s13], $0x800  }
0x2d: {  	_ =	swait.ge [sflag:s18], $0x800  }
0x2e: {  	[sflag:s18] =	ssyncset.done $0x0  }
0x2f: {  	s7 =	rddreg [dreg:$0x4];
	[sflag:s18] =	ssyncadd.s32 $0xFFFFF800  }
0x30: {  	[spmem:s22], [sflag:s10] =	dma.local [hbm:s7], $0x780  }
0x31: {  	_ =	swait.ge [sflag:s18], $0x780  }
0x32: {  	[sflag:s18] =	ssyncset.done $0x0  }
0x33: {  	[sflag:s18] =	ssyncadd.s32 $0xFFFFF880  }
0x34: {  	[bflag:$0x0] =	sbarrier.arrive $0xFFFF  }
0x35: {  	[tilespmem:s3], [sflag:$0x3] =	stream.linear.gather [hbm4b:s14+s3], $0x1400, $0x38;
	[tilespmem:$0x1E400] =	vst v63  }
0x36: {  	_ =	swait.ge [sflag:s18], $0x1400  }
0x37: {  	[sflag:s18] =	ssyncset.done $0x0  }
0x38: {  	[sflag:s18] =	ssyncadd.s32 $0xFFFFEC00  }
0x39: {  	[tilespmem:s23], [sflag:$0x3] =	stream.linear.gather [hbm4b:s15+s3], $0x1400, $0x38;
	[tilespmem:$0x1E400] =	vst v63  }
0x3a: {  	_ =	swait.ge [sflag:s18], $0x1400  }
0x3b: {  	[sflag:s18] =	ssyncset.done $0x0  }
0x3c: {  	[sflag:s18] =	ssyncadd.s32 $0xFFFFEC00  }
0x3d: {  	[tilespmem:s25], [sflag:$0x1] =	stream.indirect.gather [hbm4b:s4+s24], $0x80, s3, s24, $0xb8;
	[tilespmem:$0x1E400] =	vst v63  }
0x3e: {  	s7 =	simm.s32 $0x80  }
0x3f: {  	[tilespmem:s26], [sflag:$0x2] =	stream.indirect.gather [hbm4b:s4+s24], $0x80, s7, s24, $0xb8;
	[tilespmem:$0x1E400] =	vst v63  }
0x40: {  	_ =	swait.ge [sflag:s28], $0x4000  }
0x41: {  	[sflag:s28] =	ssyncset.done $0x0  }
0x42: {  	s8 =	simm.s32 $0x1400;
	[sflag:s28] =	ssyncadd.s32 $0xFFFFC000  }
0x43: {  	[spmem:s2] =	stream.indirect.scatter.add.f32 [tilespmem:s25], [sflag:$0x3], $0x80, s8, s24, $0xb8;
	[tilespmem:$0x1E400] =	vst v63  }
0x44: {  	_ =	swait.ge [sflag:s18], $0x4000  }
0x45: {  	[sflag:s18] =	ssyncset.done $0x0  }
0x46: {  	s9 =	simm.s32 $0x100;
	[sflag:s18] =	ssyncadd.s32 $0xFFFFC000  }
0x47: {  	[tilespmem:s25], [sflag:$0x1] =	stream.indirect.gather [hbm4b:s4+s24], $0x80, s9, s24, $0xb8;
	[tilespmem:$0x1E400] =	vst v63  }
0x48: {  	_ =	swait.ge [sflag:s29], $0x4000  }
0x49: {  	[sflag:s29] =	ssyncset.done $0x0  }
0x4a: {  	s11 =	simm.s32 $0x1480;
	[sflag:s29] =	ssyncadd.s32 $0xFFFFC000  }
0x4b: {  	[spmem:s2] =	stream.indirect.scatter.add.f32 [tilespmem:s26], [sflag:$0x3], $0x80, s11, s24, $0xb8;
	[tilespmem:$0x1E400] =	vst v63  }
0x4c: {  	_ =	swait.ge [sflag:s18], $0x4000  }
0x4d: {  	s7 =	simm.s32 $0x100;
	s8 =	simm.s32 $0x800;
	[sflag:s18] =	ssyncset.done $0x0  }
.LBB2_2:
0x4e: {  	s9 =	sadd.s32 $0x80, s7  }
0x4f: {  	[sflag:s18] =	ssyncadd.s32 $0xFFFFC000;
	s5 =	smov.u32 s8;
	s11 =	sadd.s32 $0x400, s8  }
0x50: {  	[tilespmem:s26], [sflag:$0x2] =	stream.indirect.gather [hbm4b:s4+s24], $0x80, s9, s24, $0xb8;
	[tilespmem:$0x1E400] =	vst v63  }
0x51: {  	p0 =	sne.s32 s8, $0x4800;
	_ =	swait.ge [sflag:s28], $0x4000  }
0x52: {  	[sflag:s28] =	ssyncset.done $0x0  }
0x53: {  	s8 =	sadd.s32 $0x1400, s7;
	[sflag:s28] =	ssyncadd.s32 $0xFFFFC000  }
0x54: {  	[spmem:s2] =	stream.indirect.scatter.add.f32 [tilespmem:s25], [sflag:$0x3], $0x80, s8, s24, $0xb8;
	[tilespmem:$0x1E400] =	vst v63  }
0x55: {  	_ =	swait.ge [sflag:s18], $0x4000  }
0x56: {  	[sflag:s18] =	ssyncset.done $0x0  }
0x57: {  	s8 =	sadd.s32 $0x100, s7;
	[sflag:s18] =	ssyncadd.s32 $0xFFFFC000  }
0x58: {  	[tilespmem:s25], [sflag:$0x1] =	stream.indirect.gather [hbm4b:s4+s24], $0x80, s8, s24, $0xb8;
	[tilespmem:$0x1E400] =	vst v63  }
0x59: {  	_ =	swait.ge [sflag:s29], $0x4000  }
.Ltmp0:
0x5a: {  	[sflag:s29] =	ssyncset.done $0x0;
	(pc) =	sbr.rel @p0 .LBB2_2-.Ltmp0, $4  }
0x5b: {  	s7 =	sadd.s32 $0x1480, s7;
	[sflag:s29] =	ssyncadd.s32 $0xFFFFC000  }
0x5c: {  	[spmem:s2] =	stream.indirect.scatter.add.f32 [tilespmem:s26], [sflag:$0x3], $0x80, s7, s24, $0xb8;
	[tilespmem:$0x1E400] =	vst v63  }
0x5d: {  	_ =	swait.ge [sflag:s18], $0x4000  }
0x5e: {  	s8 =	smov.u32 s11;
	s7 =	sshra.s32 s5, $0x2;
	[sflag:s18] =	ssyncset.done $0x0  }
0x5f: {  	s5 =	sadd.s32 $0x80, s7;
	[sflag:s18] =	ssyncadd.s32 $0xFFFFC000  }
0x60: {  	[tilespmem:s26], [sflag:$0x2] =	stream.indirect.gather [hbm4b:s4+s24], $0x80, s5, s24, $0xb8;
	[tilespmem:$0x1E400] =	vst v63  }
0x61: {  	_ =	swait.ge [sflag:s28], $0x4000  }
0x62: {  	[sflag:s28] =	ssyncset.done $0x0  }
0x63: {  	s11 =	sadd.s32 $0x1400, s7;
	[sflag:s28] =	ssyncadd.s32 $0xFFFFC000  }
0x64: {  	[spmem:s2] =	stream.indirect.scatter.add.f32 [tilespmem:s25], [sflag:$0x3], $0x80, s11, s24, $0xb8;
	[tilespmem:$0x1E400] =	vst v63  }
0x65: {  	_ =	swait.ge [sflag:s18], $0x4000  }
0x66: {  	[sflag:s18] =	ssyncset.done $0x0  }
0x67: {  	s8 =	sadd.s32 $0x100, s7;
	[sflag:s18] =	ssyncadd.s32 $0xFFFFC000  }
0x68: {  	[tilespmem:s25], [sflag:$0x1] =	stream.indirect.gather [hbm4b:s4+s24], $0x80, s8, s24, $0xb8;
	[tilespmem:$0x1E400] =	vst v63  }
0x69: {  	_ =	swait.ge [sflag:s29], $0x4000  }
0x6a: {  	[sflag:s29] =	ssyncset.done $0x0  }
0x6b: {  	s9 =	sadd.s32 $0x1480, s7;
	[sflag:s29] =	ssyncadd.s32 $0xFFFFC000  }
0x6c: {  	[spmem:s2] =	stream.indirect.scatter.add.f32 [tilespmem:s26], [sflag:$0x3], $0x80, s9, s24, $0xb8;
	[tilespmem:$0x1E400] =	vst v63  }
0x6d: {  	_ =	swait.ge [sflag:s18], $0x4000  }
0x6e: {  	[sflag:s18] =	ssyncset.done $0x0  }
0x6f: {  	[sflag:s18] =	ssyncadd.s32 $0xFFFFC000  }
0x70: {  	[tilespmem:s26], [sflag:$0x2] =	stream.indirect.gather [hbm4b:s4+s24], $0x80, s30, s24, $0xb8;
	[tilespmem:$0x1E400] =	vst v63  }
0x71: {  	_ =	swait.ge [sflag:s28], $0x4000  }
0x72: {  	[sflag:s28] =	ssyncset.done $0x0  }
0x73: {  	[sflag:s28] =	ssyncadd.s32 $0xFFFFC000  }
0x74: {  	[spmem:s2] =	stream.indirect.scatter.add.f32 [tilespmem:s25], [sflag:$0x3], $0x80, s31, s24, $0xb8;
	[tilespmem:$0x1E400] =	vst v63  }
0x75: {  	_ =	swait.ge [sflag:s18], $0x4000  }
0x76: {  	[sflag:s18] =	ssyncset.done $0x0  }
0x77: {  	[sflag:s18] =	ssyncadd.s32 $0xFFFFC000  }
0x78: {  	_ =	swait.ge [sflag:s29], $0x4000  }
0x79: {  	[sflag:s29] =	ssyncset.done $0x0  }
0x7a: {  	[sflag:s29] =	ssyncadd.s32 $0xFFFFC000  }
0x7b: {  	[spmem:s2] =	stream.indirect.scatter.add.f32 [tilespmem:s26], [sflag:$0x3], $0x80, s0, s24, $0xb8;
	[tilespmem:$0x1E400] =	vst v63  }
0x7c: {  	_ =	swait.ge [sflag:s18], $0x4000  }
0x7d: {  	[sflag:s18] =	ssyncset.done $0x0  }
0x7e: {  	s11 =	simm.s32 $0x0;
	[sflag:s18] =	ssyncadd.s32 $0xFFFFC000  }
0x7f: {  	[tilespmem:s11], [sflag:$0x3] =	stream.linear.gather [hbm4b:s16+s11], $0x1400, $0x38;
	[tilespmem:$0x1E400] =	vst v63  }
0x80: {  	_ =	swait.ge [sflag:s18], $0x1400  }
0x81: {  	[sflag:s18] =	ssyncset.done $0x0  }
0x82: {  	[sflag:s18] =	ssyncadd.s32 $0xFFFFEC00  }
0x83: {  	[tilespmem:s23], [sflag:$0x3] =	stream.linear.gather [hbm4b:s17+s11], $0x1400, $0x38;
	[tilespmem:$0x1E400] =	vst v63  }
0x84: {  	_ =	swait.ge [sflag:s18], $0x1400  }
0x85: {  	[sflag:s18] =	ssyncset.done $0x0  }
0x86: {  	[sflag:s18] =	ssyncadd.s32 $0xFFFFEC00  }
0x87: {  	[tilespmem:s25], [sflag:$0x1] =	stream.indirect.gather [hbm4b:s4+s24], $0x80, s11, s24, $0xb8;
	[tilespmem:$0x1E400] =	vst v63  }
0x88: {  	s7 =	simm.s32 $0x80  }
0x89: {  	[tilespmem:s26], [sflag:$0x2] =	stream.indirect.gather [hbm4b:s4+s24], $0x80, s7, s24, $0xb8;
	[tilespmem:$0x1E400] =	vst v63  }
0x8a: {  	_ =	swait.ge [sflag:s28], $0x4000  }
0x8b: {  	[sflag:s28] =	ssyncset.done $0x0  }
0x8c: {  	s8 =	simm.s32 $0x1400;
	[sflag:s28] =	ssyncadd.s32 $0xFFFFC000  }
0x8d: {  	[spmem:s2] =	stream.indirect.scatter.add.f32 [tilespmem:s25], [sflag:$0x3], $0x80, s8, s24, $0xb8;
	[tilespmem:$0x1E400] =	vst v63  }
0x8e: {  	_ =	swait.ge [sflag:s18], $0x4000  }
0x8f: {  	[sflag:s18] =	ssyncset.done $0x0  }
0x90: {  	s9 =	simm.s32 $0x100;
	[sflag:s18] =	ssyncadd.s32 $0xFFFFC000  }
0x91: {  	[tilespmem:s25], [sflag:$0x1] =	stream.indirect.gather [hbm4b:s4+s24], $0x80, s9, s24, $0xb8;
	[tilespmem:$0x1E400] =	vst v63  }
0x92: {  	_ =	swait.ge [sflag:s29], $0x4000  }
0x93: {  	[sflag:s29] =	ssyncset.done $0x0  }
0x94: {  	s11 =	simm.s32 $0x1480;
	[sflag:s29] =	ssyncadd.s32 $0xFFFFC000  }
0x95: {  	[spmem:s2] =	stream.indirect.scatter.add.f32 [tilespmem:s26], [sflag:$0x3], $0x80, s11, s24, $0xb8;
	[tilespmem:$0x1E400] =	vst v63  }
0x96: {  	_ =	swait.ge [sflag:s18], $0x4000  }
0x97: {  	s7 =	simm.s32 $0x100;
	s8 =	simm.s32 $0x800;
	[sflag:s18] =	ssyncset.done $0x0  }
.LBB2_4:
0x98: {  	s5 =	sadd.s32 $0x80, s7  }
0x99: {  	[sflag:s18] =	ssyncadd.s32 $0xFFFFC000;
	s9 =	smov.u32 s8;
	s11 =	sadd.s32 $0x400, s8  }
0x9a: {  	[tilespmem:s26], [sflag:$0x2] =	stream.indirect.gather [hbm4b:s4+s24], $0x80, s5, s24, $0xb8;
	[tilespmem:$0x1E400] =	vst v63  }
0x9b: {  	p0 =	sne.s32 s8, $0x4800;
	_ =	swait.ge [sflag:s28], $0x4000  }
0x9c: {  	[sflag:s28] =	ssyncset.done $0x0  }
0x9d: {  	s5 =	sadd.s32 $0x1400, s7;
	[sflag:s28] =	ssyncadd.s32 $0xFFFFC000  }
0x9e: {  	[spmem:s2] =	stream.indirect.scatter.add.f32 [tilespmem:s25], [sflag:$0x3], $0x80, s5, s24, $0xb8;
	[tilespmem:$0x1E400] =	vst v63  }
0x9f: {  	_ =	swait.ge [sflag:s18], $0x4000  }
0xa0: {  	[sflag:s18] =	ssyncset.done $0x0  }
0xa1: {  	s5 =	sadd.s32 $0x100, s7;
	[sflag:s18] =	ssyncadd.s32 $0xFFFFC000  }
0xa2: {  	[tilespmem:s25], [sflag:$0x1] =	stream.indirect.gather [hbm4b:s4+s24], $0x80, s5, s24, $0xb8;
	[tilespmem:$0x1E400] =	vst v63  }
0xa3: {  	_ =	swait.ge [sflag:s29], $0x4000  }
.Ltmp1:
0xa4: {  	[sflag:s29] =	ssyncset.done $0x0;
	(pc) =	sbr.rel @p0 .LBB2_4-.Ltmp1, $4  }
0xa5: {  	s5 =	sadd.s32 $0x1480, s7;
	[sflag:s29] =	ssyncadd.s32 $0xFFFFC000  }
0xa6: {  	[spmem:s2] =	stream.indirect.scatter.add.f32 [tilespmem:s26], [sflag:$0x3], $0x80, s5, s24, $0xb8;
	[tilespmem:$0x1E400] =	vst v63  }
0xa7: {  	_ =	swait.ge [sflag:s18], $0x4000  }
0xa8: {  	s8 =	smov.u32 s11;
	s7 =	sshra.s32 s9, $0x2;
	[sflag:s18] =	ssyncset.done $0x0  }
0xa9: {  	s5 =	sadd.s32 $0x80, s7;
	[sflag:s18] =	ssyncadd.s32 $0xFFFFC000  }
0xaa: {  	[tilespmem:s26], [sflag:$0x2] =	stream.indirect.gather [hbm4b:s4+s24], $0x80, s5, s24, $0xb8;
	[tilespmem:$0x1E400] =	vst v63  }
0xab: {  	_ =	swait.ge [sflag:s28], $0x4000  }
0xac: {  	[sflag:s28] =	ssyncset.done $0x0  }
0xad: {  	s9 =	sadd.s32 $0x1400, s7;
	[sflag:s28] =	ssyncadd.s32 $0xFFFFC000  }
0xae: {  	[spmem:s2] =	stream.indirect.scatter.add.f32 [tilespmem:s25], [sflag:$0x3], $0x80, s9, s24, $0xb8;
	[tilespmem:$0x1E400] =	vst v63  }
0xaf: {  	_ =	swait.ge [sflag:s18], $0x4000  }
0xb0: {  	[sflag:s18] =	ssyncset.done $0x0  }
0xb1: {  	s11 =	sadd.s32 $0x100, s7;
	[sflag:s18] =	ssyncadd.s32 $0xFFFFC000  }
0xb2: {  	[tilespmem:s25], [sflag:$0x1] =	stream.indirect.gather [hbm4b:s4+s24], $0x80, s11, s24, $0xb8;
	[tilespmem:$0x1E400] =	vst v63  }
0xb3: {  	_ =	swait.ge [sflag:s29], $0x4000  }
0xb4: {  	[sflag:s29] =	ssyncset.done $0x0  }
0xb5: {  	s8 =	sadd.s32 $0x1480, s7;
	[sflag:s29] =	ssyncadd.s32 $0xFFFFC000  }
0xb6: {  	[spmem:s2] =	stream.indirect.scatter.add.f32 [tilespmem:s26], [sflag:$0x3], $0x80, s8, s24, $0xb8;
	[tilespmem:$0x1E400] =	vst v63  }
0xb7: {  	_ =	swait.ge [sflag:s18], $0x4000  }
0xb8: {  	[sflag:s18] =	ssyncset.done $0x0  }
0xb9: {  	[sflag:s18] =	ssyncadd.s32 $0xFFFFC000  }
0xba: {  	[tilespmem:s26], [sflag:$0x2] =	stream.indirect.gather [hbm4b:s4+s24], $0x80, s30, s24, $0xb8;
	[tilespmem:$0x1E400] =	vst v63  }
0xbb: {  	_ =	swait.ge [sflag:s28], $0x4000  }
0xbc: {  	[sflag:s28] =	ssyncset.done $0x0  }
0xbd: {  	[sflag:s28] =	ssyncadd.s32 $0xFFFFC000  }
0xbe: {  	[spmem:s2] =	stream.indirect.scatter.add.f32 [tilespmem:s25], [sflag:$0x3], $0x80, s31, s24, $0xb8;
	[tilespmem:$0x1E400] =	vst v63  }
0xbf: {  	_ =	swait.ge [sflag:s18], $0x4000  }
0xc0: {  	[sflag:s18] =	ssyncset.done $0x0  }
0xc1: {  	[sflag:s18] =	ssyncadd.s32 $0xFFFFC000  }
0xc2: {  	_ =	swait.ge [sflag:s29], $0x4000  }
0xc3: {  	[sflag:s29] =	ssyncset.done $0x0  }
0xc4: {  	[sflag:s29] =	ssyncadd.s32 $0xFFFFC000  }
0xc5: {  	[spmem:s2] =	stream.indirect.scatter.add.f32 [tilespmem:s26], [sflag:$0x3], $0x80, s0, s24, $0xb8;
	[tilespmem:$0x1E400] =	vst v63  }
0xc6: {  	_ =	swait.ge [sflag:s18], $0x4000  }
0xc7: {  	[sflag:s18] =	ssyncset.done $0x0  }
0xc8: {  	[sflag:s18] =	ssyncadd.s32 $0xFFFFC000  }
0xc9: {  	[bflag:$0x0] =	sbarrier.arrive $0xFFFF  }
0xca: {  	s9 =	rddreg [dreg:$0x5]  }
0xcb: {  	[hbm:s9], [sflag:s10] =	dma.local [spmem:s6], $0x2780  }
0xcc: {  	_ =	swait.ge [sflag:s18], $0x2780  }
0xcd: {  	s1 =	sadd.s32 $0x1, s1;
	s11 =	rddreg [dreg:$0x6]  }
0xce: {  	p0 =	sne.s32 s1, s11  }
.Ltmp2:
0xcf: {  	_ = 	snop;
	(pc) =	sbr.rel @p0 .LBB2_1-.Ltmp2, $3  }
0xd0: {  	_ =	sdelay $0x1  }
0xd1: {  	[sflag:s18] =	ssyncset.done $0x0  }
0xd2: {  	[sflag:s18] =	ssyncadd.s32 $0xFFFFD880  }
0xd3: {  	_ =	sfence.sel $0x180000  }
0xd4: {  	[bflag:$0x0] =	sbarrier.arrive $0xFFFF  }
0xd5: {  	_ =	strace $0x9000004D  }
0xd6: {  	s0 =	stileid.u32;
	[bflag:$0x2] =	sbarrier.arrive $0xFFFF  }
0xd7: {  	p0 =	sne.s32 s0, $0x0;
	s0 =	rddreg [dreg:$0x2]  }
0xd8: {  	s0 =	sadd.s32 @!p0 $0x100000, s0  }
0xd9: {  	[sflag:s0] =	ssyncadd.tile.s32 @!p0 $0x1;
	_ =	shalt  }
.Lfunc_end2:
_tile_overlayer_lowered:
.L_overlay_start_2:
0xda: {  	(tag) =	ssettag $0x2  }
0xdb: {  	s0 =	rddreg [dreg:$0x0];
	s2 =	stileid.u32  }
0xdc: {  	s1 =	rddreg [dreg:$0x1];
	p0 =	sne.s32 s2, $0x0  }
0xdd: {  	s3 =	rddreg [dreg:$0x2];
	[bflag:$0x3] =	sbarrier.arrive $0xFFFF;
	s2 =	simm.s32 @!p0 $0x1C03  }
0xde: {  	[timem:s3], [sflag:s2] =	dma.local @!p0 [hbm:s0], s1  }
0xdf: {  	s0 =	simm.s32 @!p0 $0x3  }
0xe0: {  	_ =	swait.ge @!p0 [sflag:s0], s1  }
0xe1: {  	s1 =	ssub.s32 @!p0 $0x0, s1;
	[sflag:s0] =	ssyncset.done @!p0 $0x0  }
0xe2: {  	[sflag:s0] =	ssyncadd.s32 @!p0 s1  }
0xe3: {  	[bflag:$0x3] =	sbarrier.arrive $0xFFFF  }
0xe4: {  	_ =	shalt  }

// kernel: kernel.11.cloned.1.call-start
scs
__scs_entry_jumppad:
0x0: {  	(pc) =	sbr.rel $0x88, $3  }
0x1: {  	(tag) =	ssettag $0x0;
	lr =	simm.s32 $0x1  }
0x2: {  	[smem:$0x3F8F] =	sst lr;
	_ =	strace $0xD0000000  }
0x3: {  	_ = 	snop  }
0x4: {  	_ = 	snop  }
0x5: {  	_ = 	snop  }
0x6: {  	_ = 	snop  }
0x7: {  	_ = 	snop  }
__scs_overlays_trampoline_lowered:
0x8: {  	[smem:$0x3F9E] =	sst s0  }
0x9: {  	[smem:$0x3F9F] =	sst s1  }
0xa: {  	[smem:$0x3FA0] =	sst s2  }
0xb: {  	[smem:$0x3FA1] =	sst s3  }
0xc: {  	[smem:$0x3FA2] =	sst s4  }
0xd: {  	[smem:$0x3FA3] =	sst s5  }
0xe: {  	[smem:$0x3FA4] =	sst s6  }
0xf: {  	[smem:$0x3FA5] =	sst s7  }
0x10: {  	[smem:$0x3FA6] =	sst s8  }
0x11: {  	[smem:$0x3FA7] =	sst s9;
	s0 =	simm.s32 @!p0 $0x0  }
0x12: {  	s1 =	sld [smem:$0x3F8D];
	s0 =	simm.s32 @p0 $0x1  }
0x13: {  	[smem:$0x3FA8] =	sst s0;
	s0 =	simm.s32 @!p1 $0x0  }
0x14: {  	s2 =	sld [smem:$0x3F8C];
	s0 =	simm.s32 @p1 $0x1  }
0x15: {  	[smem:$0x3FA9] =	sst s0;
	s0 =	simm.s32 @!p2 $0x0  }
0x16: {  	s3 =	sld [smem:$0x3FDB];
	s0 =	simm.s32 @p2 $0x1  }
0x17: {  	s4 =	simm.s32 $0x1BF5;
	[smem:$0x3FAB] =	sst s0  }
0x18: {  	s0 =	sld [smem:$0x3F8E];
	_ =	swait.ge [sflag:s4], $0x0  }
0x19: {  	s7 =	sld [smem:$0x3F8F]  }
0x1a: {  	s8 =	sadd.s32 $0xFFFFE003, lr  }
0x1b: {  	s9 =	sadd.s32 $0xFFFFFEF7, lr;
	s5 =	simm.s32 $0xFFFFFFFF;
	p2 =	slt.u32 s8, $0xFFFFF086  }
0x1c: {  	p1 =	slt.u32 s9, $0xF7A;
	s5 =	simm.s32 @!p2 $0x0  }
0x1d: {  	s5 =	simm.s32 @p1 $0x1;
	p0 =	seq.s32 s7, s2  }
0x1e: {  	s7 =	smul.u32 @!p0 $0xF7A, s2;
	p2 =	seq.s32 @!p0 s5, $0x0  }
0x1f: {  	s9 =	smul.u32 $0xF7A, s1;
	s8 =	simm.s32 @!p0 $0x1BF5;
	p2 =	por !p2, p0  }
0x20: {  	[sflag:s8] =	ssyncset.s32 @!p0 $0xFFFFF086;
	s6 =	sadd.s32 @!p0 s3, s7;
	s7 =	simm.s32 @!p0 $0x108  }
0x21: {  	s3 =	sadd.s32 s3, s9;
	s6 =	sadd.s32 @!p0 $0x88, s6;
	s7 =	simm.s32 @p2 $0x1082  }
0x22: {  	[simem:s7], [sflag:s8] =	dma.local @!p0 [hbm:s6], $0xF7A  }
0x23: {  	s9 =	sor.u32 $0xD0000000, s2;
	s6 =	simm.s32 $0x108;
	_ =	swait.ge @!p0 [sflag:s8], $0x0  }
0x24: {  	s3 =	sadd.s32 $0x88, s3;
	s6 =	simm.s32 @!p1 $0x1082;
	[sflag:s4] =	ssyncset.s32 $0xFFFFF086  }
0x25: {  	[simem:s6], [sflag:s4] =	dma.local [hbm:s3], $0xF7A  }
0x26: {  	[smem:$0x3F8F] =	sst s1;
	(tag) =	ssettag s2;
	_ =	strace s9  }
0x27: {  	s1 =	sld [smem:$0x3F9F]  }
0x28: {  	s2 =	sld [smem:$0x3FA0]  }
0x29: {  	s4 =	sld [smem:$0x3FA2]  }
0x2a: {  	p0 =	seq.s32 s5, $0x0;
	s5 =	sld [smem:$0x3FA3]  }
0x2b: {  	s6 =	sld [smem:$0x3FA4]  }
0x2c: {  	s7 =	sld [smem:$0x3FA5]  }
0x2d: {  	s3 =	simm.s32 $0x108;
	s8 =	sld [smem:$0x3FA6]  }
0x2e: {  	s3 =	simm.s32 @!p0 $0x1082;
	s9 =	sld [smem:$0x3FA7]  }
0x2f: {  	lr =	sadd.s32 s0, s3;
	s0 =	sld [smem:$0x3F9E]  }
0x30: {  	s3 =	sld [smem:$0x3FA1]  }
0x31: {  	[smem:$0x3FAA] =	sst s10  }
0x32: {  	s10 =	sld [smem:$0x3FA8];
	_ =	sdelay $0x3  }
0x33: {  	p0 =	seq.s32 s10, $0x1;
	s10 =	sld [smem:$0x3FAA];
	_ =	sdelay $0x3  }
0x34: {  	[smem:$0x3FAA] =	sst s10  }
0x35: {  	s10 =	sld [smem:$0x3FA9];
	_ =	sdelay $0x3  }
0x36: {  	p1 =	seq.s32 s10, $0x1;
	s10 =	sld [smem:$0x3FAA];
	_ =	sdelay $0x3  }
0x37: {  	[smem:$0x3FAA] =	sst s10  }
0x38: {  	s10 =	sld [smem:$0x3FAB]  }
0x39: {  	_ = 	snop;
	(pc) =	sbr.ind lr, $3  }
0x3a: {  	_ = 	snop  }
0x3b: {  	_ = 	snop  }
0x3c: {  	p2 =	seq.s32 s10, $0x1;
	s10 =	sld [smem:$0x3FAA]  }
0x3d: {  	_ =	shalt  }
0x3e: {  	_ =	shalt  }
0x3f: {  	_ =	shalt  }
0x40: {  	_ =	shalt  }
0x41: {  	_ =	shalt  }
0x42: {  	_ =	shalt  }
0x43: {  	_ =	shalt  }
0x44: {  	_ =	shalt  }
0x45: {  	_ =	shalt  }
0x46: {  	_ =	shalt  }
0x47: {  	_ =	shalt  }
0x48: {  	_ =	shalt  }
0x49: {  	_ =	shalt  }
0x4a: {  	_ =	shalt  }
0x4b: {  	_ =	shalt  }
0x4c: {  	_ =	shalt  }
0x4d: {  	_ =	shalt  }
0x4e: {  	_ =	shalt  }
0x4f: {  	_ =	shalt  }
0x50: {  	_ =	shalt  }
0x51: {  	_ =	shalt  }
0x52: {  	_ =	shalt  }
0x53: {  	_ =	shalt  }
0x54: {  	_ =	shalt  }
0x55: {  	_ =	shalt  }
0x56: {  	_ =	shalt  }
0x57: {  	_ =	shalt  }
0x58: {  	_ =	shalt  }
0x59: {  	_ =	shalt  }
0x5a: {  	_ =	shalt  }
0x5b: {  	_ =	shalt  }
0x5c: {  	_ =	shalt  }
0x5d: {  	_ =	shalt  }
0x5e: {  	_ =	shalt  }
0x5f: {  	_ =	shalt  }
0x60: {  	_ =	shalt  }
0x61: {  	_ =	shalt  }
0x62: {  	_ =	shalt  }
0x63: {  	_ =	shalt  }
0x64: {  	_ =	shalt  }
0x65: {  	_ =	shalt  }
0x66: {  	_ =	shalt  }
0x67: {  	_ =	shalt  }
0x68: {  	_ =	shalt  }
0x69: {  	_ =	shalt  }
0x6a: {  	_ =	shalt  }
0x6b: {  	_ =	shalt  }
0x6c: {  	_ =	shalt  }
0x6d: {  	_ =	shalt  }
0x6e: {  	_ =	shalt  }
0x6f: {  	_ =	shalt  }
0x70: {  	_ =	shalt  }
0x71: {  	_ =	shalt  }
0x72: {  	_ =	shalt  }
0x73: {  	_ =	shalt  }
0x74: {  	_ =	shalt  }
0x75: {  	_ =	shalt  }
0x76: {  	_ =	shalt  }
0x77: {  	_ =	shalt  }
0x78: {  	_ =	shalt  }
0x79: {  	_ =	shalt  }
0x7a: {  	_ =	shalt  }
0x7b: {  	_ =	shalt  }
0x7c: {  	_ =	shalt  }
0x7d: {  	_ =	shalt  }
0x7e: {  	_ =	shalt  }
0x7f: {  	_ =	shalt  }
0x80: {  	_ =	shalt  }
0x81: {  	_ =	shalt  }
0x82: {  	_ =	shalt  }
0x83: {  	_ =	shalt  }
0x84: {  	_ =	shalt  }
0x85: {  	_ =	shalt  }
0x86: {  	_ =	shalt  }
0x87: {  	_ =	shalt  }
.Lfunc_end0:
.L_simem_size_0:
called_computation.3_lowered:
.L_overlay_start_0:
0x88: {  	s2 =	sld [smem:$0x3FD9]  }
0x89: {  	s3 =	sld [smem:$0x3FFE];
	_ =	sdelay $0x1  }
0x8a: {  	s1 =	srdreg.scid  }
0x8b: {  	s0 =	sand.u32 $0x1, s1  }
0x8c: {  	s14 =	sshll.u32 s0, $0xA;
	s2 =	sadd.s32 s3, s2  }
0x8d: {  	s2 =	sadd.s32 s2, s14  }
0x8e: {  	[smem:$0x3FB6] =	sst s2  }
0x8f: {  	_ = 	snop  }
0x90: {  	s2 =	sld [smem:$0x3FD0];
	_ =	sdelay $0x2  }
0x91: {  	s15 =	simm.s32 $0xA;
	s4 =	simm.s32 $0x10  }
0x92: {  	[smem:s4], [sflag:s15] =	dma.local [hbm:s2], $0x1  }
0x93: {  	_ =	swait.eq [sflag:s15], $0x1  }
0x94: {  	[sflag:s15] =	ssyncset.done $0x0  }
0x95: {  	[sflag:s15] =	ssyncadd.s32 $0xFFFFFFFF  }
0x96: {  	s16 =	sld [smem:$0x11];
	(tm) =	ssettm $0x1  }
0x97: {  	s17 =	sld [smem:$0x3FFB];
	_ =	sdelay $0x3  }
0x98: {  	_ =	strace s17  }
0x99: {  	s3 =	sld [smem:$0x3FFC];
	_ =	sdelay $0x3  }
0x9a: {  	_ =	strace s3  }
0x9b: {  	s3 =	sld [smem:$0x3FFD];
	_ =	sdelay $0x3  }
0x9c: {  	_ =	strace s3  }
0x9d: {  	_ =	strace $0x8FFFFFFF  }
0x9e: {  	s18 =	sld [smem:$0x3FDB];
	_ =	sdelay $0x1  }
0x9f: {  	s19 =	simm.s32 $_scs_section_size  }
0xa0: {  	s5 =	simm.s32 $_size__tile_overlayer_lowered;
	s6 =	simm.s32 $_tile_overlayer_lowered  }
0xa1: {  	s22 =	simm.s32 $0x1BFF;
	s21 =	sshll.u32 s6, $0x1;
	s3 =	sadd.s32 s19, s18  }
0xa2: {  	s7 =	simm.s32 $0x0;
	s20 =	sshll.u32 s5, $0x1;
	s5 =	sadd.s32 s21, s3  }
0xa3: {  	[timem:s7], [sflag:s22] =	dma.local [hbm:s5], s20  }
0xa4: {  	_ =	swait.ge [sflag:s22], s20  }
0xa5: {  	s4 =	ssub.s32 $0x0, s20;
	[sflag:s22] =	ssyncset.done $0x0  }
0xa6: {  	[sflag:s22] =	ssyncadd.s32 s4;
	_ =	sdelay $0x1  }
0xa7: {  	s23 =	simm.s32 $0x1B8B  }
0xa8: {  	_ =	swait.ge [sflag:s23], $0x1  }
0xa9: {  	[sflag:s23] =	ssyncset.done $0x0  }
0xaa: {  	s25 =	simm.s32 $0x1B8E;
	s24 =	sld [smem:$0x3FFE];
	[sflag:s23] =	ssyncadd.s32 $0xFFFFFFFF  }
0xab: {  	s26 =	simm.s32 $execute0_lowered;
	[smem:$0x3FD2] =	sst s25  }
0xac: {  	s5 =	sshll.u32 s26, $0x1;
	_ =	strace $0x8000004F;
	[dreg:$0x1] =	wrdreg $0xFFFFFFFF  }
0xad: {  	s28 =	simm.s32 $_size_execute0_lowered;
	s3 =	sadd.s32 s3, s5;
	[dreg:$0x0] =	wrdreg $0x0  }
0xae: {  	s5 =	sshll.u32 s28, $0x1;
	[dreg:$0x2] =	wrdreg s3  }
0xaf: {  	[dreg:$0x3] =	wrdreg s5  }
0xb0: {  	[dreg:$0x4] =	wrdreg $0xC0  }
0xb1: {  	_ =	task [dreg:s7], $0x5FFFF  }
0xb2: {  	[dreg:$0x1] =	wrdreg $0xFFFFFFFF  }
0xb3: {  	[dreg:$0x0] =	wrdreg $0x60  }
0xb4: {  	[dreg:$0x2] =	wrdreg s24  }
0xb5: {  	[dreg:$0x3] =	wrdreg s16  }
0xb6: {  	[dreg:$0x4] =	wrdreg $0x9  }
0xb7: {  	_ =	task.clear_ibuf [dreg:s7], $0x5FFFF;
	_ =	strace $0x9000004F  }
0xb8: {  	s29 =	simm.s32 $0x9;
	_ =	strace $0x80000051  }
0xb9: {  	_ =	swait.ge [sflag:s29], $0x1  }
0xba: {  	[sflag:s29] =	ssyncadd.s32 $0xFFFFFFFF  }
0xbb: {  	_ =	strace $0x90000051  }
0xbc: {  	_ =	sfence  }
0xbd: {  	s30 =	sld [smem:$0x0];
	_ =	sdelay $0x2  }
0xbe: {  	s31 =	sshll.u32 s1, $0xD;
	s1 =	sshrl.u32 s1, $0x2  }
0xbf: {  	s3 =	sand.u32 $0x4000, s31;
	s1 =	sadd.s32 s1, s30  }
0xc0: {  	s0 =	sor.u32 s3, s0;
	s1 =	sshll.u32 s1, $0x11  }
0xc1: {  	s0 =	sor.u32 s1, s0  }
0xc2: {  	s0 =	sadd.s32 $0x8F2B, s0  }
0xc3: {  	[sflag:s0] =	ssyncadd.remote.s32 $0x1  }
0xc4: {  	_ =	sfence.sel $0xFFFF  }
0xc5: {  	[dreg:$0x0] =	wrdreg $0xFFFFFFFF;
	(pc) =	sbr.abs _section_cstart, $3  }
0xc6: {  	[dreg:$0x1] =	wrdreg $0xFFFFFFFF  }
0xc7: {  	_ =	task.clear_ibuf [dreg:s7], $0x2FFFF;
	_ =	strace $0x9FFFFFFF  }
0xc8: {  	(tm) =	ssettm $0x7FFFFFFF  }
0xc9: {  	_ =	shalt  }
tec
execute0_lowered:
.L_overlay_start_1:
0x0: {  	(tag) =	ssettag $0x1  }
0x1: {  	s1 =	srdreg.scid;
	s0 =	stileid.u32  }
0x2: {  	s4 =	sand.u32 $0x1, s1;
	s30 =	sshll.u32 s0, $0x1  }
0x3: {  	s3 =	rddreg [dreg:$0x0];
	s6 =	sor.u32 s4, s30  }
0x4: {  	s5 =	rddreg [dreg:$0x1];
	s2 =	simm.s32 $0x0;
	s7 =	smul.u32 $0x1400, s6  }
0x5: {  	s10 =	simm.s32 $0x0;
	s4 =	ssub.s32 $0x2, s4;
	s8 =	smul.u32 $0x1100, s6  }
0x6: {  	[smem:$0x7FF] =	sst s2;
	s6 =	smul.u32 $0x28, s6;
	s31 =	sshrl.u32 s4, $0x1  }
0x7: {  	s1 =	rddreg [dreg:$0x2];
	_ =	strace $0x80000050;
	s9 =	ssub.s32 s4, s31  }
0x8: {  	s7 =	sadd.s32 s7, s3;
	s8 =	sadd.s32 s8, s3;
	s4 =	sadd.s32 s5, s6  }
0x9: {  	s6 =	smax.u32 s9, $0x1;
	s9 =	simm.s32 $0xA180;
	s3 =	sadd.s32 $0x4A00, s7  }
0xa: {  	v0 =	vimm.f32 $-Inf;
	s5 =	sadd.s32 $0x2CA00, s8;
	s7 =	simm.s32 $0x1;
	s8 =	simm.s32 $0xA000  }
.LBB2_1:
0xb: {  	[tilespmem:s2], [sflag:$0x1] =	stream.linear.gather [hbm4b:s3+s2], $0xA000, $0x38;
	[tilespmem:$0x12980] =	vst v63  }
0xc: {  	_ =	swait.ge [sflag:s7], $0xA000  }
0xd: {  	[sflag:s7] =	ssyncset.done $0x0  }
0xe: {  	[sflag:s7] =	ssyncadd.s32 $0xFFFF6000  }
0xf: {  	[tilespmem:s8], [sflag:$0x1] =	stream.linear.gather [hbm4b:s4+s2], $0x140, $0x38;
	[tilespmem:$0x12980] =	vst v63  }
0x10: {  	_ =	swait.ge [sflag:s7], $0x140  }
0x11: {  	[sflag:s7] =	ssyncset.done $0x0  }
0x12: {  	s11 =	simm.s32 $0x0;
	s12 =	simm.s32 $0x0;
	[sflag:s7] =	ssyncadd.s32 $0xFFFFFEC0  }
.LBB2_2:
0x13: {  	p0 =	sne.s32 s12, $0x21FC0  }
.Ltmp0:
0x14: {  	_ = 	snop;
	(pc) =	sbr.rel @p0 .LBB2_2-.Ltmp0, $4  }
0x15: {  	s13 =	sand.u32 $0x3FE00, s12  }
0x16: {  	s14 =	sand.u32 $0x70, s11;
	s13 =	sshrl.u32 s13, $0x2  }
0x17: {  	s13 =	sor.u32 s14, s13  }
0x18: {  	s11 =	sadd.s32 $0x10, s11;
	s12 =	sadd.s32 $0x40, s12;
	[tilespmem:s13+$0xA180] =	vst v0  }
0x19: {  	s11 =	simm.s32 $0x0;
	s12 =	simm.s32 $0x400  }
.LBB2_4:
0x1a: {  	s13 =	sshra.s32 s11, $0x2  }
0x1b: {  	v1 =	vld [tilespmem:s13+$0xA000];
	_ =	sdelay $0x4  }
0x1c: {  	v1 =	vshll.u32 v1, $0x9  }
0x1d: {  	v1 =	vshra.s32 v1, $0x2  }
0x1e: {  	(v2sf) =	vpush v1, $0x0;
	_ =	sdelay $0xe  }
0x1f: {  	v3 =	vld [tilespmem:s12+$0xFFFFFC00];
	s15 =	spop (v2sf)  }
0x20: {  	v2 =	vld [tilespmem:s15+$0xA180];
	_ =	sdelay $0x4  }
0x21: {  	v2 =	vmax.f32 v2, v3  }
0x22: {  	[tilespmem:s15+$0xA180] =	vst v2;
	v2 =	vld [tilespmem:s15+$0xA190]  }
0x23: {  	v3 =	vld [tilespmem:s12+$0xFFFFFC10];
	_ =	sdelay $0x4  }
0x24: {  	v2 =	vmax.f32 v2, v3  }
0x25: {  	[tilespmem:s15+$0xA190] =	vst v2;
	v2 =	vld [tilespmem:s15+$0xA1A0]  }
0x26: {  	v3 =	vld [tilespmem:s12+$0xFFFFFC20];
	_ =	sdelay $0x4  }
0x27: {  	v2 =	vmax.f32 v2, v3  }
0x28: {  	[tilespmem:s15+$0xA1A0] =	vst v2;
	v2 =	vld [tilespmem:s15+$0xA1B0]  }
0x29: {  	v3 =	vld [tilespmem:s12+$0xFFFFFC30];
	_ =	sdelay $0x4  }
0x2a: {  	v2 =	vmax.f32 v2, v3  }
0x2b: {  	[tilespmem:s15+$0xA1B0] =	vst v2;
	v2 =	vld [tilespmem:s15+$0xA1C0]  }
0x2c: {  	v3 =	vld [tilespmem:s12+$0xFFFFFC40];
	_ =	sdelay $0x4  }
0x2d: {  	v2 =	vmax.f32 v2, v3  }
0x2e: {  	[tilespmem:s15+$0xA1C0] =	vst v2;
	v2 =	vld [tilespmem:s15+$0xA1D0]  }
0x2f: {  	v3 =	vld [tilespmem:s12+$0xFFFFFC50];
	_ =	sdelay $0x4  }
0x30: {  	(v2sf) =	vpush v1, $0x1;
	v2 =	vmax.f32 v2, v3  }
0x31: {  	[tilespmem:s15+$0xA1D0] =	vst v2;
	v2 =	vld [tilespmem:s15+$0xA1E0]  }
0x32: {  	v3 =	vld [tilespmem:s12+$0xFFFFFC60];
	_ =	sdelay $0x4  }
0x33: {  	v2 =	vmax.f32 v2, v3  }
0x34: {  	[tilespmem:s15+$0xA1E0] =	vst v2;
	v2 =	vld [tilespmem:s15+$0xA1F0]  }
0x35: {  	v3 =	vld [tilespmem:s12+$0xFFFFFC70];
	_ =	sdelay $0x4  }
0x36: {  	v2 =	vmax.f32 v2, v3  }
0x37: {  	s16 =	spop (v2sf);
	[tilespmem:s15+$0xA1F0] =	vst v2  }
0x38: {  	v2 =	vld [tilespmem:s16+$0xA180]  }
0x39: {  	v3 =	vld [tilespmem:s12+$0xFFFFFC80];
	_ =	sdelay $0x4  }
0x3a: {  	v2 =	vmax.f32 v2, v3  }
0x3b: {  	[tilespmem:s16+$0xA180] =	vst v2;
	v2 =	vld [tilespmem:s16+$0xA190]  }
0x3c: {  	v3 =	vld [tilespmem:s12+$0xFFFFFC90];
	_ =	sdelay $0x4  }
0x3d: {  	v2 =	vmax.f32 v2, v3  }
0x3e: {  	[tilespmem:s16+$0xA190] =	vst v2;
	v2 =	vld [tilespmem:s16+$0xA1A0]  }
0x3f: {  	v3 =	vld [tilespmem:s12+$0xFFFFFCA0];
	_ =	sdelay $0x4  }
0x40: {  	v2 =	vmax.f32 v2, v3  }
0x41: {  	[tilespmem:s16+$0xA1A0] =	vst v2;
	v2 =	vld [tilespmem:s16+$0xA1B0]  }
0x42: {  	v3 =	vld [tilespmem:s12+$0xFFFFFCB0];
	_ =	sdelay $0x4  }
0x43: {  	v2 =	vmax.f32 v2, v3  }
0x44: {  	[tilespmem:s16+$0xA1B0] =	vst v2;
	v2 =	vld [tilespmem:s16+$0xA1C0]  }
0x45: {  	v3 =	vld [tilespmem:s12+$0xFFFFFCC0];
	_ =	sdelay $0x4  }
0x46: {  	v2 =	vmax.f32 v2, v3  }
0x47: {  	[tilespmem:s16+$0xA1C0] =	vst v2;
	v2 =	vld [tilespmem:s16+$0xA1D0]  }
0x48: {  	v3 =	vld [tilespmem:s12+$0xFFFFFCD0];
	_ =	sdelay $0x4  }
0x49: {  	(v2sf) =	vpush v1, $0x2;
	v2 =	vmax.f32 v2, v3  }
0x4a: {  	[tilespmem:s16+$0xA1D0] =	vst v2;
	v2 =	vld [tilespmem:s16+$0xA1E0]  }
0x4b: {  	v3 =	vld [tilespmem:s12+$0xFFFFFCE0];
	_ =	sdelay $0x4  }
0x4c: {  	v2 =	vmax.f32 v2, v3  }
0x4d: {  	[tilespmem:s16+$0xA1E0] =	vst v2;
	v2 =	vld [tilespmem:s16+$0xA1F0]  }
0x4e: {  	v3 =	vld [tilespmem:s12+$0xFFFFFCF0];
	_ =	sdelay $0x4  }
0x4f: {  	v2 =	vmax.f32 v2, v3  }
0x50: {  	s17 =	spop (v2sf);
	[tilespmem:s16+$0xA1F0] =	vst v2  }
0x51: {  	v2 =	vld [tilespmem:s17+$0xA180]  }
0x52: {  	v3 =	vld [tilespmem:s12+$0xFFFFFD00];
	_ =	sdelay $0x4  }
0x53: {  	v2 =	vmax.f32 v2, v3  }
0x54: {  	[tilespmem:s17+$0xA180] =	vst v2;
	v2 =	vld [tilespmem:s17+$0xA190]  }
0x55: {  	v3 =	vld [tilespmem:s12+$0xFFFFFD10];
	_ =	sdelay $0x4  }
0x56: {  	v2 =	vmax.f32 v2, v3  }
0x57: {  	[tilespmem:s17+$0xA190] =	vst v2;
	v2 =	vld [tilespmem:s17+$0xA1A0]  }
0x58: {  	v3 =	vld [tilespmem:s12+$0xFFFFFD20];
	_ =	sdelay $0x4  }
0x59: {  	v2 =	vmax.f32 v2, v3  }
0x5a: {  	[tilespmem:s17+$0xA1A0] =	vst v2;
	v2 =	vld [tilespmem:s17+$0xA1B0]  }
0x5b: {  	v3 =	vld [tilespmem:s12+$0xFFFFFD30];
	_ =	sdelay $0x4  }
0x5c: {  	v2 =	vmax.f32 v2, v3  }
0x5d: {  	[tilespmem:s17+$0xA1B0] =	vst v2;
	v2 =	vld [tilespmem:s17+$0xA1C0]  }
0x5e: {  	v3 =	vld [tilespmem:s12+$0xFFFFFD40];
	_ =	sdelay $0x4  }
0x5f: {  	v2 =	vmax.f32 v2, v3  }
0x60: {  	[tilespmem:s17+$0xA1C0] =	vst v2;
	v2 =	vld [tilespmem:s17+$0xA1D0]  }
0x61: {  	v3 =	vld [tilespmem:s12+$0xFFFFFD50];
	_ =	sdelay $0x4  }
0x62: {  	(v2sf) =	vpush v1, $0x3;
	v2 =	vmax.f32 v2, v3  }
0x63: {  	[tilespmem:s17+$0xA1D0] =	vst v2;
	v2 =	vld [tilespmem:s17+$0xA1E0]  }
0x64: {  	v3 =	vld [tilespmem:s12+$0xFFFFFD60];
	_ =	sdelay $0x4  }
0x65: {  	v2 =	vmax.f32 v2, v3  }
0x66: {  	[tilespmem:s17+$0xA1E0] =	vst v2;
	v2 =	vld [tilespmem:s17+$0xA1F0]  }
0x67: {  	v3 =	vld [tilespmem:s12+$0xFFFFFD70];
	_ =	sdelay $0x4  }
0x68: {  	v2 =	vmax.f32 v2, v3  }
0x69: {  	s18 =	spop (v2sf);
	[tilespmem:s17+$0xA1F0] =	vst v2  }
0x6a: {  	v2 =	vld [tilespmem:s18+$0xA180]  }
0x6b: {  	v3 =	vld [tilespmem:s12+$0xFFFFFD80];
	_ =	sdelay $0x4  }
0x6c: {  	v2 =	vmax.f32 v2, v3  }
0x6d: {  	[tilespmem:s18+$0xA180] =	vst v2;
	v2 =	vld [tilespmem:s18+$0xA190]  }
0x6e: {  	v3 =	vld [tilespmem:s12+$0xFFFFFD90];
	_ =	sdelay $0x4  }
0x6f: {  	v2 =	vmax.f32 v2, v3  }
0x70: {  	[tilespmem:s18+$0xA190] =	vst v2;
	v2 =	vld [tilespmem:s18+$0xA1A0]  }
0x71: {  	v3 =	vld [tilespmem:s12+$0xFFFFFDA0];
	_ =	sdelay $0x4  }
0x72: {  	v2 =	vmax.f32 v2, v3  }
0x73: {  	[tilespmem:s18+$0xA1A0] =	vst v2;
	v2 =	vld [tilespmem:s18+$0xA1B0]  }
0x74: {  	v3 =	vld [tilespmem:s12+$0xFFFFFDB0];
	_ =	sdelay $0x4  }
0x75: {  	v2 =	vmax.f32 v2, v3  }
0x76: {  	[tilespmem:s18+$0xA1B0] =	vst v2;
	v2 =	vld [tilespmem:s18+$0xA1C0]  }
0x77: {  	v3 =	vld [tilespmem:s12+$0xFFFFFDC0];
	_ =	sdelay $0x4  }
0x78: {  	v2 =	vmax.f32 v2, v3  }
0x79: {  	[tilespmem:s18+$0xA1C0] =	vst v2;
	v2 =	vld [tilespmem:s18+$0xA1D0]  }
0x7a: {  	v3 =	vld [tilespmem:s12+$0xFFFFFDD0];
	_ =	sdelay $0x4  }
0x7b: {  	(v2sf) =	vpush v1, $0x4;
	v2 =	vmax.f32 v2, v3  }
0x7c: {  	[tilespmem:s18+$0xA1D0] =	vst v2;
	v2 =	vld [tilespmem:s18+$0xA1E0]  }
0x7d: {  	v3 =	vld [tilespmem:s12+$0xFFFFFDE0];
	_ =	sdelay $0x4  }
0x7e: {  	v2 =	vmax.f32 v2, v3  }
0x7f: {  	[tilespmem:s18+$0xA1E0] =	vst v2;
	v2 =	vld [tilespmem:s18+$0xA1F0]  }
0x80: {  	v3 =	vld [tilespmem:s12+$0xFFFFFDF0];
	_ =	sdelay $0x4  }
0x81: {  	v2 =	vmax.f32 v2, v3  }
0x82: {  	s19 =	spop (v2sf);
	[tilespmem:s18+$0xA1F0] =	vst v2  }
0x83: {  	v2 =	vld [tilespmem:s19+$0xA180]  }
0x84: {  	v3 =	vld [tilespmem:s12+$0xFFFFFE00];
	_ =	sdelay $0x4  }
0x85: {  	v2 =	vmax.f32 v2, v3  }
0x86: {  	[tilespmem:s19+$0xA180] =	vst v2;
	v2 =	vld [tilespmem:s19+$0xA190]  }
0x87: {  	v3 =	vld [tilespmem:s12+$0xFFFFFE10];
	_ =	sdelay $0x4  }
0x88: {  	v2 =	vmax.f32 v2, v3  }
0x89: {  	[tilespmem:s19+$0xA190] =	vst v2;
	v2 =	vld [tilespmem:s19+$0xA1A0]  }
0x8a: {  	v3 =	vld [tilespmem:s12+$0xFFFFFE20];
	_ =	sdelay $0x4  }
0x8b: {  	v2 =	vmax.f32 v2, v3  }
0x8c: {  	[tilespmem:s19+$0xA1A0] =	vst v2;
	v2 =	vld [tilespmem:s19+$0xA1B0]  }
0x8d: {  	v3 =	vld [tilespmem:s12+$0xFFFFFE30];
	_ =	sdelay $0x4  }
0x8e: {  	v2 =	vmax.f32 v2, v3  }
0x8f: {  	[tilespmem:s19+$0xA1B0] =	vst v2;
	v2 =	vld [tilespmem:s19+$0xA1C0]  }
0x90: {  	v3 =	vld [tilespmem:s12+$0xFFFFFE40];
	_ =	sdelay $0x4  }
0x91: {  	v2 =	vmax.f32 v2, v3  }
0x92: {  	[tilespmem:s19+$0xA1C0] =	vst v2;
	v2 =	vld [tilespmem:s19+$0xA1D0]  }
0x93: {  	v3 =	vld [tilespmem:s12+$0xFFFFFE50];
	_ =	sdelay $0x4  }
0x94: {  	(v2sf) =	vpush v1, $0x5;
	v2 =	vmax.f32 v2, v3  }
0x95: {  	[tilespmem:s19+$0xA1D0] =	vst v2;
	v2 =	vld [tilespmem:s19+$0xA1E0]  }
0x96: {  	v3 =	vld [tilespmem:s12+$0xFFFFFE60];
	_ =	sdelay $0x4  }
0x97: {  	v2 =	vmax.f32 v2, v3  }
0x98: {  	[tilespmem:s19+$0xA1E0] =	vst v2;
	v2 =	vld [tilespmem:s19+$0xA1F0]  }
0x99: {  	v3 =	vld [tilespmem:s12+$0xFFFFFE70];
	_ =	sdelay $0x4  }
0x9a: {  	v2 =	vmax.f32 v2, v3  }
0x9b: {  	s20 =	spop (v2sf);
	[tilespmem:s19+$0xA1F0] =	vst v2  }
0x9c: {  	v2 =	vld [tilespmem:s20+$0xA180]  }
0x9d: {  	v3 =	vld [tilespmem:s12+$0xFFFFFE80];
	_ =	sdelay $0x4  }
0x9e: {  	v2 =	vmax.f32 v2, v3  }
0x9f: {  	[tilespmem:s20+$0xA180] =	vst v2;
	v2 =	vld [tilespmem:s20+$0xA190]  }
0xa0: {  	v3 =	vld [tilespmem:s12+$0xFFFFFE90];
	_ =	sdelay $0x4  }
0xa1: {  	v2 =	vmax.f32 v2, v3  }
0xa2: {  	[tilespmem:s20+$0xA190] =	vst v2;
	v2 =	vld [tilespmem:s20+$0xA1A0]  }
0xa3: {  	v3 =	vld [tilespmem:s12+$0xFFFFFEA0];
	_ =	sdelay $0x4  }
0xa4: {  	v2 =	vmax.f32 v2, v3  }
0xa5: {  	[tilespmem:s20+$0xA1A0] =	vst v2;
	v2 =	vld [tilespmem:s20+$0xA1B0]  }
0xa6: {  	v3 =	vld [tilespmem:s12+$0xFFFFFEB0];
	_ =	sdelay $0x4  }
0xa7: {  	v2 =	vmax.f32 v2, v3  }
0xa8: {  	[tilespmem:s20+$0xA1B0] =	vst v2;
	v2 =	vld [tilespmem:s20+$0xA1C0]  }
0xa9: {  	v3 =	vld [tilespmem:s12+$0xFFFFFEC0];
	_ =	sdelay $0x4  }
0xaa: {  	v2 =	vmax.f32 v2, v3  }
0xab: {  	[tilespmem:s20+$0xA1C0] =	vst v2;
	v2 =	vld [tilespmem:s20+$0xA1D0]  }
0xac: {  	v3 =	vld [tilespmem:s12+$0xFFFFFED0];
	_ =	sdelay $0x4  }
0xad: {  	(v2sf) =	vpush v1, $0x6;
	v2 =	vmax.f32 v2, v3  }
0xae: {  	[tilespmem:s20+$0xA1D0] =	vst v2;
	v2 =	vld [tilespmem:s20+$0xA1E0]  }
0xaf: {  	v3 =	vld [tilespmem:s12+$0xFFFFFEE0];
	_ =	sdelay $0x4  }
0xb0: {  	v2 =	vmax.f32 v2, v3  }
0xb1: {  	[tilespmem:s20+$0xA1E0] =	vst v2;
	v2 =	vld [tilespmem:s20+$0xA1F0]  }
0xb2: {  	v3 =	vld [tilespmem:s12+$0xFFFFFEF0];
	_ =	sdelay $0x4  }
0xb3: {  	v2 =	vmax.f32 v2, v3  }
0xb4: {  	s21 =	spop (v2sf);
	[tilespmem:s20+$0xA1F0] =	vst v2  }
0xb5: {  	v2 =	vld [tilespmem:s21+$0xA180]  }
0xb6: {  	v3 =	vld [tilespmem:s12+$0xFFFFFF00];
	_ =	sdelay $0x4  }
0xb7: {  	v2 =	vmax.f32 v2, v3  }
0xb8: {  	[tilespmem:s21+$0xA180] =	vst v2;
	v2 =	vld [tilespmem:s21+$0xA190]  }
0xb9: {  	v3 =	vld [tilespmem:s12+$0xFFFFFF10];
	_ =	sdelay $0x4  }
0xba: {  	v2 =	vmax.f32 v2, v3  }
0xbb: {  	[tilespmem:s21+$0xA190] =	vst v2;
	v2 =	vld [tilespmem:s21+$0xA1A0]  }
0xbc: {  	v3 =	vld [tilespmem:s12+$0xFFFFFF20];
	_ =	sdelay $0x4  }
0xbd: {  	v2 =	vmax.f32 v2, v3  }
0xbe: {  	[tilespmem:s21+$0xA1A0] =	vst v2;
	v2 =	vld [tilespmem:s21+$0xA1B0]  }
0xbf: {  	v3 =	vld [tilespmem:s12+$0xFFFFFF30];
	_ =	sdelay $0x4  }
0xc0: {  	v2 =	vmax.f32 v2, v3  }
0xc1: {  	[tilespmem:s21+$0xA1B0] =	vst v2;
	v2 =	vld [tilespmem:s21+$0xA1C0]  }
0xc2: {  	v3 =	vld [tilespmem:s12+$0xFFFFFF40];
	_ =	sdelay $0x4  }
0xc3: {  	v2 =	vmax.f32 v2, v3  }
0xc4: {  	[tilespmem:s21+$0xA1C0] =	vst v2;
	v2 =	vld [tilespmem:s21+$0xA1D0]  }
0xc5: {  	v3 =	vld [tilespmem:s12+$0xFFFFFF50];
	_ =	sdelay $0x4  }
0xc6: {  	(v2sf) =	vpush v1, $0x7;
	v2 =	vmax.f32 v2, v3  }
0xc7: {  	[tilespmem:s21+$0xA1D0] =	vst v2;
	v2 =	vld [tilespmem:s21+$0xA1E0]  }
0xc8: {  	v3 =	vld [tilespmem:s12+$0xFFFFFF60];
	_ =	sdelay $0x4  }
0xc9: {  	v2 =	vmax.f32 v2, v3  }
0xca: {  	[tilespmem:s21+$0xA1E0] =	vst v2;
	v2 =	vld [tilespmem:s21+$0xA1F0]  }
0xcb: {  	v3 =	vld [tilespmem:s12+$0xFFFFFF70];
	_ =	sdelay $0x4  }
0xcc: {  	v2 =	vmax.f32 v2, v3  }
0xcd: {  	s22 =	spop (v2sf);
	[tilespmem:s21+$0xA1F0] =	vst v2  }
0xce: {  	v2 =	vld [tilespmem:s22+$0xA180]  }
0xcf: {  	v3 =	vld [tilespmem:s12+$0xFFFFFF80];
	_ =	sdelay $0x4  }
0xd0: {  	v2 =	vmax.f32 v2, v3  }
0xd1: {  	[tilespmem:s22+$0xA180] =	vst v2;
	v2 =	vld [tilespmem:s22+$0xA190]  }
0xd2: {  	v3 =	vld [tilespmem:s12+$0xFFFFFF90];
	_ =	sdelay $0x4  }
0xd3: {  	v2 =	vmax.f32 v2, v3  }
0xd4: {  	[tilespmem:s22+$0xA190] =	vst v2;
	v2 =	vld [tilespmem:s22+$0xA1A0]  }
0xd5: {  	v3 =	vld [tilespmem:s12+$0xFFFFFFA0];
	_ =	sdelay $0x4  }
0xd6: {  	v2 =	vmax.f32 v2, v3  }
0xd7: {  	[tilespmem:s22+$0xA1A0] =	vst v2;
	v2 =	vld [tilespmem:s22+$0xA1B0]  }
0xd8: {  	v3 =	vld [tilespmem:s12+$0xFFFFFFB0];
	_ =	sdelay $0x4  }
0xd9: {  	v2 =	vmax.f32 v2, v3  }
0xda: {  	[tilespmem:s22+$0xA1B0] =	vst v2;
	v2 =	vld [tilespmem:s22+$0xA1C0]  }
0xdb: {  	v3 =	vld [tilespmem:s12+$0xFFFFFFC0];
	_ =	sdelay $0x4  }
0xdc: {  	v2 =	vmax.f32 v2, v3  }
0xdd: {  	[tilespmem:s22+$0xA1C0] =	vst v2;
	v2 =	vld [tilespmem:s22+$0xA1D0]  }
0xde: {  	v3 =	vld [tilespmem:s12+$0xFFFFFFD0];
	_ =	sdelay $0x4  }
0xdf: {  	(v2sf) =	vpush v1, $0x8;
	v2 =	vmax.f32 v2, v3  }
0xe0: {  	[tilespmem:s22+$0xA1D0] =	vst v2;
	v2 =	vld [tilespmem:s22+$0xA1E0]  }
0xe1: {  	v3 =	vld [tilespmem:s12+$0xFFFFFFE0];
	_ =	sdelay $0x4  }
0xe2: {  	v2 =	vmax.f32 v2, v3  }
0xe3: {  	[tilespmem:s22+$0xA1E0] =	vst v2;
	v2 =	vld [tilespmem:s22+$0xA1F0]  }
0xe4: {  	v3 =	vld [tilespmem:s12+$0xFFFFFFF0];
	_ =	sdelay $0x4  }
0xe5: {  	v2 =	vmax.f32 v2, v3  }
0xe6: {  	s23 =	spop (v2sf);
	[tilespmem:s22+$0xA1F0] =	vst v2  }
0xe7: {  	v2 =	vld [tilespmem:s23+$0xA180]  }
0xe8: {  	v3 =	vld [tilespmem:s12+$0x0];
	_ =	sdelay $0x4  }
0xe9: {  	v2 =	vmax.f32 v2, v3  }
0xea: {  	[tilespmem:s23+$0xA180] =	vst v2;
	v2 =	vld [tilespmem:s23+$0xA190]  }
0xeb: {  	v3 =	vld [tilespmem:s12+$0x10];
	_ =	sdelay $0x4  }
0xec: {  	v2 =	vmax.f32 v2, v3  }
0xed: {  	[tilespmem:s23+$0xA190] =	vst v2;
	v2 =	vld [tilespmem:s23+$0xA1A0]  }
0xee: {  	v3 =	vld [tilespmem:s12+$0x20];
	_ =	sdelay $0x4  }
0xef: {  	v2 =	vmax.f32 v2, v3  }
0xf0: {  	[tilespmem:s23+$0xA1A0] =	vst v2;
	v2 =	vld [tilespmem:s23+$0xA1B0]  }
0xf1: {  	v3 =	vld [tilespmem:s12+$0x30];
	_ =	sdelay $0x4  }
0xf2: {  	v2 =	vmax.f32 v2, v3  }
0xf3: {  	[tilespmem:s23+$0xA1B0] =	vst v2;
	v2 =	vld [tilespmem:s23+$0xA1C0]  }
0xf4: {  	v3 =	vld [tilespmem:s12+$0x40];
	_ =	sdelay $0x4  }
0xf5: {  	v2 =	vmax.f32 v2, v3  }
0xf6: {  	[tilespmem:s23+$0xA1C0] =	vst v2;
	v2 =	vld [tilespmem:s23+$0xA1D0]  }
0xf7: {  	v3 =	vld [tilespmem:s12+$0x50];
	_ =	sdelay $0x4  }
0xf8: {  	(v2sf) =	vpush v1, $0x9;
	v2 =	vmax.f32 v2, v3  }
0xf9: {  	[tilespmem:s23+$0xA1D0] =	vst v2;
	v2 =	vld [tilespmem:s23+$0xA1E0]  }
0xfa: {  	v3 =	vld [tilespmem:s12+$0x60];
	_ =	sdelay $0x4  }
0xfb: {  	v2 =	vmax.f32 v2, v3  }
0xfc: {  	[tilespmem:s23+$0xA1E0] =	vst v2;
	v2 =	vld [tilespmem:s23+$0xA1F0]  }
0xfd: {  	v3 =	vld [tilespmem:s12+$0x70];
	_ =	sdelay $0x4  }
0xfe: {  	v2 =	vmax.f32 v2, v3  }
0xff: {  	s24 =	spop (v2sf);
	[tilespmem:s23+$0xA1F0] =	vst v2  }
0x100: {  	v2 =	vld [tilespmem:s24+$0xA180]  }
0x101: {  	v3 =	vld [tilespmem:s12+$0x80];
	_ =	sdelay $0x4  }
0x102: {  	v2 =	vmax.f32 v2, v3  }
0x103: {  	[tilespmem:s24+$0xA180] =	vst v2;
	v2 =	vld [tilespmem:s24+$0xA190]  }
0x104: {  	v3 =	vld [tilespmem:s12+$0x90];
	_ =	sdelay $0x4  }
0x105: {  	v2 =	vmax.f32 v2, v3  }
0x106: {  	[tilespmem:s24+$0xA190] =	vst v2;
	v2 =	vld [tilespmem:s24+$0xA1A0]  }
0x107: {  	v3 =	vld [tilespmem:s12+$0xA0];
	_ =	sdelay $0x4  }
0x108: {  	v2 =	vmax.f32 v2, v3  }
0x109: {  	[tilespmem:s24+$0xA1A0] =	vst v2;
	v2 =	vld [tilespmem:s24+$0xA1B0]  }
0x10a: {  	v3 =	vld [tilespmem:s12+$0xB0];
	_ =	sdelay $0x4  }
0x10b: {  	v2 =	vmax.f32 v2, v3  }
0x10c: {  	[tilespmem:s24+$0xA1B0] =	vst v2;
	v2 =	vld [tilespmem:s24+$0xA1C0]  }
0x10d: {  	v3 =	vld [tilespmem:s12+$0xC0];
	_ =	sdelay $0x4  }
0x10e: {  	v2 =	vmax.f32 v2, v3  }
0x10f: {  	[tilespmem:s24+$0xA1C0] =	vst v2;
	v2 =	vld [tilespmem:s24+$0xA1D0]  }
0x110: {  	v3 =	vld [tilespmem:s12+$0xD0];
	_ =	sdelay $0x4  }
0x111: {  	(v2sf) =	vpush v1, $0xA;
	v2 =	vmax.f32 v2, v3  }
0x112: {  	[tilespmem:s24+$0xA1D0] =	vst v2;
	v2 =	vld [tilespmem:s24+$0xA1E0]  }
0x113: {  	v3 =	vld [tilespmem:s12+$0xE0];
	_ =	sdelay $0x4  }
0x114: {  	v2 =	vmax.f32 v2, v3  }
0x115: {  	[tilespmem:s24+$0xA1E0] =	vst v2;
	v2 =	vld [tilespmem:s24+$0xA1F0]  }
0x116: {  	v3 =	vld [tilespmem:s12+$0xF0];
	_ =	sdelay $0x4  }
0x117: {  	v2 =	vmax.f32 v2, v3  }
0x118: {  	s25 =	spop (v2sf);
	[tilespmem:s24+$0xA1F0] =	vst v2  }
0x119: {  	v2 =	vld [tilespmem:s25+$0xA180]  }
0x11a: {  	v3 =	vld [tilespmem:s12+$0x100];
	_ =	sdelay $0x4  }
0x11b: {  	v2 =	vmax.f32 v2, v3  }
0x11c: {  	[tilespmem:s25+$0xA180] =	vst v2;
	v2 =	vld [tilespmem:s25+$0xA190]  }
0x11d: {  	v3 =	vld [tilespmem:s12+$0x110];
	_ =	sdelay $0x4  }
0x11e: {  	v2 =	vmax.f32 v2, v3  }
0x11f: {  	[tilespmem:s25+$0xA190] =	vst v2;
	v2 =	vld [tilespmem:s25+$0xA1A0]  }
0x120: {  	v3 =	vld [tilespmem:s12+$0x120];
	_ =	sdelay $0x4  }
0x121: {  	v2 =	vmax.f32 v2, v3  }
0x122: {  	[tilespmem:s25+$0xA1A0] =	vst v2;
	v2 =	vld [tilespmem:s25+$0xA1B0]  }
0x123: {  	v3 =	vld [tilespmem:s12+$0x130];
	_ =	sdelay $0x4  }
0x124: {  	v2 =	vmax.f32 v2, v3  }
0x125: {  	[tilespmem:s25+$0xA1B0] =	vst v2;
	v2 =	vld [tilespmem:s25+$0xA1C0]  }
0x126: {  	v3 =	vld [tilespmem:s12+$0x140];
	_ =	sdelay $0x4  }
0x127: {  	v2 =	vmax.f32 v2, v3  }
0x128: {  	[tilespmem:s25+$0xA1C0] =	vst v2;
	v2 =	vld [tilespmem:s25+$0xA1D0]  }
0x129: {  	v3 =	vld [tilespmem:s12+$0x150];
	_ =	sdelay $0x4  }
0x12a: {  	(v2sf) =	vpush v1, $0xB;
	v2 =	vmax.f32 v2, v3  }
0x12b: {  	[tilespmem:s25+$0xA1D0] =	vst v2;
	v2 =	vld [tilespmem:s25+$0xA1E0]  }
0x12c: {  	v3 =	vld [tilespmem:s12+$0x160];
	_ =	sdelay $0x4  }
0x12d: {  	v2 =	vmax.f32 v2, v3  }
0x12e: {  	[tilespmem:s25+$0xA1E0] =	vst v2;
	v2 =	vld [tilespmem:s25+$0xA1F0]  }
0x12f: {  	v3 =	vld [tilespmem:s12+$0x170];
	_ =	sdelay $0x4  }
0x130: {  	v2 =	vmax.f32 v2, v3  }
0x131: {  	s26 =	spop (v2sf);
	[tilespmem:s25+$0xA1F0] =	vst v2  }
0x132: {  	v2 =	vld [tilespmem:s26+$0xA180]  }
0x133: {  	v3 =	vld [tilespmem:s12+$0x180];
	_ =	sdelay $0x4  }
0x134: {  	v2 =	vmax.f32 v2, v3  }
0x135: {  	[tilespmem:s26+$0xA180] =	vst v2;
	v2 =	vld [tilespmem:s26+$0xA190]  }
0x136: {  	v3 =	vld [tilespmem:s12+$0x190];
	_ =	sdelay $0x4  }
0x137: {  	v2 =	vmax.f32 v2, v3  }
0x138: {  	[tilespmem:s26+$0xA190] =	vst v2;
	v2 =	vld [tilespmem:s26+$0xA1A0]  }
0x139: {  	v3 =	vld [tilespmem:s12+$0x1A0];
	_ =	sdelay $0x4  }
0x13a: {  	v2 =	vmax.f32 v2, v3  }
0x13b: {  	[tilespmem:s26+$0xA1A0] =	vst v2;
	v2 =	vld [tilespmem:s26+$0xA1B0]  }
0x13c: {  	v3 =	vld [tilespmem:s12+$0x1B0];
	_ =	sdelay $0x4  }
0x13d: {  	v2 =	vmax.f32 v2, v3  }
0x13e: {  	[tilespmem:s26+$0xA1B0] =	vst v2;
	v2 =	vld [tilespmem:s26+$0xA1C0]  }
0x13f: {  	v3 =	vld [tilespmem:s12+$0x1C0];
	_ =	sdelay $0x4  }
0x140: {  	v2 =	vmax.f32 v2, v3  }
0x141: {  	[tilespmem:s26+$0xA1C0] =	vst v2;
	v2 =	vld [tilespmem:s26+$0xA1D0]  }
0x142: {  	v3 =	vld [tilespmem:s12+$0x1D0];
	_ =	sdelay $0x4  }
0x143: {  	(v2sf) =	vpush v1, $0xC;
	v2 =	vmax.f32 v2, v3  }
0x144: {  	[tilespmem:s26+$0xA1D0] =	vst v2;
	v2 =	vld [tilespmem:s26+$0xA1E0]  }
0x145: {  	v3 =	vld [tilespmem:s12+$0x1E0];
	_ =	sdelay $0x4  }
0x146: {  	v2 =	vmax.f32 v2, v3  }
0x147: {  	[tilespmem:s26+$0xA1E0] =	vst v2;
	v2 =	vld [tilespmem:s26+$0xA1F0]  }
0x148: {  	v3 =	vld [tilespmem:s12+$0x1F0];
	_ =	sdelay $0x4  }
0x149: {  	v2 =	vmax.f32 v2, v3  }
0x14a: {  	s28 =	spop (v2sf);
	[tilespmem:s26+$0xA1F0] =	vst v2  }
0x14b: {  	v2 =	vld [tilespmem:s28+$0xA180]  }
0x14c: {  	v3 =	vld [tilespmem:s12+$0x200];
	_ =	sdelay $0x4  }
0x14d: {  	v2 =	vmax.f32 v2, v3  }
0x14e: {  	[tilespmem:s28+$0xA180] =	vst v2;
	v2 =	vld [tilespmem:s28+$0xA190]  }
0x14f: {  	v3 =	vld [tilespmem:s12+$0x210];
	_ =	sdelay $0x4  }
0x150: {  	v2 =	vmax.f32 v2, v3  }
0x151: {  	[tilespmem:s28+$0xA190] =	vst v2;
	v2 =	vld [tilespmem:s28+$0xA1A0]  }
0x152: {  	v3 =	vld [tilespmem:s12+$0x220];
	_ =	sdelay $0x4  }
0x153: {  	v2 =	vmax.f32 v2, v3  }
0x154: {  	[tilespmem:s28+$0xA1A0] =	vst v2;
	v2 =	vld [tilespmem:s28+$0xA1B0]  }
0x155: {  	v3 =	vld [tilespmem:s12+$0x230];
	_ =	sdelay $0x4  }
0x156: {  	v2 =	vmax.f32 v2, v3  }
0x157: {  	[tilespmem:s28+$0xA1B0] =	vst v2;
	v2 =	vld [tilespmem:s28+$0xA1C0]  }
0x158: {  	v3 =	vld [tilespmem:s12+$0x240];
	_ =	sdelay $0x4  }
0x159: {  	v2 =	vmax.f32 v2, v3  }
0x15a: {  	[tilespmem:s28+$0xA1C0] =	vst v2;
	v2 =	vld [tilespmem:s28+$0xA1D0]  }
0x15b: {  	v3 =	vld [tilespmem:s12+$0x250];
	_ =	sdelay $0x4  }
0x15c: {  	(v2sf) =	vpush v1, $0xD;
	v2 =	vmax.f32 v2, v3  }
0x15d: {  	[tilespmem:s28+$0xA1D0] =	vst v2;
	v2 =	vld [tilespmem:s28+$0xA1E0]  }
0x15e: {  	v3 =	vld [tilespmem:s12+$0x260];
	_ =	sdelay $0x4  }
0x15f: {  	v2 =	vmax.f32 v2, v3  }
0x160: {  	[tilespmem:s28+$0xA1E0] =	vst v2;
	v2 =	vld [tilespmem:s28+$0xA1F0]  }
0x161: {  	v3 =	vld [tilespmem:s12+$0x270];
	_ =	sdelay $0x4  }
0x162: {  	v2 =	vmax.f32 v2, v3  }
0x163: {  	s29 =	spop (v2sf);
	[tilespmem:s28+$0xA1F0] =	vst v2  }
0x164: {  	v2 =	vld [tilespmem:s29+$0xA180]  }
0x165: {  	v3 =	vld [tilespmem:s12+$0x280];
	_ =	sdelay $0x4  }
0x166: {  	v2 =	vmax.f32 v2, v3  }
0x167: {  	[tilespmem:s29+$0xA180] =	vst v2;
	v2 =	vld [tilespmem:s29+$0xA190]  }
0x168: {  	v3 =	vld [tilespmem:s12+$0x290];
	_ =	sdelay $0x4  }
0x169: {  	v2 =	vmax.f32 v2, v3  }
0x16a: {  	[tilespmem:s29+$0xA190] =	vst v2;
	v2 =	vld [tilespmem:s29+$0xA1A0]  }
0x16b: {  	v3 =	vld [tilespmem:s12+$0x2A0];
	_ =	sdelay $0x4  }
0x16c: {  	v2 =	vmax.f32 v2, v3  }
0x16d: {  	[tilespmem:s29+$0xA1A0] =	vst v2;
	v2 =	vld [tilespmem:s29+$0xA1B0]  }
0x16e: {  	v3 =	vld [tilespmem:s12+$0x2B0];
	_ =	sdelay $0x4  }
0x16f: {  	v2 =	vmax.f32 v2, v3  }
0x170: {  	[tilespmem:s29+$0xA1B0] =	vst v2;
	v2 =	vld [tilespmem:s29+$0xA1C0]  }
0x171: {  	v3 =	vld [tilespmem:s12+$0x2C0];
	_ =	sdelay $0x4  }
0x172: {  	v2 =	vmax.f32 v2, v3  }
0x173: {  	[tilespmem:s29+$0xA1C0] =	vst v2;
	v2 =	vld [tilespmem:s29+$0xA1D0]  }
0x174: {  	v3 =	vld [tilespmem:s12+$0x2D0];
	_ =	sdelay $0x4  }
0x175: {  	(v2sf) =	vpush v1, $0xE;
	v2 =	vmax.f32 v2, v3  }
0x176: {  	[tilespmem:s29+$0xA1D0] =	vst v2;
	v2 =	vld [tilespmem:s29+$0xA1E0]  }
0x177: {  	v3 =	vld [tilespmem:s12+$0x2E0];
	_ =	sdelay $0x4  }
0x178: {  	v2 =	vmax.f32 v2, v3  }
0x179: {  	[tilespmem:s29+$0xA1E0] =	vst v2;
	v2 =	vld [tilespmem:s29+$0xA1F0]  }
0x17a: {  	v3 =	vld [tilespmem:s12+$0x2F0];
	_ =	sdelay $0x4  }
0x17b: {  	v2 =	vmax.f32 v2, v3  }
0x17c: {  	s30 =	spop (v2sf);
	[tilespmem:s29+$0xA1F0] =	vst v2  }
0x17d: {  	v2 =	vld [tilespmem:s30+$0xA180]  }
0x17e: {  	v3 =	vld [tilespmem:s12+$0x300];
	_ =	sdelay $0x4  }
0x17f: {  	v2 =	vmax.f32 v2, v3  }
0x180: {  	[tilespmem:s30+$0xA180] =	vst v2;
	v2 =	vld [tilespmem:s30+$0xA190]  }
0x181: {  	v3 =	vld [tilespmem:s12+$0x310];
	_ =	sdelay $0x4  }
0x182: {  	v2 =	vmax.f32 v2, v3  }
0x183: {  	[tilespmem:s30+$0xA190] =	vst v2;
	v2 =	vld [tilespmem:s30+$0xA1A0]  }
0x184: {  	v3 =	vld [tilespmem:s12+$0x320];
	_ =	sdelay $0x4  }
0x185: {  	v2 =	vmax.f32 v2, v3  }
0x186: {  	[tilespmem:s30+$0xA1A0] =	vst v2;
	v2 =	vld [tilespmem:s30+$0xA1B0]  }
0x187: {  	v3 =	vld [tilespmem:s12+$0x330];
	_ =	sdelay $0x4  }
0x188: {  	v2 =	vmax.f32 v2, v3  }
0x189: {  	[tilespmem:s30+$0xA1B0] =	vst v2;
	v2 =	vld [tilespmem:s30+$0xA1C0]  }
0x18a: {  	v3 =	vld [tilespmem:s12+$0x340];
	_ =	sdelay $0x4  }
0x18b: {  	v2 =	vmax.f32 v2, v3  }
0x18c: {  	[tilespmem:s30+$0xA1C0] =	vst v2;
	v2 =	vld [tilespmem:s30+$0xA1D0]  }
0x18d: {  	v3 =	vld [tilespmem:s12+$0x350];
	_ =	sdelay $0x4  }
0x18e: {  	(v2sf) =	vpush v1, $0xF;
	v2 =	vmax.f32 v2, v3  }
0x18f: {  	v1 =	vld [tilespmem:s30+$0xA1E0];
	[tilespmem:s30+$0xA1D0] =	vst v2  }
0x190: {  	v2 =	vld [tilespmem:s12+$0x360];
	_ =	sdelay $0x4  }
0x191: {  	v1 =	vmax.f32 v1, v2  }
0x192: {  	[tilespmem:s30+$0xA1E0] =	vst v1;
	v1 =	vld [tilespmem:s30+$0xA1F0]  }
0x193: {  	v2 =	vld [tilespmem:s12+$0x370];
	_ =	sdelay $0x4  }
0x194: {  	v1 =	vmax.f32 v1, v2  }
0x195: {  	s31 =	spop (v2sf);
	[tilespmem:s30+$0xA1F0] =	vst v1  }
0x196: {  	v1 =	vld [tilespmem:s31+$0xA180]  }
0x197: {  	v2 =	vld [tilespmem:s12+$0x380];
	_ =	sdelay $0x4  }
0x198: {  	v1 =	vmax.f32 v1, v2  }
0x199: {  	[tilespmem:s31+$0xA180] =	vst v1;
	v1 =	vld [tilespmem:s31+$0xA190]  }
0x19a: {  	v2 =	vld [tilespmem:s12+$0x390];
	_ =	sdelay $0x4  }
0x19b: {  	v1 =	vmax.f32 v1, v2  }
0x19c: {  	[tilespmem:s31+$0xA190] =	vst v1;
	v1 =	vld [tilespmem:s31+$0xA1A0]  }
0x19d: {  	v2 =	vld [tilespmem:s12+$0x3A0];
	_ =	sdelay $0x4  }
0x19e: {  	v1 =	vmax.f32 v1, v2  }
0x19f: {  	[tilespmem:s31+$0xA1A0] =	vst v1;
	v1 =	vld [tilespmem:s31+$0xA1B0]  }
0x1a0: {  	v2 =	vld [tilespmem:s12+$0x3B0];
	_ =	sdelay $0x4  }
0x1a1: {  	v1 =	vmax.f32 v1, v2  }
0x1a2: {  	[tilespmem:s31+$0xA1B0] =	vst v1;
	v1 =	vld [tilespmem:s31+$0xA1C0]  }
0x1a3: {  	v2 =	vld [tilespmem:s12+$0x3C0];
	_ =	sdelay $0x4  }
0x1a4: {  	v1 =	vmax.f32 v1, v2  }
0x1a5: {  	[tilespmem:s31+$0xA1C0] =	vst v1;
	v1 =	vld [tilespmem:s31+$0xA1D0]  }
0x1a6: {  	v2 =	vld [tilespmem:s12+$0x3D0];
	_ =	sdelay $0x4  }
0x1a7: {  	v1 =	vmax.f32 v1, v2  }
0x1a8: {  	[tilespmem:s31+$0xA1D0] =	vst v1;
	v1 =	vld [tilespmem:s31+$0xA1E0]  }
0x1a9: {  	v2 =	vld [tilespmem:s12+$0x3E0];
	_ =	sdelay $0x4  }
0x1aa: {  	v1 =	vmax.f32 v1, v2  }
0x1ab: {  	[tilespmem:s31+$0xA1E0] =	vst v1;
	v1 =	vld [tilespmem:s31+$0xA1F0]  }
0x1ac: {  	v2 =	vld [tilespmem:s12+$0x3F0]  }
0x1ad: {  	p0 =	sne.s32 s11, $0x4C0  }
.Ltmp1:
0x1ae: {  	_ = 	snop;
	(pc) =	sbr.rel @p0 .LBB2_4-.Ltmp1, $3  }
0x1af: {  	_ =	sdelay $0x1  }
0x1b0: {  	v1 =	vmax.f32 v1, v2  }
0x1b1: {  	s11 =	sadd.s32 $0x40, s11;
	s12 =	sadd.s32 $0x800, s12;
	[tilespmem:s31+$0xA1F0] =	vst v1  }
0x1b2: {  	s10 =	sadd.s32 $0x1, s10  }
0x1b3: {  	p0 =	sne.s32 s10, s6  }
.Ltmp2:
0x1b4: {  	_ = 	snop;
	(pc) =	sbr.rel @p0 .LBB2_1-.Ltmp2, $4  }
0x1b5: {  	[hbm4b:s5+s2] =	stream.linear.scatter [tilespmem:s9], [sflag:$0x1], $0x8800, $0x38;
	[tilespmem:$0x12980] =	vst v63  }
0x1b6: {  	_ =	swait.ge [sflag:s7], $0x8800  }
0x1b7: {  	[sflag:s7] =	ssyncset.done $0x0  }
0x1b8: {  	[sflag:s7] =	ssyncadd.s32 $0xFFFF7800  }
0x1b9: {  	_ =	sfence.sel $0x180000  }
0x1ba: {  	[bflag:$0x0] =	sbarrier.arrive $0xFFFF  }
0x1bb: {  	p0 =	sne.s32 s0, $0x0;
	_ =	strace $0x90000050  }
0x1bc: {  	s0 =	sadd.s32 @!p0 $0x100000, s1;
	[bflag:$0x2] =	sbarrier.arrive $0xFFFF  }
0x1bd: {  	[sflag:s0] =	ssyncadd.tile.s32 @!p0 $0x1;
	_ =	shalt  }
.Lfunc_end2:
_tile_overlayer_lowered:
.L_overlay_start_2:
0x1be: {  	(tag) =	ssettag $0x2  }
0x1bf: {  	s0 =	rddreg [dreg:$0x0];
	s2 =	stileid.u32  }
0x1c0: {  	s1 =	rddreg [dreg:$0x1];
	p0 =	sne.s32 s2, $0x0  }
0x1c1: {  	s3 =	rddreg [dreg:$0x2];
	[bflag:$0x3] =	sbarrier.arrive $0xFFFF;
	s2 =	simm.s32 @!p0 $0x1C01  }
0x1c2: {  	[timem:s3], [sflag:s2] =	dma.local @!p0 [hbm:s0], s1  }
0x1c3: {  	s0 =	simm.s32 @!p0 $0x1  }
0x1c4: {  	_ =	swait.ge @!p0 [sflag:s0], s1  }
0x1c5: {  	s1 =	ssub.s32 @!p0 $0x0, s1;
	[sflag:s0] =	ssyncset.done @!p0 $0x0  }
0x1c6: {  	[sflag:s0] =	ssyncadd.s32 @!p0 s1  }
0x1c7: {  	[bflag:$0x3] =	sbarrier.arrive $0xFFFF  }
0x1c8: {  	_ =	shalt  }

// kernel: kernel.8.cloned.1.call-start
scs
__scs_entry_jumppad:
0x0: {  	(pc) =	sbr.rel $0x88, $3  }
0x1: {  	(tag) =	ssettag $0x0;
	lr =	simm.s32 $0x1  }
0x2: {  	[smem:$0x3F8F] =	sst lr;
	_ =	strace $0xD0000000  }
0x3: {  	_ = 	snop  }
0x4: {  	_ = 	snop  }
0x5: {  	_ = 	snop  }
0x6: {  	_ = 	snop  }
0x7: {  	_ = 	snop  }
__scs_overlays_trampoline_lowered:
0x8: {  	[smem:$0x3F9E] =	sst s0  }
0x9: {  	[smem:$0x3F9F] =	sst s1  }
0xa: {  	[smem:$0x3FA0] =	sst s2  }
0xb: {  	[smem:$0x3FA1] =	sst s3  }
0xc: {  	[smem:$0x3FA2] =	sst s4  }
0xd: {  	[smem:$0x3FA3] =	sst s5  }
0xe: {  	[smem:$0x3FA4] =	sst s6  }
0xf: {  	[smem:$0x3FA5] =	sst s7  }
0x10: {  	[smem:$0x3FA6] =	sst s8  }
0x11: {  	[smem:$0x3FA7] =	sst s9;
	s0 =	simm.s32 @!p0 $0x0  }
0x12: {  	s1 =	sld [smem:$0x3F8D];
	s0 =	simm.s32 @p0 $0x1  }
0x13: {  	[smem:$0x3FA8] =	sst s0;
	s0 =	simm.s32 @!p1 $0x0  }
0x14: {  	s2 =	sld [smem:$0x3F8C];
	s0 =	simm.s32 @p1 $0x1  }
0x15: {  	[smem:$0x3FA9] =	sst s0;
	s0 =	simm.s32 @!p2 $0x0  }
0x16: {  	s3 =	sld [smem:$0x3FDB];
	s0 =	simm.s32 @p2 $0x1  }
0x17: {  	s4 =	simm.s32 $0x1BF5;
	[smem:$0x3FAB] =	sst s0  }
0x18: {  	s0 =	sld [smem:$0x3F8E];
	_ =	swait.ge [sflag:s4], $0x0  }
0x19: {  	s7 =	sld [smem:$0x3F8F]  }
0x1a: {  	s8 =	sadd.s32 $0xFFFFE003, lr  }
0x1b: {  	s9 =	sadd.s32 $0xFFFFFEF7, lr;
	s5 =	simm.s32 $0xFFFFFFFF;
	p2 =	slt.u32 s8, $0xFFFFF086  }
0x1c: {  	p1 =	slt.u32 s9, $0xF7A;
	s5 =	simm.s32 @!p2 $0x0  }
0x1d: {  	s5 =	simm.s32 @p1 $0x1;
	p0 =	seq.s32 s7, s2  }
0x1e: {  	s7 =	smul.u32 @!p0 $0xF7A, s2;
	p2 =	seq.s32 @!p0 s5, $0x0  }
0x1f: {  	s9 =	smul.u32 $0xF7A, s1;
	s8 =	simm.s32 @!p0 $0x1BF5;
	p2 =	por !p2, p0  }
0x20: {  	[sflag:s8] =	ssyncset.s32 @!p0 $0xFFFFF086;
	s6 =	sadd.s32 @!p0 s3, s7;
	s7 =	simm.s32 @!p0 $0x108  }
0x21: {  	s3 =	sadd.s32 s3, s9;
	s6 =	sadd.s32 @!p0 $0x88, s6;
	s7 =	simm.s32 @p2 $0x1082  }
0x22: {  	[simem:s7], [sflag:s8] =	dma.local @!p0 [hbm:s6], $0xF7A  }
0x23: {  	s9 =	sor.u32 $0xD0000000, s2;
	s6 =	simm.s32 $0x108;
	_ =	swait.ge @!p0 [sflag:s8], $0x0  }
0x24: {  	s3 =	sadd.s32 $0x88, s3;
	s6 =	simm.s32 @!p1 $0x1082;
	[sflag:s4] =	ssyncset.s32 $0xFFFFF086  }
0x25: {  	[simem:s6], [sflag:s4] =	dma.local [hbm:s3], $0xF7A  }
0x26: {  	[smem:$0x3F8F] =	sst s1;
	(tag) =	ssettag s2;
	_ =	strace s9  }
0x27: {  	s1 =	sld [smem:$0x3F9F]  }
0x28: {  	s2 =	sld [smem:$0x3FA0]  }
0x29: {  	s4 =	sld [smem:$0x3FA2]  }
0x2a: {  	p0 =	seq.s32 s5, $0x0;
	s5 =	sld [smem:$0x3FA3]  }
0x2b: {  	s6 =	sld [smem:$0x3FA4]  }
0x2c: {  	s7 =	sld [smem:$0x3FA5]  }
0x2d: {  	s3 =	simm.s32 $0x108;
	s8 =	sld [smem:$0x3FA6]  }
0x2e: {  	s3 =	simm.s32 @!p0 $0x1082;
	s9 =	sld [smem:$0x3FA7]  }
0x2f: {  	lr =	sadd.s32 s0, s3;
	s0 =	sld [smem:$0x3F9E]  }
0x30: {  	s3 =	sld [smem:$0x3FA1]  }
0x31: {  	[smem:$0x3FAA] =	sst s10  }
0x32: {  	s10 =	sld [smem:$0x3FA8];
	_ =	sdelay $0x3  }
0x33: {  	p0 =	seq.s32 s10, $0x1;
	s10 =	sld [smem:$0x3FAA];
	_ =	sdelay $0x3  }
0x34: {  	[smem:$0x3FAA] =	sst s10  }
0x35: {  	s10 =	sld [smem:$0x3FA9];
	_ =	sdelay $0x3  }
0x36: {  	p1 =	seq.s32 s10, $0x1;
	s10 =	sld [smem:$0x3FAA];
	_ =	sdelay $0x3  }
0x37: {  	[smem:$0x3FAA] =	sst s10  }
0x38: {  	s10 =	sld [smem:$0x3FAB]  }
0x39: {  	_ = 	snop;
	(pc) =	sbr.ind lr, $3  }
0x3a: {  	_ = 	snop  }
0x3b: {  	_ = 	snop  }
0x3c: {  	p2 =	seq.s32 s10, $0x1;
	s10 =	sld [smem:$0x3FAA]  }
0x3d: {  	_ =	shalt  }
0x3e: {  	_ =	shalt  }
0x3f: {  	_ =	shalt  }
0x40: {  	_ =	shalt  }
0x41: {  	_ =	shalt  }
0x42: {  	_ =	shalt  }
0x43: {  	_ =	shalt  }
0x44: {  	_ =	shalt  }
0x45: {  	_ =	shalt  }
0x46: {  	_ =	shalt  }
0x47: {  	_ =	shalt  }
0x48: {  	_ =	shalt  }
0x49: {  	_ =	shalt  }
0x4a: {  	_ =	shalt  }
0x4b: {  	_ =	shalt  }
0x4c: {  	_ =	shalt  }
0x4d: {  	_ =	shalt  }
0x4e: {  	_ =	shalt  }
0x4f: {  	_ =	shalt  }
0x50: {  	_ =	shalt  }
0x51: {  	_ =	shalt  }
0x52: {  	_ =	shalt  }
0x53: {  	_ =	shalt  }
0x54: {  	_ =	shalt  }
0x55: {  	_ =	shalt  }
0x56: {  	_ =	shalt  }
0x57: {  	_ =	shalt  }
0x58: {  	_ =	shalt  }
0x59: {  	_ =	shalt  }
0x5a: {  	_ =	shalt  }
0x5b: {  	_ =	shalt  }
0x5c: {  	_ =	shalt  }
0x5d: {  	_ =	shalt  }
0x5e: {  	_ =	shalt  }
0x5f: {  	_ =	shalt  }
0x60: {  	_ =	shalt  }
0x61: {  	_ =	shalt  }
0x62: {  	_ =	shalt  }
0x63: {  	_ =	shalt  }
0x64: {  	_ =	shalt  }
0x65: {  	_ =	shalt  }
0x66: {  	_ =	shalt  }
0x67: {  	_ =	shalt  }
0x68: {  	_ =	shalt  }
0x69: {  	_ =	shalt  }
0x6a: {  	_ =	shalt  }
0x6b: {  	_ =	shalt  }
0x6c: {  	_ =	shalt  }
0x6d: {  	_ =	shalt  }
0x6e: {  	_ =	shalt  }
0x6f: {  	_ =	shalt  }
0x70: {  	_ =	shalt  }
0x71: {  	_ =	shalt  }
0x72: {  	_ =	shalt  }
0x73: {  	_ =	shalt  }
0x74: {  	_ =	shalt  }
0x75: {  	_ =	shalt  }
0x76: {  	_ =	shalt  }
0x77: {  	_ =	shalt  }
0x78: {  	_ =	shalt  }
0x79: {  	_ =	shalt  }
0x7a: {  	_ =	shalt  }
0x7b: {  	_ =	shalt  }
0x7c: {  	_ =	shalt  }
0x7d: {  	_ =	shalt  }
0x7e: {  	_ =	shalt  }
0x7f: {  	_ =	shalt  }
0x80: {  	_ =	shalt  }
0x81: {  	_ =	shalt  }
0x82: {  	_ =	shalt  }
0x83: {  	_ =	shalt  }
0x84: {  	_ =	shalt  }
0x85: {  	_ =	shalt  }
0x86: {  	_ =	shalt  }
0x87: {  	_ =	shalt  }
.Lfunc_end0:
.L_simem_size_0:
called_computation_lowered:
.L_overlay_start_0:
0x88: {  	s2 =	sld [smem:$0x3FD9]  }
0x89: {  	s3 =	sld [smem:$0x3FFE];
	_ =	sdelay $0x1  }
0x8a: {  	s1 =	srdreg.scid  }
0x8b: {  	s0 =	sand.u32 $0x1, s1  }
0x8c: {  	s14 =	sshll.u32 s0, $0xA;
	s2 =	sadd.s32 s3, s2  }
0x8d: {  	s2 =	sadd.s32 s2, s14  }
0x8e: {  	[smem:$0x3FB6] =	sst s2  }
0x8f: {  	_ = 	snop  }
0x90: {  	s2 =	sld [smem:$0x3FD0];
	_ =	sdelay $0x2  }
0x91: {  	s15 =	simm.s32 $0xA;
	s4 =	simm.s32 $0x10  }
0x92: {  	[smem:s4], [sflag:s15] =	dma.local [hbm:s2], $0x1  }
0x93: {  	_ =	swait.eq [sflag:s15], $0x1  }
0x94: {  	[sflag:s15] =	ssyncset.done $0x0  }
0x95: {  	s16 =	sld [smem:$0x10];
	[sflag:s15] =	ssyncadd.s32 $0xFFFFFFFF  }
0x96: {  	s17 =	sld [smem:$0x11];
	(tm) =	ssettm $0x1  }
0x97: {  	s18 =	sld [smem:$0x3FFB];
	_ =	sdelay $0x3  }
0x98: {  	_ =	strace s18  }
0x99: {  	s4 =	sld [smem:$0x3FFC];
	_ =	sdelay $0x3  }
0x9a: {  	_ =	strace s4  }
0x9b: {  	s4 =	sld [smem:$0x3FFD];
	_ =	sdelay $0x3  }
0x9c: {  	_ =	strace s4  }
0x9d: {  	_ =	strace $0x8FFFFFFF  }
0x9e: {  	s19 =	sld [smem:$0x3FDB];
	_ =	sdelay $0x1  }
0x9f: {  	s5 =	simm.s32 $_scs_section_size  }
0xa0: {  	s6 =	simm.s32 $_size__tile_overlayer_lowered;
	s7 =	simm.s32 $_tile_overlayer_lowered  }
0xa1: {  	s22 =	simm.s32 $0x1BFF;
	s21 =	sshll.u32 s7, $0x1;
	s4 =	sadd.s32 s5, s19  }
0xa2: {  	s8 =	simm.s32 $0x0;
	s20 =	sshll.u32 s6, $0x1;
	s6 =	sadd.s32 s21, s4  }
0xa3: {  	[timem:s8], [sflag:s22] =	dma.local [hbm:s6], s20  }
0xa4: {  	_ =	swait.ge [sflag:s22], s20  }
0xa5: {  	s5 =	ssub.s32 $0x0, s20;
	[sflag:s22] =	ssyncset.done $0x0  }
0xa6: {  	[sflag:s22] =	ssyncadd.s32 s5;
	_ =	sdelay $0x1  }
0xa7: {  	s23 =	simm.s32 $0x1B8B  }
0xa8: {  	_ =	swait.ge [sflag:s23], $0x1  }
0xa9: {  	[sflag:s23] =	ssyncset.done $0x0  }
0xaa: {  	s25 =	simm.s32 $0x1B8E;
	s24 =	sld [smem:$0x3FFE];
	[sflag:s23] =	ssyncadd.s32 $0xFFFFFFFF  }
0xab: {  	s26 =	simm.s32 $execute0_lowered;
	[smem:$0x3FD2] =	sst s25  }
0xac: {  	s6 =	sshll.u32 s26, $0x1;
	_ =	strace $0x80000046;
	[dreg:$0x1] =	wrdreg $0xFFFFFFFF  }
0xad: {  	s28 =	simm.s32 $_size_execute0_lowered;
	s4 =	sadd.s32 s4, s6;
	[dreg:$0x0] =	wrdreg $0x0  }
0xae: {  	s6 =	sshll.u32 s28, $0x1;
	[dreg:$0x2] =	wrdreg s4  }
0xaf: {  	[dreg:$0x3] =	wrdreg s6  }
0xb0: {  	[dreg:$0x4] =	wrdreg $0xC0  }
0xb1: {  	_ =	task [dreg:s8], $0x5FFFF  }
0xb2: {  	[dreg:$0x1] =	wrdreg $0xFFFFFFFF  }
0xb3: {  	[dreg:$0x0] =	wrdreg $0x60  }
0xb4: {  	[dreg:$0x2] =	wrdreg s24  }
0xb5: {  	[dreg:$0x3] =	wrdreg s17  }
0xb6: {  	[dreg:$0x4] =	wrdreg s16  }
0xb7: {  	[dreg:$0x5] =	wrdreg $0xAA800  }
0xb8: {  	[dreg:$0x6] =	wrdreg $0x9  }
0xb9: {  	_ =	task.clear_ibuf [dreg:s8], $0x7FFFF;
	_ =	strace $0x90000046  }
0xba: {  	s29 =	simm.s32 $0x9;
	_ =	strace $0x80000048  }
0xbb: {  	_ =	swait.ge [sflag:s29], $0x1  }
0xbc: {  	[sflag:s29] =	ssyncadd.s32 $0xFFFFFFFF  }
0xbd: {  	_ =	strace $0x90000048  }
0xbe: {  	_ =	sfence  }
0xbf: {  	s30 =	sld [smem:$0x0];
	_ =	sdelay $0x2  }
0xc0: {  	s31 =	sshll.u32 s1, $0xD;
	s1 =	sshrl.u32 s1, $0x2  }
0xc1: {  	s3 =	sand.u32 $0x4000, s31;
	s1 =	sadd.s32 s1, s30  }
0xc2: {  	s0 =	sor.u32 s3, s0;
	s1 =	sshll.u32 s1, $0x11  }
0xc3: {  	s0 =	sor.u32 s1, s0  }
0xc4: {  	s0 =	sadd.s32 $0x8F2B, s0  }
0xc5: {  	[sflag:s0] =	ssyncadd.remote.s32 $0x1  }
0xc6: {  	_ =	sfence.sel $0xFFFF  }
0xc7: {  	[dreg:$0x0] =	wrdreg $0xFFFFFFFF;
	(pc) =	sbr.abs _section_cstart, $3  }
0xc8: {  	[dreg:$0x1] =	wrdreg $0xFFFFFFFF  }
0xc9: {  	_ =	task.clear_ibuf [dreg:s8], $0x2FFFF;
	_ =	strace $0x9FFFFFFF  }
0xca: {  	(tm) =	ssettm $0x7FFFFFFF  }
0xcb: {  	_ =	shalt  }
tec
execute0_lowered:
.L_overlay_start_1:
0x0: {  	(tag) =	ssettag $0x1  }
0x1: {  	s5 =	rddreg [dreg:$0x0]  }
0x2: {  	s1 =	rddreg [dreg:$0x1]  }
0x3: {  	s9 =	rddreg [dreg:$0x2]  }
0x4: {  	s2 =	rddreg [dreg:$0x3]  }
0x5: {  	s3 =	srdreg.scid;
	s0 =	rddreg [dreg:$0x4];
	s4 =	simm.s32 $0x0  }
0x6: {  	s15 =	simm.s32 $0x2800;
	s16 =	simm.s32 $0x2;
	s17 =	simm.s32 $0x6800  }
0x7: {  	s18 =	simm.s32 $0x80;
	s19 =	simm.s32 $0x1;
	s6 =	sand.u32 $0x1, s3  }
0x8: {  	s20 =	simm.s32 $0x100;
	s3 =	stileid.u32;
	s7 =	smul.u32 $0x28000, s6  }
0x9: {  	s21 =	simm.s32 $0xA800;
	s22 =	simm.s32 $0x0;
	s8 =	smul.u32 $0x2800, s3  }
0xa: {  	[smem:$0x7FF] =	sst s4;
	s29 =	ssub.s32 $0x2, s6;
	s10 =	smul.u32 $0x50000, s3  }
0xb: {  	_ =	strace $0x80000047;
	s12 =	smul.u32 $0x500, s3;
	s11 =	sshrl.u32 s29, $0x1  }
0xc: {  	s6 =	sshll.u32 s6, $0x7;
	s7 =	sadd.s32 s8, s7;
	s11 =	ssub.s32 s29, s11  }
0xd: {  	vm0 =	vcmask $0x704;
	vm1 =	vmmov $0x3;
	vm2 =	vmmov $0x7;
	s30 =	sshrl.u32 s10, $0x2;
	s31 =	sor.u32 s6, s12;
	s8 =	smul.u32 $0x280, s3  }
0xe: {  	vm3 =	vmmov $0xf;
	vm4 =	vmmov $0x1f;
	vm5 =	vmmov $0x3f;
	s7 =	sshrl.u32 s7, $0x3;
	s6 =	sadd.s32 s30, s2;
	s10 =	sshrl.u32 s31, $0x3  }
0xf: {  	vm6 =	vmmov $0x7f;
	vm7 =	vmmov $0xff;
	vm8 =	vmmov $0x1ff;
	s7 =	sadd.s32 s7, s5;
	s5 =	sadd.s32 $0x800, s1;
	s9 =	sadd.s32 s9, s10  }
0x10: {  	vm9 =	vmmov $0x3ff;
	vm10 =	vmmov $0x7ff;
	vm11 =	vmmov $0xfff;
	s10 =	smax.u32 s11, $0x1;
	s11 =	sadd.s32 $0x4000, s6;
	s12 =	sadd.s32 $0x8000, s6  }
0x11: {  	vm12 =	vmmov $0x1fff;
	vm13 =	vmmov $0x3fff;
	vm14 =	vmmov $0x7fff;
	s13 =	sadd.s32 $0xC000, s6;
	s14 =	sadd.s32 $0x10000, s6;
	s7 =	sadd.s32 $0x4A00, s7  }
.LBB2_1:
0x12: {  	[tilespmem:s15], [sflag:$0x2] =	stream.linear.gather [hbm4b:s1+s4], $0x4000, $0x38;
	[tilespmem:$0x1EA80] =	vst v63  }
0x13: {  	_ =	swait.ge [sflag:s16], $0x4000  }
0x14: {  	[sflag:s16] =	ssyncset.done $0x0  }
0x15: {  	[sflag:s16] =	ssyncadd.s32 $0xFFFFC000  }
0x16: {  	[tilespmem:s17], [sflag:$0x2] =	stream.linear.gather [hbm4b:s5+s4], $0x4000, $0x38;
	[tilespmem:$0x1EA80] =	vst v63  }
0x17: {  	_ =	swait.ge [sflag:s16], $0x4000  }
0x18: {  	[sflag:s16] =	ssyncset.done $0x0  }
0x19: {  	[sflag:s16] =	ssyncadd.s32 $0xFFFFC000  }
0x1a: {  	[spmem:s6] =	stream.linear.scatter [tilespmem:s15], [sflag:$0x2], $0x4000, $0x38;
	[tilespmem:$0x1EA80] =	vst v63  }
0x1b: {  	_ =	swait.ge [sflag:s16], $0x4000  }
0x1c: {  	[sflag:s16] =	ssyncset.done $0x0  }
0x1d: {  	[sflag:s16] =	ssyncadd.s32 $0xFFFFC000  }
0x1e: {  	[spmem:s11] =	stream.linear.scatter [tilespmem:s15], [sflag:$0x2], $0x4000, $0x38;
	[tilespmem:$0x1EA80] =	vst v63  }
0x1f: {  	_ =	swait.ge [sflag:s16], $0x4000  }
0x20: {  	[sflag:s16] =	ssyncset.done $0x0  }
0x21: {  	[sflag:s16] =	ssyncadd.s32 $0xFFFFC000  }
0x22: {  	[spmem:s12] =	stream.linear.scatter [tilespmem:s15], [sflag:$0x2], $0x4000, $0x38;
	[tilespmem:$0x1EA80] =	vst v63  }
0x23: {  	_ =	swait.ge [sflag:s16], $0x4000  }
0x24: {  	[sflag:s16] =	ssyncset.done $0x0  }
0x25: {  	[sflag:s16] =	ssyncadd.s32 $0xFFFFC000  }
0x26: {  	[spmem:s13] =	stream.linear.scatter [tilespmem:s15], [sflag:$0x2], $0x4000, $0x38;
	[tilespmem:$0x1EA80] =	vst v63  }
0x27: {  	_ =	swait.ge [sflag:s16], $0x4000  }
0x28: {  	[sflag:s16] =	ssyncset.done $0x0  }
0x29: {  	[sflag:s16] =	ssyncadd.s32 $0xFFFFC000  }
0x2a: {  	[spmem:s14] =	stream.linear.scatter [tilespmem:s15], [sflag:$0x2], $0x4000, $0x38;
	[tilespmem:$0x1EA80] =	vst v63  }
0x2b: {  	_ =	swait.ge [sflag:s16], $0x4000  }
0x2c: {  	[sflag:s16] =	ssyncset.done $0x0  }
0x2d: {  	[sflag:s16] =	ssyncadd.s32 $0xFFFFC000  }
0x2e: {  	[bflag:$0x0] =	sbarrier.arrive $0xFFFF  }
0x2f: {  	[tilespmem:s4], [sflag:$0x2] =	stream.linear.gather [hbm4b:s7+s4], $0x2800, $0x38;
	[tilespmem:$0x1EA80] =	vst v63  }
0x30: {  	_ =	swait.ge [sflag:s16], $0x2800  }
0x31: {  	[sflag:s16] =	ssyncset.done $0x0  }
0x32: {  	s23 =	simm.s32 $0x0;
	[sflag:s16] =	ssyncadd.s32 $0xFFFFD800  }
0x33: {  	[spmem:s2] =	stream.indirect.scatter.add.f32 [tilespmem:s17], [sflag:$0x1], $0x80, s23, s18, $0xb8;
	[tilespmem:$0x1EA80] =	vst v63  }
0x34: {  	s24 =	simm.s32 $0x80  }
0x35: {  	[spmem:s2] =	stream.indirect.scatter.add.f32 [tilespmem:s17], [sflag:$0x1], $0x80, s24, s18, $0xb8;
	[tilespmem:$0x1EA80] =	vst v63  }
0x36: {  	s25 =	simm.s32 $0x100  }
0x37: {  	[spmem:s2] =	stream.indirect.scatter.add.f32 [tilespmem:s17], [sflag:$0x1], $0x80, s25, s18, $0xb8;
	[tilespmem:$0x1EA80] =	vst v63  }
0x38: {  	s26 =	simm.s32 $0x180  }
0x39: {  	[spmem:s2] =	stream.indirect.scatter.add.f32 [tilespmem:s17], [sflag:$0x1], $0x80, s26, s18, $0xb8;
	[tilespmem:$0x1EA80] =	vst v63  }
0x3a: {  	s28 =	simm.s32 $0x200  }
0x3b: {  	[spmem:s2] =	stream.indirect.scatter.add.f32 [tilespmem:s17], [sflag:$0x1], $0x80, s28, s18, $0xb8;
	[tilespmem:$0x1EA80] =	vst v63  }
0x3c: {  	s29 =	simm.s32 $0x280  }
0x3d: {  	[spmem:s2] =	stream.indirect.scatter.add.f32 [tilespmem:s17], [sflag:$0x1], $0x80, s29, s18, $0xb8;
	[tilespmem:$0x1EA80] =	vst v63  }
0x3e: {  	s30 =	simm.s32 $0x300  }
0x3f: {  	[spmem:s2] =	stream.indirect.scatter.add.f32 [tilespmem:s17], [sflag:$0x1], $0x80, s30, s18, $0xb8;
	[tilespmem:$0x1EA80] =	vst v63  }
0x40: {  	s31 =	simm.s32 $0x380  }
0x41: {  	[spmem:s2] =	stream.indirect.scatter.add.f32 [tilespmem:s17], [sflag:$0x1], $0x80, s31, s18, $0xb8;
	[tilespmem:$0x1EA80] =	vst v63  }
0x42: {  	_ =	swait.ge [sflag:s19], $0x4000  }
0x43: {  	[sflag:s19] =	ssyncset.done $0x0  }
0x44: {  	[sflag:s19] =	ssyncadd.s32 $0xFFFFC000  }
0x45: {  	_ =	swait.ge [sflag:s19], $0x4000  }
0x46: {  	[sflag:s19] =	ssyncset.done $0x0  }
0x47: {  	[sflag:s19] =	ssyncadd.s32 $0xFFFFC000  }
0x48: {  	_ =	swait.ge [sflag:s19], $0x4000  }
0x49: {  	[sflag:s19] =	ssyncset.done $0x0  }
0x4a: {  	[sflag:s19] =	ssyncadd.s32 $0xFFFFC000  }
0x4b: {  	_ =	swait.ge [sflag:s19], $0x4000  }
0x4c: {  	[sflag:s19] =	ssyncset.done $0x0  }
0x4d: {  	[sflag:s19] =	ssyncadd.s32 $0xFFFFC000  }
0x4e: {  	_ =	swait.ge [sflag:s19], $0x4000  }
0x4f: {  	[sflag:s19] =	ssyncset.done $0x0  }
0x50: {  	[sflag:s19] =	ssyncadd.s32 $0xFFFFC000  }
0x51: {  	_ =	swait.ge [sflag:s19], $0x4000  }
0x52: {  	[sflag:s19] =	ssyncset.done $0x0  }
0x53: {  	[sflag:s19] =	ssyncadd.s32 $0xFFFFC000  }
0x54: {  	_ =	swait.ge [sflag:s19], $0x4000  }
0x55: {  	[sflag:s19] =	ssyncset.done $0x0  }
0x56: {  	[sflag:s19] =	ssyncadd.s32 $0xFFFFC000  }
0x57: {  	_ =	swait.ge [sflag:s19], $0x4000  }
0x58: {  	s23 =	simm.s32 $0x1000;
	s25 =	simm.s32 $0x2000;
	[sflag:s19] =	ssyncset.done $0x0  }
.LBB2_2:
0x59: {  	s26 =	sshra.s32 s23, $0x2  }
0x5a: {  	[sflag:s19] =	ssyncadd.s32 $0xFFFFC000;
	s23 =	smov.u32 s25;
	s24 =	sadd.s32 $0x1000, s25  }
0x5b: {  	[spmem:s2] =	stream.indirect.scatter.add.f32 [tilespmem:s17], [sflag:$0x1], $0x80, s26, s18, $0xb8;
	[tilespmem:$0x1EA80] =	vst v63  }
0x5c: {  	p0 =	sne.s32 s25, $0x9000;
	s25 =	sadd.s32 $0x80, s26  }
0x5d: {  	[spmem:s2] =	stream.indirect.scatter.add.f32 [tilespmem:s17], [sflag:$0x1], $0x80, s25, s18, $0xb8;
	[tilespmem:$0x1EA80] =	vst v63  }
0x5e: {  	s25 =	sadd.s32 $0x100, s26  }
0x5f: {  	[spmem:s2] =	stream.indirect.scatter.add.f32 [tilespmem:s17], [sflag:$0x1], $0x80, s25, s18, $0xb8;
	[tilespmem:$0x1EA80] =	vst v63  }
0x60: {  	s25 =	sadd.s32 $0x180, s26  }
0x61: {  	[spmem:s2] =	stream.indirect.scatter.add.f32 [tilespmem:s17], [sflag:$0x1], $0x80, s25, s18, $0xb8;
	[tilespmem:$0x1EA80] =	vst v63  }
0x62: {  	s25 =	sadd.s32 $0x200, s26  }
0x63: {  	[spmem:s2] =	stream.indirect.scatter.add.f32 [tilespmem:s17], [sflag:$0x1], $0x80, s25, s18, $0xb8;
	[tilespmem:$0x1EA80] =	vst v63  }
0x64: {  	s25 =	sadd.s32 $0x280, s26  }
0x65: {  	[spmem:s2] =	stream.indirect.scatter.add.f32 [tilespmem:s17], [sflag:$0x1], $0x80, s25, s18, $0xb8;
	[tilespmem:$0x1EA80] =	vst v63  }
0x66: {  	s25 =	sadd.s32 $0x300, s26  }
0x67: {  	[spmem:s2] =	stream.indirect.scatter.add.f32 [tilespmem:s17], [sflag:$0x1], $0x80, s25, s18, $0xb8;
	[tilespmem:$0x1EA80] =	vst v63  }
0x68: {  	s25 =	sadd.s32 $0x380, s26  }
0x69: {  	[spmem:s2] =	stream.indirect.scatter.add.f32 [tilespmem:s17], [sflag:$0x1], $0x80, s25, s18, $0xb8;
	[tilespmem:$0x1EA80] =	vst v63  }
0x6a: {  	_ =	swait.ge [sflag:s19], $0x4000  }
0x6b: {  	[sflag:s19] =	ssyncset.done $0x0  }
0x6c: {  	[sflag:s19] =	ssyncadd.s32 $0xFFFFC000  }
0x6d: {  	_ =	swait.ge [sflag:s19], $0x4000  }
0x6e: {  	[sflag:s19] =	ssyncset.done $0x0  }
0x6f: {  	[sflag:s19] =	ssyncadd.s32 $0xFFFFC000  }
0x70: {  	_ =	swait.ge [sflag:s19], $0x4000  }
0x71: {  	[sflag:s19] =	ssyncset.done $0x0  }
0x72: {  	[sflag:s19] =	ssyncadd.s32 $0xFFFFC000  }
0x73: {  	_ =	swait.ge [sflag:s19], $0x4000  }
0x74: {  	[sflag:s19] =	ssyncset.done $0x0  }
0x75: {  	[sflag:s19] =	ssyncadd.s32 $0xFFFFC000  }
0x76: {  	_ =	swait.ge [sflag:s19], $0x4000  }
0x77: {  	[sflag:s19] =	ssyncset.done $0x0  }
0x78: {  	[sflag:s19] =	ssyncadd.s32 $0xFFFFC000  }
0x79: {  	_ =	swait.ge [sflag:s19], $0x4000  }
0x7a: {  	[sflag:s19] =	ssyncset.done $0x0  }
0x7b: {  	[sflag:s19] =	ssyncadd.s32 $0xFFFFC000  }
.Ltmp0:
0x7c: {  	_ =	swait.ge [sflag:s19], $0x4000;
	(pc) =	sbr.rel @p0 .LBB2_2-.Ltmp0, $4  }
0x7d: {  	[sflag:s19] =	ssyncset.done $0x0  }
0x7e: {  	[sflag:s19] =	ssyncadd.s32 $0xFFFFC000  }
0x7f: {  	_ =	swait.ge [sflag:s19], $0x4000  }
0x80: {  	s25 =	smov.u32 s24;
	[sflag:s19] =	ssyncset.done $0x0  }
0x81: {  	s23 =	sshra.s32 s23, $0x2;
	[sflag:s19] =	ssyncadd.s32 $0xFFFFC000  }
0x82: {  	[spmem:s2] =	stream.indirect.scatter.add.f32 [tilespmem:s17], [sflag:$0x1], $0x80, s23, s18, $0xb8;
	[tilespmem:$0x1EA80] =	vst v63  }
0x83: {  	s24 =	sadd.s32 $0x80, s23  }
0x84: {  	[spmem:s2] =	stream.indirect.scatter.add.f32 [tilespmem:s17], [sflag:$0x1], $0x80, s24, s18, $0xb8;
	[tilespmem:$0x1EA80] =	vst v63  }
0x85: {  	s26 =	sadd.s32 $0x100, s23  }
0x86: {  	[spmem:s2] =	stream.indirect.scatter.add.f32 [tilespmem:s17], [sflag:$0x1], $0x80, s26, s18, $0xb8;
	[tilespmem:$0x1EA80] =	vst v63  }
0x87: {  	s28 =	sadd.s32 $0x180, s23  }
0x88: {  	[spmem:s2] =	stream.indirect.scatter.add.f32 [tilespmem:s17], [sflag:$0x1], $0x80, s28, s18, $0xb8;
	[tilespmem:$0x1EA80] =	vst v63  }
0x89: {  	s29 =	sadd.s32 $0x200, s23  }
0x8a: {  	[spmem:s2] =	stream.indirect.scatter.add.f32 [tilespmem:s17], [sflag:$0x1], $0x80, s29, s18, $0xb8;
	[tilespmem:$0x1EA80] =	vst v63  }
0x8b: {  	s30 =	sadd.s32 $0x280, s23  }
0x8c: {  	[spmem:s2] =	stream.indirect.scatter.add.f32 [tilespmem:s17], [sflag:$0x1], $0x80, s30, s18, $0xb8;
	[tilespmem:$0x1EA80] =	vst v63  }
0x8d: {  	s31 =	sadd.s32 $0x300, s23  }
0x8e: {  	[spmem:s2] =	stream.indirect.scatter.add.f32 [tilespmem:s17], [sflag:$0x1], $0x80, s31, s18, $0xb8;
	[tilespmem:$0x1EA80] =	vst v63  }
0x8f: {  	s23 =	sadd.s32 $0x380, s23  }
0x90: {  	[spmem:s2] =	stream.indirect.scatter.add.f32 [tilespmem:s17], [sflag:$0x1], $0x80, s23, s18, $0xb8;
	[tilespmem:$0x1EA80] =	vst v63  }
0x91: {  	_ =	swait.ge [sflag:s19], $0x4000  }
0x92: {  	[sflag:s19] =	ssyncset.done $0x0  }
0x93: {  	[sflag:s19] =	ssyncadd.s32 $0xFFFFC000  }
0x94: {  	_ =	swait.ge [sflag:s19], $0x4000  }
0x95: {  	[sflag:s19] =	ssyncset.done $0x0  }
0x96: {  	[sflag:s19] =	ssyncadd.s32 $0xFFFFC000  }
0x97: {  	_ =	swait.ge [sflag:s19], $0x4000  }
0x98: {  	[sflag:s19] =	ssyncset.done $0x0  }
0x99: {  	[sflag:s19] =	ssyncadd.s32 $0xFFFFC000  }
0x9a: {  	_ =	swait.ge [sflag:s19], $0x4000  }
0x9b: {  	[sflag:s19] =	ssyncset.done $0x0  }
0x9c: {  	[sflag:s19] =	ssyncadd.s32 $0xFFFFC000  }
0x9d: {  	_ =	swait.ge [sflag:s19], $0x4000  }
0x9e: {  	[sflag:s19] =	ssyncset.done $0x0  }
0x9f: {  	[sflag:s19] =	ssyncadd.s32 $0xFFFFC000  }
0xa0: {  	_ =	swait.ge [sflag:s19], $0x4000  }
0xa1: {  	[sflag:s19] =	ssyncset.done $0x0  }
0xa2: {  	[sflag:s19] =	ssyncadd.s32 $0xFFFFC000  }
0xa3: {  	_ =	swait.ge [sflag:s19], $0x4000  }
0xa4: {  	[sflag:s19] =	ssyncset.done $0x0  }
0xa5: {  	[sflag:s19] =	ssyncadd.s32 $0xFFFFC000  }
0xa6: {  	_ =	swait.ge [sflag:s19], $0x4000  }
0xa7: {  	[sflag:s19] =	ssyncset.done $0x0  }
0xa8: {  	[sflag:s19] =	ssyncadd.s32 $0xFFFFC000  }
0xa9: {  	s24 =	simm.s32 $0xA800;
	s23 =	simm.s32 $0x0;
	[bflag:$0x0] =	sbarrier.arrive $0xFFFF  }
.LBB2_4:
0xaa: {  	s25 =	sshll.u32 s23, $0x7  }
0xab: {  	s25 =	sadd.s32 s8, s25  }
0xac: {  	s25 =	sshll.u32 s25, $0x7  }
0xad: {  	s25 =	sand.u32 $0x3FFFFF80, s25  }
0xae: {  	s25 =	sadd.s32 s25, s2  }
0xaf: {  	[tilespmem:s15], [sflag:$0x2] =	stream.linear.gather [spmem:s25], $0x4000, $0x38;
	[tilespmem:$0x1EA80] =	vst v63  }
0xb0: {  	_ =	swait.ge [sflag:s16], $0x4000  }
0xb1: {  	[sflag:s16] =	ssyncset.done $0x0  }
0xb2: {  	s26 =	simm.s32 $0x2C00;
	[sflag:s16] =	ssyncadd.s32 $0xFFFFC000  }
0xb3: {  	v1 =	vld.msk [tilespmem:s26+$0xFFFFFD00 ss:$0x0], $0xffff  }
0xb4: {  	v0 =	vmov s24;
	s28 =	simm.s32 $0x40;
	s25 =	simm.s32 $0x0;
	v2 =	vld.msk [tilespmem:s26+$0xFFFFFC80 ss:$0x0], $0xffff  }
.LBB2_5:
0xb5: {  	p0 =	sne.s32 s28, $0x1C0;
	v3 =	vld [tilespmem:s26+$0xFFFFFC00]  }
0xb6: {  	v4 =	vld.msk [tilespmem:s26+$0xFFFFFD80 ss:$0x0], $0xffff  }
0xb7: {  	v5 =	vld.msk [tilespmem:s26+$0xFFFFFE00 ss:$0x0], $0xffff  }
0xb8: {  	v6 =	vld.msk [tilespmem:s26+$0xFFFFFE80 ss:$0x0], $0xffff  }
0xb9: {  	v7 =	vld.msk [tilespmem:s26+$0xFFFFFF00 ss:$0x0], $0xffff  }
0xba: {  	v2 =	vsel vm0, v2, v3;
	v3 =	vld.msk [tilespmem:s26+$0xFFFFFF80 ss:$0x0], $0xffff  }
0xbb: {  	v1 =	vsel vm1, v2, v1;
	v2 =	vld.msk [tilespmem:s26+$0x0 ss:$0x0], $0xffff  }
0xbc: {  	v1 =	vsel vm2, v1, v4;
	v4 =	vld.msk [tilespmem:s26+$0x80 ss:$0x0], $0xffff  }
0xbd: {  	v1 =	vsel vm3, v1, v5;
	v5 =	vld.msk [tilespmem:s26+$0x100 ss:$0x0], $0xffff  }
0xbe: {  	v1 =	vsel vm4, v1, v6;
	v6 =	vld.msk [tilespmem:s26+$0x180 ss:$0x0], $0xffff  }
0xbf: {  	v1 =	vsel vm5, v1, v7;
	v7 =	vld.msk [tilespmem:s26+$0x200 ss:$0x0], $0xffff  }
0xc0: {  	v1 =	vsel vm6, v1, v3;
	v3 =	vld.msk [tilespmem:s26+$0x280 ss:$0x0], $0xffff  }
0xc1: {  	v1 =	vsel vm7, v1, v2;
	v2 =	vld.msk [tilespmem:s26+$0x300 ss:$0x0], $0xffff  }
0xc2: {  	v1 =	vsel vm8, v1, v4;
	v4 =	vld.msk [tilespmem:s26+$0x380 ss:$0x0], $0xffff  }
0xc3: {  	v1 =	vsel vm9, v1, v5  }
0xc4: {  	v1 =	vsel vm10, v1, v6  }
0xc5: {  	v1 =	vsel vm11, v1, v7  }
0xc6: {  	v1 =	vsel vm12, v1, v3  }
.Ltmp1:
0xc7: {  	v1 =	vsel vm13, v1, v2;
	(pc) =	sbr.rel @p0 .LBB2_5-.Ltmp1, $4  }
0xc8: {  	s29 =	sshra.s32 s25, $0x2;
	s25 =	smov.u32 s28;
	v1 =	vsel vm14, v1, v4  }
0xc9: {  	s26 =	sadd.s32 $0x800, s26;
	[tilespmem:v0+s29+$0x0 ss:$0x1] =	vst.idx.msk $0xffff, v1  }
0xca: {  	v1 =	vld.msk [tilespmem:s26+$0xFFFFFD00 ss:$0x0], $0xffff  }
0xcb: {  	s28 =	sadd.s32 $0x40, s28;
	v2 =	vld.msk [tilespmem:s26+$0xFFFFFC80 ss:$0x0], $0xffff  }
0xcc: {  	v3 =	vld [tilespmem:s26+$0xFFFFFC00];
	_ =	sdelay $0x1  }
0xcd: {  	v4 =	vld.msk [tilespmem:s26+$0xFFFFFD80 ss:$0x0], $0xffff  }
0xce: {  	v5 =	vld.msk [tilespmem:s26+$0xFFFFFE00 ss:$0x0], $0xffff  }
0xcf: {  	v6 =	vld.msk [tilespmem:s26+$0xFFFFFE80 ss:$0x0], $0xffff  }
0xd0: {  	v7 =	vld.msk [tilespmem:s26+$0xFFFFFF00 ss:$0x0], $0xffff;
	v2 =	vsel vm0, v2, v3  }
0xd1: {  	v55 =	vld.msk [tilespmem:s26+$0xFFFFFF80 ss:$0x0], $0xffff;
	v1 =	vsel vm1, v2, v1  }
0xd2: {  	v56 =	vld.msk [tilespmem:s26+$0x0 ss:$0x0], $0xffff;
	v1 =	vsel vm2, v1, v4  }
0xd3: {  	v57 =	vld.msk [tilespmem:s26+$0x80 ss:$0x0], $0xffff;
	v1 =	vsel vm3, v1, v5  }
0xd4: {  	v58 =	vld.msk [tilespmem:s26+$0x100 ss:$0x0], $0xffff;
	v1 =	vsel vm4, v1, v6  }
0xd5: {  	v59 =	vld.msk [tilespmem:s26+$0x180 ss:$0x0], $0xffff;
	v1 =	vsel vm5, v1, v7  }
0xd6: {  	v60 =	vld.msk [tilespmem:s26+$0x200 ss:$0x0], $0xffff;
	v1 =	vsel vm6, v1, v55  }
0xd7: {  	v61 =	vld.msk [tilespmem:s26+$0x280 ss:$0x0], $0xffff;
	v1 =	vsel vm7, v1, v56  }
0xd8: {  	v62 =	vld.msk [tilespmem:s26+$0x300 ss:$0x0], $0xffff;
	v1 =	vsel vm8, v1, v57  }
0xd9: {  	v63 =	vld.msk [tilespmem:s26+$0x380 ss:$0x0], $0xffff;
	s23 =	sadd.s32 $0x1, s23;
	v1 =	vsel vm9, v1, v58  }
0xda: {  	p0 =	sne.s32 s23, $0x5;
	v1 =	vsel vm10, v1, v59  }
.Ltmp2:
0xdb: {  	v1 =	vsel vm11, v1, v60;
	(pc) =	sbr.rel @p0 .LBB2_4-.Ltmp2, $4  }
0xdc: {  	v1 =	vsel vm12, v1, v61  }
0xdd: {  	v1 =	vsel vm13, v1, v62  }
0xde: {  	s25 =	sshra.s32 s25, $0x2;
	v1 =	vsel vm14, v1, v63  }
0xdf: {  	s24 =	sadd.s32 $0x80, s24;
	[tilespmem:v0+s25+$0x0 ss:$0x1] =	vst.idx.msk $0xffff, v1  }
0xe0: {  	s22 =	sadd.s32 $0x1, s22  }
0xe1: {  	p0 =	sne.s32 s22, s10  }
.Ltmp3:
0xe2: {  	_ = 	snop;
	(pc) =	sbr.rel @p0 .LBB2_1-.Ltmp3, $4  }
0xe3: {  	[hbm4b:s9+s18] =	stream.strided.scatter [tilespmem:s21], [sflag:$0x2], $0x280, s20, s18, $0x38;
	[tilespmem:$0x1EA80] =	vst v63  }
0xe4: {  	_ =	swait.ge [sflag:s16], $0x280  }
0xe5: {  	[sflag:s16] =	ssyncset.done $0x0  }
0xe6: {  	[sflag:s16] =	ssyncadd.s32 $0xFFFFFD80  }
0xe7: {  	_ =	sfence.sel $0x180000  }
0xe8: {  	[bflag:$0x0] =	sbarrier.arrive $0xFFFF  }
0xe9: {  	p0 =	sne.s32 s3, $0x0;
	_ =	strace $0x90000047  }
0xea: {  	s0 =	sadd.s32 @!p0 $0x100000, s0;
	[bflag:$0x2] =	sbarrier.arrive $0xFFFF  }
0xeb: {  	[sflag:s0] =	ssyncadd.tile.s32 @!p0 $0x1;
	_ =	shalt  }
.Lfunc_end2:
_tile_overlayer_lowered:
.L_overlay_start_2:
0xec: {  	(tag) =	ssettag $0x2  }
0xed: {  	s0 =	rddreg [dreg:$0x0];
	s2 =	stileid.u32  }
0xee: {  	s1 =	rddreg [dreg:$0x1];
	p0 =	sne.s32 s2, $0x0  }
0xef: {  	s3 =	rddreg [dreg:$0x2];
	[bflag:$0x3] =	sbarrier.arrive $0xFFFF;
	s2 =	simm.s32 @!p0 $0x1C02  }
0xf0: {  	[timem:s3], [sflag:s2] =	dma.local @!p0 [hbm:s0], s1  }
0xf1: {  	s0 =	simm.s32 @!p0 $0x2  }
0xf2: {  	_ =	swait.ge @!p0 [sflag:s0], s1  }
0xf3: {  	s1 =	ssub.s32 @!p0 $0x0, s1;
	[sflag:s0] =	ssyncset.done @!p0 $0x0  }
0xf4: {  	[sflag:s0] =	ssyncadd.s32 @!p0 s1  }
0xf5: {  	[bflag:$0x3] =	sbarrier.arrive $0xFFFF  }
0xf6: {  	_ =	shalt  }

</sc_bundles>
